<compile_context>
chip_gen: v7x
topology: tpu7x:2x2x1
jax: 0.10.2.dev20260603
libtpu: 0.0.44.dev20260713+nightly
codegen_flags: <defaults>
</compile_context>

<pallas_src>
import jax
import jax.numpy as jnp
from jax import lax
from jax.experimental import pallas as pl
from jax.experimental.pallas import tpu as pltpu
from jax.experimental.pallas import tpu_sc as plsc

NUM_EXPERTS = 64
LANES = 16
NUM_WORKERS = 32


TSTRIDE = 513


def _sc_body(xt_hbm, hist_out, csum_out, chunk, trans, hist, csum):
  nc = 2
  wid = lax.axis_index("s") * nc + lax.axis_index("c")
  rows = chunk.shape[1]
  tile_r, tile_c = 8, 128

  pltpu.sync_copy(xt_hbm.at[:, pl.ds(wid * rows, rows)], chunk)

  zf = jnp.zeros((LANES,), jnp.float32)
  for i in range(NUM_EXPERTS):
    hist[pl.ds(i * LANES, LANES)] = zf

  lane = lax.iota(jnp.int32, LANES)
  lane64 = lane * NUM_EXPERTS
  ones = jnp.ones((LANES,), jnp.float32)

  cview_len = tile_r * TSTRIDE

  def repack(i, carry):
    cv = chunk.at[pl.ds(i * tile_r, tile_r), :]
    tv = trans.at[pl.ds(i * cview_len, cview_len)]
    sv = csum.at[pl.ds(i * tile_r, tile_r), :]
    nk = tile_c // LANES
    for cc in range(tile_r):
      acc = None
      for j in range(rows // tile_c):
        vs = [cv[cc, pl.ds(j * tile_c + k * LANES, LANES)] for k in range(nk)]
        for k in range(nk):
          acc = vs[k] if acc is None else acc + vs[k]
          tv[pl.ds(cc * TSTRIDE + j * tile_c + k * LANES, LANES)] = vs[k]
      sv[cc, pl.ds(0, LANES)] = acc
    return carry

  lax.fori_loop(0, NUM_EXPERTS // tile_r, repack, 0)
  tlen2 = trans.shape[0] - (rows - 2 * LANES)

  zi = jnp.zeros((LANES,), jnp.int32)

  def pair(p, carry):
    view = trans.at[pl.ds(p * (2 * LANES), tlen2)]
    states = [[q, view[pl.ds(q * LANES, LANES)], zi] for q in range(2)]
    for t in range(1, NUM_EXPERTS):
      for st in states:
        v = view[pl.ds(t * TSTRIDE + st[0] * LANES, LANES)]
        gt = v > st[1]
        st[1] = jnp.where(gt, v, st[1])
        st[2] = jnp.where(gt, jnp.int32(t), st[2])
    for _, _, am in states:
      plsc.addupdate_scatter(hist, [lane64 + am], ones)
    return carry

  lax.fori_loop(0, rows // (2 * LANES), pair, 0)

  pltpu.sync_copy(hist, hist_out.at[wid])
  pltpu.sync_copy(csum, csum_out.at[wid])


def _finish_body(h_ref, c_ref, o_ref, *, scale):
  h = jnp.sum(h_ref[...], axis=0)
  c = jnp.sum(jnp.sum(c_ref[...], axis=0), axis=-1)
  c_rep = jnp.tile(c, LANES)
  o_ref[0, 0] = scale * jnp.sum(h * c_rep)


def kernel(expert_probs):
  b, e = expert_probs.shape
  rows = b // NUM_WORKERS

  sc_part = pl.kernel(
      _sc_body,
      out_type=[
          jax.ShapeDtypeStruct((NUM_WORKERS, LANES * NUM_EXPERTS), jnp.float32),
          jax.ShapeDtypeStruct((NUM_WORKERS, NUM_EXPERTS, LANES), jnp.float32),
      ],
      mesh=plsc.VectorSubcoreMesh(core_axis_name="c", subcore_axis_name="s"),
      compiler_params=pltpu.CompilerParams(needs_layout_passes=False),
      scratch_types=[
          pltpu.VMEM((NUM_EXPERTS, rows), jnp.float32),
          pltpu.VMEM((NUM_EXPERTS * TSTRIDE,), jnp.float32),
          pltpu.VMEM((LANES * NUM_EXPERTS,), jnp.float32),
          pltpu.VMEM((NUM_EXPERTS, LANES), jnp.float32),
      ],
  )

  hist, csum = sc_part(expert_probs.T)

  scale = float(e) / (float(b) * float(b))
  finish = pl.pallas_call(
      lambda h, c, o: _finish_body(h, c, o, scale=scale),
      out_shape=jax.ShapeDtypeStruct((1, 1), jnp.float32),
      out_specs=pl.BlockSpec(memory_space=pltpu.SMEM),
  )
  dot = finish(hist, csum)
  return dot[0, 0]

# --- scband reference (transcript-rebuilt; emitter-appended) ---
"""Pipeline reference for scband-load-balancing-loss-47639777247797 (READ-ONLY COPY).

The authoritative reference and input builder live on the scoring server;
editing this copy changes nothing except your own understanding.
"""

import jax, jax.numpy as jnp
import numpy as np

NUM_EXPERTS = 64

def setup_inputs(seed: int = 0) -> dict:
    key = jax.random.key(seed)
    expert_probs = jax.random.uniform(key, (16384, NUM_EXPERTS), dtype=jnp.float32)
    return {"expert_probs": expert_probs}

def reference(expert_probs):
    B = expert_probs.shape[0]
    top_expert = jnp.argmax(expert_probs, axis=-1)
    ones = jnp.ones_like(top_expert, dtype=expert_probs.dtype)
    expert_counts = jnp.zeros((NUM_EXPERTS,), dtype=expert_probs.dtype).at[top_expert].add(ones)
    f_i = expert_counts / B
    p_i = jnp.mean(expert_probs, axis=0)
    loss = NUM_EXPERTS * jnp.sum(f_i * p_i)
    return loss

if __name__ == "__main__":
    import jax
    _d = setup_inputs()
    print(jax.jit(kernel)(*tuple(_d.values())))

</pallas_src>

<mosaic_0001>
#map = affine_map<(d0, d1) -> (0, 0)>
#map1 = affine_map<(d0, d1) -> (0, 0, 0)>
module attributes {stable_mosaic.version = 14 : i64} {
  func.func @_sc_body(%arg0: i32, %arg1: i32, %arg2: memref<64x16384xf32, #tpu.memory_space<hbm>>, %arg3: memref<32x1024xf32, #tpu.memory_space<hbm>>, %arg4: memref<32x64x16xf32, #tpu.memory_space<hbm>>, %arg5: memref<64x512xf32, #tpu.memory_space<vmem>>, %arg6: memref<32832xf32, #tpu.memory_space<vmem>>, %arg7: memref<1024xf32, #tpu.memory_space<vmem>>, %arg8: memref<64x16xf32, #tpu.memory_space<vmem>>) attributes {dimension_semantics = [#tpu.dimension_semantics<core_parallel>, #tpu.dimension_semantics<subcore_parallel>], iteration_bounds = array<i64: 2, 16>, scalar_prefetch = 0 : i64, scratch_operands = 4 : i64, tpu.core_type = #tpu.core_type<sc_vector_subcore>, window_params = [{transform_indices = #map}, {transform_indices = #map}, {transform_indices = #map1}]} {
    %mul3A = arith.constant 2 : i32
    %mul3A_0 = arith.muli %arg1, %mul3A : i32
    %add3A = arith.addi %mul3A_0, %arg0 : i32
    %mul3A_1 = arith.constant 512 : i32
    %mul3A_2 = arith.muli %add3A, %mul3A_1 : i32
    "tpu.region"() ({
      %run_scoped3A = tpu.sem_alloc : memref<!tpu.dma_semaphore, #tpu.memory_space<semaphore_mem>>
      %dma_start3A = arith.constant 0 : i32
      %dma_start3A_149 = tpu.memref_slice %arg2[%dma_start3A, %mul3A_2] : memref<64x16384xf32, #tpu.memory_space<hbm>> -> memref<64x512xf32, #tpu.memory_space<hbm>>
      %dma_start3A_150 = arith.constant 0 : i32
      %dma_start3A_151 = tpu.memref_slice %arg2[%dma_start3A_150, %mul3A_2] : memref<64x16384xf32, #tpu.memory_space<hbm>> -> memref<64x512xf32, #tpu.memory_space<hbm>>
      tpu.enqueue_dma source(%dma_start3A_151 : memref<64x512xf32, #tpu.memory_space<hbm>>) target(%arg5 : memref<64x512xf32, #tpu.memory_space<vmem>>) target_semaphore(%run_scoped3A : memref<!tpu.dma_semaphore, #tpu.memory_space<semaphore_mem>>)
      %dma_wait3A = arith.constant 0 : i32
      %dma_wait3A_152 = tpu.memref_slice %arg2[%dma_wait3A, %mul3A_2] : memref<64x16384xf32, #tpu.memory_space<hbm>> -> memref<64x512xf32, #tpu.memory_space<hbm>>
      %dma_wait3A_153 = arith.constant 0 : i32
      %dma_wait3A_154 = tpu.memref_slice %arg2[%dma_wait3A_153, %mul3A_2] : memref<64x16384xf32, #tpu.memory_space<hbm>> -> memref<64x512xf32, #tpu.memory_space<hbm>>
      tpu.wait_dma2 semaphore(%run_scoped3A : memref<!tpu.dma_semaphore, #tpu.memory_space<semaphore_mem>>) src(%dma_wait3A_154 : memref<64x512xf32, #tpu.memory_space<hbm>>) dst(%arg5 : memref<64x512xf32, #tpu.memory_space<vmem>>)
      tpu.yield
    }) : () -> ()
    %broadcast_in_dim3A = arith.constant 0.000000e+00 : f32
    %broadcast_in_dim3A_3 = vector.broadcast %broadcast_in_dim3A : f32 to vector<16xf32>
    %swap3A = arith.constant 0 : index
    %swap3A_4 = tpu.vector_load %arg7[%swap3A] {strides = array<i32>} : memref<1024xf32, #tpu.memory_space<vmem>>, vector<16xf32>,
    tpu.vector_store %arg7[%swap3A], %broadcast_in_dim3A_3 {strides = array<i32>} : memref<1024xf32, #tpu.memory_space<vmem>>, vector<16xf32>,
    %swap3A_5 = arith.constant 16 : index
    %swap3A_6 = tpu.vector_load %arg7[%swap3A_5] {strides = array<i32>} : memref<1024xf32, #tpu.memory_space<vmem>>, vector<16xf32>,
    tpu.vector_store %arg7[%swap3A_5], %broadcast_in_dim3A_3 {strides = array<i32>} : memref<1024xf32, #tpu.memory_space<vmem>>, vector<16xf32>,
    %swap3A_7 = arith.constant 32 : index
    %swap3A_8 = tpu.vector_load %arg7[%swap3A_7] {strides = array<i32>} : memref<1024xf32, #tpu.memory_space<vmem>>, vector<16xf32>,
    tpu.vector_store %arg7[%swap3A_7], %broadcast_in_dim3A_3 {strides = array<i32>} : memref<1024xf32, #tpu.memory_space<vmem>>, vector<16xf32>,
    %swap3A_9 = arith.constant 48 : index
    %swap3A_10 = tpu.vector_load %arg7[%swap3A_9] {strides = array<i32>} : memref<1024xf32, #tpu.memory_space<vmem>>, vector<16xf32>,
    tpu.vector_store %arg7[%swap3A_9], %broadcast_in_dim3A_3 {strides = array<i32>} : memref<1024xf32, #tpu.memory_space<vmem>>, vector<16xf32>,
    %swap3A_11 = arith.constant 64 : index
    %swap3A_12 = tpu.vector_load %arg7[%swap3A_11] {strides = array<i32>} : memref<1024xf32, #tpu.memory_space<vmem>>, vector<16xf32>,
    tpu.vector_store %arg7[%swap3A_11], %broadcast_in_dim3A_3 {strides = array<i32>} : memref<1024xf32, #tpu.memory_space<vmem>>, vector<16xf32>,
    %swap3A_13 = arith.constant 80 : index
    %swap3A_14 = tpu.vector_load %arg7[%swap3A_13] {strides = array<i32>} : memref<1024xf32, #tpu.memory_space<vmem>>, vector<16xf32>,
    tpu.vector_store %arg7[%swap3A_13], %broadcast_in_dim3A_3 {strides = array<i32>} : memref<1024xf32, #tpu.memory_space<vmem>>, vector<16xf32>,
    %swap3A_15 = arith.constant 96 : index
    %swap3A_16 = tpu.vector_load %arg7[%swap3A_15] {strides = array<i32>} : memref<1024xf32, #tpu.memory_space<vmem>>, vector<16xf32>,
    tpu.vector_store %arg7[%swap3A_15], %broadcast_in_dim3A_3 {strides = array<i32>} : memref<1024xf32, #tpu.memory_space<vmem>>, vector<16xf32>,
    %swap3A_17 = arith.constant 112 : index
    %swap3A_18 = tpu.vector_load %arg7[%swap3A_17] {strides = array<i32>} : memref<1024xf32, #tpu.memory_space<vmem>>, vector<16xf32>,
    tpu.vector_store %arg7[%swap3A_17], %broadcast_in_dim3A_3 {strides = array<i32>} : memref<1024xf32, #tpu.memory_space<vmem>>, vector<16xf32>,
    %swap3A_19 = arith.constant 128 : index
    %swap3A_20 = tpu.vector_load %arg7[%swap3A_19] {strides = array<i32>} : memref<1024xf32, #tpu.memory_space<vmem>>, vector<16xf32>,
    tpu.vector_store %arg7[%swap3A_19], %broadcast_in_dim3A_3 {strides = array<i32>} : memref<1024xf32, #tpu.memory_space<vmem>>, vector<16xf32>,
    %swap3A_21 = arith.constant 144 : index
    %swap3A_22 = tpu.vector_load %arg7[%swap3A_21] {strides = array<i32>} : memref<1024xf32, #tpu.memory_space<vmem>>, vector<16xf32>,
    tpu.vector_store %arg7[%swap3A_21], %broadcast_in_dim3A_3 {strides = array<i32>} : memref<1024xf32, #tpu.memory_space<vmem>>, vector<16xf32>,
    %swap3A_23 = arith.constant 160 : index
    %swap3A_24 = tpu.vector_load %arg7[%swap3A_23] {strides = array<i32>} : memref<1024xf32, #tpu.memory_space<vmem>>, vector<16xf32>,
    tpu.vector_store %arg7[%swap3A_23], %broadcast_in_dim3A_3 {strides = array<i32>} : memref<1024xf32, #tpu.memory_space<vmem>>, vector<16xf32>,
    %swap3A_25 = arith.constant 176 : index
    %swap3A_26 = tpu.vector_load %arg7[%swap3A_25] {strides = array<i32>} : memref<1024xf32, #tpu.memory_space<vmem>>, vector<16xf32>,
    tpu.vector_store %arg7[%swap3A_25], %broadcast_in_dim3A_3 {strides = array<i32>} : memref<1024xf32, #tpu.memory_space<vmem>>, vector<16xf32>,
    %swap3A_27 = arith.constant 192 : index
    %swap3A_28 = tpu.vector_load %arg7[%swap3A_27] {strides = array<i32>} : memref<1024xf32, #tpu.memory_space<vmem>>, vector<16xf32>,
    tpu.vector_store %arg7[%swap3A_27], %broadcast_in_dim3A_3 {strides = array<i32>} : memref<1024xf32, #tpu.memory_space<vmem>>, vector<16xf32>,
    %swap3A_29 = arith.constant 208 : index
    %swap3A_30 = tpu.vector_load %arg7[%swap3A_29] {strides = array<i32>} : memref<1024xf32, #tpu.memory_space<vmem>>, vector<16xf32>,
    tpu.vector_store %arg7[%swap3A_29], %broadcast_in_dim3A_3 {strides = array<i32>} : memref<1024xf32, #tpu.memory_space<vmem>>, vector<16xf32>,
    %swap3A_31 = arith.constant 224 : index
    %swap3A_32 = tpu.vector_load %arg7[%swap3A_31] {strides = array<i32>} : memref<1024xf32, #tpu.memory_space<vmem>>, vector<16xf32>,
    tpu.vector_store %arg7[%swap3A_31], %broadcast_in_dim3A_3 {strides = array<i32>} : memref<1024xf32, #tpu.memory_space<vmem>>, vector<16xf32>,
    %swap3A_33 = arith.constant 240 : index
    %swap3A_34 = tpu.vector_load %arg7[%swap3A_33] {strides = array<i32>} : memref<1024xf32, #tpu.memory_space<vmem>>, vector<16xf32>,
    tpu.vector_store %arg7[%swap3A_33], %broadcast_in_dim3A_3 {strides = array<i32>} : memref<1024xf32, #tpu.memory_space<vmem>>, vector<16xf32>,
    %swap3A_35 = arith.constant 256 : index
    %swap3A_36 = tpu.vector_load %arg7[%swap3A_35] {strides = array<i32>} : memref<1024xf32, #tpu.memory_space<vmem>>, vector<16xf32>,
    tpu.vector_store %arg7[%swap3A_35], %broadcast_in_dim3A_3 {strides = array<i32>} : memref<1024xf32, #tpu.memory_space<vmem>>, vector<16xf32>,
    %swap3A_37 = arith.constant 272 : index
    %swap3A_38 = tpu.vector_load %arg7[%swap3A_37] {strides = array<i32>} : memref<1024xf32, #tpu.memory_space<vmem>>, vector<16xf32>,
    tpu.vector_store %arg7[%swap3A_37], %broadcast_in_dim3A_3 {strides = array<i32>} : memref<1024xf32, #tpu.memory_space<vmem>>, vector<16xf32>,
    %swap3A_39 = arith.constant 288 : index
    %swap3A_40 = tpu.vector_load %arg7[%swap3A_39] {strides = array<i32>} : memref<1024xf32, #tpu.memory_space<vmem>>, vector<16xf32>,
    tpu.vector_store %arg7[%swap3A_39], %broadcast_in_dim3A_3 {strides = array<i32>} : memref<1024xf32, #tpu.memory_space<vmem>>, vector<16xf32>,
    %swap3A_41 = arith.constant 304 : index
    %swap3A_42 = tpu.vector_load %arg7[%swap3A_41] {strides = array<i32>} : memref<1024xf32, #tpu.memory_space<vmem>>, vector<16xf32>,
    tpu.vector_store %arg7[%swap3A_41], %broadcast_in_dim3A_3 {strides = array<i32>} : memref<1024xf32, #tpu.memory_space<vmem>>, vector<16xf32>,
    %swap3A_43 = arith.constant 320 : index
    %swap3A_44 = tpu.vector_load %arg7[%swap3A_43] {strides = array<i32>} : memref<1024xf32, #tpu.memory_space<vmem>>, vector<16xf32>,
    tpu.vector_store %arg7[%swap3A_43], %broadcast_in_dim3A_3 {strides = array<i32>} : memref<1024xf32, #tpu.memory_space<vmem>>, vector<16xf32>,
    %swap3A_45 = arith.constant 336 : index
    %swap3A_46 = tpu.vector_load %arg7[%swap3A_45] {strides = array<i32>} : memref<1024xf32, #tpu.memory_space<vmem>>, vector<16xf32>,
    tpu.vector_store %arg7[%swap3A_45], %broadcast_in_dim3A_3 {strides = array<i32>} : memref<1024xf32, #tpu.memory_space<vmem>>, vector<16xf32>,
    %swap3A_47 = arith.constant 352 : index
    %swap3A_48 = tpu.vector_load %arg7[%swap3A_47] {strides = array<i32>} : memref<1024xf32, #tpu.memory_space<vmem>>, vector<16xf32>,
    tpu.vector_store %arg7[%swap3A_47], %broadcast_in_dim3A_3 {strides = array<i32>} : memref<1024xf32, #tpu.memory_space<vmem>>, vector<16xf32>,
    %swap3A_49 = arith.constant 368 : index
    %swap3A_50 = tpu.vector_load %arg7[%swap3A_49] {strides = array<i32>} : memref<1024xf32, #tpu.memory_space<vmem>>, vector<16xf32>,
    tpu.vector_store %arg7[%swap3A_49], %broadcast_in_dim3A_3 {strides = array<i32>} : memref<1024xf32, #tpu.memory_space<vmem>>, vector<16xf32>,
    %swap3A_51 = arith.constant 384 : index
    %swap3A_52 = tpu.vector_load %arg7[%swap3A_51] {strides = array<i32>} : memref<1024xf32, #tpu.memory_space<vmem>>, vector<16xf32>,
    tpu.vector_store %arg7[%swap3A_51], %broadcast_in_dim3A_3 {strides = array<i32>} : memref<1024xf32, #tpu.memory_space<vmem>>, vector<16xf32>,
    %swap3A_53 = arith.constant 400 : index
    %swap3A_54 = tpu.vector_load %arg7[%swap3A_53] {strides = array<i32>} : memref<1024xf32, #tpu.memory_space<vmem>>, vector<16xf32>,
    tpu.vector_store %arg7[%swap3A_53], %broadcast_in_dim3A_3 {strides = array<i32>} : memref<1024xf32, #tpu.memory_space<vmem>>, vector<16xf32>,
    %swap3A_55 = arith.constant 416 : index
    %swap3A_56 = tpu.vector_load %arg7[%swap3A_55] {strides = array<i32>} : memref<1024xf32, #tpu.memory_space<vmem>>, vector<16xf32>,
    tpu.vector_store %arg7[%swap3A_55], %broadcast_in_dim3A_3 {strides = array<i32>} : memref<1024xf32, #tpu.memory_space<vmem>>, vector<16xf32>,
    %swap3A_57 = arith.constant 432 : index
    %swap3A_58 = tpu.vector_load %arg7[%swap3A_57] {strides = array<i32>} : memref<1024xf32, #tpu.memory_space<vmem>>, vector<16xf32>,
    tpu.vector_store %arg7[%swap3A_57], %broadcast_in_dim3A_3 {strides = array<i32>} : memref<1024xf32, #tpu.memory_space<vmem>>, vector<16xf32>,
    %swap3A_59 = arith.constant 448 : index
    %swap3A_60 = tpu.vector_load %arg7[%swap3A_59] {strides = array<i32>} : memref<1024xf32, #tpu.memory_space<vmem>>, vector<16xf32>,
    tpu.vector_store %arg7[%swap3A_59], %broadcast_in_dim3A_3 {strides = array<i32>} : memref<1024xf32, #tpu.memory_space<vmem>>, vector<16xf32>,
    %swap3A_61 = arith.constant 464 : index
    %swap3A_62 = tpu.vector_load %arg7[%swap3A_61] {strides = array<i32>} : memref<1024xf32, #tpu.memory_space<vmem>>, vector<16xf32>,
    tpu.vector_store %arg7[%swap3A_61], %broadcast_in_dim3A_3 {strides = array<i32>} : memref<1024xf32, #tpu.memory_space<vmem>>, vector<16xf32>,
    %swap3A_63 = arith.constant 480 : index
    %swap3A_64 = tpu.vector_load %arg7[%swap3A_63] {strides = array<i32>} : memref<1024xf32, #tpu.memory_space<vmem>>, vector<16xf32>,
    tpu.vector_store %arg7[%swap3A_63], %broadcast_in_dim3A_3 {strides = array<i32>} : memref<1024xf32, #tpu.memory_space<vmem>>, vector<16xf32>,
    %swap3A_65 = arith.constant 496 : index
    %swap3A_66 = tpu.vector_load %arg7[%swap3A_65] {strides = array<i32>} : memref<1024xf32, #tpu.memory_space<vmem>>, vector<16xf32>,
    tpu.vector_store %arg7[%swap3A_65], %broadcast_in_dim3A_3 {strides = array<i32>} : memref<1024xf32, #tpu.memory_space<vmem>>, vector<16xf32>,
    %swap3A_67 = arith.constant 512 : index
    %swap3A_68 = tpu.vector_load %arg7[%swap3A_67] {strides = array<i32>} : memref<1024xf32, #tpu.memory_space<vmem>>, vector<16xf32>,
    tpu.vector_store %arg7[%swap3A_67], %broadcast_in_dim3A_3 {strides = array<i32>} : memref<1024xf32, #tpu.memory_space<vmem>>, vector<16xf32>,
    %swap3A_69 = arith.constant 528 : index
    %swap3A_70 = tpu.vector_load %arg7[%swap3A_69] {strides = array<i32>} : memref<1024xf32, #tpu.memory_space<vmem>>, vector<16xf32>,
    tpu.vector_store %arg7[%swap3A_69], %broadcast_in_dim3A_3 {strides = array<i32>} : memref<1024xf32, #tpu.memory_space<vmem>>, vector<16xf32>,
    %swap3A_71 = arith.constant 544 : index
    %swap3A_72 = tpu.vector_load %arg7[%swap3A_71] {strides = array<i32>} : memref<1024xf32, #tpu.memory_space<vmem>>, vector<16xf32>,
    tpu.vector_store %arg7[%swap3A_71], %broadcast_in_dim3A_3 {strides = array<i32>} : memref<1024xf32, #tpu.memory_space<vmem>>, vector<16xf32>,
    %swap3A_73 = arith.constant 560 : index
    %swap3A_74 = tpu.vector_load %arg7[%swap3A_73] {strides = array<i32>} : memref<1024xf32, #tpu.memory_space<vmem>>, vector<16xf32>,
    tpu.vector_store %arg7[%swap3A_73], %broadcast_in_dim3A_3 {strides = array<i32>} : memref<1024xf32, #tpu.memory_space<vmem>>, vector<16xf32>,
    %swap3A_75 = arith.constant 576 : index
    %swap3A_76 = tpu.vector_load %arg7[%swap3A_75] {strides = array<i32>} : memref<1024xf32, #tpu.memory_space<vmem>>, vector<16xf32>,
    tpu.vector_store %arg7[%swap3A_75], %broadcast_in_dim3A_3 {strides = array<i32>} : memref<1024xf32, #tpu.memory_space<vmem>>, vector<16xf32>,
    %swap3A_77 = arith.constant 592 : index
    %swap3A_78 = tpu.vector_load %arg7[%swap3A_77] {strides = array<i32>} : memref<1024xf32, #tpu.memory_space<vmem>>, vector<16xf32>,
    tpu.vector_store %arg7[%swap3A_77], %broadcast_in_dim3A_3 {strides = array<i32>} : memref<1024xf32, #tpu.memory_space<vmem>>, vector<16xf32>,
    %swap3A_79 = arith.constant 608 : index
    %swap3A_80 = tpu.vector_load %arg7[%swap3A_79] {strides = array<i32>} : memref<1024xf32, #tpu.memory_space<vmem>>, vector<16xf32>,
    tpu.vector_store %arg7[%swap3A_79], %broadcast_in_dim3A_3 {strides = array<i32>} : memref<1024xf32, #tpu.memory_space<vmem>>, vector<16xf32>,
    %swap3A_81 = arith.constant 624 : index
    %swap3A_82 = tpu.vector_load %arg7[%swap3A_81] {strides = array<i32>} : memref<1024xf32, #tpu.memory_space<vmem>>, vector<16xf32>,
    tpu.vector_store %arg7[%swap3A_81], %broadcast_in_dim3A_3 {strides = array<i32>} : memref<1024xf32, #tpu.memory_space<vmem>>, vector<16xf32>,
    %swap3A_83 = arith.constant 640 : index
    %swap3A_84 = tpu.vector_load %arg7[%swap3A_83] {strides = array<i32>} : memref<1024xf32, #tpu.memory_space<vmem>>, vector<16xf32>,
    tpu.vector_store %arg7[%swap3A_83], %broadcast_in_dim3A_3 {strides = array<i32>} : memref<1024xf32, #tpu.memory_space<vmem>>, vector<16xf32>,
    %swap3A_85 = arith.constant 656 : index
    %swap3A_86 = tpu.vector_load %arg7[%swap3A_85] {strides = array<i32>} : memref<1024xf32, #tpu.memory_space<vmem>>, vector<16xf32>,
    tpu.vector_store %arg7[%swap3A_85], %broadcast_in_dim3A_3 {strides = array<i32>} : memref<1024xf32, #tpu.memory_space<vmem>>, vector<16xf32>,
    %swap3A_87 = arith.constant 672 : index
    %swap3A_88 = tpu.vector_load %arg7[%swap3A_87] {strides = array<i32>} : memref<1024xf32, #tpu.memory_space<vmem>>, vector<16xf32>,
    tpu.vector_store %arg7[%swap3A_87], %broadcast_in_dim3A_3 {strides = array<i32>} : memref<1024xf32, #tpu.memory_space<vmem>>, vector<16xf32>,
    %swap3A_89 = arith.constant 688 : index
    %swap3A_90 = tpu.vector_load %arg7[%swap3A_89] {strides = array<i32>} : memref<1024xf32, #tpu.memory_space<vmem>>, vector<16xf32>,
    tpu.vector_store %arg7[%swap3A_89], %broadcast_in_dim3A_3 {strides = array<i32>} : memref<1024xf32, #tpu.memory_space<vmem>>, vector<16xf32>,
    %swap3A_91 = arith.constant 704 : index
    %swap3A_92 = tpu.vector_load %arg7[%swap3A_91] {strides = array<i32>} : memref<1024xf32, #tpu.memory_space<vmem>>, vector<16xf32>,
    tpu.vector_store %arg7[%swap3A_91], %broadcast_in_dim3A_3 {strides = array<i32>} : memref<1024xf32, #tpu.memory_space<vmem>>, vector<16xf32>,
    %swap3A_93 = arith.constant 720 : index
    %swap3A_94 = tpu.vector_load %arg7[%swap3A_93] {strides = array<i32>} : memref<1024xf32, #tpu.memory_space<vmem>>, vector<16xf32>,
    tpu.vector_store %arg7[%swap3A_93], %broadcast_in_dim3A_3 {strides = array<i32>} : memref<1024xf32, #tpu.memory_space<vmem>>, vector<16xf32>,
    %swap3A_95 = arith.constant 736 : index
    %swap3A_96 = tpu.vector_load %arg7[%swap3A_95] {strides = array<i32>} : memref<1024xf32, #tpu.memory_space<vmem>>, vector<16xf32>,
    tpu.vector_store %arg7[%swap3A_95], %broadcast_in_dim3A_3 {strides = array<i32>} : memref<1024xf32, #tpu.memory_space<vmem>>, vector<16xf32>,
    %swap3A_97 = arith.constant 752 : index
    %swap3A_98 = tpu.vector_load %arg7[%swap3A_97] {strides = array<i32>} : memref<1024xf32, #tpu.memory_space<vmem>>, vector<16xf32>,
    tpu.vector_store %arg7[%swap3A_97], %broadcast_in_dim3A_3 {strides = array<i32>} : memref<1024xf32, #tpu.memory_space<vmem>>, vector<16xf32>,
    %swap3A_99 = arith.constant 768 : index
    %swap3A_100 = tpu.vector_load %arg7[%swap3A_99] {strides = array<i32>} : memref<1024xf32, #tpu.memory_space<vmem>>, vector<16xf32>,
    tpu.vector_store %arg7[%swap3A_99], %broadcast_in_dim3A_3 {strides = array<i32>} : memref<1024xf32, #tpu.memory_space<vmem>>, vector<16xf32>,
    %swap3A_101 = arith.constant 784 : index
    %swap3A_102 = tpu.vector_load %arg7[%swap3A_101] {strides = array<i32>} : memref<1024xf32, #tpu.memory_space<vmem>>, vector<16xf32>,
    tpu.vector_store %arg7[%swap3A_101], %broadcast_in_dim3A_3 {strides = array<i32>} : memref<1024xf32, #tpu.memory_space<vmem>>, vector<16xf32>,
    %swap3A_103 = arith.constant 800 : index
    %swap3A_104 = tpu.vector_load %arg7[%swap3A_103] {strides = array<i32>} : memref<1024xf32, #tpu.memory_space<vmem>>, vector<16xf32>,
    tpu.vector_store %arg7[%swap3A_103], %broadcast_in_dim3A_3 {strides = array<i32>} : memref<1024xf32, #tpu.memory_space<vmem>>, vector<16xf32>,
    %swap3A_105 = arith.constant 816 : index
    %swap3A_106 = tpu.vector_load %arg7[%swap3A_105] {strides = array<i32>} : memref<1024xf32, #tpu.memory_space<vmem>>, vector<16xf32>,
    tpu.vector_store %arg7[%swap3A_105], %broadcast_in_dim3A_3 {strides = array<i32>} : memref<1024xf32, #tpu.memory_space<vmem>>, vector<16xf32>,
    %swap3A_107 = arith.constant 832 : index
    %swap3A_108 = tpu.vector_load %arg7[%swap3A_107] {strides = array<i32>} : memref<1024xf32, #tpu.memory_space<vmem>>, vector<16xf32>,
    tpu.vector_store %arg7[%swap3A_107], %broadcast_in_dim3A_3 {strides = array<i32>} : memref<1024xf32, #tpu.memory_space<vmem>>, vector<16xf32>,
    %swap3A_109 = arith.constant 848 : index
    %swap3A_110 = tpu.vector_load %arg7[%swap3A_109] {strides = array<i32>} : memref<1024xf32, #tpu.memory_space<vmem>>, vector<16xf32>,
    tpu.vector_store %arg7[%swap3A_109], %broadcast_in_dim3A_3 {strides = array<i32>} : memref<1024xf32, #tpu.memory_space<vmem>>, vector<16xf32>,
    %swap3A_111 = arith.constant 864 : index
    %swap3A_112 = tpu.vector_load %arg7[%swap3A_111] {strides = array<i32>} : memref<1024xf32, #tpu.memory_space<vmem>>, vector<16xf32>,
    tpu.vector_store %arg7[%swap3A_111], %broadcast_in_dim3A_3 {strides = array<i32>} : memref<1024xf32, #tpu.memory_space<vmem>>, vector<16xf32>,
    %swap3A_113 = arith.constant 880 : index
    %swap3A_114 = tpu.vector_load %arg7[%swap3A_113] {strides = array<i32>} : memref<1024xf32, #tpu.memory_space<vmem>>, vector<16xf32>,
    tpu.vector_store %arg7[%swap3A_113], %broadcast_in_dim3A_3 {strides = array<i32>} : memref<1024xf32, #tpu.memory_space<vmem>>, vector<16xf32>,
    %swap3A_115 = arith.constant 896 : index
    %swap3A_116 = tpu.vector_load %arg7[%swap3A_115] {strides = array<i32>} : memref<1024xf32, #tpu.memory_space<vmem>>, vector<16xf32>,
    tpu.vector_store %arg7[%swap3A_115], %broadcast_in_dim3A_3 {strides = array<i32>} : memref<1024xf32, #tpu.memory_space<vmem>>, vector<16xf32>,
    %swap3A_117 = arith.constant 912 : index
    %swap3A_118 = tpu.vector_load %arg7[%swap3A_117] {strides = array<i32>} : memref<1024xf32, #tpu.memory_space<vmem>>, vector<16xf32>,
    tpu.vector_store %arg7[%swap3A_117], %broadcast_in_dim3A_3 {strides = array<i32>} : memref<1024xf32, #tpu.memory_space<vmem>>, vector<16xf32>,
    %swap3A_119 = arith.constant 928 : index
    %swap3A_120 = tpu.vector_load %arg7[%swap3A_119] {strides = array<i32>} : memref<1024xf32, #tpu.memory_space<vmem>>, vector<16xf32>,
    tpu.vector_store %arg7[%swap3A_119], %broadcast_in_dim3A_3 {strides = array<i32>} : memref<1024xf32, #tpu.memory_space<vmem>>, vector<16xf32>,
    %swap3A_121 = arith.constant 944 : index
    %swap3A_122 = tpu.vector_load %arg7[%swap3A_121] {strides = array<i32>} : memref<1024xf32, #tpu.memory_space<vmem>>, vector<16xf32>,
    tpu.vector_store %arg7[%swap3A_121], %broadcast_in_dim3A_3 {strides = array<i32>} : memref<1024xf32, #tpu.memory_space<vmem>>, vector<16xf32>,
    %swap3A_123 = arith.constant 960 : index
    %swap3A_124 = tpu.vector_load %arg7[%swap3A_123] {strides = array<i32>} : memref<1024xf32, #tpu.memory_space<vmem>>, vector<16xf32>,
    tpu.vector_store %arg7[%swap3A_123], %broadcast_in_dim3A_3 {strides = array<i32>} : memref<1024xf32, #tpu.memory_space<vmem>>, vector<16xf32>,
    %swap3A_125 = arith.constant 976 : index
    %swap3A_126 = tpu.vector_load %arg7[%swap3A_125] {strides = array<i32>} : memref<1024xf32, #tpu.memory_space<vmem>>, vector<16xf32>,
    tpu.vector_store %arg7[%swap3A_125], %broadcast_in_dim3A_3 {strides = array<i32>} : memref<1024xf32, #tpu.memory_space<vmem>>, vector<16xf32>,
    %swap3A_127 = arith.constant 992 : index
    %swap3A_128 = tpu.vector_load %arg7[%swap3A_127] {strides = array<i32>} : memref<1024xf32, #tpu.memory_space<vmem>>, vector<16xf32>,
    tpu.vector_store %arg7[%swap3A_127], %broadcast_in_dim3A_3 {strides = array<i32>} : memref<1024xf32, #tpu.memory_space<vmem>>, vector<16xf32>,
    %swap3A_129 = arith.constant 1008 : index
    %swap3A_130 = tpu.vector_load %arg7[%swap3A_129] {strides = array<i32>} : memref<1024xf32, #tpu.memory_space<vmem>>, vector<16xf32>,
    tpu.vector_store %arg7[%swap3A_129], %broadcast_in_dim3A_3 {strides = array<i32>} : memref<1024xf32, #tpu.memory_space<vmem>>, vector<16xf32>,
    %iota3A = tpu.iota {dimensions = array<i32: 0>} : vector<16xi32>
    %mul3A_131 = arith.constant 64 : i32
    %mul3A_132 = vector.broadcast %mul3A_131 : i32 to vector<16xi32>
    %mul3A_133 = arith.muli %iota3A, %mul3A_132 : vector<16xi32>
    %broadcast_in_dim3A_134 = arith.constant 1.000000e+00 : f32
    %broadcast_in_dim3A_135 = vector.broadcast %broadcast_in_dim3A_134 : f32 to vector<16xf32>
    %scan3A = arith.constant 0 : i32
    %scan3A_136 = arith.constant 0 : i32
    %scan3A_137 = arith.constant 8 : i32
    %scan3A_138 = arith.addi %scan3A_136, %scan3A_137 : i32
    %scan3A_139 = arith.constant 1 : i32
    scf.for %scan3A_149 = %scan3A_136 to %scan3A_138 step %scan3A_139  : i32 {
      %mul3A_150 = arith.constant 8 : i32
      %mul3A_151 = arith.muli %scan3A_149, %mul3A_150 : i32
      %mul3A_152 = arith.constant 4104 : i32
      %mul3A_153 = arith.muli %scan3A_149, %mul3A_152 : i32
      %mul3A_154 = arith.constant 8 : i32
      %mul3A_155 = arith.muli %scan3A_149, %mul3A_154 : i32
      %get3A = arith.constant 0 : i32
      %get3A_156 = arith.constant 0 : i32
      %get3A_157 = tpu.memref_slice %arg5[%mul3A_151, %get3A_156] : memref<64x512xf32, #tpu.memory_space<vmem>> -> memref<8x512xf32, #tpu.memory_space<vmem>>
      %get3A_158 = arith.index_cast %get3A : i32 to index
      %get3A_159 = arith.constant 0 : index
      %get3A_160 = tpu.vector_load %get3A_157[%get3A_158, %get3A_159] {strides = array<i32>} : memref<8x512xf32, #tpu.memory_space<vmem>>, vector<16xf32>,
      %get3A_161 = arith.constant 0 : i32
      %get3A_162 = arith.constant 0 : i32
      %get3A_163 = tpu.memref_slice %arg5[%mul3A_151, %get3A_162] : memref<64x512xf32, #tpu.memory_space<vmem>> -> memref<8x512xf32, #tpu.memory_space<vmem>>
      %get3A_164 = arith.index_cast %get3A_161 : i32 to index
      %get3A_165 = arith.constant 16 : index
      %get3A_166 = tpu.vector_load %get3A_163[%get3A_164, %get3A_165] {strides = array<i32>} : memref<8x512xf32, #tpu.memory_space<vmem>>, vector<16xf32>,
      %get3A_167 = arith.constant 0 : i32
      %get3A_168 = arith.constant 0 : i32
      %get3A_169 = tpu.memref_slice %arg5[%mul3A_151, %get3A_168] : memref<64x512xf32, #tpu.memory_space<vmem>> -> memref<8x512xf32, #tpu.memory_space<vmem>>
      %get3A_170 = arith.index_cast %get3A_167 : i32 to index
      %get3A_171 = arith.constant 32 : index
      %get3A_172 = tpu.vector_load %get3A_169[%get3A_170, %get3A_171] {strides = array<i32>} : memref<8x512xf32, #tpu.memory_space<vmem>>, vector<16xf32>,
      %get3A_173 = arith.constant 0 : i32
      %get3A_174 = arith.constant 0 : i32
      %get3A_175 = tpu.memref_slice %arg5[%mul3A_151, %get3A_174] : memref<64x512xf32, #tpu.memory_space<vmem>> -> memref<8x512xf32, #tpu.memory_space<vmem>>
      %get3A_176 = arith.index_cast %get3A_173 : i32 to index
      %get3A_177 = arith.constant 48 : index
      %get3A_178 = tpu.vector_load %get3A_175[%get3A_176, %get3A_177] {strides = array<i32>} : memref<8x512xf32, #tpu.memory_space<vmem>>, vector<16xf32>,
      %get3A_179 = arith.constant 0 : i32
      %get3A_180 = arith.constant 0 : i32
      %get3A_181 = tpu.memref_slice %arg5[%mul3A_151, %get3A_180] : memref<64x512xf32, #tpu.memory_space<vmem>> -> memref<8x512xf32, #tpu.memory_space<vmem>>
      %get3A_182 = arith.index_cast %get3A_179 : i32 to index
      %get3A_183 = arith.constant 64 : index
      %get3A_184 = tpu.vector_load %get3A_181[%get3A_182, %get3A_183] {strides = array<i32>} : memref<8x512xf32, #tpu.memory_space<vmem>>, vector<16xf32>,
      %get3A_185 = arith.constant 0 : i32
      %get3A_186 = arith.constant 0 : i32
      %get3A_187 = tpu.memref_slice %arg5[%mul3A_151, %get3A_186] : memref<64x512xf32, #tpu.memory_space<vmem>> -> memref<8x512xf32, #tpu.memory_space<vmem>>
      %get3A_188 = arith.index_cast %get3A_185 : i32 to index
      %get3A_189 = arith.constant 80 : index
      %get3A_190 = tpu.vector_load %get3A_187[%get3A_188, %get3A_189] {strides = array<i32>} : memref<8x512xf32, #tpu.memory_space<vmem>>, vector<16xf32>,
      %get3A_191 = arith.constant 0 : i32
      %get3A_192 = arith.constant 0 : i32
      %get3A_193 = tpu.memref_slice %arg5[%mul3A_151, %get3A_192] : memref<64x512xf32, #tpu.memory_space<vmem>> -> memref<8x512xf32, #tpu.memory_space<vmem>>
      %get3A_194 = arith.index_cast %get3A_191 : i32 to index
      %get3A_195 = arith.constant 96 : index
      %get3A_196 = tpu.vector_load %get3A_193[%get3A_194, %get3A_195] {strides = array<i32>} : memref<8x512xf32, #tpu.memory_space<vmem>>, vector<16xf32>,
      %get3A_197 = arith.constant 0 : i32
      %get3A_198 = arith.constant 0 : i32
      %get3A_199 = tpu.memref_slice %arg5[%mul3A_151, %get3A_198] : memref<64x512xf32, #tpu.memory_space<vmem>> -> memref<8x512xf32, #tpu.memory_space<vmem>>
      %get3A_200 = arith.index_cast %get3A_197 : i32 to index
      %get3A_201 = arith.constant 112 : index
      %get3A_202 = tpu.vector_load %get3A_199[%get3A_200, %get3A_201] {strides = array<i32>} : memref<8x512xf32, #tpu.memory_space<vmem>>, vector<16xf32>,
      %swap3A_203 = tpu.memref_slice %arg6[%mul3A_153] : memref<32832xf32, #tpu.memory_space<vmem>> -> memref<4104xf32, #tpu.memory_space<vmem>>
      %swap3A_204 = arith.constant 0 : index
      %swap3A_205 = tpu.vector_load %swap3A_203[%swap3A_204] {strides = array<i32>} : memref<4104xf32, #tpu.memory_space<vmem>>, vector<16xf32>,
      tpu.vector_store %swap3A_203[%swap3A_204], %get3A_160 {strides = array<i32>} : memref<4104xf32, #tpu.memory_space<vmem>>, vector<16xf32>,
      %add3A_206 = arith.addf %get3A_160, %get3A_166 : vector<16xf32>
      %swap3A_207 = tpu.memref_slice %arg6[%mul3A_153] : memref<32832xf32, #tpu.memory_space<vmem>> -> memref<4104xf32, #tpu.memory_space<vmem>>
      %swap3A_208 = arith.constant 16 : index
      %swap3A_209 = tpu.vector_load %swap3A_207[%swap3A_208] {strides = array<i32>} : memref<4104xf32, #tpu.memory_space<vmem>>, vector<16xf32>,
      tpu.vector_store %swap3A_207[%swap3A_208], %get3A_166 {strides = array<i32>} : memref<4104xf32, #tpu.memory_space<vmem>>, vector<16xf32>,
      %add3A_210 = arith.addf %add3A_206, %get3A_172 : vector<16xf32>
      %swap3A_211 = tpu.memref_slice %arg6[%mul3A_153] : memref<32832xf32, #tpu.memory_space<vmem>> -> memref<4104xf32, #tpu.memory_space<vmem>>
      %swap3A_212 = arith.constant 32 : index
      %swap3A_213 = tpu.vector_load %swap3A_211[%swap3A_212] {strides = array<i32>} : memref<4104xf32, #tpu.memory_space<vmem>>, vector<16xf32>,
      tpu.vector_store %swap3A_211[%swap3A_212], %get3A_172 {strides = array<i32>} : memref<4104xf32, #tpu.memory_space<vmem>>, vector<16xf32>,
      %add3A_214 = arith.addf %add3A_210, %get3A_178 : vector<16xf32>
      %swap3A_215 = tpu.memref_slice %arg6[%mul3A_153] : memref<32832xf32, #tpu.memory_space<vmem>> -> memref<4104xf32, #tpu.memory_space<vmem>>
      %swap3A_216 = arith.constant 48 : index
      %swap3A_217 = tpu.vector_load %swap3A_215[%swap3A_216] {strides = array<i32>} : memref<4104xf32, #tpu.memory_space<vmem>>, vector<16xf32>,
      tpu.vector_store %swap3A_215[%swap3A_216], %get3A_178 {strides = array<i32>} : memref<4104xf32, #tpu.memory_space<vmem>>, vector<16xf32>,
      %add3A_218 = arith.addf %add3A_214, %get3A_184 : vector<16xf32>
      %swap3A_219 = tpu.memref_slice %arg6[%mul3A_153] : memref<32832xf32, #tpu.memory_space<vmem>> -> memref<4104xf32, #tpu.memory_space<vmem>>
      %swap3A_220 = arith.constant 64 : index
      %swap3A_221 = tpu.vector_load %swap3A_219[%swap3A_220] {strides = array<i32>} : memref<4104xf32, #tpu.memory_space<vmem>>, vector<16xf32>,
      tpu.vector_store %swap3A_219[%swap3A_220], %get3A_184 {strides = array<i32>} : memref<4104xf32, #tpu.memory_space<vmem>>, vector<16xf32>,
      %add3A_222 = arith.addf %add3A_218, %get3A_190 : vector<16xf32>
      %swap3A_223 = tpu.memref_slice %arg6[%mul3A_153] : memref<32832xf32, #tpu.memory_space<vmem>> -> memref<4104xf32, #tpu.memory_space<vmem>>
      %swap3A_224 = arith.constant 80 : index
      %swap3A_225 = tpu.vector_load %swap3A_223[%swap3A_224] {strides = array<i32>} : memref<4104xf32, #tpu.memory_space<vmem>>, vector<16xf32>,
      tpu.vector_store %swap3A_223[%swap3A_224], %get3A_190 {strides = array<i32>} : memref<4104xf32, #tpu.memory_space<vmem>>, vector<16xf32>,
      %add3A_226 = arith.addf %add3A_222, %get3A_196 : vector<16xf32>
      %swap3A_227 = tpu.memref_slice %arg6[%mul3A_153] : memref<32832xf32, #tpu.memory_space<vmem>> -> memref<4104xf32, #tpu.memory_space<vmem>>
      %swap3A_228 = arith.constant 96 : index
      %swap3A_229 = tpu.vector_load %swap3A_227[%swap3A_228] {strides = array<i32>} : memref<4104xf32, #tpu.memory_space<vmem>>, vector<16xf32>,
      tpu.vector_store %swap3A_227[%swap3A_228], %get3A_196 {strides = array<i32>} : memref<4104xf32, #tpu.memory_space<vmem>>, vector<16xf32>,
      %add3A_230 = arith.addf %add3A_226, %get3A_202 : vector<16xf32>
      %swap3A_231 = tpu.memref_slice %arg6[%mul3A_153] : memref<32832xf32, #tpu.memory_space<vmem>> -> memref<4104xf32, #tpu.memory_space<vmem>>
      %swap3A_232 = arith.constant 112 : index
      %swap3A_233 = tpu.vector_load %swap3A_231[%swap3A_232] {strides = array<i32>} : memref<4104xf32, #tpu.memory_space<vmem>>, vector<16xf32>,
      tpu.vector_store %swap3A_231[%swap3A_232], %get3A_202 {strides = array<i32>} : memref<4104xf32, #tpu.memory_space<vmem>>, vector<16xf32>,
      %get3A_234 = arith.constant 0 : i32
      %get3A_235 = arith.constant 0 : i32
      %get3A_236 = tpu.memref_slice %arg5[%mul3A_151, %get3A_235] : memref<64x512xf32, #tpu.memory_space<vmem>> -> memref<8x512xf32, #tpu.memory_space<vmem>>
      %get3A_237 = arith.index_cast %get3A_234 : i32 to index
      %get3A_238 = arith.constant 128 : index
      %get3A_239 = tpu.vector_load %get3A_236[%get3A_237, %get3A_238] {strides = array<i32>} : memref<8x512xf32, #tpu.memory_space<vmem>>, vector<16xf32>,
      %get3A_240 = arith.constant 0 : i32
      %get3A_241 = arith.constant 0 : i32
      %get3A_242 = tpu.memref_slice %arg5[%mul3A_151, %get3A_241] : memref<64x512xf32, #tpu.memory_space<vmem>> -> memref<8x512xf32, #tpu.memory_space<vmem>>
      %get3A_243 = arith.index_cast %get3A_240 : i32 to index
      %get3A_244 = arith.constant 144 : index
      %get3A_245 = tpu.vector_load %get3A_242[%get3A_243, %get3A_244] {strides = array<i32>} : memref<8x512xf32, #tpu.memory_space<vmem>>, vector<16xf32>,
      %get3A_246 = arith.constant 0 : i32
      %get3A_247 = arith.constant 0 : i32
      %get3A_248 = tpu.memref_slice %arg5[%mul3A_151, %get3A_247] : memref<64x512xf32, #tpu.memory_space<vmem>> -> memref<8x512xf32, #tpu.memory_space<vmem>>
      %get3A_249 = arith.index_cast %get3A_246 : i32 to index
      %get3A_250 = arith.constant 160 : index
      %get3A_251 = tpu.vector_load %get3A_248[%get3A_249, %get3A_250] {strides = array<i32>} : memref<8x512xf32, #tpu.memory_space<vmem>>, vector<16xf32>,
      %get3A_252 = arith.constant 0 : i32
      %get3A_253 = arith.constant 0 : i32
      %get3A_254 = tpu.memref_slice %arg5[%mul3A_151, %get3A_253] : memref<64x512xf32, #tpu.memory_space<vmem>> -> memref<8x512xf32, #tpu.memory_space<vmem>>
      %get3A_255 = arith.index_cast %get3A_252 : i32 to index
      %get3A_256 = arith.constant 176 : index
      %get3A_257 = tpu.vector_load %get3A_254[%get3A_255, %get3A_256] {strides = array<i32>} : memref<8x512xf32, #tpu.memory_space<vmem>>, vector<16xf32>,
      %get3A_258 = arith.constant 0 : i32
      %get3A_259 = arith.constant 0 : i32
      %get3A_260 = tpu.memref_slice %arg5[%mul3A_151, %get3A_259] : memref<64x512xf32, #tpu.memory_space<vmem>> -> memref<8x512xf32, #tpu.memory_space<vmem>>
      %get3A_261 = arith.index_cast %get3A_258 : i32 to index
      %get3A_262 = arith.constant 192 : index
      %get3A_263 = tpu.vector_load %get3A_260[%get3A_261, %get3A_262] {strides = array<i32>} : memref<8x512xf32, #tpu.memory_space<vmem>>, vector<16xf32>,
      %get3A_264 = arith.constant 0 : i32
      %get3A_265 = arith.constant 0 : i32
      %get3A_266 = tpu.memref_slice %arg5[%mul3A_151, %get3A_265] : memref<64x512xf32, #tpu.memory_space<vmem>> -> memref<8x512xf32, #tpu.memory_space<vmem>>
      %get3A_267 = arith.index_cast %get3A_264 : i32 to index
      %get3A_268 = arith.constant 208 : index
      %get3A_269 = tpu.vector_load %get3A_266[%get3A_267, %get3A_268] {strides = array<i32>} : memref<8x512xf32, #tpu.memory_space<vmem>>, vector<16xf32>,
      %get3A_270 = arith.constant 0 : i32
      %get3A_271 = arith.constant 0 : i32
      %get3A_272 = tpu.memref_slice %arg5[%mul3A_151, %get3A_271] : memref<64x512xf32, #tpu.memory_space<vmem>> -> memref<8x512xf32, #tpu.memory_space<vmem>>
      %get3A_273 = arith.index_cast %get3A_270 : i32 to index
      %get3A_274 = arith.constant 224 : index
      %get3A_275 = tpu.vector_load %get3A_272[%get3A_273, %get3A_274] {strides = array<i32>} : memref<8x512xf32, #tpu.memory_space<vmem>>, vector<16xf32>,
      %get3A_276 = arith.constant 0 : i32
      %get3A_277 = arith.constant 0 : i32
      %get3A_278 = tpu.memref_slice %arg5[%mul3A_151, %get3A_277] : memref<64x512xf32, #tpu.memory_space<vmem>> -> memref<8x512xf32, #tpu.memory_space<vmem>>
      %get3A_279 = arith.index_cast %get3A_276 : i32 to index
      %get3A_280 = arith.constant 240 : index
      %get3A_281 = tpu.vector_load %get3A_278[%get3A_279, %get3A_280] {strides = array<i32>} : memref<8x512xf32, #tpu.memory_space<vmem>>, vector<16xf32>,
      %add3A_282 = arith.addf %add3A_230, %get3A_239 : vector<16xf32>
      %swap3A_283 = tpu.memref_slice %arg6[%mul3A_153] : memref<32832xf32, #tpu.memory_space<vmem>> -> memref<4104xf32, #tpu.memory_space<vmem>>
      %swap3A_284 = arith.constant 128 : index
      %swap3A_285 = tpu.vector_load %swap3A_283[%swap3A_284] {strides = array<i32>} : memref<4104xf32, #tpu.memory_space<vmem>>, vector<16xf32>,
      tpu.vector_store %swap3A_283[%swap3A_284], %get3A_239 {strides = array<i32>} : memref<4104xf32, #tpu.memory_space<vmem>>, vector<16xf32>,
      %add3A_286 = arith.addf %add3A_282, %get3A_245 : vector<16xf32>
      %swap3A_287 = tpu.memref_slice %arg6[%mul3A_153] : memref<32832xf32, #tpu.memory_space<vmem>> -> memref<4104xf32, #tpu.memory_space<vmem>>
      %swap3A_288 = arith.constant 144 : index
      %swap3A_289 = tpu.vector_load %swap3A_287[%swap3A_288] {strides = array<i32>} : memref<4104xf32, #tpu.memory_space<vmem>>, vector<16xf32>,
      tpu.vector_store %swap3A_287[%swap3A_288], %get3A_245 {strides = array<i32>} : memref<4104xf32, #tpu.memory_space<vmem>>, vector<16xf32>,
      %add3A_290 = arith.addf %add3A_286, %get3A_251 : vector<16xf32>
      %swap3A_291 = tpu.memref_slice %arg6[%mul3A_153] : memref<32832xf32, #tpu.memory_space<vmem>> -> memref<4104xf32, #tpu.memory_space<vmem>>
      %swap3A_292 = arith.constant 160 : index
      %swap3A_293 = tpu.vector_load %swap3A_291[%swap3A_292] {strides = array<i32>} : memref<4104xf32, #tpu.memory_space<vmem>>, vector<16xf32>,
      tpu.vector_store %swap3A_291[%swap3A_292], %get3A_251 {strides = array<i32>} : memref<4104xf32, #tpu.memory_space<vmem>>, vector<16xf32>,
      %add3A_294 = arith.addf %add3A_290, %get3A_257 : vector<16xf32>
      %swap3A_295 = tpu.memref_slice %arg6[%mul3A_153] : memref<32832xf32, #tpu.memory_space<vmem>> -> memref<4104xf32, #tpu.memory_space<vmem>>
      %swap3A_296 = arith.constant 176 : index
      %swap3A_297 = tpu.vector_load %swap3A_295[%swap3A_296] {strides = array<i32>} : memref<4104xf32, #tpu.memory_space<vmem>>, vector<16xf32>,
      tpu.vector_store %swap3A_295[%swap3A_296], %get3A_257 {strides = array<i32>} : memref<4104xf32, #tpu.memory_space<vmem>>, vector<16xf32>,
      %add3A_298 = arith.addf %add3A_294, %get3A_263 : vector<16xf32>
      %swap3A_299 = tpu.memref_slice %arg6[%mul3A_153] : memref<32832xf32, #tpu.memory_space<vmem>> -> memref<4104xf32, #tpu.memory_space<vmem>>
      %swap3A_300 = arith.constant 192 : index
      %swap3A_301 = tpu.vector_load %swap3A_299[%swap3A_300] {strides = array<i32>} : memref<4104xf32, #tpu.memory_space<vmem>>, vector<16xf32>,
      tpu.vector_store %swap3A_299[%swap3A_300], %get3A_263 {strides = array<i32>} : memref<4104xf32, #tpu.memory_space<vmem>>, vector<16xf32>,
      %add3A_302 = arith.addf %add3A_298, %get3A_269 : vector<16xf32>
      %swap3A_303 = tpu.memref_slice %arg6[%mul3A_153] : memref<32832xf32, #tpu.memory_space<vmem>> -> memref<4104xf32, #tpu.memory_space<vmem>>
      %swap3A_304 = arith.constant 208 : index
      %swap3A_305 = tpu.vector_load %swap3A_303[%swap3A_304] {strides = array<i32>} : memref<4104xf32, #tpu.memory_space<vmem>>, vector<16xf32>,
      tpu.vector_store %swap3A_303[%swap3A_304], %get3A_269 {strides = array<i32>} : memref<4104xf32, #tpu.memory_space<vmem>>, vector<16xf32>,
      %add3A_306 = arith.addf %add3A_302, %get3A_275 : vector<16xf32>
      %swap3A_307 = tpu.memref_slice %arg6[%mul3A_153] : memref<32832xf32, #tpu.memory_space<vmem>> -> memref<4104xf32, #tpu.memory_space<vmem>>
      %swap3A_308 = arith.constant 224 : index
      %swap3A_309 = tpu.vector_load %swap3A_307[%swap3A_308] {strides = array<i32>} : memref<4104xf32, #tpu.memory_space<vmem>>, vector<16xf32>,
      tpu.vector_store %swap3A_307[%swap3A_308], %get3A_275 {strides = array<i32>} : memref<4104xf32, #tpu.memory_space<vmem>>, vector<16xf32>,
      %add3A_310 = arith.addf %add3A_306, %get3A_281 : vector<16xf32>
      %swap3A_311 = tpu.memref_slice %arg6[%mul3A_153] : memref<32832xf32, #tpu.memory_space<vmem>> -> memref<4104xf32, #tpu.memory_space<vmem>>
      %swap3A_312 = arith.constant 240 : index
      %swap3A_313 = tpu.vector_load %swap3A_311[%swap3A_312] {strides = array<i32>} : memref<4104xf32, #tpu.memory_space<vmem>>, vector<16xf32>,
      tpu.vector_store %swap3A_311[%swap3A_312], %get3A_281 {strides = array<i32>} : memref<4104xf32, #tpu.memory_space<vmem>>, vector<16xf32>,
      %get3A_314 = arith.constant 0 : i32
      %get3A_315 = arith.constant 0 : i32
      %get3A_316 = tpu.memref_slice %arg5[%mul3A_151, %get3A_315] : memref<64x512xf32, #tpu.memory_space<vmem>> -> memref<8x512xf32, #tpu.memory_space<vmem>>
      %get3A_317 = arith.index_cast %get3A_314 : i32 to index
      %get3A_318 = arith.constant 256 : index
      %get3A_319 = tpu.vector_load %get3A_316[%get3A_317, %get3A_318] {strides = array<i32>} : memref<8x512xf32, #tpu.memory_space<vmem>>, vector<16xf32>,
      %get3A_320 = arith.constant 0 : i32
      %get3A_321 = arith.constant 0 : i32
      %get3A_322 = tpu.memref_slice %arg5[%mul3A_151, %get3A_321] : memref<64x512xf32, #tpu.memory_space<vmem>> -> memref<8x512xf32, #tpu.memory_space<vmem>>
      %get3A_323 = arith.index_cast %get3A_320 : i32 to index
      %get3A_324 = arith.constant 272 : index
      %get3A_325 = tpu.vector_load %get3A_322[%get3A_323, %get3A_324] {strides = array<i32>} : memref<8x512xf32, #tpu.memory_space<vmem>>, vector<16xf32>,
      %get3A_326 = arith.constant 0 : i32
      %get3A_327 = arith.constant 0 : i32
      %get3A_328 = tpu.memref_slice %arg5[%mul3A_151, %get3A_327] : memref<64x512xf32, #tpu.memory_space<vmem>> -> memref<8x512xf32, #tpu.memory_space<vmem>>
      %get3A_329 = arith.index_cast %get3A_326 : i32 to index
      %get3A_330 = arith.constant 288 : index
      %get3A_331 = tpu.vector_load %get3A_328[%get3A_329, %get3A_330] {strides = array<i32>} : memref<8x512xf32, #tpu.memory_space<vmem>>, vector<16xf32>,
      %get3A_332 = arith.constant 0 : i32
      %get3A_333 = arith.constant 0 : i32
      %get3A_334 = tpu.memref_slice %arg5[%mul3A_151, %get3A_333] : memref<64x512xf32, #tpu.memory_space<vmem>> -> memref<8x512xf32, #tpu.memory_space<vmem>>
      %get3A_335 = arith.index_cast %get3A_332 : i32 to index
      %get3A_336 = arith.constant 304 : index
      %get3A_337 = tpu.vector_load %get3A_334[%get3A_335, %get3A_336] {strides = array<i32>} : memref<8x512xf32, #tpu.memory_space<vmem>>, vector<16xf32>,
      %get3A_338 = arith.constant 0 : i32
      %get3A_339 = arith.constant 0 : i32
      %get3A_340 = tpu.memref_slice %arg5[%mul3A_151, %get3A_339] : memref<64x512xf32, #tpu.memory_space<vmem>> -> memref<8x512xf32, #tpu.memory_space<vmem>>
      %get3A_341 = arith.index_cast %get3A_338 : i32 to index
      %get3A_342 = arith.constant 320 : index
      %get3A_343 = tpu.vector_load %get3A_340[%get3A_341, %get3A_342] {strides = array<i32>} : memref<8x512xf32, #tpu.memory_space<vmem>>, vector<16xf32>,
      %get3A_344 = arith.constant 0 : i32
      %get3A_345 = arith.constant 0 : i32
      %get3A_346 = tpu.memref_slice %arg5[%mul3A_151, %get3A_345] : memref<64x512xf32, #tpu.memory_space<vmem>> -> memref<8x512xf32, #tpu.memory_space<vmem>>
      %get3A_347 = arith.index_cast %get3A_344 : i32 to index
      %get3A_348 = arith.constant 336 : index
      %get3A_349 = tpu.vector_load %get3A_346[%get3A_347, %get3A_348] {strides = array<i32>} : memref<8x512xf32, #tpu.memory_space<vmem>>, vector<16xf32>,
      %get3A_350 = arith.constant 0 : i32
      %get3A_351 = arith.constant 0 : i32
      %get3A_352 = tpu.memref_slice %arg5[%mul3A_151, %get3A_351] : memref<64x512xf32, #tpu.memory_space<vmem>> -> memref<8x512xf32, #tpu.memory_space<vmem>>
      %get3A_353 = arith.index_cast %get3A_350 : i32 to index
      %get3A_354 = arith.constant 352 : index
      %get3A_355 = tpu.vector_load %get3A_352[%get3A_353, %get3A_354] {strides = array<i32>} : memref<8x512xf32, #tpu.memory_space<vmem>>, vector<16xf32>,
      %get3A_356 = arith.constant 0 : i32
      %get3A_357 = arith.constant 0 : i32
      %get3A_358 = tpu.memref_slice %arg5[%mul3A_151, %get3A_357] : memref<64x512xf32, #tpu.memory_space<vmem>> -> memref<8x512xf32, #tpu.memory_space<vmem>>
      %get3A_359 = arith.index_cast %get3A_356 : i32 to index
      %get3A_360 = arith.constant 368 : index
      %get3A_361 = tpu.vector_load %get3A_358[%get3A_359, %get3A_360] {strides = array<i32>} : memref<8x512xf32, #tpu.memory_space<vmem>>, vector<16xf32>,
      %add3A_362 = arith.addf %add3A_310, %get3A_319 : vector<16xf32>
      %swap3A_363 = tpu.memref_slice %arg6[%mul3A_153] : memref<32832xf32, #tpu.memory_space<vmem>> -> memref<4104xf32, #tpu.memory_space<vmem>>
      %swap3A_364 = arith.constant 256 : index
      %swap3A_365 = tpu.vector_load %swap3A_363[%swap3A_364] {strides = array<i32>} : memref<4104xf32, #tpu.memory_space<vmem>>, vector<16xf32>,
      tpu.vector_store %swap3A_363[%swap3A_364], %get3A_319 {strides = array<i32>} : memref<4104xf32, #tpu.memory_space<vmem>>, vector<16xf32>,
      %add3A_366 = arith.addf %add3A_362, %get3A_325 : vector<16xf32>
      %swap3A_367 = tpu.memref_slice %arg6[%mul3A_153] : memref<32832xf32, #tpu.memory_space<vmem>> -> memref<4104xf32, #tpu.memory_space<vmem>>
      %swap3A_368 = arith.constant 272 : index
      %swap3A_369 = tpu.vector_load %swap3A_367[%swap3A_368] {strides = array<i32>} : memref<4104xf32, #tpu.memory_space<vmem>>, vector<16xf32>,
      tpu.vector_store %swap3A_367[%swap3A_368], %get3A_325 {strides = array<i32>} : memref<4104xf32, #tpu.memory_space<vmem>>, vector<16xf32>,
      %add3A_370 = arith.addf %add3A_366, %get3A_331 : vector<16xf32>
      %swap3A_371 = tpu.memref_slice %arg6[%mul3A_153] : memref<32832xf32, #tpu.memory_space<vmem>> -> memref<4104xf32, #tpu.memory_space<vmem>>
      %swap3A_372 = arith.constant 288 : index
      %swap3A_373 = tpu.vector_load %swap3A_371[%swap3A_372] {strides = array<i32>} : memref<4104xf32, #tpu.memory_space<vmem>>, vector<16xf32>,
      tpu.vector_store %swap3A_371[%swap3A_372], %get3A_331 {strides = array<i32>} : memref<4104xf32, #tpu.memory_space<vmem>>, vector<16xf32>,
      %add3A_374 = arith.addf %add3A_370, %get3A_337 : vector<16xf32>
      %swap3A_375 = tpu.memref_slice %arg6[%mul3A_153] : memref<32832xf32, #tpu.memory_space<vmem>> -> memref<4104xf32, #tpu.memory_space<vmem>>
      %swap3A_376 = arith.constant 304 : index
      %swap3A_377 = tpu.vector_load %swap3A_375[%swap3A_376] {strides = array<i32>} : memref<4104xf32, #tpu.memory_space<vmem>>, vector<16xf32>,
      tpu.vector_store %swap3A_375[%swap3A_376], %get3A_337 {strides = array<i32>} : memref<4104xf32, #tpu.memory_space<vmem>>, vector<16xf32>,
      %add3A_378 = arith.addf %add3A_374, %get3A_343 : vector<16xf32>
      %swap3A_379 = tpu.memref_slice %arg6[%mul3A_153] : memref<32832xf32, #tpu.memory_space<vmem>> -> memref<4104xf32, #tpu.memory_space<vmem>>
      %swap3A_380 = arith.constant 320 : index
      %swap3A_381 = tpu.vector_load %swap3A_379[%swap3A_380] {strides = array<i32>} : memref<4104xf32, #tpu.memory_space<vmem>>, vector<16xf32>,
      tpu.vector_store %swap3A_379[%swap3A_380], %get3A_343 {strides = array<i32>} : memref<4104xf32, #tpu.memory_space<vmem>>, vector<16xf32>,
      %add3A_382 = arith.addf %add3A_378, %get3A_349 : vector<16xf32>
      %swap3A_383 = tpu.memref_slice %arg6[%mul3A_153] : memref<32832xf32, #tpu.memory_space<vmem>> -> memref<4104xf32, #tpu.memory_space<vmem>>
      %swap3A_384 = arith.constant 336 : index
      %swap3A_385 = tpu.vector_load %swap3A_383[%swap3A_384] {strides = array<i32>} : memref<4104xf32, #tpu.memory_space<vmem>>, vector<16xf32>,
      tpu.vector_store %swap3A_383[%swap3A_384], %get3A_349 {strides = array<i32>} : memref<4104xf32, #tpu.memory_space<vmem>>, vector<16xf32>,
      %add3A_386 = arith.addf %add3A_382, %get3A_355 : vector<16xf32>
      %swap3A_387 = tpu.memref_slice %arg6[%mul3A_153] : memref<32832xf32, #tpu.memory_space<vmem>> -> memref<4104xf32, #tpu.memory_space<vmem>>
      %swap3A_388 = arith.constant 352 : index
      %swap3A_389 = tpu.vector_load %swap3A_387[%swap3A_388] {strides = array<i32>} : memref<4104xf32, #tpu.memory_space<vmem>>, vector<16xf32>,
      tpu.vector_store %swap3A_387[%swap3A_388], %get3A_355 {strides = array<i32>} : memref<4104xf32, #tpu.memory_space<vmem>>, vector<16xf32>,
      %add3A_390 = arith.addf %add3A_386, %get3A_361 : vector<16xf32>
      %swap3A_391 = tpu.memref_slice %arg6[%mul3A_153] : memref<32832xf32, #tpu.memory_space<vmem>> -> memref<4104xf32, #tpu.memory_space<vmem>>
      %swap3A_392 = arith.constant 368 : index
      %swap3A_393 = tpu.vector_load %swap3A_391[%swap3A_392] {strides = array<i32>} : memref<4104xf32, #tpu.memory_space<vmem>>, vector<16xf32>,
      tpu.vector_store %swap3A_391[%swap3A_392], %get3A_361 {strides = array<i32>} : memref<4104xf32, #tpu.memory_space<vmem>>, vector<16xf32>,
      %get3A_394 = arith.constant 0 : i32
      %get3A_395 = arith.constant 0 : i32
      %get3A_396 = tpu.memref_slice %arg5[%mul3A_151, %get3A_395] : memref<64x512xf32, #tpu.memory_space<vmem>> -> memref<8x512xf32, #tpu.memory_space<vmem>>
      %get3A_397 = arith.index_cast %get3A_394 : i32 to index
      %get3A_398 = arith.constant 384 : index
      %get3A_399 = tpu.vector_load %get3A_396[%get3A_397, %get3A_398] {strides = array<i32>} : memref<8x512xf32, #tpu.memory_space<vmem>>, vector<16xf32>,
      %get3A_400 = arith.constant 0 : i32
      %get3A_401 = arith.constant 0 : i32
      %get3A_402 = tpu.memref_slice %arg5[%mul3A_151, %get3A_401] : memref<64x512xf32, #tpu.memory_space<vmem>> -> memref<8x512xf32, #tpu.memory_space<vmem>>
      %get3A_403 = arith.index_cast %get3A_400 : i32 to index
      %get3A_404 = arith.constant 400 : index
      %get3A_405 = tpu.vector_load %get3A_402[%get3A_403, %get3A_404] {strides = array<i32>} : memref<8x512xf32, #tpu.memory_space<vmem>>, vector<16xf32>,
      %get3A_406 = arith.constant 0 : i32
      %get3A_407 = arith.constant 0 : i32
      %get3A_408 = tpu.memref_slice %arg5[%mul3A_151, %get3A_407] : memref<64x512xf32, #tpu.memory_space<vmem>> -> memref<8x512xf32, #tpu.memory_space<vmem>>
      %get3A_409 = arith.index_cast %get3A_406 : i32 to index
      %get3A_410 = arith.constant 416 : index
      %get3A_411 = tpu.vector_load %get3A_408[%get3A_409, %get3A_410] {strides = array<i32>} : memref<8x512xf32, #tpu.memory_space<vmem>>, vector<16xf32>,
      %get3A_412 = arith.constant 0 : i32
      %get3A_413 = arith.constant 0 : i32
      %get3A_414 = tpu.memref_slice %arg5[%mul3A_151, %get3A_413] : memref<64x512xf32, #tpu.memory_space<vmem>> -> memref<8x512xf32, #tpu.memory_space<vmem>>
      %get3A_415 = arith.index_cast %get3A_412 : i32 to index
      %get3A_416 = arith.constant 432 : index
      %get3A_417 = tpu.vector_load %get3A_414[%get3A_415, %get3A_416] {strides = array<i32>} : memref<8x512xf32, #tpu.memory_space<vmem>>, vector<16xf32>,
      %get3A_418 = arith.constant 0 : i32
      %get3A_419 = arith.constant 0 : i32
      %get3A_420 = tpu.memref_slice %arg5[%mul3A_151, %get3A_419] : memref<64x512xf32, #tpu.memory_space<vmem>> -> memref<8x512xf32, #tpu.memory_space<vmem>>
      %get3A_421 = arith.index_cast %get3A_418 : i32 to index
      %get3A_422 = arith.constant 448 : index
      %get3A_423 = tpu.vector_load %get3A_420[%get3A_421, %get3A_422] {strides = array<i32>} : memref<8x512xf32, #tpu.memory_space<vmem>>, vector<16xf32>,
      %get3A_424 = arith.constant 0 : i32
      %get3A_425 = arith.constant 0 : i32
      %get3A_426 = tpu.memref_slice %arg5[%mul3A_151, %get3A_425] : memref<64x512xf32, #tpu.memory_space<vmem>> -> memref<8x512xf32, #tpu.memory_space<vmem>>
      %get3A_427 = arith.index_cast %get3A_424 : i32 to index
      %get3A_428 = arith.constant 464 : index
      %get3A_429 = tpu.vector_load %get3A_426[%get3A_427, %get3A_428] {strides = array<i32>} : memref<8x512xf32, #tpu.memory_space<vmem>>, vector<16xf32>,
      %get3A_430 = arith.constant 0 : i32
      %get3A_431 = arith.constant 0 : i32
      %get3A_432 = tpu.memref_slice %arg5[%mul3A_151, %get3A_431] : memref<64x512xf32, #tpu.memory_space<vmem>> -> memref<8x512xf32, #tpu.memory_space<vmem>>
      %get3A_433 = arith.index_cast %get3A_430 : i32 to index
      %get3A_434 = arith.constant 480 : index
      %get3A_435 = tpu.vector_load %get3A_432[%get3A_433, %get3A_434] {strides = array<i32>} : memref<8x512xf32, #tpu.memory_space<vmem>>, vector<16xf32>,
      %get3A_436 = arith.constant 0 : i32
      %get3A_437 = arith.constant 0 : i32
      %get3A_438 = tpu.memref_slice %arg5[%mul3A_151, %get3A_437] : memref<64x512xf32, #tpu.memory_space<vmem>> -> memref<8x512xf32, #tpu.memory_space<vmem>>
      %get3A_439 = arith.index_cast %get3A_436 : i32 to index
      %get3A_440 = arith.constant 496 : index
      %get3A_441 = tpu.vector_load %get3A_438[%get3A_439, %get3A_440] {strides = array<i32>} : memref<8x512xf32, #tpu.memory_space<vmem>>, vector<16xf32>,
      %add3A_442 = arith.addf %add3A_390, %get3A_399 : vector<16xf32>
      %swap3A_443 = tpu.memref_slice %arg6[%mul3A_153] : memref<32832xf32, #tpu.memory_space<vmem>> -> memref<4104xf32, #tpu.memory_space<vmem>>
      %swap3A_444 = arith.constant 384 : index
      %swap3A_445 = tpu.vector_load %swap3A_443[%swap3A_444] {strides = array<i32>} : memref<4104xf32, #tpu.memory_space<vmem>>, vector<16xf32>,
      tpu.vector_store %swap3A_443[%swap3A_444], %get3A_399 {strides = array<i32>} : memref<4104xf32, #tpu.memory_space<vmem>>, vector<16xf32>,
      %add3A_446 = arith.addf %add3A_442, %get3A_405 : vector<16xf32>
      %swap3A_447 = tpu.memref_slice %arg6[%mul3A_153] : memref<32832xf32, #tpu.memory_space<vmem>> -> memref<4104xf32, #tpu.memory_space<vmem>>
      %swap3A_448 = arith.constant 400 : index
      %swap3A_449 = tpu.vector_load %swap3A_447[%swap3A_448] {strides = array<i32>} : memref<4104xf32, #tpu.memory_space<vmem>>, vector<16xf32>,
      tpu.vector_store %swap3A_447[%swap3A_448], %get3A_405 {strides = array<i32>} : memref<4104xf32, #tpu.memory_space<vmem>>, vector<16xf32>,
      %add3A_450 = arith.addf %add3A_446, %get3A_411 : vector<16xf32>
      %swap3A_451 = tpu.memref_slice %arg6[%mul3A_153] : memref<32832xf32, #tpu.memory_space<vmem>> -> memref<4104xf32, #tpu.memory_space<vmem>>
      %swap3A_452 = arith.constant 416 : index
      %swap3A_453 = tpu.vector_load %swap3A_451[%swap3A_452] {strides = array<i32>} : memref<4104xf32, #tpu.memory_space<vmem>>, vector<16xf32>,
      tpu.vector_store %swap3A_451[%swap3A_452], %get3A_411 {strides = array<i32>} : memref<4104xf32, #tpu.memory_space<vmem>>, vector<16xf32>,
      %add3A_454 = arith.addf %add3A_450, %get3A_417 : vector<16xf32>
      %swap3A_455 = tpu.memref_slice %arg6[%mul3A_153] : memref<32832xf32, #tpu.memory_space<vmem>> -> memref<4104xf32, #tpu.memory_space<vmem>>
      %swap3A_456 = arith.constant 432 : index
      %swap3A_457 = tpu.vector_load %swap3A_455[%swap3A_456] {strides = array<i32>} : memref<4104xf32, #tpu.memory_space<vmem>>, vector<16xf32>,
      tpu.vector_store %swap3A_455[%swap3A_456], %get3A_417 {strides = array<i32>} : memref<4104xf32, #tpu.memory_space<vmem>>, vector<16xf32>,
      %add3A_458 = arith.addf %add3A_454, %get3A_423 : vector<16xf32>
      %swap3A_459 = tpu.memref_slice %arg6[%mul3A_153] : memref<32832xf32, #tpu.memory_space<vmem>> -> memref<4104xf32, #tpu.memory_space<vmem>>
      %swap3A_460 = arith.constant 448 : index
      %swap3A_461 = tpu.vector_load %swap3A_459[%swap3A_460] {strides = array<i32>} : memref<4104xf32, #tpu.memory_space<vmem>>, vector<16xf32>,
      tpu.vector_store %swap3A_459[%swap3A_460], %get3A_423 {strides = array<i32>} : memref<4104xf32, #tpu.memory_space<vmem>>, vector<16xf32>,
      %add3A_462 = arith.addf %add3A_458, %get3A_429 : vector<16xf32>
      %swap3A_463 = tpu.memref_slice %arg6[%mul3A_153] : memref<32832xf32, #tpu.memory_space<vmem>> -> memref<4104xf32, #tpu.memory_space<vmem>>
      %swap3A_464 = arith.constant 464 : index
      %swap3A_465 = tpu.vector_load %swap3A_463[%swap3A_464] {strides = array<i32>} : memref<4104xf32, #tpu.memory_space<vmem>>, vector<16xf32>,
      tpu.vector_store %swap3A_463[%swap3A_464], %get3A_429 {strides = array<i32>} : memref<4104xf32, #tpu.memory_space<vmem>>, vector<16xf32>,
      %add3A_466 = arith.addf %add3A_462, %get3A_435 : vector<16xf32>
      %swap3A_467 = tpu.memref_slice %arg6[%mul3A_153] : memref<32832xf32, #tpu.memory_space<vmem>> -> memref<4104xf32, #tpu.memory_space<vmem>>
      %swap3A_468 = arith.constant 480 : index
      %swap3A_469 = tpu.vector_load %swap3A_467[%swap3A_468] {strides = array<i32>} : memref<4104xf32, #tpu.memory_space<vmem>>, vector<16xf32>,
      tpu.vector_store %swap3A_467[%swap3A_468], %get3A_435 {strides = array<i32>} : memref<4104xf32, #tpu.memory_space<vmem>>, vector<16xf32>,
      %add3A_470 = arith.addf %add3A_466, %get3A_441 : vector<16xf32>
      %swap3A_471 = tpu.memref_slice %arg6[%mul3A_153] : memref<32832xf32, #tpu.memory_space<vmem>> -> memref<4104xf32, #tpu.memory_space<vmem>>
      %swap3A_472 = arith.constant 496 : index
      %swap3A_473 = tpu.vector_load %swap3A_471[%swap3A_472] {strides = array<i32>} : memref<4104xf32, #tpu.memory_space<vmem>>, vector<16xf32>,
      tpu.vector_store %swap3A_471[%swap3A_472], %get3A_441 {strides = array<i32>} : memref<4104xf32, #tpu.memory_space<vmem>>, vector<16xf32>,
      %swap3A_474 = arith.constant 0 : i32
      %swap3A_475 = arith.constant 0 : i32
      %swap3A_476 = tpu.memref_slice %arg8[%mul3A_155, %swap3A_475] : memref<64x16xf32, #tpu.memory_space<vmem>> -> memref<8x16xf32, #tpu.memory_space<vmem>>
      %swap3A_477 = arith.index_cast %swap3A_474 : i32 to index
      %swap3A_478 = arith.constant 0 : index
      %swap3A_479 = tpu.vector_load %swap3A_476[%swap3A_477, %swap3A_478] {strides = array<i32>} : memref<8x16xf32, #tpu.memory_space<vmem>>, vector<16xf32>,
      tpu.vector_store %swap3A_476[%swap3A_477, %swap3A_478], %add3A_470 {strides = array<i32>} : memref<8x16xf32, #tpu.memory_space<vmem>>, vector<16xf32>,
      %get3A_480 = arith.constant 1 : i32
      %get3A_481 = arith.constant 0 : i32
      %get3A_482 = tpu.memref_slice %arg5[%mul3A_151, %get3A_481] : memref<64x512xf32, #tpu.memory_space<vmem>> -> memref<8x512xf32, #tpu.memory_space<vmem>>
      %get3A_483 = arith.index_cast %get3A_480 : i32 to index
      %get3A_484 = arith.constant 0 : index
      %get3A_485 = tpu.vector_load %get3A_482[%get3A_483, %get3A_484] {strides = array<i32>} : memref<8x512xf32, #tpu.memory_space<vmem>>, vector<16xf32>,
      %get3A_486 = arith.constant 1 : i32
      %get3A_487 = arith.constant 0 : i32
      %get3A_488 = tpu.memref_slice %arg5[%mul3A_151, %get3A_487] : memref<64x512xf32, #tpu.memory_space<vmem>> -> memref<8x512xf32, #tpu.memory_space<vmem>>
      %get3A_489 = arith.index_cast %get3A_486 : i32 to index
      %get3A_490 = arith.constant 16 : index
      %get3A_491 = tpu.vector_load %get3A_488[%get3A_489, %get3A_490] {strides = array<i32>} : memref<8x512xf32, #tpu.memory_space<vmem>>, vector<16xf32>,
      %get3A_492 = arith.constant 1 : i32
      %get3A_493 = arith.constant 0 : i32
      %get3A_494 = tpu.memref_slice %arg5[%mul3A_151, %get3A_493] : memref<64x512xf32, #tpu.memory_space<vmem>> -> memref<8x512xf32, #tpu.memory_space<vmem>>
      %get3A_495 = arith.index_cast %get3A_492 : i32 to index
      %get3A_496 = arith.constant 32 : index
      %get3A_497 = tpu.vector_load %get3A_494[%get3A_495, %get3A_496] {strides = array<i32>} : memref<8x512xf32, #tpu.memory_space<vmem>>, vector<16xf32>,
      %get3A_498 = arith.constant 1 : i32
      %get3A_499 = arith.constant 0 : i32
      %get3A_500 = tpu.memref_slice %arg5[%mul3A_151, %get3A_499] : memref<64x512xf32, #tpu.memory_space<vmem>> -> memref<8x512xf32, #tpu.memory_space<vmem>>
      %get3A_501 = arith.index_cast %get3A_498 : i32 to index
      %get3A_502 = arith.constant 48 : index
      %get3A_503 = tpu.vector_load %get3A_500[%get3A_501, %get3A_502] {strides = array<i32>} : memref<8x512xf32, #tpu.memory_space<vmem>>, vector<16xf32>,
      %get3A_504 = arith.constant 1 : i32
      %get3A_505 = arith.constant 0 : i32
      %get3A_506 = tpu.memref_slice %arg5[%mul3A_151, %get3A_505] : memref<64x512xf32, #tpu.memory_space<vmem>> -> memref<8x512xf32, #tpu.memory_space<vmem>>
      %get3A_507 = arith.index_cast %get3A_504 : i32 to index
      %get3A_508 = arith.constant 64 : index
      %get3A_509 = tpu.vector_load %get3A_506[%get3A_507, %get3A_508] {strides = array<i32>} : memref<8x512xf32, #tpu.memory_space<vmem>>, vector<16xf32>,
      %get3A_510 = arith.constant 1 : i32
      %get3A_511 = arith.constant 0 : i32
      %get3A_512 = tpu.memref_slice %arg5[%mul3A_151, %get3A_511] : memref<64x512xf32, #tpu.memory_space<vmem>> -> memref<8x512xf32, #tpu.memory_space<vmem>>
      %get3A_513 = arith.index_cast %get3A_510 : i32 to index
      %get3A_514 = arith.constant 80 : index
      %get3A_515 = tpu.vector_load %get3A_512[%get3A_513, %get3A_514] {strides = array<i32>} : memref<8x512xf32, #tpu.memory_space<vmem>>, vector<16xf32>,
      %get3A_516 = arith.constant 1 : i32
      %get3A_517 = arith.constant 0 : i32
      %get3A_518 = tpu.memref_slice %arg5[%mul3A_151, %get3A_517] : memref<64x512xf32, #tpu.memory_space<vmem>> -> memref<8x512xf32, #tpu.memory_space<vmem>>
      %get3A_519 = arith.index_cast %get3A_516 : i32 to index
      %get3A_520 = arith.constant 96 : index
      %get3A_521 = tpu.vector_load %get3A_518[%get3A_519, %get3A_520] {strides = array<i32>} : memref<8x512xf32, #tpu.memory_space<vmem>>, vector<16xf32>,
      %get3A_522 = arith.constant 1 : i32
      %get3A_523 = arith.constant 0 : i32
      %get3A_524 = tpu.memref_slice %arg5[%mul3A_151, %get3A_523] : memref<64x512xf32, #tpu.memory_space<vmem>> -> memref<8x512xf32, #tpu.memory_space<vmem>>
      %get3A_525 = arith.index_cast %get3A_522 : i32 to index
      %get3A_526 = arith.constant 112 : index
      %get3A_527 = tpu.vector_load %get3A_524[%get3A_525, %get3A_526] {strides = array<i32>} : memref<8x512xf32, #tpu.memory_space<vmem>>, vector<16xf32>,
      %swap3A_528 = tpu.memref_slice %arg6[%mul3A_153] : memref<32832xf32, #tpu.memory_space<vmem>> -> memref<4104xf32, #tpu.memory_space<vmem>>
      %swap3A_529 = arith.constant 513 : index
      %swap3A_530 = tpu.vector_load %swap3A_528[%swap3A_529] {strides = array<i32>} : memref<4104xf32, #tpu.memory_space<vmem>>, vector<16xf32>,
      tpu.vector_store %swap3A_528[%swap3A_529], %get3A_485 {strides = array<i32>} : memref<4104xf32, #tpu.memory_space<vmem>>, vector<16xf32>,
      %add3A_531 = arith.addf %get3A_485, %get3A_491 : vector<16xf32>
      %swap3A_532 = tpu.memref_slice %arg6[%mul3A_153] : memref<32832xf32, #tpu.memory_space<vmem>> -> memref<4104xf32, #tpu.memory_space<vmem>>
      %swap3A_533 = arith.constant 529 : index
      %swap3A_534 = tpu.vector_load %swap3A_532[%swap3A_533] {strides = array<i32>} : memref<4104xf32, #tpu.memory_space<vmem>>, vector<16xf32>,
      tpu.vector_store %swap3A_532[%swap3A_533], %get3A_491 {strides = array<i32>} : memref<4104xf32, #tpu.memory_space<vmem>>, vector<16xf32>,
      %add3A_535 = arith.addf %add3A_531, %get3A_497 : vector<16xf32>
      %swap3A_536 = tpu.memref_slice %arg6[%mul3A_153] : memref<32832xf32, #tpu.memory_space<vmem>> -> memref<4104xf32, #tpu.memory_space<vmem>>
      %swap3A_537 = arith.constant 545 : index
      %swap3A_538 = tpu.vector_load %swap3A_536[%swap3A_537] {strides = array<i32>} : memref<4104xf32, #tpu.memory_space<vmem>>, vector<16xf32>,
      tpu.vector_store %swap3A_536[%swap3A_537], %get3A_497 {strides = array<i32>} : memref<4104xf32, #tpu.memory_space<vmem>>, vector<16xf32>,
      %add3A_539 = arith.addf %add3A_535, %get3A_503 : vector<16xf32>
      %swap3A_540 = tpu.memref_slice %arg6[%mul3A_153] : memref<32832xf32, #tpu.memory_space<vmem>> -> memref<4104xf32, #tpu.memory_space<vmem>>
      %swap3A_541 = arith.constant 561 : index
      %swap3A_542 = tpu.vector_load %swap3A_540[%swap3A_541] {strides = array<i32>} : memref<4104xf32, #tpu.memory_space<vmem>>, vector<16xf32>,
      tpu.vector_store %swap3A_540[%swap3A_541], %get3A_503 {strides = array<i32>} : memref<4104xf32, #tpu.memory_space<vmem>>, vector<16xf32>,
      %add3A_543 = arith.addf %add3A_539, %get3A_509 : vector<16xf32>
      %swap3A_544 = tpu.memref_slice %arg6[%mul3A_153] : memref<32832xf32, #tpu.memory_space<vmem>> -> memref<4104xf32, #tpu.memory_space<vmem>>
      %swap3A_545 = arith.constant 577 : index
      %swap3A_546 = tpu.vector_load %swap3A_544[%swap3A_545] {strides = array<i32>} : memref<4104xf32, #tpu.memory_space<vmem>>, vector<16xf32>,
      tpu.vector_store %swap3A_544[%swap3A_545], %get3A_509 {strides = array<i32>} : memref<4104xf32, #tpu.memory_space<vmem>>, vector<16xf32>,
      %add3A_547 = arith.addf %add3A_543, %get3A_515 : vector<16xf32>
      %swap3A_548 = tpu.memref_slice %arg6[%mul3A_153] : memref<32832xf32, #tpu.memory_space<vmem>> -> memref<4104xf32, #tpu.memory_space<vmem>>
      %swap3A_549 = arith.constant 593 : index
      %swap3A_550 = tpu.vector_load %swap3A_548[%swap3A_549] {strides = array<i32>} : memref<4104xf32, #tpu.memory_space<vmem>>, vector<16xf32>,
      tpu.vector_store %swap3A_548[%swap3A_549], %get3A_515 {strides = array<i32>} : memref<4104xf32, #tpu.memory_space<vmem>>, vector<16xf32>,
      %add3A_551 = arith.addf %add3A_547, %get3A_521 : vector<16xf32>
      %swap3A_552 = tpu.memref_slice %arg6[%mul3A_153] : memref<32832xf32, #tpu.memory_space<vmem>> -> memref<4104xf32, #tpu.memory_space<vmem>>
      %swap3A_553 = arith.constant 609 : index
      %swap3A_554 = tpu.vector_load %swap3A_552[%swap3A_553] {strides = array<i32>} : memref<4104xf32, #tpu.memory_space<vmem>>, vector<16xf32>,
      tpu.vector_store %swap3A_552[%swap3A_553], %get3A_521 {strides = array<i32>} : memref<4104xf32, #tpu.memory_space<vmem>>, vector<16xf32>,
      %add3A_555 = arith.addf %add3A_551, %get3A_527 : vector<16xf32>
      %swap3A_556 = tpu.memref_slice %arg6[%mul3A_153] : memref<32832xf32, #tpu.memory_space<vmem>> -> memref<4104xf32, #tpu.memory_space<vmem>>
      %swap3A_557 = arith.constant 625 : index
      %swap3A_558 = tpu.vector_load %swap3A_556[%swap3A_557] {strides = array<i32>} : memref<4104xf32, #tpu.memory_space<vmem>>, vector<16xf32>,
      tpu.vector_store %swap3A_556[%swap3A_557], %get3A_527 {strides = array<i32>} : memref<4104xf32, #tpu.memory_space<vmem>>, vector<16xf32>,
      %get3A_559 = arith.constant 1 : i32
      %get3A_560 = arith.constant 0 : i32
      %get3A_561 = tpu.memref_slice %arg5[%mul3A_151, %get3A_560] : memref<64x512xf32, #tpu.memory_space<vmem>> -> memref<8x512xf32, #tpu.memory_space<vmem>>
      %get3A_562 = arith.index_cast %get3A_559 : i32 to index
      %get3A_563 = arith.constant 128 : index
      %get3A_564 = tpu.vector_load %get3A_561[%get3A_562, %get3A_563] {strides = array<i32>} : memref<8x512xf32, #tpu.memory_space<vmem>>, vector<16xf32>,
      %get3A_565 = arith.constant 1 : i32
      %get3A_566 = arith.constant 0 : i32
      %get3A_567 = tpu.memref_slice %arg5[%mul3A_151, %get3A_566] : memref<64x512xf32, #tpu.memory_space<vmem>> -> memref<8x512xf32, #tpu.memory_space<vmem>>
      %get3A_568 = arith.index_cast %get3A_565 : i32 to index
      %get3A_569 = arith.constant 144 : index
      %get3A_570 = tpu.vector_load %get3A_567[%get3A_568, %get3A_569] {strides = array<i32>} : memref<8x512xf32, #tpu.memory_space<vmem>>, vector<16xf32>,
      %get3A_571 = arith.constant 1 : i32
      %get3A_572 = arith.constant 0 : i32
      %get3A_573 = tpu.memref_slice %arg5[%mul3A_151, %get3A_572] : memref<64x512xf32, #tpu.memory_space<vmem>> -> memref<8x512xf32, #tpu.memory_space<vmem>>
      %get3A_574 = arith.index_cast %get3A_571 : i32 to index
      %get3A_575 = arith.constant 160 : index
      %get3A_576 = tpu.vector_load %get3A_573[%get3A_574, %get3A_575] {strides = array<i32>} : memref<8x512xf32, #tpu.memory_space<vmem>>, vector<16xf32>,
      %get3A_577 = arith.constant 1 : i32
      %get3A_578 = arith.constant 0 : i32
      %get3A_579 = tpu.memref_slice %arg5[%mul3A_151, %get3A_578] : memref<64x512xf32, #tpu.memory_space<vmem>> -> memref<8x512xf32, #tpu.memory_space<vmem>>
      %get3A_580 = arith.index_cast %get3A_577 : i32 to index
      %get3A_581 = arith.constant 176 : index
      %get3A_582 = tpu.vector_load %get3A_579[%get3A_580, %get3A_581] {strides = array<i32>} : memref<8x512xf32, #tpu.memory_space<vmem>>, vector<16xf32>,
      %get3A_583 = arith.constant 1 : i32
      %get3A_584 = arith.constant 0 : i32
      %get3A_585 = tpu.memref_slice %arg5[%mul3A_151, %get3A_584] : memref<64x512xf32, #tpu.memory_space<vmem>> -> memref<8x512xf32, #tpu.memory_space<vmem>>
      %get3A_586 = arith.index_cast %get3A_583 : i32 to index
      %get3A_587 = arith.constant 192 : index
      %get3A_588 = tpu.vector_load %get3A_585[%get3A_586, %get3A_587] {strides = array<i32>} : memref<8x512xf32, #tpu.memory_space<vmem>>, vector<16xf32>,
      %get3A_589 = arith.constant 1 : i32
      %get3A_590 = arith.constant 0 : i32
      %get3A_591 = tpu.memref_slice %arg5[%mul3A_151, %get3A_590] : memref<64x512xf32, #tpu.memory_space<vmem>> -> memref<8x512xf32, #tpu.memory_space<vmem>>
      %get3A_592 = arith.index_cast %get3A_589 : i32 to index
      %get3A_593 = arith.constant 208 : index
      %get3A_594 = tpu.vector_load %get3A_591[%get3A_592, %get3A_593] {strides = array<i32>} : memref<8x512xf32, #tpu.memory_space<vmem>>, vector<16xf32>,
      %get3A_595 = arith.constant 1 : i32
      %get3A_596 = arith.constant 0 : i32
      %get3A_597 = tpu.memref_slice %arg5[%mul3A_151, %get3A_596] : memref<64x512xf32, #tpu.memory_space<vmem>> -> memref<8x512xf32, #tpu.memory_space<vmem>>
      %get3A_598 = arith.index_cast %get3A_595 : i32 to index
      %get3A_599 = arith.constant 224 : index
      %get3A_600 = tpu.vector_load %get3A_597[%get3A_598, %get3A_599] {strides = array<i32>} : memref<8x512xf32, #tpu.memory_space<vmem>>, vector<16xf32>,
      %get3A_601 = arith.constant 1 : i32
      %get3A_602 = arith.constant 0 : i32
      %get3A_603 = tpu.memref_slice %arg5[%mul3A_151, %get3A_602] : memref<64x512xf32, #tpu.memory_space<vmem>> -> memref<8x512xf32, #tpu.memory_space<vmem>>
      %get3A_604 = arith.index_cast %get3A_601 : i32 to index
      %get3A_605 = arith.constant 240 : index
      %get3A_606 = tpu.vector_load %get3A_603[%get3A_604, %get3A_605] {strides = array<i32>} : memref<8x512xf32, #tpu.memory_space<vmem>>, vector<16xf32>,
      %add3A_607 = arith.addf %add3A_555, %get3A_564 : vector<16xf32>
      %swap3A_608 = tpu.memref_slice %arg6[%mul3A_153] : memref<32832xf32, #tpu.memory_space<vmem>> -> memref<4104xf32, #tpu.memory_space<vmem>>
      %swap3A_609 = arith.constant 641 : index
      %swap3A_610 = tpu.vector_load %swap3A_608[%swap3A_609] {strides = array<i32>} : memref<4104xf32, #tpu.memory_space<vmem>>, vector<16xf32>,
      tpu.vector_store %swap3A_608[%swap3A_609], %get3A_564 {strides = array<i32>} : memref<4104xf32, #tpu.memory_space<vmem>>, vector<16xf32>,
      %add3A_611 = arith.addf %add3A_607, %get3A_570 : vector<16xf32>
      %swap3A_612 = tpu.memref_slice %arg6[%mul3A_153] : memref<32832xf32, #tpu.memory_space<vmem>> -> memref<4104xf32, #tpu.memory_space<vmem>>
      %swap3A_613 = arith.constant 657 : index
      %swap3A_614 = tpu.vector_load %swap3A_612[%swap3A_613] {strides = array<i32>} : memref<4104xf32, #tpu.memory_space<vmem>>, vector<16xf32>,
      tpu.vector_store %swap3A_612[%swap3A_613], %get3A_570 {strides = array<i32>} : memref<4104xf32, #tpu.memory_space<vmem>>, vector<16xf32>,
      %add3A_615 = arith.addf %add3A_611, %get3A_576 : vector<16xf32>
      %swap3A_616 = tpu.memref_slice %arg6[%mul3A_153] : memref<32832xf32, #tpu.memory_space<vmem>> -> memref<4104xf32, #tpu.memory_space<vmem>>
      %swap3A_617 = arith.constant 673 : index
      %swap3A_618 = tpu.vector_load %swap3A_616[%swap3A_617] {strides = array<i32>} : memref<4104xf32, #tpu.memory_space<vmem>>, vector<16xf32>,
      tpu.vector_store %swap3A_616[%swap3A_617], %get3A_576 {strides = array<i32>} : memref<4104xf32, #tpu.memory_space<vmem>>, vector<16xf32>,
      %add3A_619 = arith.addf %add3A_615, %get3A_582 : vector<16xf32>
      %swap3A_620 = tpu.memref_slice %arg6[%mul3A_153] : memref<32832xf32, #tpu.memory_space<vmem>> -> memref<4104xf32, #tpu.memory_space<vmem>>
      %swap3A_621 = arith.constant 689 : index
      %swap3A_622 = tpu.vector_load %swap3A_620[%swap3A_621] {strides = array<i32>} : memref<4104xf32, #tpu.memory_space<vmem>>, vector<16xf32>,
      tpu.vector_store %swap3A_620[%swap3A_621], %get3A_582 {strides = array<i32>} : memref<4104xf32, #tpu.memory_space<vmem>>, vector<16xf32>,
      %add3A_623 = arith.addf %add3A_619, %get3A_588 : vector<16xf32>
      %swap3A_624 = tpu.memref_slice %arg6[%mul3A_153] : memref<32832xf32, #tpu.memory_space<vmem>> -> memref<4104xf32, #tpu.memory_space<vmem>>
      %swap3A_625 = arith.constant 705 : index
      %swap3A_626 = tpu.vector_load %swap3A_624[%swap3A_625] {strides = array<i32>} : memref<4104xf32, #tpu.memory_space<vmem>>, vector<16xf32>,
      tpu.vector_store %swap3A_624[%swap3A_625], %get3A_588 {strides = array<i32>} : memref<4104xf32, #tpu.memory_space<vmem>>, vector<16xf32>,
      %add3A_627 = arith.addf %add3A_623, %get3A_594 : vector<16xf32>
      %swap3A_628 = tpu.memref_slice %arg6[%mul3A_153] : memref<32832xf32, #tpu.memory_space<vmem>> -> memref<4104xf32, #tpu.memory_space<vmem>>
      %swap3A_629 = arith.constant 721 : index
      %swap3A_630 = tpu.vector_load %swap3A_628[%swap3A_629] {strides = array<i32>} : memref<4104xf32, #tpu.memory_space<vmem>>, vector<16xf32>,
      tpu.vector_store %swap3A_628[%swap3A_629], %get3A_594 {strides = array<i32>} : memref<4104xf32, #tpu.memory_space<vmem>>, vector<16xf32>,
      %add3A_631 = arith.addf %add3A_627, %get3A_600 : vector<16xf32>
      %swap3A_632 = tpu.memref_slice %arg6[%mul3A_153] : memref<32832xf32, #tpu.memory_space<vmem>> -> memref<4104xf32, #tpu.memory_space<vmem>>
      %swap3A_633 = arith.constant 737 : index
      %swap3A_634 = tpu.vector_load %swap3A_632[%swap3A_633] {strides = array<i32>} : memref<4104xf32, #tpu.memory_space<vmem>>, vector<16xf32>,
      tpu.vector_store %swap3A_632[%swap3A_633], %get3A_600 {strides = array<i32>} : memref<4104xf32, #tpu.memory_space<vmem>>, vector<16xf32>,
      %add3A_635 = arith.addf %add3A_631, %get3A_606 : vector<16xf32>
      %swap3A_636 = tpu.memref_slice %arg6[%mul3A_153] : memref<32832xf32, #tpu.memory_space<vmem>> -> memref<4104xf32, #tpu.memory_space<vmem>>
      %swap3A_637 = arith.constant 753 : index
      %swap3A_638 = tpu.vector_load %swap3A_636[%swap3A_637] {strides = array<i32>} : memref<4104xf32, #tpu.memory_space<vmem>>, vector<16xf32>,
      tpu.vector_store %swap3A_636[%swap3A_637], %get3A_606 {strides = array<i32>} : memref<4104xf32, #tpu.memory_space<vmem>>, vector<16xf32>,
      %get3A_639 = arith.constant 1 : i32
      %get3A_640 = arith.constant 0 : i32
      %get3A_641 = tpu.memref_slice %arg5[%mul3A_151, %get3A_640] : memref<64x512xf32, #tpu.memory_space<vmem>> -> memref<8x512xf32, #tpu.memory_space<vmem>>
      %get3A_642 = arith.index_cast %get3A_639 : i32 to index
      %get3A_643 = arith.constant 256 : index
      %get3A_644 = tpu.vector_load %get3A_641[%get3A_642, %get3A_643] {strides = array<i32>} : memref<8x512xf32, #tpu.memory_space<vmem>>, vector<16xf32>,
      %get3A_645 = arith.constant 1 : i32
      %get3A_646 = arith.constant 0 : i32
      %get3A_647 = tpu.memref_slice %arg5[%mul3A_151, %get3A_646] : memref<64x512xf32, #tpu.memory_space<vmem>> -> memref<8x512xf32, #tpu.memory_space<vmem>>
      %get3A_648 = arith.index_cast %get3A_645 : i32 to index
      %get3A_649 = arith.constant 272 : index
      %get3A_650 = tpu.vector_load %get3A_647[%get3A_648, %get3A_649] {strides = array<i32>} : memref<8x512xf32, #tpu.memory_space<vmem>>, vector<16xf32>,
      %get3A_651 = arith.constant 1 : i32
      %get3A_652 = arith.constant 0 : i32
      %get3A_653 = tpu.memref_slice %arg5[%mul3A_151, %get3A_652] : memref<64x512xf32, #tpu.memory_space<vmem>> -> memref<8x512xf32, #tpu.memory_space<vmem>>
      %get3A_654 = arith.index_cast %get3A_651 : i32 to index
      %get3A_655 = arith.constant 288 : index
      %get3A_656 = tpu.vector_load %get3A_653[%get3A_654, %get3A_655] {strides = array<i32>} : memref<8x512xf32, #tpu.memory_space<vmem>>, vector<16xf32>,
      %get3A_657 = arith.constant 1 : i32
      %get3A_658 = arith.constant 0 : i32
      %get3A_659 = tpu.memref_slice %arg5[%mul3A_151, %get3A_658] : memref<64x512xf32, #tpu.memory_space<vmem>> -> memref<8x512xf32, #tpu.memory_space<vmem>>
      %get3A_660 = arith.index_cast %get3A_657 : i32 to index
      %get3A_661 = arith.constant 304 : index
      %get3A_662 = tpu.vector_load %get3A_659[%get3A_660, %get3A_661] {strides = array<i32>} : memref<8x512xf32, #tpu.memory_space<vmem>>, vector<16xf32>,
      %get3A_663 = arith.constant 1 : i32
      %get3A_664 = arith.constant 0 : i32
      %get3A_665 = tpu.memref_slice %arg5[%mul3A_151, %get3A_664] : memref<64x512xf32, #tpu.memory_space<vmem>> -> memref<8x512xf32, #tpu.memory_space<vmem>>
      %get3A_666 = arith.index_cast %get3A_663 : i32 to index
      %get3A_667 = arith.constant 320 : index
      %get3A_668 = tpu.vector_load %get3A_665[%get3A_666, %get3A_667] {strides = array<i32>} : memref<8x512xf32, #tpu.memory_space<vmem>>, vector<16xf32>,
      %get3A_669 = arith.constant 1 : i32
      %get3A_670 = arith.constant 0 : i32
      %get3A_671 = tpu.memref_slice %arg5[%mul3A_151, %get3A_670] : memref<64x512xf32, #tpu.memory_space<vmem>> -> memref<8x512xf32, #tpu.memory_space<vmem>>
      %get3A_672 = arith.index_cast %get3A_669 : i32 to index
      %get3A_673 = arith.constant 336 : index
      %get3A_674 = tpu.vector_load %get3A_671[%get3A_672, %get3A_673] {strides = array<i32>} : memref<8x512xf32, #tpu.memory_space<vmem>>, vector<16xf32>,
      %get3A_675 = arith.constant 1 : i32
      %get3A_676 = arith.constant 0 : i32
      %get3A_677 = tpu.memref_slice %arg5[%mul3A_151, %get3A_676] : memref<64x512xf32, #tpu.memory_space<vmem>> -> memref<8x512xf32, #tpu.memory_space<vmem>>
      %get3A_678 = arith.index_cast %get3A_675 : i32 to index
      %get3A_679 = arith.constant 352 : index
      %get3A_680 = tpu.vector_load %get3A_677[%get3A_678, %get3A_679] {strides = array<i32>} : memref<8x512xf32, #tpu.memory_space<vmem>>, vector<16xf32>,
      %get3A_681 = arith.constant 1 : i32
      %get3A_682 = arith.constant 0 : i32
      %get3A_683 = tpu.memref_slice %arg5[%mul3A_151, %get3A_682] : memref<64x512xf32, #tpu.memory_space<vmem>> -> memref<8x512xf32, #tpu.memory_space<vmem>>
      %get3A_684 = arith.index_cast %get3A_681 : i32 to index
      %get3A_685 = arith.constant 368 : index
      %get3A_686 = tpu.vector_load %get3A_683[%get3A_684, %get3A_685] {strides = array<i32>} : memref<8x512xf32, #tpu.memory_space<vmem>>, vector<16xf32>,
      %add3A_687 = arith.addf %add3A_635, %get3A_644 : vector<16xf32>
      %swap3A_688 = tpu.memref_slice %arg6[%mul3A_153] : memref<32832xf32, #tpu.memory_space<vmem>> -> memref<4104xf32, #tpu.memory_space<vmem>>
      %swap3A_689 = arith.constant 769 : index
      %swap3A_690 = tpu.vector_load %swap3A_688[%swap3A_689] {strides = array<i32>} : memref<4104xf32, #tpu.memory_space<vmem>>, vector<16xf32>,
      tpu.vector_store %swap3A_688[%swap3A_689], %get3A_644 {strides = array<i32>} : memref<4104xf32, #tpu.memory_space<vmem>>, vector<16xf32>,
      %add3A_691 = arith.addf %add3A_687, %get3A_650 : vector<16xf32>
      %swap3A_692 = tpu.memref_slice %arg6[%mul3A_153] : memref<32832xf32, #tpu.memory_space<vmem>> -> memref<4104xf32, #tpu.memory_space<vmem>>
      %swap3A_693 = arith.constant 785 : index
      %swap3A_694 = tpu.vector_load %swap3A_692[%swap3A_693] {strides = array<i32>} : memref<4104xf32, #tpu.memory_space<vmem>>, vector<16xf32>,
      tpu.vector_store %swap3A_692[%swap3A_693], %get3A_650 {strides = array<i32>} : memref<4104xf32, #tpu.memory_space<vmem>>, vector<16xf32>,
      %add3A_695 = arith.addf %add3A_691, %get3A_656 : vector<16xf32>
      %swap3A_696 = tpu.memref_slice %arg6[%mul3A_153] : memref<32832xf32, #tpu.memory_space<vmem>> -> memref<4104xf32, #tpu.memory_space<vmem>>
      %swap3A_697 = arith.constant 801 : index
      %swap3A_698 = tpu.vector_load %swap3A_696[%swap3A_697] {strides = array<i32>} : memref<4104xf32, #tpu.memory_space<vmem>>, vector<16xf32>,
      tpu.vector_store %swap3A_696[%swap3A_697], %get3A_656 {strides = array<i32>} : memref<4104xf32, #tpu.memory_space<vmem>>, vector<16xf32>,
      %add3A_699 = arith.addf %add3A_695, %get3A_662 : vector<16xf32>
      %swap3A_700 = tpu.memref_slice %arg6[%mul3A_153] : memref<32832xf32, #tpu.memory_space<vmem>> -> memref<4104xf32, #tpu.memory_space<vmem>>
      %swap3A_701 = arith.constant 817 : index
      %swap3A_702 = tpu.vector_load %swap3A_700[%swap3A_701] {strides = array<i32>} : memref<4104xf32, #tpu.memory_space<vmem>>, vector<16xf32>,
      tpu.vector_store %swap3A_700[%swap3A_701], %get3A_662 {strides = array<i32>} : memref<4104xf32, #tpu.memory_space<vmem>>, vector<16xf32>,
      %add3A_703 = arith.addf %add3A_699, %get3A_668 : vector<16xf32>
      %swap3A_704 = tpu.memref_slice %arg6[%mul3A_153] : memref<32832xf32, #tpu.memory_space<vmem>> -> memref<4104xf32, #tpu.memory_space<vmem>>
      %swap3A_705 = arith.constant 833 : index
      %swap3A_706 = tpu.vector_load %swap3A_704[%swap3A_705] {strides = array<i32>} : memref<4104xf32, #tpu.memory_space<vmem>>, vector<16xf32>,
      tpu.vector_store %swap3A_704[%swap3A_705], %get3A_668 {strides = array<i32>} : memref<4104xf32, #tpu.memory_space<vmem>>, vector<16xf32>,
      %add3A_707 = arith.addf %add3A_703, %get3A_674 : vector<16xf32>
      %swap3A_708 = tpu.memref_slice %arg6[%mul3A_153] : memref<32832xf32, #tpu.memory_space<vmem>> -> memref<4104xf32, #tpu.memory_space<vmem>>
      %swap3A_709 = arith.constant 849 : index
      %swap3A_710 = tpu.vector_load %swap3A_708[%swap3A_709] {strides = array<i32>} : memref<4104xf32, #tpu.memory_space<vmem>>, vector<16xf32>,
      tpu.vector_store %swap3A_708[%swap3A_709], %get3A_674 {strides = array<i32>} : memref<4104xf32, #tpu.memory_space<vmem>>, vector<16xf32>,
      %add3A_711 = arith.addf %add3A_707, %get3A_680 : vector<16xf32>
      %swap3A_712 = tpu.memref_slice %arg6[%mul3A_153] : memref<32832xf32, #tpu.memory_space<vmem>> -> memref<4104xf32, #tpu.memory_space<vmem>>
      %swap3A_713 = arith.constant 865 : index
      %swap3A_714 = tpu.vector_load %swap3A_712[%swap3A_713] {strides = array<i32>} : memref<4104xf32, #tpu.memory_space<vmem>>, vector<16xf32>,
      tpu.vector_store %swap3A_712[%swap3A_713], %get3A_680 {strides = array<i32>} : memref<4104xf32, #tpu.memory_space<vmem>>, vector<16xf32>,
      %add3A_715 = arith.addf %add3A_711, %get3A_686 : vector<16xf32>
      %swap3A_716 = tpu.memref_slice %arg6[%mul3A_153] : memref<32832xf32, #tpu.memory_space<vmem>> -> memref<4104xf32, #tpu.memory_space<vmem>>
      %swap3A_717 = arith.constant 881 : index
      %swap3A_718 = tpu.vector_load %swap3A_716[%swap3A_717] {strides = array<i32>} : memref<4104xf32, #tpu.memory_space<vmem>>, vector<16xf32>,
      tpu.vector_store %swap3A_716[%swap3A_717], %get3A_686 {strides = array<i32>} : memref<4104xf32, #tpu.memory_space<vmem>>, vector<16xf32>,
      %get3A_719 = arith.constant 1 : i32
      %get3A_720 = arith.constant 0 : i32
      %get3A_721 = tpu.memref_slice %arg5[%mul3A_151, %get3A_720] : memref<64x512xf32, #tpu.memory_space<vmem>> -> memref<8x512xf32, #tpu.memory_space<vmem>>
      %get3A_722 = arith.index_cast %get3A_719 : i32 to index
      %get3A_723 = arith.constant 384 : index
      %get3A_724 = tpu.vector_load %get3A_721[%get3A_722, %get3A_723] {strides = array<i32>} : memref<8x512xf32, #tpu.memory_space<vmem>>, vector<16xf32>,
      %get3A_725 = arith.constant 1 : i32
      %get3A_726 = arith.constant 0 : i32
      %get3A_727 = tpu.memref_slice %arg5[%mul3A_151, %get3A_726] : memref<64x512xf32, #tpu.memory_space<vmem>> -> memref<8x512xf32, #tpu.memory_space<vmem>>
      %get3A_728 = arith.index_cast %get3A_725 : i32 to index
      %get3A_729 = arith.constant 400 : index
      %get3A_730 = tpu.vector_load %get3A_727[%get3A_728, %get3A_729] {strides = array<i32>} : memref<8x512xf32, #tpu.memory_space<vmem>>, vector<16xf32>,
      %get3A_731 = arith.constant 1 : i32
      %get3A_732 = arith.constant 0 : i32
      %get3A_733 = tpu.memref_slice %arg5[%mul3A_151, %get3A_732] : memref<64x512xf32, #tpu.memory_space<vmem>> -> memref<8x512xf32, #tpu.memory_space<vmem>>
      %get3A_734 = arith.index_cast %get3A_731 : i32 to index
      %get3A_735 = arith.constant 416 : index
      %get3A_736 = tpu.vector_load %get3A_733[%get3A_734, %get3A_735] {strides = array<i32>} : memref<8x512xf32, #tpu.memory_space<vmem>>, vector<16xf32>,
      %get3A_737 = arith.constant 1 : i32
      %get3A_738 = arith.constant 0 : i32
      %get3A_739 = tpu.memref_slice %arg5[%mul3A_151, %get3A_738] : memref<64x512xf32, #tpu.memory_space<vmem>> -> memref<8x512xf32, #tpu.memory_space<vmem>>
      %get3A_740 = arith.index_cast %get3A_737 : i32 to index
      %get3A_741 = arith.constant 432 : index
      %get3A_742 = tpu.vector_load %get3A_739[%get3A_740, %get3A_741] {strides = array<i32>} : memref<8x512xf32, #tpu.memory_space<vmem>>, vector<16xf32>,
      %get3A_743 = arith.constant 1 : i32
      %get3A_744 = arith.constant 0 : i32
      %get3A_745 = tpu.memref_slice %arg5[%mul3A_151, %get3A_744] : memref<64x512xf32, #tpu.memory_space<vmem>> -> memref<8x512xf32, #tpu.memory_space<vmem>>
      %get3A_746 = arith.index_cast %get3A_743 : i32 to index
      %get3A_747 = arith.constant 448 : index
      %get3A_748 = tpu.vector_load %get3A_745[%get3A_746, %get3A_747] {strides = array<i32>} : memref<8x512xf32, #tpu.memory_space<vmem>>, vector<16xf32>,
      %get3A_749 = arith.constant 1 : i32
      %get3A_750 = arith.constant 0 : i32
      %get3A_751 = tpu.memref_slice %arg5[%mul3A_151, %get3A_750] : memref<64x512xf32, #tpu.memory_space<vmem>> -> memref<8x512xf32, #tpu.memory_space<vmem>>
      %get3A_752 = arith.index_cast %get3A_749 : i32 to index
      %get3A_753 = arith.constant 464 : index
      %get3A_754 = tpu.vector_load %get3A_751[%get3A_752, %get3A_753] {strides = array<i32>} : memref<8x512xf32, #tpu.memory_space<vmem>>, vector<16xf32>,
      %get3A_755 = arith.constant 1 : i32
      %get3A_756 = arith.constant 0 : i32
      %get3A_757 = tpu.memref_slice %arg5[%mul3A_151, %get3A_756] : memref<64x512xf32, #tpu.memory_space<vmem>> -> memref<8x512xf32, #tpu.memory_space<vmem>>
      %get3A_758 = arith.index_cast %get3A_755 : i32 to index
      %get3A_759 = arith.constant 480 : index
      %get3A_760 = tpu.vector_load %get3A_757[%get3A_758, %get3A_759] {strides = array<i32>} : memref<8x512xf32, #tpu.memory_space<vmem>>, vector<16xf32>,
      %get3A_761 = arith.constant 1 : i32
      %get3A_762 = arith.constant 0 : i32
      %get3A_763 = tpu.memref_slice %arg5[%mul3A_151, %get3A_762] : memref<64x512xf32, #tpu.memory_space<vmem>> -> memref<8x512xf32, #tpu.memory_space<vmem>>
      %get3A_764 = arith.index_cast %get3A_761 : i32 to index
      %get3A_765 = arith.constant 496 : index
      %get3A_766 = tpu.vector_load %get3A_763[%get3A_764, %get3A_765] {strides = array<i32>} : memref<8x512xf32, #tpu.memory_space<vmem>>, vector<16xf32>,
      %add3A_767 = arith.addf %add3A_715, %get3A_724 : vector<16xf32>
      %swap3A_768 = tpu.memref_slice %arg6[%mul3A_153] : memref<32832xf32, #tpu.memory_space<vmem>> -> memref<4104xf32, #tpu.memory_space<vmem>>
      %swap3A_769 = arith.constant 897 : index
      %swap3A_770 = tpu.vector_load %swap3A_768[%swap3A_769] {strides = array<i32>} : memref<4104xf32, #tpu.memory_space<vmem>>, vector<16xf32>,
      tpu.vector_store %swap3A_768[%swap3A_769], %get3A_724 {strides = array<i32>} : memref<4104xf32, #tpu.memory_space<vmem>>, vector<16xf32>,
      %add3A_771 = arith.addf %add3A_767, %get3A_730 : vector<16xf32>
      %swap3A_772 = tpu.memref_slice %arg6[%mul3A_153] : memref<32832xf32, #tpu.memory_space<vmem>> -> memref<4104xf32, #tpu.memory_space<vmem>>
      %swap3A_773 = arith.constant 913 : index
      %swap3A_774 = tpu.vector_load %swap3A_772[%swap3A_773] {strides = array<i32>} : memref<4104xf32, #tpu.memory_space<vmem>>, vector<16xf32>,
      tpu.vector_store %swap3A_772[%swap3A_773], %get3A_730 {strides = array<i32>} : memref<4104xf32, #tpu.memory_space<vmem>>, vector<16xf32>,
      %add3A_775 = arith.addf %add3A_771, %get3A_736 : vector<16xf32>
      %swap3A_776 = tpu.memref_slice %arg6[%mul3A_153] : memref<32832xf32, #tpu.memory_space<vmem>> -> memref<4104xf32, #tpu.memory_space<vmem>>
      %swap3A_777 = arith.constant 929 : index
      %swap3A_778 = tpu.vector_load %swap3A_776[%swap3A_777] {strides = array<i32>} : memref<4104xf32, #tpu.memory_space<vmem>>, vector<16xf32>,
      tpu.vector_store %swap3A_776[%swap3A_777], %get3A_736 {strides = array<i32>} : memref<4104xf32, #tpu.memory_space<vmem>>, vector<16xf32>,
      %add3A_779 = arith.addf %add3A_775, %get3A_742 : vector<16xf32>
      %swap3A_780 = tpu.memref_slice %arg6[%mul3A_153] : memref<32832xf32, #tpu.memory_space<vmem>> -> memref<4104xf32, #tpu.memory_space<vmem>>
      %swap3A_781 = arith.constant 945 : index
      %swap3A_782 = tpu.vector_load %swap3A_780[%swap3A_781] {strides = array<i32>} : memref<4104xf32, #tpu.memory_space<vmem>>, vector<16xf32>,
      tpu.vector_store %swap3A_780[%swap3A_781], %get3A_742 {strides = array<i32>} : memref<4104xf32, #tpu.memory_space<vmem>>, vector<16xf32>,
      %add3A_783 = arith.addf %add3A_779, %get3A_748 : vector<16xf32>
      %swap3A_784 = tpu.memref_slice %arg6[%mul3A_153] : memref<32832xf32, #tpu.memory_space<vmem>> -> memref<4104xf32, #tpu.memory_space<vmem>>
      %swap3A_785 = arith.constant 961 : index
      %swap3A_786 = tpu.vector_load %swap3A_784[%swap3A_785] {strides = array<i32>} : memref<4104xf32, #tpu.memory_space<vmem>>, vector<16xf32>,
      tpu.vector_store %swap3A_784[%swap3A_785], %get3A_748 {strides = array<i32>} : memref<4104xf32, #tpu.memory_space<vmem>>, vector<16xf32>,
      %add3A_787 = arith.addf %add3A_783, %get3A_754 : vector<16xf32>
      %swap3A_788 = tpu.memref_slice %arg6[%mul3A_153] : memref<32832xf32, #tpu.memory_space<vmem>> -> memref<4104xf32, #tpu.memory_space<vmem>>
      %swap3A_789 = arith.constant 977 : index
      %swap3A_790 = tpu.vector_load %swap3A_788[%swap3A_789] {strides = array<i32>} : memref<4104xf32, #tpu.memory_space<vmem>>, vector<16xf32>,
      tpu.vector_store %swap3A_788[%swap3A_789], %get3A_754 {strides = array<i32>} : memref<4104xf32, #tpu.memory_space<vmem>>, vector<16xf32>,
      %add3A_791 = arith.addf %add3A_787, %get3A_760 : vector<16xf32>
      %swap3A_792 = tpu.memref_slice %arg6[%mul3A_153] : memref<32832xf32, #tpu.memory_space<vmem>> -> memref<4104xf32, #tpu.memory_space<vmem>>
      %swap3A_793 = arith.constant 993 : index
      %swap3A_794 = tpu.vector_load %swap3A_792[%swap3A_793] {strides = array<i32>} : memref<4104xf32, #tpu.memory_space<vmem>>, vector<16xf32>,
      tpu.vector_store %swap3A_792[%swap3A_793], %get3A_760 {strides = array<i32>} : memref<4104xf32, #tpu.memory_space<vmem>>, vector<16xf32>,
      %add3A_795 = arith.addf %add3A_791, %get3A_766 : vector<16xf32>
      %swap3A_796 = tpu.memref_slice %arg6[%mul3A_153] : memref<32832xf32, #tpu.memory_space<vmem>> -> memref<4104xf32, #tpu.memory_space<vmem>>
      %swap3A_797 = arith.constant 1009 : index
      %swap3A_798 = tpu.vector_load %swap3A_796[%swap3A_797] {strides = array<i32>} : memref<4104xf32, #tpu.memory_space<vmem>>, vector<16xf32>,
      tpu.vector_store %swap3A_796[%swap3A_797], %get3A_766 {strides = array<i32>} : memref<4104xf32, #tpu.memory_space<vmem>>, vector<16xf32>,
      %swap3A_799 = arith.constant 1 : i32
      %swap3A_800 = arith.constant 0 : i32
      %swap3A_801 = tpu.memref_slice %arg8[%mul3A_155, %swap3A_800] : memref<64x16xf32, #tpu.memory_space<vmem>> -> memref<8x16xf32, #tpu.memory_space<vmem>>
      %swap3A_802 = arith.index_cast %swap3A_799 : i32 to index
      %swap3A_803 = arith.constant 0 : index
      %swap3A_804 = tpu.vector_load %swap3A_801[%swap3A_802, %swap3A_803] {strides = array<i32>} : memref<8x16xf32, #tpu.memory_space<vmem>>, vector<16xf32>,
      tpu.vector_store %swap3A_801[%swap3A_802, %swap3A_803], %add3A_795 {strides = array<i32>} : memref<8x16xf32, #tpu.memory_space<vmem>>, vector<16xf32>,
      %get3A_805 = arith.constant 2 : i32
      %get3A_806 = arith.constant 0 : i32
      %get3A_807 = tpu.memref_slice %arg5[%mul3A_151, %get3A_806] : memref<64x512xf32, #tpu.memory_space<vmem>> -> memref<8x512xf32, #tpu.memory_space<vmem>>
      %get3A_808 = arith.index_cast %get3A_805 : i32 to index
      %get3A_809 = arith.constant 0 : index
      %get3A_810 = tpu.vector_load %get3A_807[%get3A_808, %get3A_809] {strides = array<i32>} : memref<8x512xf32, #tpu.memory_space<vmem>>, vector<16xf32>,
      %get3A_811 = arith.constant 2 : i32
      %get3A_812 = arith.constant 0 : i32
      %get3A_813 = tpu.memref_slice %arg5[%mul3A_151, %get3A_812] : memref<64x512xf32, #tpu.memory_space<vmem>> -> memref<8x512xf32, #tpu.memory_space<vmem>>
      %get3A_814 = arith.index_cast %get3A_811 : i32 to index
      %get3A_815 = arith.constant 16 : index
      %get3A_816 = tpu.vector_load %get3A_813[%get3A_814, %get3A_815] {strides = array<i32>} : memref<8x512xf32, #tpu.memory_space<vmem>>, vector<16xf32>,
      %get3A_817 = arith.constant 2 : i32
      %get3A_818 = arith.constant 0 : i32
      %get3A_819 = tpu.memref_slice %arg5[%mul3A_151, %get3A_818] : memref<64x512xf32, #tpu.memory_space<vmem>> -> memref<8x512xf32, #tpu.memory_space<vmem>>
      %get3A_820 = arith.index_cast %get3A_817 : i32 to index
      %get3A_821 = arith.constant 32 : index
      %get3A_822 = tpu.vector_load %get3A_819[%get3A_820, %get3A_821] {strides = array<i32>} : memref<8x512xf32, #tpu.memory_space<vmem>>, vector<16xf32>,
      %get3A_823 = arith.constant 2 : i32
      %get3A_824 = arith.constant 0 : i32
      %get3A_825 = tpu.memref_slice %arg5[%mul3A_151, %get3A_824] : memref<64x512xf32, #tpu.memory_space<vmem>> -> memref<8x512xf32, #tpu.memory_space<vmem>>
      %get3A_826 = arith.index_cast %get3A_823 : i32 to index
      %get3A_827 = arith.constant 48 : index
      %get3A_828 = tpu.vector_load %get3A_825[%get3A_826, %get3A_827] {strides = array<i32>} : memref<8x512xf32, #tpu.memory_space<vmem>>, vector<16xf32>,
      %get3A_829 = arith.constant 2 : i32
      %get3A_830 = arith.constant 0 : i32
      %get3A_831 = tpu.memref_slice %arg5[%mul3A_151, %get3A_830] : memref<64x512xf32, #tpu.memory_space<vmem>> -> memref<8x512xf32, #tpu.memory_space<vmem>>
      %get3A_832 = arith.index_cast %get3A_829 : i32 to index
      %get3A_833 = arith.constant 64 : index
      %get3A_834 = tpu.vector_load %get3A_831[%get3A_832, %get3A_833] {strides = array<i32>} : memref<8x512xf32, #tpu.memory_space<vmem>>, vector<16xf32>,
      %get3A_835 = arith.constant 2 : i32
      %get3A_836 = arith.constant 0 : i32
      %get3A_837 = tpu.memref_slice %arg5[%mul3A_151, %get3A_836] : memref<64x512xf32, #tpu.memory_space<vmem>> -> memref<8x512xf32, #tpu.memory_space<vmem>>
      %get3A_838 = arith.index_cast %get3A_835 : i32 to index
      %get3A_839 = arith.constant 80 : index
      %get3A_840 = tpu.vector_load %get3A_837[%get3A_838, %get3A_839] {strides = array<i32>} : memref<8x512xf32, #tpu.memory_space<vmem>>, vector<16xf32>,
      %get3A_841 = arith.constant 2 : i32
      %get3A_842 = arith.constant 0 : i32
      %get3A_843 = tpu.memref_slice %arg5[%mul3A_151, %get3A_842] : memref<64x512xf32, #tpu.memory_space<vmem>> -> memref<8x512xf32, #tpu.memory_space<vmem>>
      %get3A_844 = arith.index_cast %get3A_841 : i32 to index
      %get3A_845 = arith.constant 96 : index
      %get3A_846 = tpu.vector_load %get3A_843[%get3A_844, %get3A_845] {strides = array<i32>} : memref<8x512xf32, #tpu.memory_space<vmem>>, vector<16xf32>,
      %get3A_847 = arith.constant 2 : i32
      %get3A_848 = arith.constant 0 : i32
      %get3A_849 = tpu.memref_slice %arg5[%mul3A_151, %get3A_848] : memref<64x512xf32, #tpu.memory_space<vmem>> -> memref<8x512xf32, #tpu.memory_space<vmem>>
      %get3A_850 = arith.index_cast %get3A_847 : i32 to index
      %get3A_851 = arith.constant 112 : index
      %get3A_852 = tpu.vector_load %get3A_849[%get3A_850, %get3A_851] {strides = array<i32>} : memref<8x512xf32, #tpu.memory_space<vmem>>, vector<16xf32>,
      %swap3A_853 = tpu.memref_slice %arg6[%mul3A_153] : memref<32832xf32, #tpu.memory_space<vmem>> -> memref<4104xf32, #tpu.memory_space<vmem>>
      %swap3A_854 = arith.constant 1026 : index
      %swap3A_855 = tpu.vector_load %swap3A_853[%swap3A_854] {strides = array<i32>} : memref<4104xf32, #tpu.memory_space<vmem>>, vector<16xf32>,
      tpu.vector_store %swap3A_853[%swap3A_854], %get3A_810 {strides = array<i32>} : memref<4104xf32, #tpu.memory_space<vmem>>, vector<16xf32>,
      %add3A_856 = arith.addf %get3A_810, %get3A_816 : vector<16xf32>
      %swap3A_857 = tpu.memref_slice %arg6[%mul3A_153] : memref<32832xf32, #tpu.memory_space<vmem>> -> memref<4104xf32, #tpu.memory_space<vmem>>
      %swap3A_858 = arith.constant 1042 : index
      %swap3A_859 = tpu.vector_load %swap3A_857[%swap3A_858] {strides = array<i32>} : memref<4104xf32, #tpu.memory_space<vmem>>, vector<16xf32>,
      tpu.vector_store %swap3A_857[%swap3A_858], %get3A_816 {strides = array<i32>} : memref<4104xf32, #tpu.memory_space<vmem>>, vector<16xf32>,
      %add3A_860 = arith.addf %add3A_856, %get3A_822 : vector<16xf32>
      %swap3A_861 = tpu.memref_slice %arg6[%mul3A_153] : memref<32832xf32, #tpu.memory_space<vmem>> -> memref<4104xf32, #tpu.memory_space<vmem>>
      %swap3A_862 = arith.constant 1058 : index
      %swap3A_863 = tpu.vector_load %swap3A_861[%swap3A_862] {strides = array<i32>} : memref<4104xf32, #tpu.memory_space<vmem>>, vector<16xf32>,
      tpu.vector_store %swap3A_861[%swap3A_862], %get3A_822 {strides = array<i32>} : memref<4104xf32, #tpu.memory_space<vmem>>, vector<16xf32>,
      %add3A_864 = arith.addf %add3A_860, %get3A_828 : vector<16xf32>
      %swap3A_865 = tpu.memref_slice %arg6[%mul3A_153] : memref<32832xf32, #tpu.memory_space<vmem>> -> memref<4104xf32, #tpu.memory_space<vmem>>
      %swap3A_866 = arith.constant 1074 : index
      %swap3A_867 = tpu.vector_load %swap3A_865[%swap3A_866] {strides = array<i32>} : memref<4104xf32, #tpu.memory_space<vmem>>, vector<16xf32>,
      tpu.vector_store %swap3A_865[%swap3A_866], %get3A_828 {strides = array<i32>} : memref<4104xf32, #tpu.memory_space<vmem>>, vector<16xf32>,
      %add3A_868 = arith.addf %add3A_864, %get3A_834 : vector<16xf32>
      %swap3A_869 = tpu.memref_slice %arg6[%mul3A_153] : memref<32832xf32, #tpu.memory_space<vmem>> -> memref<4104xf32, #tpu.memory_space<vmem>>
      %swap3A_870 = arith.constant 1090 : index
      %swap3A_871 = tpu.vector_load %swap3A_869[%swap3A_870] {strides = array<i32>} : memref<4104xf32, #tpu.memory_space<vmem>>, vector<16xf32>,
      tpu.vector_store %swap3A_869[%swap3A_870], %get3A_834 {strides = array<i32>} : memref<4104xf32, #tpu.memory_space<vmem>>, vector<16xf32>,
      %add3A_872 = arith.addf %add3A_868, %get3A_840 : vector<16xf32>
      %swap3A_873 = tpu.memref_slice %arg6[%mul3A_153] : memref<32832xf32, #tpu.memory_space<vmem>> -> memref<4104xf32, #tpu.memory_space<vmem>>
      %swap3A_874 = arith.constant 1106 : index
      %swap3A_875 = tpu.vector_load %swap3A_873[%swap3A_874] {strides = array<i32>} : memref<4104xf32, #tpu.memory_space<vmem>>, vector<16xf32>,
      tpu.vector_store %swap3A_873[%swap3A_874], %get3A_840 {strides = array<i32>} : memref<4104xf32, #tpu.memory_space<vmem>>, vector<16xf32>,
      %add3A_876 = arith.addf %add3A_872, %get3A_846 : vector<16xf32>
      %swap3A_877 = tpu.memref_slice %arg6[%mul3A_153] : memref<32832xf32, #tpu.memory_space<vmem>> -> memref<4104xf32, #tpu.memory_space<vmem>>
      %swap3A_878 = arith.constant 1122 : index
      %swap3A_879 = tpu.vector_load %swap3A_877[%swap3A_878] {strides = array<i32>} : memref<4104xf32, #tpu.memory_space<vmem>>, vector<16xf32>,
      tpu.vector_store %swap3A_877[%swap3A_878], %get3A_846 {strides = array<i32>} : memref<4104xf32, #tpu.memory_space<vmem>>, vector<16xf32>,
      %add3A_880 = arith.addf %add3A_876, %get3A_852 : vector<16xf32>
      %swap3A_881 = tpu.memref_slice %arg6[%mul3A_153] : memref<32832xf32, #tpu.memory_space<vmem>> -> memref<4104xf32, #tpu.memory_space<vmem>>
      %swap3A_882 = arith.constant 1138 : index
      %swap3A_883 = tpu.vector_load %swap3A_881[%swap3A_882] {strides = array<i32>} : memref<4104xf32, #tpu.memory_space<vmem>>, vector<16xf32>,
      tpu.vector_store %swap3A_881[%swap3A_882], %get3A_852 {strides = array<i32>} : memref<4104xf32, #tpu.memory_space<vmem>>, vector<16xf32>,
      %get3A_884 = arith.constant 2 : i32
      %get3A_885 = arith.constant 0 : i32
      %get3A_886 = tpu.memref_slice %arg5[%mul3A_151, %get3A_885] : memref<64x512xf32, #tpu.memory_space<vmem>> -> memref<8x512xf32, #tpu.memory_space<vmem>>
      %get3A_887 = arith.index_cast %get3A_884 : i32 to index
      %get3A_888 = arith.constant 128 : index
      %get3A_889 = tpu.vector_load %get3A_886[%get3A_887, %get3A_888] {strides = array<i32>} : memref<8x512xf32, #tpu.memory_space<vmem>>, vector<16xf32>,
      %get3A_890 = arith.constant 2 : i32
      %get3A_891 = arith.constant 0 : i32
      %get3A_892 = tpu.memref_slice %arg5[%mul3A_151, %get3A_891] : memref<64x512xf32, #tpu.memory_space<vmem>> -> memref<8x512xf32, #tpu.memory_space<vmem>>
      %get3A_893 = arith.index_cast %get3A_890 : i32 to index
      %get3A_894 = arith.constant 144 : index
      %get3A_895 = tpu.vector_load %get3A_892[%get3A_893, %get3A_894] {strides = array<i32>} : memref<8x512xf32, #tpu.memory_space<vmem>>, vector<16xf32>,
      %get3A_896 = arith.constant 2 : i32
      %get3A_897 = arith.constant 0 : i32
      %get3A_898 = tpu.memref_slice %arg5[%mul3A_151, %get3A_897] : memref<64x512xf32, #tpu.memory_space<vmem>> -> memref<8x512xf32, #tpu.memory_space<vmem>>
      %get3A_899 = arith.index_cast %get3A_896 : i32 to index
      %get3A_900 = arith.constant 160 : index
      %get3A_901 = tpu.vector_load %get3A_898[%get3A_899, %get3A_900] {strides = array<i32>} : memref<8x512xf32, #tpu.memory_space<vmem>>, vector<16xf32>,
      %get3A_902 = arith.constant 2 : i32
      %get3A_903 = arith.constant 0 : i32
      %get3A_904 = tpu.memref_slice %arg5[%mul3A_151, %get3A_903] : memref<64x512xf32, #tpu.memory_space<vmem>> -> memref<8x512xf32, #tpu.memory_space<vmem>>
      %get3A_905 = arith.index_cast %get3A_902 : i32 to index
      %get3A_906 = arith.constant 176 : index
      %get3A_907 = tpu.vector_load %get3A_904[%get3A_905, %get3A_906] {strides = array<i32>} : memref<8x512xf32, #tpu.memory_space<vmem>>, vector<16xf32>,
      %get3A_908 = arith.constant 2 : i32
      %get3A_909 = arith.constant 0 : i32
      %get3A_910 = tpu.memref_slice %arg5[%mul3A_151, %get3A_909] : memref<64x512xf32, #tpu.memory_space<vmem>> -> memref<8x512xf32, #tpu.memory_space<vmem>>
      %get3A_911 = arith.index_cast %get3A_908 : i32 to index
      %get3A_912 = arith.constant 192 : index
      %get3A_913 = tpu.vector_load %get3A_910[%get3A_911, %get3A_912] {strides = array<i32>} : memref<8x512xf32, #tpu.memory_space<vmem>>, vector<16xf32>,
      %get3A_914 = arith.constant 2 : i32
      %get3A_915 = arith.constant 0 : i32
      %get3A_916 = tpu.memref_slice %arg5[%mul3A_151, %get3A_915] : memref<64x512xf32, #tpu.memory_space<vmem>> -> memref<8x512xf32, #tpu.memory_space<vmem>>
      %get3A_917 = arith.index_cast %get3A_914 : i32 to index
      %get3A_918 = arith.constant 208 : index
      %get3A_919 = tpu.vector_load %get3A_916[%get3A_917, %get3A_918] {strides = array<i32>} : memref<8x512xf32, #tpu.memory_space<vmem>>, vector<16xf32>,
      %get3A_920 = arith.constant 2 : i32
      %get3A_921 = arith.constant 0 : i32
      %get3A_922 = tpu.memref_slice %arg5[%mul3A_151, %get3A_921] : memref<64x512xf32, #tpu.memory_space<vmem>> -> memref<8x512xf32, #tpu.memory_space<vmem>>
      %get3A_923 = arith.index_cast %get3A_920 : i32 to index
      %get3A_924 = arith.constant 224 : index
      %get3A_925 = tpu.vector_load %get3A_922[%get3A_923, %get3A_924] {strides = array<i32>} : memref<8x512xf32, #tpu.memory_space<vmem>>, vector<16xf32>,
      %get3A_926 = arith.constant 2 : i32
      %get3A_927 = arith.constant 0 : i32
      %get3A_928 = tpu.memref_slice %arg5[%mul3A_151, %get3A_927] : memref<64x512xf32, #tpu.memory_space<vmem>> -> memref<8x512xf32, #tpu.memory_space<vmem>>
      %get3A_929 = arith.index_cast %get3A_926 : i32 to index
      %get3A_930 = arith.constant 240 : index
      %get3A_931 = tpu.vector_load %get3A_928[%get3A_929, %get3A_930] {strides = array<i32>} : memref<8x512xf32, #tpu.memory_space<vmem>>, vector<16xf32>,
      %add3A_932 = arith.addf %add3A_880, %get3A_889 : vector<16xf32>
      %swap3A_933 = tpu.memref_slice %arg6[%mul3A_153] : memref<32832xf32, #tpu.memory_space<vmem>> -> memref<4104xf32, #tpu.memory_space<vmem>>
      %swap3A_934 = arith.constant 1154 : index
      %swap3A_935 = tpu.vector_load %swap3A_933[%swap3A_934] {strides = array<i32>} : memref<4104xf32, #tpu.memory_space<vmem>>, vector<16xf32>,
      tpu.vector_store %swap3A_933[%swap3A_934], %get3A_889 {strides = array<i32>} : memref<4104xf32, #tpu.memory_space<vmem>>, vector<16xf32>,
      %add3A_936 = arith.addf %add3A_932, %get3A_895 : vector<16xf32>
      %swap3A_937 = tpu.memref_slice %arg6[%mul3A_153] : memref<32832xf32, #tpu.memory_space<vmem>> -> memref<4104xf32, #tpu.memory_space<vmem>>
      %swap3A_938 = arith.constant 1170 : index
      %swap3A_939 = tpu.vector_load %swap3A_937[%swap3A_938] {strides = array<i32>} : memref<4104xf32, #tpu.memory_space<vmem>>, vector<16xf32>,
      tpu.vector_store %swap3A_937[%swap3A_938], %get3A_895 {strides = array<i32>} : memref<4104xf32, #tpu.memory_space<vmem>>, vector<16xf32>,
      %add3A_940 = arith.addf %add3A_936, %get3A_901 : vector<16xf32>
      %swap3A_941 = tpu.memref_slice %arg6[%mul3A_153] : memref<32832xf32, #tpu.memory_space<vmem>> -> memref<4104xf32, #tpu.memory_space<vmem>>
      %swap3A_942 = arith.constant 1186 : index
      %swap3A_943 = tpu.vector_load %swap3A_941[%swap3A_942] {strides = array<i32>} : memref<4104xf32, #tpu.memory_space<vmem>>, vector<16xf32>,
      tpu.vector_store %swap3A_941[%swap3A_942], %get3A_901 {strides = array<i32>} : memref<4104xf32, #tpu.memory_space<vmem>>, vector<16xf32>,
      %add3A_944 = arith.addf %add3A_940, %get3A_907 : vector<16xf32>
      %swap3A_945 = tpu.memref_slice %arg6[%mul3A_153] : memref<32832xf32, #tpu.memory_space<vmem>> -> memref<4104xf32, #tpu.memory_space<vmem>>
      %swap3A_946 = arith.constant 1202 : index
      %swap3A_947 = tpu.vector_load %swap3A_945[%swap3A_946] {strides = array<i32>} : memref<4104xf32, #tpu.memory_space<vmem>>, vector<16xf32>,
      tpu.vector_store %swap3A_945[%swap3A_946], %get3A_907 {strides = array<i32>} : memref<4104xf32, #tpu.memory_space<vmem>>, vector<16xf32>,
      %add3A_948 = arith.addf %add3A_944, %get3A_913 : vector<16xf32>
      %swap3A_949 = tpu.memref_slice %arg6[%mul3A_153] : memref<32832xf32, #tpu.memory_space<vmem>> -> memref<4104xf32, #tpu.memory_space<vmem>>
      %swap3A_950 = arith.constant 1218 : index
      %swap3A_951 = tpu.vector_load %swap3A_949[%swap3A_950] {strides = array<i32>} : memref<4104xf32, #tpu.memory_space<vmem>>, vector<16xf32>,
      tpu.vector_store %swap3A_949[%swap3A_950], %get3A_913 {strides = array<i32>} : memref<4104xf32, #tpu.memory_space<vmem>>, vector<16xf32>,
      %add3A_952 = arith.addf %add3A_948, %get3A_919 : vector<16xf32>
      %swap3A_953 = tpu.memref_slice %arg6[%mul3A_153] : memref<32832xf32, #tpu.memory_space<vmem>> -> memref<4104xf32, #tpu.memory_space<vmem>>
      %swap3A_954 = arith.constant 1234 : index
      %swap3A_955 = tpu.vector_load %swap3A_953[%swap3A_954] {strides = array<i32>} : memref<4104xf32, #tpu.memory_space<vmem>>, vector<16xf32>,
      tpu.vector_store %swap3A_953[%swap3A_954], %get3A_919 {strides = array<i32>} : memref<4104xf32, #tpu.memory_space<vmem>>, vector<16xf32>,
      %add3A_956 = arith.addf %add3A_952, %get3A_925 : vector<16xf32>
      %swap3A_957 = tpu.memref_slice %arg6[%mul3A_153] : memref<32832xf32, #tpu.memory_space<vmem>> -> memref<4104xf32, #tpu.memory_space<vmem>>
      %swap3A_958 = arith.constant 1250 : index
      %swap3A_959 = tpu.vector_load %swap3A_957[%swap3A_958] {strides = array<i32>} : memref<4104xf32, #tpu.memory_space<vmem>>, vector<16xf32>,
      tpu.vector_store %swap3A_957[%swap3A_958], %get3A_925 {strides = array<i32>} : memref<4104xf32, #tpu.memory_space<vmem>>, vector<16xf32>,
      %add3A_960 = arith.addf %add3A_956, %get3A_931 : vector<16xf32>
      %swap3A_961 = tpu.memref_slice %arg6[%mul3A_153] : memref<32832xf32, #tpu.memory_space<vmem>> -> memref<4104xf32, #tpu.memory_space<vmem>>
      %swap3A_962 = arith.constant 1266 : index
      %swap3A_963 = tpu.vector_load %swap3A_961[%swap3A_962] {strides = array<i32>} : memref<4104xf32, #tpu.memory_space<vmem>>, vector<16xf32>,
      tpu.vector_store %swap3A_961[%swap3A_962], %get3A_931 {strides = array<i32>} : memref<4104xf32, #tpu.memory_space<vmem>>, vector<16xf32>,
      %get3A_964 = arith.constant 2 : i32
      %get3A_965 = arith.constant 0 : i32
      %get3A_966 = tpu.memref_slice %arg5[%mul3A_151, %get3A_965] : memref<64x512xf32, #tpu.memory_space<vmem>> -> memref<8x512xf32, #tpu.memory_space<vmem>>
      %get3A_967 = arith.index_cast %get3A_964 : i32 to index
      %get3A_968 = arith.constant 256 : index
      %get3A_969 = tpu.vector_load %get3A_966[%get3A_967, %get3A_968] {strides = array<i32>} : memref<8x512xf32, #tpu.memory_space<vmem>>, vector<16xf32>,
      %get3A_970 = arith.constant 2 : i32
      %get3A_971 = arith.constant 0 : i32
      %get3A_972 = tpu.memref_slice %arg5[%mul3A_151, %get3A_971] : memref<64x512xf32, #tpu.memory_space<vmem>> -> memref<8x512xf32, #tpu.memory_space<vmem>>
      %get3A_973 = arith.index_cast %get3A_970 : i32 to index
      %get3A_974 = arith.constant 272 : index
      %get3A_975 = tpu.vector_load %get3A_972[%get3A_973, %get3A_974] {strides = array<i32>} : memref<8x512xf32, #tpu.memory_space<vmem>>, vector<16xf32>,
      %get3A_976 = arith.constant 2 : i32
      %get3A_977 = arith.constant 0 : i32
      %get3A_978 = tpu.memref_slice %arg5[%mul3A_151, %get3A_977] : memref<64x512xf32, #tpu.memory_space<vmem>> -> memref<8x512xf32, #tpu.memory_space<vmem>>
      %get3A_979 = arith.index_cast %get3A_976 : i32 to index
      %get3A_980 = arith.constant 288 : index
      %get3A_981 = tpu.vector_load %get3A_978[%get3A_979, %get3A_980] {strides = array<i32>} : memref<8x512xf32, #tpu.memory_space<vmem>>, vector<16xf32>,
      %get3A_982 = arith.constant 2 : i32
      %get3A_983 = arith.constant 0 : i32
      %get3A_984 = tpu.memref_slice %arg5[%mul3A_151, %get3A_983] : memref<64x512xf32, #tpu.memory_space<vmem>> -> memref<8x512xf32, #tpu.memory_space<vmem>>
      %get3A_985 = arith.index_cast %get3A_982 : i32 to index
      %get3A_986 = arith.constant 304 : index
      %get3A_987 = tpu.vector_load %get3A_984[%get3A_985, %get3A_986] {strides = array<i32>} : memref<8x512xf32, #tpu.memory_space<vmem>>, vector<16xf32>,
      %get3A_988 = arith.constant 2 : i32
      %get3A_989 = arith.constant 0 : i32
      %get3A_990 = tpu.memref_slice %arg5[%mul3A_151, %get3A_989] : memref<64x512xf32, #tpu.memory_space<vmem>> -> memref<8x512xf32, #tpu.memory_space<vmem>>
      %get3A_991 = arith.index_cast %get3A_988 : i32 to index
      %get3A_992 = arith.constant 320 : index
      %get3A_993 = tpu.vector_load %get3A_990[%get3A_991, %get3A_992] {strides = array<i32>} : memref<8x512xf32, #tpu.memory_space<vmem>>, vector<16xf32>,
      %get3A_994 = arith.constant 2 : i32
      %get3A_995 = arith.constant 0 : i32
      %get3A_996 = tpu.memref_slice %arg5[%mul3A_151, %get3A_995] : memref<64x512xf32, #tpu.memory_space<vmem>> -> memref<8x512xf32, #tpu.memory_space<vmem>>
      %get3A_997 = arith.index_cast %get3A_994 : i32 to index
      %get3A_998 = arith.constant 336 : index
      %get3A_999 = tpu.vector_load %get3A_996[%get3A_997, %get3A_998] {strides = array<i32>} : memref<8x512xf32, #tpu.memory_space<vmem>>, vector<16xf32>,
      %get3A_1000 = arith.constant 2 : i32
      %get3A_1001 = arith.constant 0 : i32
      %get3A_1002 = tpu.memref_slice %arg5[%mul3A_151, %get3A_1001] : memref<64x512xf32, #tpu.memory_space<vmem>> -> memref<8x512xf32, #tpu.memory_space<vmem>>
      %get3A_1003 = arith.index_cast %get3A_1000 : i32 to index
      %get3A_1004 = arith.constant 352 : index
      %get3A_1005 = tpu.vector_load %get3A_1002[%get3A_1003, %get3A_1004] {strides = array<i32>} : memref<8x512xf32, #tpu.memory_space<vmem>>, vector<16xf32>,
      %get3A_1006 = arith.constant 2 : i32
      %get3A_1007 = arith.constant 0 : i32
      %get3A_1008 = tpu.memref_slice %arg5[%mul3A_151, %get3A_1007] : memref<64x512xf32, #tpu.memory_space<vmem>> -> memref<8x512xf32, #tpu.memory_space<vmem>>
      %get3A_1009 = arith.index_cast %get3A_1006 : i32 to index
      %get3A_1010 = arith.constant 368 : index
      %get3A_1011 = tpu.vector_load %get3A_1008[%get3A_1009, %get3A_1010] {strides = array<i32>} : memref<8x512xf32, #tpu.memory_space<vmem>>, vector<16xf32>,
      %add3A_1012 = arith.addf %add3A_960, %get3A_969 : vector<16xf32>
      %swap3A_1013 = tpu.memref_slice %arg6[%mul3A_153] : memref<32832xf32, #tpu.memory_space<vmem>> -> memref<4104xf32, #tpu.memory_space<vmem>>
      %swap3A_1014 = arith.constant 1282 : index
      %swap3A_1015 = tpu.vector_load %swap3A_1013[%swap3A_1014] {strides = array<i32>} : memref<4104xf32, #tpu.memory_space<vmem>>, vector<16xf32>,
      tpu.vector_store %swap3A_1013[%swap3A_1014], %get3A_969 {strides = array<i32>} : memref<4104xf32, #tpu.memory_space<vmem>>, vector<16xf32>,
      %add3A_1016 = arith.addf %add3A_1012, %get3A_975 : vector<16xf32>
      %swap3A_1017 = tpu.memref_slice %arg6[%mul3A_153] : memref<32832xf32, #tpu.memory_space<vmem>> -> memref<4104xf32, #tpu.memory_space<vmem>>
      %swap3A_1018 = arith.constant 1298 : index
      %swap3A_1019 = tpu.vector_load %swap3A_1017[%swap3A_1018] {strides = array<i32>} : memref<4104xf32, #tpu.memory_space<vmem>>, vector<16xf32>,
      tpu.vector_store %swap3A_1017[%swap3A_1018], %get3A_975 {strides = array<i32>} : memref<4104xf32, #tpu.memory_space<vmem>>, vector<16xf32>,
      %add3A_1020 = arith.addf %add3A_1016, %get3A_981 : vector<16xf32>
      %swap3A_1021 = tpu.memref_slice %arg6[%mul3A_153] : memref<32832xf32, #tpu.memory_space<vmem>> -> memref<4104xf32, #tpu.memory_space<vmem>>
      %swap3A_1022 = arith.constant 1314 : index
      %swap3A_1023 = tpu.vector_load %swap3A_1021[%swap3A_1022] {strides = array<i32>} : memref<4104xf32, #tpu.memory_space<vmem>>, vector<16xf32>,
      tpu.vector_store %swap3A_1021[%swap3A_1022], %get3A_981 {strides = array<i32>} : memref<4104xf32, #tpu.memory_space<vmem>>, vector<16xf32>,
      %add3A_1024 = arith.addf %add3A_1020, %get3A_987 : vector<16xf32>
      %swap3A_1025 = tpu.memref_slice %arg6[%mul3A_153] : memref<32832xf32, #tpu.memory_space<vmem>> -> memref<4104xf32, #tpu.memory_space<vmem>>
      %swap3A_1026 = arith.constant 1330 : index
      %swap3A_1027 = tpu.vector_load %swap3A_1025[%swap3A_1026] {strides = array<i32>} : memref<4104xf32, #tpu.memory_space<vmem>>, vector<16xf32>,
      tpu.vector_store %swap3A_1025[%swap3A_1026], %get3A_987 {strides = array<i32>} : memref<4104xf32, #tpu.memory_space<vmem>>, vector<16xf32>,
      %add3A_1028 = arith.addf %add3A_1024, %get3A_993 : vector<16xf32>
      %swap3A_1029 = tpu.memref_slice %arg6[%mul3A_153] : memref<32832xf32, #tpu.memory_space<vmem>> -> memref<4104xf32, #tpu.memory_space<vmem>>
      %swap3A_1030 = arith.constant 1346 : index
      %swap3A_1031 = tpu.vector_load %swap3A_1029[%swap3A_1030] {strides = array<i32>} : memref<4104xf32, #tpu.memory_space<vmem>>, vector<16xf32>,
      tpu.vector_store %swap3A_1029[%swap3A_1030], %get3A_993 {strides = array<i32>} : memref<4104xf32, #tpu.memory_space<vmem>>, vector<16xf32>,
      %add3A_1032 = arith.addf %add3A_1028, %get3A_999 : vector<16xf32>
      %swap3A_1033 = tpu.memref_slice %arg6[%mul3A_153] : memref<32832xf32, #tpu.memory_space<vmem>> -> memref<4104xf32, #tpu.memory_space<vmem>>
      %swap3A_1034 = arith.constant 1362 : index
      %swap3A_1035 = tpu.vector_load %swap3A_1033[%swap3A_1034] {strides = array<i32>} : memref<4104xf32, #tpu.memory_space<vmem>>, vector<16xf32>,
      tpu.vector_store %swap3A_1033[%swap3A_1034], %get3A_999 {strides = array<i32>} : memref<4104xf32, #tpu.memory_space<vmem>>, vector<16xf32>,
      %add3A_1036 = arith.addf %add3A_1032, %get3A_1005 : vector<16xf32>
      %swap3A_1037 = tpu.memref_slice %arg6[%mul3A_153] : memref<32832xf32, #tpu.memory_space<vmem>> -> memref<4104xf32, #tpu.memory_space<vmem>>
      %swap3A_1038 = arith.constant 1378 : index
      %swap3A_1039 = tpu.vector_load %swap3A_1037[%swap3A_1038] {strides = array<i32>} : memref<4104xf32, #tpu.memory_space<vmem>>, vector<16xf32>,
      tpu.vector_store %swap3A_1037[%swap3A_1038], %get3A_1005 {strides = array<i32>} : memref<4104xf32, #tpu.memory_space<vmem>>, vector<16xf32>,
      %add3A_1040 = arith.addf %add3A_1036, %get3A_1011 : vector<16xf32>
      %swap3A_1041 = tpu.memref_slice %arg6[%mul3A_153] : memref<32832xf32, #tpu.memory_space<vmem>> -> memref<4104xf32, #tpu.memory_space<vmem>>
      %swap3A_1042 = arith.constant 1394 : index
      %swap3A_1043 = tpu.vector_load %swap3A_1041[%swap3A_1042] {strides = array<i32>} : memref<4104xf32, #tpu.memory_space<vmem>>, vector<16xf32>,
      tpu.vector_store %swap3A_1041[%swap3A_1042], %get3A_1011 {strides = array<i32>} : memref<4104xf32, #tpu.memory_space<vmem>>, vector<16xf32>,
      %get3A_1044 = arith.constant 2 : i32
      %get3A_1045 = arith.constant 0 : i32
      %get3A_1046 = tpu.memref_slice %arg5[%mul3A_151, %get3A_1045] : memref<64x512xf32, #tpu.memory_space<vmem>> -> memref<8x512xf32, #tpu.memory_space<vmem>>
      %get3A_1047 = arith.index_cast %get3A_1044 : i32 to index
      %get3A_1048 = arith.constant 384 : index
      %get3A_1049 = tpu.vector_load %get3A_1046[%get3A_1047, %get3A_1048] {strides = array<i32>} : memref<8x512xf32, #tpu.memory_space<vmem>>, vector<16xf32>,
      %get3A_1050 = arith.constant 2 : i32
      %get3A_1051 = arith.constant 0 : i32
      %get3A_1052 = tpu.memref_slice %arg5[%mul3A_151, %get3A_1051] : memref<64x512xf32, #tpu.memory_space<vmem>> -> memref<8x512xf32, #tpu.memory_space<vmem>>
      %get3A_1053 = arith.index_cast %get3A_1050 : i32 to index
      %get3A_1054 = arith.constant 400 : index
      %get3A_1055 = tpu.vector_load %get3A_1052[%get3A_1053, %get3A_1054] {strides = array<i32>} : memref<8x512xf32, #tpu.memory_space<vmem>>, vector<16xf32>,
      %get3A_1056 = arith.constant 2 : i32
      %get3A_1057 = arith.constant 0 : i32
      %get3A_1058 = tpu.memref_slice %arg5[%mul3A_151, %get3A_1057] : memref<64x512xf32, #tpu.memory_space<vmem>> -> memref<8x512xf32, #tpu.memory_space<vmem>>
      %get3A_1059 = arith.index_cast %get3A_1056 : i32 to index
      %get3A_1060 = arith.constant 416 : index
      %get3A_1061 = tpu.vector_load %get3A_1058[%get3A_1059, %get3A_1060] {strides = array<i32>} : memref<8x512xf32, #tpu.memory_space<vmem>>, vector<16xf32>,
      %get3A_1062 = arith.constant 2 : i32
      %get3A_1063 = arith.constant 0 : i32
      %get3A_1064 = tpu.memref_slice %arg5[%mul3A_151, %get3A_1063] : memref<64x512xf32, #tpu.memory_space<vmem>> -> memref<8x512xf32, #tpu.memory_space<vmem>>
      %get3A_1065 = arith.index_cast %get3A_1062 : i32 to index
      %get3A_1066 = arith.constant 432 : index
      %get3A_1067 = tpu.vector_load %get3A_1064[%get3A_1065, %get3A_1066] {strides = array<i32>} : memref<8x512xf32, #tpu.memory_space<vmem>>, vector<16xf32>,
      %get3A_1068 = arith.constant 2 : i32
      %get3A_1069 = arith.constant 0 : i32
      %get3A_1070 = tpu.memref_slice %arg5[%mul3A_151, %get3A_1069] : memref<64x512xf32, #tpu.memory_space<vmem>> -> memref<8x512xf32, #tpu.memory_space<vmem>>
      %get3A_1071 = arith.index_cast %get3A_1068 : i32 to index
      %get3A_1072 = arith.constant 448 : index
      %get3A_1073 = tpu.vector_load %get3A_1070[%get3A_1071, %get3A_1072] {strides = array<i32>} : memref<8x512xf32, #tpu.memory_space<vmem>>, vector<16xf32>,
      %get3A_1074 = arith.constant 2 : i32
      %get3A_1075 = arith.constant 0 : i32
      %get3A_1076 = tpu.memref_slice %arg5[%mul3A_151, %get3A_1075] : memref<64x512xf32, #tpu.memory_space<vmem>> -> memref<8x512xf32, #tpu.memory_space<vmem>>
      %get3A_1077 = arith.index_cast %get3A_1074 : i32 to index
      %get3A_1078 = arith.constant 464 : index
      %get3A_1079 = tpu.vector_load %get3A_1076[%get3A_1077, %get3A_1078] {strides = array<i32>} : memref<8x512xf32, #tpu.memory_space<vmem>>, vector<16xf32>,
      %get3A_1080 = arith.constant 2 : i32
      %get3A_1081 = arith.constant 0 : i32
      %get3A_1082 = tpu.memref_slice %arg5[%mul3A_151, %get3A_1081] : memref<64x512xf32, #tpu.memory_space<vmem>> -> memref<8x512xf32, #tpu.memory_space<vmem>>
      %get3A_1083 = arith.index_cast %get3A_1080 : i32 to index
      %get3A_1084 = arith.constant 480 : index
      %get3A_1085 = tpu.vector_load %get3A_1082[%get3A_1083, %get3A_1084] {strides = array<i32>} : memref<8x512xf32, #tpu.memory_space<vmem>>, vector<16xf32>,
      %get3A_1086 = arith.constant 2 : i32
      %get3A_1087 = arith.constant 0 : i32
      %get3A_1088 = tpu.memref_slice %arg5[%mul3A_151, %get3A_1087] : memref<64x512xf32, #tpu.memory_space<vmem>> -> memref<8x512xf32, #tpu.memory_space<vmem>>
      %get3A_1089 = arith.index_cast %get3A_1086 : i32 to index
      %get3A_1090 = arith.constant 496 : index
      %get3A_1091 = tpu.vector_load %get3A_1088[%get3A_1089, %get3A_1090] {strides = array<i32>} : memref<8x512xf32, #tpu.memory_space<vmem>>, vector<16xf32>,
      %add3A_1092 = arith.addf %add3A_1040, %get3A_1049 : vector<16xf32>
      %swap3A_1093 = tpu.memref_slice %arg6[%mul3A_153] : memref<32832xf32, #tpu.memory_space<vmem>> -> memref<4104xf32, #tpu.memory_space<vmem>>
      %swap3A_1094 = arith.constant 1410 : index
      %swap3A_1095 = tpu.vector_load %swap3A_1093[%swap3A_1094] {strides = array<i32>} : memref<4104xf32, #tpu.memory_space<vmem>>, vector<16xf32>,
      tpu.vector_store %swap3A_1093[%swap3A_1094], %get3A_1049 {strides = array<i32>} : memref<4104xf32, #tpu.memory_space<vmem>>, vector<16xf32>,
      %add3A_1096 = arith.addf %add3A_1092, %get3A_1055 : vector<16xf32>
      %swap3A_1097 = tpu.memref_slice %arg6[%mul3A_153] : memref<32832xf32, #tpu.memory_space<vmem>> -> memref<4104xf32, #tpu.memory_space<vmem>>
      %swap3A_1098 = arith.constant 1426 : index
      %swap3A_1099 = tpu.vector_load %swap3A_1097[%swap3A_1098] {strides = array<i32>} : memref<4104xf32, #tpu.memory_space<vmem>>, vector<16xf32>,
      tpu.vector_store %swap3A_1097[%swap3A_1098], %get3A_1055 {strides = array<i32>} : memref<4104xf32, #tpu.memory_space<vmem>>, vector<16xf32>,
      %add3A_1100 = arith.addf %add3A_1096, %get3A_1061 : vector<16xf32>
      %swap3A_1101 = tpu.memref_slice %arg6[%mul3A_153] : memref<32832xf32, #tpu.memory_space<vmem>> -> memref<4104xf32, #tpu.memory_space<vmem>>
      %swap3A_1102 = arith.constant 1442 : index
      %swap3A_1103 = tpu.vector_load %swap3A_1101[%swap3A_1102] {strides = array<i32>} : memref<4104xf32, #tpu.memory_space<vmem>>, vector<16xf32>,
      tpu.vector_store %swap3A_1101[%swap3A_1102], %get3A_1061 {strides = array<i32>} : memref<4104xf32, #tpu.memory_space<vmem>>, vector<16xf32>,
      %add3A_1104 = arith.addf %add3A_1100, %get3A_1067 : vector<16xf32>
      %swap3A_1105 = tpu.memref_slice %arg6[%mul3A_153] : memref<32832xf32, #tpu.memory_space<vmem>> -> memref<4104xf32, #tpu.memory_space<vmem>>
      %swap3A_1106 = arith.constant 1458 : index
      %swap3A_1107 = tpu.vector_load %swap3A_1105[%swap3A_1106] {strides = array<i32>} : memref<4104xf32, #tpu.memory_space<vmem>>, vector<16xf32>,
      tpu.vector_store %swap3A_1105[%swap3A_1106], %get3A_1067 {strides = array<i32>} : memref<4104xf32, #tpu.memory_space<vmem>>, vector<16xf32>,
      %add3A_1108 = arith.addf %add3A_1104, %get3A_1073 : vector<16xf32>
      %swap3A_1109 = tpu.memref_slice %arg6[%mul3A_153] : memref<32832xf32, #tpu.memory_space<vmem>> -> memref<4104xf32, #tpu.memory_space<vmem>>
      %swap3A_1110 = arith.constant 1474 : index
      %swap3A_1111 = tpu.vector_load %swap3A_1109[%swap3A_1110] {strides = array<i32>} : memref<4104xf32, #tpu.memory_space<vmem>>, vector<16xf32>,
      tpu.vector_store %swap3A_1109[%swap3A_1110], %get3A_1073 {strides = array<i32>} : memref<4104xf32, #tpu.memory_space<vmem>>, vector<16xf32>,
      %add3A_1112 = arith.addf %add3A_1108, %get3A_1079 : vector<16xf32>
      %swap3A_1113 = tpu.memref_slice %arg6[%mul3A_153] : memref<32832xf32, #tpu.memory_space<vmem>> -> memref<4104xf32, #tpu.memory_space<vmem>>
      %swap3A_1114 = arith.constant 1490 : index
      %swap3A_1115 = tpu.vector_load %swap3A_1113[%swap3A_1114] {strides = array<i32>} : memref<4104xf32, #tpu.memory_space<vmem>>, vector<16xf32>,
      tpu.vector_store %swap3A_1113[%swap3A_1114], %get3A_1079 {strides = array<i32>} : memref<4104xf32, #tpu.memory_space<vmem>>, vector<16xf32>,
      %add3A_1116 = arith.addf %add3A_1112, %get3A_1085 : vector<16xf32>
      %swap3A_1117 = tpu.memref_slice %arg6[%mul3A_153] : memref<32832xf32, #tpu.memory_space<vmem>> -> memref<4104xf32, #tpu.memory_space<vmem>>
      %swap3A_1118 = arith.constant 1506 : index
      %swap3A_1119 = tpu.vector_load %swap3A_1117[%swap3A_1118] {strides = array<i32>} : memref<4104xf32, #tpu.memory_space<vmem>>, vector<16xf32>,
      tpu.vector_store %swap3A_1117[%swap3A_1118], %get3A_1085 {strides = array<i32>} : memref<4104xf32, #tpu.memory_space<vmem>>, vector<16xf32>,
      %add3A_1120 = arith.addf %add3A_1116, %get3A_1091 : vector<16xf32>
      %swap3A_1121 = tpu.memref_slice %arg6[%mul3A_153] : memref<32832xf32, #tpu.memory_space<vmem>> -> memref<4104xf32, #tpu.memory_space<vmem>>
      %swap3A_1122 = arith.constant 1522 : index
      %swap3A_1123 = tpu.vector_load %swap3A_1121[%swap3A_1122] {strides = array<i32>} : memref<4104xf32, #tpu.memory_space<vmem>>, vector<16xf32>,
      tpu.vector_store %swap3A_1121[%swap3A_1122], %get3A_1091 {strides = array<i32>} : memref<4104xf32, #tpu.memory_space<vmem>>, vector<16xf32>,
      %swap3A_1124 = arith.constant 2 : i32
      %swap3A_1125 = arith.constant 0 : i32
      %swap3A_1126 = tpu.memref_slice %arg8[%mul3A_155, %swap3A_1125] : memref<64x16xf32, #tpu.memory_space<vmem>> -> memref<8x16xf32, #tpu.memory_space<vmem>>
      %swap3A_1127 = arith.index_cast %swap3A_1124 : i32 to index
      %swap3A_1128 = arith.constant 0 : index
      %swap3A_1129 = tpu.vector_load %swap3A_1126[%swap3A_1127, %swap3A_1128] {strides = array<i32>} : memref<8x16xf32, #tpu.memory_space<vmem>>, vector<16xf32>,
      tpu.vector_store %swap3A_1126[%swap3A_1127, %swap3A_1128], %add3A_1120 {strides = array<i32>} : memref<8x16xf32, #tpu.memory_space<vmem>>, vector<16xf32>,
      %get3A_1130 = arith.constant 3 : i32
      %get3A_1131 = arith.constant 0 : i32
      %get3A_1132 = tpu.memref_slice %arg5[%mul3A_151, %get3A_1131] : memref<64x512xf32, #tpu.memory_space<vmem>> -> memref<8x512xf32, #tpu.memory_space<vmem>>
      %get3A_1133 = arith.index_cast %get3A_1130 : i32 to index
      %get3A_1134 = arith.constant 0 : index
      %get3A_1135 = tpu.vector_load %get3A_1132[%get3A_1133, %get3A_1134] {strides = array<i32>} : memref<8x512xf32, #tpu.memory_space<vmem>>, vector<16xf32>,
      %get3A_1136 = arith.constant 3 : i32
      %get3A_1137 = arith.constant 0 : i32
      %get3A_1138 = tpu.memref_slice %arg5[%mul3A_151, %get3A_1137] : memref<64x512xf32, #tpu.memory_space<vmem>> -> memref<8x512xf32, #tpu.memory_space<vmem>>
      %get3A_1139 = arith.index_cast %get3A_1136 : i32 to index
      %get3A_1140 = arith.constant 16 : index
      %get3A_1141 = tpu.vector_load %get3A_1138[%get3A_1139, %get3A_1140] {strides = array<i32>} : memref<8x512xf32, #tpu.memory_space<vmem>>, vector<16xf32>,
      %get3A_1142 = arith.constant 3 : i32
      %get3A_1143 = arith.constant 0 : i32
      %get3A_1144 = tpu.memref_slice %arg5[%mul3A_151, %get3A_1143] : memref<64x512xf32, #tpu.memory_space<vmem>> -> memref<8x512xf32, #tpu.memory_space<vmem>>
      %get3A_1145 = arith.index_cast %get3A_1142 : i32 to index
      %get3A_1146 = arith.constant 32 : index
      %get3A_1147 = tpu.vector_load %get3A_1144[%get3A_1145, %get3A_1146] {strides = array<i32>} : memref<8x512xf32, #tpu.memory_space<vmem>>, vector<16xf32>,
      %get3A_1148 = arith.constant 3 : i32
      %get3A_1149 = arith.constant 0 : i32
      %get3A_1150 = tpu.memref_slice %arg5[%mul3A_151, %get3A_1149] : memref<64x512xf32, #tpu.memory_space<vmem>> -> memref<8x512xf32, #tpu.memory_space<vmem>>
      %get3A_1151 = arith.index_cast %get3A_1148 : i32 to index
      %get3A_1152 = arith.constant 48 : index
      %get3A_1153 = tpu.vector_load %get3A_1150[%get3A_1151, %get3A_1152] {strides = array<i32>} : memref<8x512xf32, #tpu.memory_space<vmem>>, vector<16xf32>,
      %get3A_1154 = arith.constant 3 : i32
      %get3A_1155 = arith.constant 0 : i32
      %get3A_1156 = tpu.memref_slice %arg5[%mul3A_151, %get3A_1155] : memref<64x512xf32, #tpu.memory_space<vmem>> -> memref<8x512xf32, #tpu.memory_space<vmem>>
      %get3A_1157 = arith.index_cast %get3A_1154 : i32 to index
      %get3A_1158 = arith.constant 64 : index
      %get3A_1159 = tpu.vector_load %get3A_1156[%get3A_1157, %get3A_1158] {strides = array<i32>} : memref<8x512xf32, #tpu.memory_space<vmem>>, vector<16xf32>,
      %get3A_1160 = arith.constant 3 : i32
      %get3A_1161 = arith.constant 0 : i32
      %get3A_1162 = tpu.memref_slice %arg5[%mul3A_151, %get3A_1161] : memref<64x512xf32, #tpu.memory_space<vmem>> -> memref<8x512xf32, #tpu.memory_space<vmem>>
      %get3A_1163 = arith.index_cast %get3A_1160 : i32 to index
      %get3A_1164 = arith.constant 80 : index
      %get3A_1165 = tpu.vector_load %get3A_1162[%get3A_1163, %get3A_1164] {strides = array<i32>} : memref<8x512xf32, #tpu.memory_space<vmem>>, vector<16xf32>,
      %get3A_1166 = arith.constant 3 : i32
      %get3A_1167 = arith.constant 0 : i32
      %get3A_1168 = tpu.memref_slice %arg5[%mul3A_151, %get3A_1167] : memref<64x512xf32, #tpu.memory_space<vmem>> -> memref<8x512xf32, #tpu.memory_space<vmem>>
      %get3A_1169 = arith.index_cast %get3A_1166 : i32 to index
      %get3A_1170 = arith.constant 96 : index
      %get3A_1171 = tpu.vector_load %get3A_1168[%get3A_1169, %get3A_1170] {strides = array<i32>} : memref<8x512xf32, #tpu.memory_space<vmem>>, vector<16xf32>,
      %get3A_1172 = arith.constant 3 : i32
      %get3A_1173 = arith.constant 0 : i32
      %get3A_1174 = tpu.memref_slice %arg5[%mul3A_151, %get3A_1173] : memref<64x512xf32, #tpu.memory_space<vmem>> -> memref<8x512xf32, #tpu.memory_space<vmem>>
      %get3A_1175 = arith.index_cast %get3A_1172 : i32 to index
      %get3A_1176 = arith.constant 112 : index
      %get3A_1177 = tpu.vector_load %get3A_1174[%get3A_1175, %get3A_1176] {strides = array<i32>} : memref<8x512xf32, #tpu.memory_space<vmem>>, vector<16xf32>,
      %swap3A_1178 = tpu.memref_slice %arg6[%mul3A_153] : memref<32832xf32, #tpu.memory_space<vmem>> -> memref<4104xf32, #tpu.memory_space<vmem>>
      %swap3A_1179 = arith.constant 1539 : index
      %swap3A_1180 = tpu.vector_load %swap3A_1178[%swap3A_1179] {strides = array<i32>} : memref<4104xf32, #tpu.memory_space<vmem>>, vector<16xf32>,
      tpu.vector_store %swap3A_1178[%swap3A_1179], %get3A_1135 {strides = array<i32>} : memref<4104xf32, #tpu.memory_space<vmem>>, vector<16xf32>,
      %add3A_1181 = arith.addf %get3A_1135, %get3A_1141 : vector<16xf32>
      %swap3A_1182 = tpu.memref_slice %arg6[%mul3A_153] : memref<32832xf32, #tpu.memory_space<vmem>> -> memref<4104xf32, #tpu.memory_space<vmem>>
      %swap3A_1183 = arith.constant 1555 : index
      %swap3A_1184 = tpu.vector_load %swap3A_1182[%swap3A_1183] {strides = array<i32>} : memref<4104xf32, #tpu.memory_space<vmem>>, vector<16xf32>,
      tpu.vector_store %swap3A_1182[%swap3A_1183], %get3A_1141 {strides = array<i32>} : memref<4104xf32, #tpu.memory_space<vmem>>, vector<16xf32>,
      %add3A_1185 = arith.addf %add3A_1181, %get3A_1147 : vector<16xf32>
      %swap3A_1186 = tpu.memref_slice %arg6[%mul3A_153] : memref<32832xf32, #tpu.memory_space<vmem>> -> memref<4104xf32, #tpu.memory_space<vmem>>
      %swap3A_1187 = arith.constant 1571 : index
      %swap3A_1188 = tpu.vector_load %swap3A_1186[%swap3A_1187] {strides = array<i32>} : memref<4104xf32, #tpu.memory_space<vmem>>, vector<16xf32>,
      tpu.vector_store %swap3A_1186[%swap3A_1187], %get3A_1147 {strides = array<i32>} : memref<4104xf32, #tpu.memory_space<vmem>>, vector<16xf32>,
      %add3A_1189 = arith.addf %add3A_1185, %get3A_1153 : vector<16xf32>
      %swap3A_1190 = tpu.memref_slice %arg6[%mul3A_153] : memref<32832xf32, #tpu.memory_space<vmem>> -> memref<4104xf32, #tpu.memory_space<vmem>>
      %swap3A_1191 = arith.constant 1587 : index
      %swap3A_1192 = tpu.vector_load %swap3A_1190[%swap3A_1191] {strides = array<i32>} : memref<4104xf32, #tpu.memory_space<vmem>>, vector<16xf32>,
      tpu.vector_store %swap3A_1190[%swap3A_1191], %get3A_1153 {strides = array<i32>} : memref<4104xf32, #tpu.memory_space<vmem>>, vector<16xf32>,
      %add3A_1193 = arith.addf %add3A_1189, %get3A_1159 : vector<16xf32>
      %swap3A_1194 = tpu.memref_slice %arg6[%mul3A_153] : memref<32832xf32, #tpu.memory_space<vmem>> -> memref<4104xf32, #tpu.memory_space<vmem>>
      %swap3A_1195 = arith.constant 1603 : index
      %swap3A_1196 = tpu.vector_load %swap3A_1194[%swap3A_1195] {strides = array<i32>} : memref<4104xf32, #tpu.memory_space<vmem>>, vector<16xf32>,
      tpu.vector_store %swap3A_1194[%swap3A_1195], %get3A_1159 {strides = array<i32>} : memref<4104xf32, #tpu.memory_space<vmem>>, vector<16xf32>,
      %add3A_1197 = arith.addf %add3A_1193, %get3A_1165 : vector<16xf32>
      %swap3A_1198 = tpu.memref_slice %arg6[%mul3A_153] : memref<32832xf32, #tpu.memory_space<vmem>> -> memref<4104xf32, #tpu.memory_space<vmem>>
      %swap3A_1199 = arith.constant 1619 : index
      %swap3A_1200 = tpu.vector_load %swap3A_1198[%swap3A_1199] {strides = array<i32>} : memref<4104xf32, #tpu.memory_space<vmem>>, vector<16xf32>,
      tpu.vector_store %swap3A_1198[%swap3A_1199], %get3A_1165 {strides = array<i32>} : memref<4104xf32, #tpu.memory_space<vmem>>, vector<16xf32>,
      %add3A_1201 = arith.addf %add3A_1197, %get3A_1171 : vector<16xf32>
      %swap3A_1202 = tpu.memref_slice %arg6[%mul3A_153] : memref<32832xf32, #tpu.memory_space<vmem>> -> memref<4104xf32, #tpu.memory_space<vmem>>
      %swap3A_1203 = arith.constant 1635 : index
      %swap3A_1204 = tpu.vector_load %swap3A_1202[%swap3A_1203] {strides = array<i32>} : memref<4104xf32, #tpu.memory_space<vmem>>, vector<16xf32>,
      tpu.vector_store %swap3A_1202[%swap3A_1203], %get3A_1171 {strides = array<i32>} : memref<4104xf32, #tpu.memory_space<vmem>>, vector<16xf32>,
      %add3A_1205 = arith.addf %add3A_1201, %get3A_1177 : vector<16xf32>
      %swap3A_1206 = tpu.memref_slice %arg6[%mul3A_153] : memref<32832xf32, #tpu.memory_space<vmem>> -> memref<4104xf32, #tpu.memory_space<vmem>>
      %swap3A_1207 = arith.constant 1651 : index
      %swap3A_1208 = tpu.vector_load %swap3A_1206[%swap3A_1207] {strides = array<i32>} : memref<4104xf32, #tpu.memory_space<vmem>>, vector<16xf32>,
      tpu.vector_store %swap3A_1206[%swap3A_1207], %get3A_1177 {strides = array<i32>} : memref<4104xf32, #tpu.memory_space<vmem>>, vector<16xf32>,
      %get3A_1209 = arith.constant 3 : i32
      %get3A_1210 = arith.constant 0 : i32
      %get3A_1211 = tpu.memref_slice %arg5[%mul3A_151, %get3A_1210] : memref<64x512xf32, #tpu.memory_space<vmem>> -> memref<8x512xf32, #tpu.memory_space<vmem>>
      %get3A_1212 = arith.index_cast %get3A_1209 : i32 to index
      %get3A_1213 = arith.constant 128 : index
      %get3A_1214 = tpu.vector_load %get3A_1211[%get3A_1212, %get3A_1213] {strides = array<i32>} : memref<8x512xf32, #tpu.memory_space<vmem>>, vector<16xf32>,
      %get3A_1215 = arith.constant 3 : i32
      %get3A_1216 = arith.constant 0 : i32
      %get3A_1217 = tpu.memref_slice %arg5[%mul3A_151, %get3A_1216] : memref<64x512xf32, #tpu.memory_space<vmem>> -> memref<8x512xf32, #tpu.memory_space<vmem>>
      %get3A_1218 = arith.index_cast %get3A_1215 : i32 to index
      %get3A_1219 = arith.constant 144 : index
      %get3A_1220 = tpu.vector_load %get3A_1217[%get3A_1218, %get3A_1219] {strides = array<i32>} : memref<8x512xf32, #tpu.memory_space<vmem>>, vector<16xf32>,
      %get3A_1221 = arith.constant 3 : i32
      %get3A_1222 = arith.constant 0 : i32
      %get3A_1223 = tpu.memref_slice %arg5[%mul3A_151, %get3A_1222] : memref<64x512xf32, #tpu.memory_space<vmem>> -> memref<8x512xf32, #tpu.memory_space<vmem>>
      %get3A_1224 = arith.index_cast %get3A_1221 : i32 to index
      %get3A_1225 = arith.constant 160 : index
      %get3A_1226 = tpu.vector_load %get3A_1223[%get3A_1224, %get3A_1225] {strides = array<i32>} : memref<8x512xf32, #tpu.memory_space<vmem>>, vector<16xf32>,
      %get3A_1227 = arith.constant 3 : i32
      %get3A_1228 = arith.constant 0 : i32
      %get3A_1229 = tpu.memref_slice %arg5[%mul3A_151, %get3A_1228] : memref<64x512xf32, #tpu.memory_space<vmem>> -> memref<8x512xf32, #tpu.memory_space<vmem>>
      %get3A_1230 = arith.index_cast %get3A_1227 : i32 to index
      %get3A_1231 = arith.constant 176 : index
      %get3A_1232 = tpu.vector_load %get3A_1229[%get3A_1230, %get3A_1231] {strides = array<i32>} : memref<8x512xf32, #tpu.memory_space<vmem>>, vector<16xf32>,
      %get3A_1233 = arith.constant 3 : i32
      %get3A_1234 = arith.constant 0 : i32
      %get3A_1235 = tpu.memref_slice %arg5[%mul3A_151, %get3A_1234] : memref<64x512xf32, #tpu.memory_space<vmem>> -> memref<8x512xf32, #tpu.memory_space<vmem>>
      %get3A_1236 = arith.index_cast %get3A_1233 : i32 to index
      %get3A_1237 = arith.constant 192 : index
      %get3A_1238 = tpu.vector_load %get3A_1235[%get3A_1236, %get3A_1237] {strides = array<i32>} : memref<8x512xf32, #tpu.memory_space<vmem>>, vector<16xf32>,
      %get3A_1239 = arith.constant 3 : i32
      %get3A_1240 = arith.constant 0 : i32
      %get3A_1241 = tpu.memref_slice %arg5[%mul3A_151, %get3A_1240] : memref<64x512xf32, #tpu.memory_space<vmem>> -> memref<8x512xf32, #tpu.memory_space<vmem>>
      %get3A_1242 = arith.index_cast %get3A_1239 : i32 to index
      %get3A_1243 = arith.constant 208 : index
      %get3A_1244 = tpu.vector_load %get3A_1241[%get3A_1242, %get3A_1243] {strides = array<i32>} : memref<8x512xf32, #tpu.memory_space<vmem>>, vector<16xf32>,
      %get3A_1245 = arith.constant 3 : i32
      %get3A_1246 = arith.constant 0 : i32
      %get3A_1247 = tpu.memref_slice %arg5[%mul3A_151, %get3A_1246] : memref<64x512xf32, #tpu.memory_space<vmem>> -> memref<8x512xf32, #tpu.memory_space<vmem>>
      %get3A_1248 = arith.index_cast %get3A_1245 : i32 to index
      %get3A_1249 = arith.constant 224 : index
      %get3A_1250 = tpu.vector_load %get3A_1247[%get3A_1248, %get3A_1249] {strides = array<i32>} : memref<8x512xf32, #tpu.memory_space<vmem>>, vector<16xf32>,
      %get3A_1251 = arith.constant 3 : i32
      %get3A_1252 = arith.constant 0 : i32
      %get3A_1253 = tpu.memref_slice %arg5[%mul3A_151, %get3A_1252] : memref<64x512xf32, #tpu.memory_space<vmem>> -> memref<8x512xf32, #tpu.memory_space<vmem>>
      %get3A_1254 = arith.index_cast %get3A_1251 : i32 to index
      %get3A_1255 = arith.constant 240 : index
      %get3A_1256 = tpu.vector_load %get3A_1253[%get3A_1254, %get3A_1255] {strides = array<i32>} : memref<8x512xf32, #tpu.memory_space<vmem>>, vector<16xf32>,
      %add3A_1257 = arith.addf %add3A_1205, %get3A_1214 : vector<16xf32>
      %swap3A_1258 = tpu.memref_slice %arg6[%mul3A_153] : memref<32832xf32, #tpu.memory_space<vmem>> -> memref<4104xf32, #tpu.memory_space<vmem>>
      %swap3A_1259 = arith.constant 1667 : index
      %swap3A_1260 = tpu.vector_load %swap3A_1258[%swap3A_1259] {strides = array<i32>} : memref<4104xf32, #tpu.memory_space<vmem>>, vector<16xf32>,
      tpu.vector_store %swap3A_1258[%swap3A_1259], %get3A_1214 {strides = array<i32>} : memref<4104xf32, #tpu.memory_space<vmem>>, vector<16xf32>,
      %add3A_1261 = arith.addf %add3A_1257, %get3A_1220 : vector<16xf32>
      %swap3A_1262 = tpu.memref_slice %arg6[%mul3A_153] : memref<32832xf32, #tpu.memory_space<vmem>> -> memref<4104xf32, #tpu.memory_space<vmem>>
      %swap3A_1263 = arith.constant 1683 : index
      %swap3A_1264 = tpu.vector_load %swap3A_1262[%swap3A_1263] {strides = array<i32>} : memref<4104xf32, #tpu.memory_space<vmem>>, vector<16xf32>,
      tpu.vector_store %swap3A_1262[%swap3A_1263], %get3A_1220 {strides = array<i32>} : memref<4104xf32, #tpu.memory_space<vmem>>, vector<16xf32>,
      %add3A_1265 = arith.addf %add3A_1261, %get3A_1226 : vector<16xf32>
      %swap3A_1266 = tpu.memref_slice %arg6[%mul3A_153] : memref<32832xf32, #tpu.memory_space<vmem>> -> memref<4104xf32, #tpu.memory_space<vmem>>
      %swap3A_1267 = arith.constant 1699 : index
      %swap3A_1268 = tpu.vector_load %swap3A_1266[%swap3A_1267] {strides = array<i32>} : memref<4104xf32, #tpu.memory_space<vmem>>, vector<16xf32>,
      tpu.vector_store %swap3A_1266[%swap3A_1267], %get3A_1226 {strides = array<i32>} : memref<4104xf32, #tpu.memory_space<vmem>>, vector<16xf32>,
      %add3A_1269 = arith.addf %add3A_1265, %get3A_1232 : vector<16xf32>
      %swap3A_1270 = tpu.memref_slice %arg6[%mul3A_153] : memref<32832xf32, #tpu.memory_space<vmem>> -> memref<4104xf32, #tpu.memory_space<vmem>>
      %swap3A_1271 = arith.constant 1715 : index
      %swap3A_1272 = tpu.vector_load %swap3A_1270[%swap3A_1271] {strides = array<i32>} : memref<4104xf32, #tpu.memory_space<vmem>>, vector<16xf32>,
      tpu.vector_store %swap3A_1270[%swap3A_1271], %get3A_1232 {strides = array<i32>} : memref<4104xf32, #tpu.memory_space<vmem>>, vector<16xf32>,
      %add3A_1273 = arith.addf %add3A_1269, %get3A_1238 : vector<16xf32>
      %swap3A_1274 = tpu.memref_slice %arg6[%mul3A_153] : memref<32832xf32, #tpu.memory_space<vmem>> -> memref<4104xf32, #tpu.memory_space<vmem>>
      %swap3A_1275 = arith.constant 1731 : index
      %swap3A_1276 = tpu.vector_load %swap3A_1274[%swap3A_1275] {strides = array<i32>} : memref<4104xf32, #tpu.memory_space<vmem>>, vector<16xf32>,
      tpu.vector_store %swap3A_1274[%swap3A_1275], %get3A_1238 {strides = array<i32>} : memref<4104xf32, #tpu.memory_space<vmem>>, vector<16xf32>,
      %add3A_1277 = arith.addf %add3A_1273, %get3A_1244 : vector<16xf32>
      %swap3A_1278 = tpu.memref_slice %arg6[%mul3A_153] : memref<32832xf32, #tpu.memory_space<vmem>> -> memref<4104xf32, #tpu.memory_space<vmem>>
      %swap3A_1279 = arith.constant 1747 : index
      %swap3A_1280 = tpu.vector_load %swap3A_1278[%swap3A_1279] {strides = array<i32>} : memref<4104xf32, #tpu.memory_space<vmem>>, vector<16xf32>,
      tpu.vector_store %swap3A_1278[%swap3A_1279], %get3A_1244 {strides = array<i32>} : memref<4104xf32, #tpu.memory_space<vmem>>, vector<16xf32>,
      %add3A_1281 = arith.addf %add3A_1277, %get3A_1250 : vector<16xf32>
      %swap3A_1282 = tpu.memref_slice %arg6[%mul3A_153] : memref<32832xf32, #tpu.memory_space<vmem>> -> memref<4104xf32, #tpu.memory_space<vmem>>
      %swap3A_1283 = arith.constant 1763 : index
      %swap3A_1284 = tpu.vector_load %swap3A_1282[%swap3A_1283] {strides = array<i32>} : memref<4104xf32, #tpu.memory_space<vmem>>, vector<16xf32>,
      tpu.vector_store %swap3A_1282[%swap3A_1283], %get3A_1250 {strides = array<i32>} : memref<4104xf32, #tpu.memory_space<vmem>>, vector<16xf32>,
      %add3A_1285 = arith.addf %add3A_1281, %get3A_1256 : vector<16xf32>
      %swap3A_1286 = tpu.memref_slice %arg6[%mul3A_153] : memref<32832xf32, #tpu.memory_space<vmem>> -> memref<4104xf32, #tpu.memory_space<vmem>>
      %swap3A_1287 = arith.constant 1779 : index
      %swap3A_1288 = tpu.vector_load %swap3A_1286[%swap3A_1287] {strides = array<i32>} : memref<4104xf32, #tpu.memory_space<vmem>>, vector<16xf32>,
      tpu.vector_store %swap3A_1286[%swap3A_1287], %get3A_1256 {strides = array<i32>} : memref<4104xf32, #tpu.memory_space<vmem>>, vector<16xf32>,
      %get3A_1289 = arith.constant 3 : i32
      %get3A_1290 = arith.constant 0 : i32
      %get3A_1291 = tpu.memref_slice %arg5[%mul3A_151, %get3A_1290] : memref<64x512xf32, #tpu.memory_space<vmem>> -> memref<8x512xf32, #tpu.memory_space<vmem>>
      %get3A_1292 = arith.index_cast %get3A_1289 : i32 to index
      %get3A_1293 = arith.constant 256 : index
      %get3A_1294 = tpu.vector_load %get3A_1291[%get3A_1292, %get3A_1293] {strides = array<i32>} : memref<8x512xf32, #tpu.memory_space<vmem>>, vector<16xf32>,
      %get3A_1295 = arith.constant 3 : i32
      %get3A_1296 = arith.constant 0 : i32
      %get3A_1297 = tpu.memref_slice %arg5[%mul3A_151, %get3A_1296] : memref<64x512xf32, #tpu.memory_space<vmem>> -> memref<8x512xf32, #tpu.memory_space<vmem>>
      %get3A_1298 = arith.index_cast %get3A_1295 : i32 to index
      %get3A_1299 = arith.constant 272 : index
      %get3A_1300 = tpu.vector_load %get3A_1297[%get3A_1298, %get3A_1299] {strides = array<i32>} : memref<8x512xf32, #tpu.memory_space<vmem>>, vector<16xf32>,
      %get3A_1301 = arith.constant 3 : i32
      %get3A_1302 = arith.constant 0 : i32
      %get3A_1303 = tpu.memref_slice %arg5[%mul3A_151, %get3A_1302] : memref<64x512xf32, #tpu.memory_space<vmem>> -> memref<8x512xf32, #tpu.memory_space<vmem>>
      %get3A_1304 = arith.index_cast %get3A_1301 : i32 to index
      %get3A_1305 = arith.constant 288 : index
      %get3A_1306 = tpu.vector_load %get3A_1303[%get3A_1304, %get3A_1305] {strides = array<i32>} : memref<8x512xf32, #tpu.memory_space<vmem>>, vector<16xf32>,
      %get3A_1307 = arith.constant 3 : i32
      %get3A_1308 = arith.constant 0 : i32
      %get3A_1309 = tpu.memref_slice %arg5[%mul3A_151, %get3A_1308] : memref<64x512xf32, #tpu.memory_space<vmem>> -> memref<8x512xf32, #tpu.memory_space<vmem>>
      %get3A_1310 = arith.index_cast %get3A_1307 : i32 to index
      %get3A_1311 = arith.constant 304 : index
      %get3A_1312 = tpu.vector_load %get3A_1309[%get3A_1310, %get3A_1311] {strides = array<i32>} : memref<8x512xf32, #tpu.memory_space<vmem>>, vector<16xf32>,
      %get3A_1313 = arith.constant 3 : i32
      %get3A_1314 = arith.constant 0 : i32
      %get3A_1315 = tpu.memref_slice %arg5[%mul3A_151, %get3A_1314] : memref<64x512xf32, #tpu.memory_space<vmem>> -> memref<8x512xf32, #tpu.memory_space<vmem>>
      %get3A_1316 = arith.index_cast %get3A_1313 : i32 to index
      %get3A_1317 = arith.constant 320 : index
      %get3A_1318 = tpu.vector_load %get3A_1315[%get3A_1316, %get3A_1317] {strides = array<i32>} : memref<8x512xf32, #tpu.memory_space<vmem>>, vector<16xf32>,
      %get3A_1319 = arith.constant 3 : i32
      %get3A_1320 = arith.constant 0 : i32
      %get3A_1321 = tpu.memref_slice %arg5[%mul3A_151, %get3A_1320] : memref<64x512xf32, #tpu.memory_space<vmem>> -> memref<8x512xf32, #tpu.memory_space<vmem>>
      %get3A_1322 = arith.index_cast %get3A_1319 : i32 to index
      %get3A_1323 = arith.constant 336 : index
      %get3A_1324 = tpu.vector_load %get3A_1321[%get3A_1322, %get3A_1323] {strides = array<i32>} : memref<8x512xf32, #tpu.memory_space<vmem>>, vector<16xf32>,
      %get3A_1325 = arith.constant 3 : i32
      %get3A_1326 = arith.constant 0 : i32
      %get3A_1327 = tpu.memref_slice %arg5[%mul3A_151, %get3A_1326] : memref<64x512xf32, #tpu.memory_space<vmem>> -> memref<8x512xf32, #tpu.memory_space<vmem>>
      %get3A_1328 = arith.index_cast %get3A_1325 : i32 to index
      %get3A_1329 = arith.constant 352 : index
      %get3A_1330 = tpu.vector_load %get3A_1327[%get3A_1328, %get3A_1329] {strides = array<i32>} : memref<8x512xf32, #tpu.memory_space<vmem>>, vector<16xf32>,
      %get3A_1331 = arith.constant 3 : i32
      %get3A_1332 = arith.constant 0 : i32
      %get3A_1333 = tpu.memref_slice %arg5[%mul3A_151, %get3A_1332] : memref<64x512xf32, #tpu.memory_space<vmem>> -> memref<8x512xf32, #tpu.memory_space<vmem>>
      %get3A_1334 = arith.index_cast %get3A_1331 : i32 to index
      %get3A_1335 = arith.constant 368 : index
      %get3A_1336 = tpu.vector_load %get3A_1333[%get3A_1334, %get3A_1335] {strides = array<i32>} : memref<8x512xf32, #tpu.memory_space<vmem>>, vector<16xf32>,
      %add3A_1337 = arith.addf %add3A_1285, %get3A_1294 : vector<16xf32>
      %swap3A_1338 = tpu.memref_slice %arg6[%mul3A_153] : memref<32832xf32, #tpu.memory_space<vmem>> -> memref<4104xf32, #tpu.memory_space<vmem>>
      %swap3A_1339 = arith.constant 1795 : index
      %swap3A_1340 = tpu.vector_load %swap3A_1338[%swap3A_1339] {strides = array<i32>} : memref<4104xf32, #tpu.memory_space<vmem>>, vector<16xf32>,
      tpu.vector_store %swap3A_1338[%swap3A_1339], %get3A_1294 {strides = array<i32>} : memref<4104xf32, #tpu.memory_space<vmem>>, vector<16xf32>,
      %add3A_1341 = arith.addf %add3A_1337, %get3A_1300 : vector<16xf32>
      %swap3A_1342 = tpu.memref_slice %arg6[%mul3A_153] : memref<32832xf32, #tpu.memory_space<vmem>> -> memref<4104xf32, #tpu.memory_space<vmem>>
      %swap3A_1343 = arith.constant 1811 : index
      %swap3A_1344 = tpu.vector_load %swap3A_1342[%swap3A_1343] {strides = array<i32>} : memref<4104xf32, #tpu.memory_space<vmem>>, vector<16xf32>,
      tpu.vector_store %swap3A_1342[%swap3A_1343], %get3A_1300 {strides = array<i32>} : memref<4104xf32, #tpu.memory_space<vmem>>, vector<16xf32>,
      %add3A_1345 = arith.addf %add3A_1341, %get3A_1306 : vector<16xf32>
      %swap3A_1346 = tpu.memref_slice %arg6[%mul3A_153] : memref<32832xf32, #tpu.memory_space<vmem>> -> memref<4104xf32, #tpu.memory_space<vmem>>
      %swap3A_1347 = arith.constant 1827 : index
      %swap3A_1348 = tpu.vector_load %swap3A_1346[%swap3A_1347] {strides = array<i32>} : memref<4104xf32, #tpu.memory_space<vmem>>, vector<16xf32>,
      tpu.vector_store %swap3A_1346[%swap3A_1347], %get3A_1306 {strides = array<i32>} : memref<4104xf32, #tpu.memory_space<vmem>>, vector<16xf32>,
      %add3A_1349 = arith.addf %add3A_1345, %get3A_1312 : vector<16xf32>
      %swap3A_1350 = tpu.memref_slice %arg6[%mul3A_153] : memref<32832xf32, #tpu.memory_space<vmem>> -> memref<4104xf32, #tpu.memory_space<vmem>>
      %swap3A_1351 = arith.constant 1843 : index
      %swap3A_1352 = tpu.vector_load %swap3A_1350[%swap3A_1351] {strides = array<i32>} : memref<4104xf32, #tpu.memory_space<vmem>>, vector<16xf32>,
      tpu.vector_store %swap3A_1350[%swap3A_1351], %get3A_1312 {strides = array<i32>} : memref<4104xf32, #tpu.memory_space<vmem>>, vector<16xf32>,
      %add3A_1353 = arith.addf %add3A_1349, %get3A_1318 : vector<16xf32>
      %swap3A_1354 = tpu.memref_slice %arg6[%mul3A_153] : memref<32832xf32, #tpu.memory_space<vmem>> -> memref<4104xf32, #tpu.memory_space<vmem>>
      %swap3A_1355 = arith.constant 1859 : index
      %swap3A_1356 = tpu.vector_load %swap3A_1354[%swap3A_1355] {strides = array<i32>} : memref<4104xf32, #tpu.memory_space<vmem>>, vector<16xf32>,
      tpu.vector_store %swap3A_1354[%swap3A_1355], %get3A_1318 {strides = array<i32>} : memref<4104xf32, #tpu.memory_space<vmem>>, vector<16xf32>,
      %add3A_1357 = arith.addf %add3A_1353, %get3A_1324 : vector<16xf32>
      %swap3A_1358 = tpu.memref_slice %arg6[%mul3A_153] : memref<32832xf32, #tpu.memory_space<vmem>> -> memref<4104xf32, #tpu.memory_space<vmem>>
      %swap3A_1359 = arith.constant 1875 : index
      %swap3A_1360 = tpu.vector_load %swap3A_1358[%swap3A_1359] {strides = array<i32>} : memref<4104xf32, #tpu.memory_space<vmem>>, vector<16xf32>,
      tpu.vector_store %swap3A_1358[%swap3A_1359], %get3A_1324 {strides = array<i32>} : memref<4104xf32, #tpu.memory_space<vmem>>, vector<16xf32>,
      %add3A_1361 = arith.addf %add3A_1357, %get3A_1330 : vector<16xf32>
      %swap3A_1362 = tpu.memref_slice %arg6[%mul3A_153] : memref<32832xf32, #tpu.memory_space<vmem>> -> memref<4104xf32, #tpu.memory_space<vmem>>
      %swap3A_1363 = arith.constant 1891 : index
      %swap3A_1364 = tpu.vector_load %swap3A_1362[%swap3A_1363] {strides = array<i32>} : memref<4104xf32, #tpu.memory_space<vmem>>, vector<16xf32>,
      tpu.vector_store %swap3A_1362[%swap3A_1363], %get3A_1330 {strides = array<i32>} : memref<4104xf32, #tpu.memory_space<vmem>>, vector<16xf32>,
      %add3A_1365 = arith.addf %add3A_1361, %get3A_1336 : vector<16xf32>
      %swap3A_1366 = tpu.memref_slice %arg6[%mul3A_153] : memref<32832xf32, #tpu.memory_space<vmem>> -> memref<4104xf32, #tpu.memory_space<vmem>>
      %swap3A_1367 = arith.constant 1907 : index
      %swap3A_1368 = tpu.vector_load %swap3A_1366[%swap3A_1367] {strides = array<i32>} : memref<4104xf32, #tpu.memory_space<vmem>>, vector<16xf32>,
      tpu.vector_store %swap3A_1366[%swap3A_1367], %get3A_1336 {strides = array<i32>} : memref<4104xf32, #tpu.memory_space<vmem>>, vector<16xf32>,
      %get3A_1369 = arith.constant 3 : i32
      %get3A_1370 = arith.constant 0 : i32
      %get3A_1371 = tpu.memref_slice %arg5[%mul3A_151, %get3A_1370] : memref<64x512xf32, #tpu.memory_space<vmem>> -> memref<8x512xf32, #tpu.memory_space<vmem>>
      %get3A_1372 = arith.index_cast %get3A_1369 : i32 to index
      %get3A_1373 = arith.constant 384 : index
      %get3A_1374 = tpu.vector_load %get3A_1371[%get3A_1372, %get3A_1373] {strides = array<i32>} : memref<8x512xf32, #tpu.memory_space<vmem>>, vector<16xf32>,
      %get3A_1375 = arith.constant 3 : i32
      %get3A_1376 = arith.constant 0 : i32
      %get3A_1377 = tpu.memref_slice %arg5[%mul3A_151, %get3A_1376] : memref<64x512xf32, #tpu.memory_space<vmem>> -> memref<8x512xf32, #tpu.memory_space<vmem>>
      %get3A_1378 = arith.index_cast %get3A_1375 : i32 to index
      %get3A_1379 = arith.constant 400 : index
      %get3A_1380 = tpu.vector_load %get3A_1377[%get3A_1378, %get3A_1379] {strides = array<i32>} : memref<8x512xf32, #tpu.memory_space<vmem>>, vector<16xf32>,
      %get3A_1381 = arith.constant 3 : i32
      %get3A_1382 = arith.constant 0 : i32
      %get3A_1383 = tpu.memref_slice %arg5[%mul3A_151, %get3A_1382] : memref<64x512xf32, #tpu.memory_space<vmem>> -> memref<8x512xf32, #tpu.memory_space<vmem>>
      %get3A_1384 = arith.index_cast %get3A_1381 : i32 to index
      %get3A_1385 = arith.constant 416 : index
      %get3A_1386 = tpu.vector_load %get3A_1383[%get3A_1384, %get3A_1385] {strides = array<i32>} : memref<8x512xf32, #tpu.memory_space<vmem>>, vector<16xf32>,
      %get3A_1387 = arith.constant 3 : i32
      %get3A_1388 = arith.constant 0 : i32
      %get3A_1389 = tpu.memref_slice %arg5[%mul3A_151, %get3A_1388] : memref<64x512xf32, #tpu.memory_space<vmem>> -> memref<8x512xf32, #tpu.memory_space<vmem>>
      %get3A_1390 = arith.index_cast %get3A_1387 : i32 to index
      %get3A_1391 = arith.constant 432 : index
      %get3A_1392 = tpu.vector_load %get3A_1389[%get3A_1390, %get3A_1391] {strides = array<i32>} : memref<8x512xf32, #tpu.memory_space<vmem>>, vector<16xf32>,
      %get3A_1393 = arith.constant 3 : i32
      %get3A_1394 = arith.constant 0 : i32
      %get3A_1395 = tpu.memref_slice %arg5[%mul3A_151, %get3A_1394] : memref<64x512xf32, #tpu.memory_space<vmem>> -> memref<8x512xf32, #tpu.memory_space<vmem>>
      %get3A_1396 = arith.index_cast %get3A_1393 : i32 to index
      %get3A_1397 = arith.constant 448 : index
      %get3A_1398 = tpu.vector_load %get3A_1395[%get3A_1396, %get3A_1397] {strides = array<i32>} : memref<8x512xf32, #tpu.memory_space<vmem>>, vector<16xf32>,
      %get3A_1399 = arith.constant 3 : i32
      %get3A_1400 = arith.constant 0 : i32
      %get3A_1401 = tpu.memref_slice %arg5[%mul3A_151, %get3A_1400] : memref<64x512xf32, #tpu.memory_space<vmem>> -> memref<8x512xf32, #tpu.memory_space<vmem>>
      %get3A_1402 = arith.index_cast %get3A_1399 : i32 to index
      %get3A_1403 = arith.constant 464 : index
      %get3A_1404 = tpu.vector_load %get3A_1401[%get3A_1402, %get3A_1403] {strides = array<i32>} : memref<8x512xf32, #tpu.memory_space<vmem>>, vector<16xf32>,
      %get3A_1405 = arith.constant 3 : i32
      %get3A_1406 = arith.constant 0 : i32
      %get3A_1407 = tpu.memref_slice %arg5[%mul3A_151, %get3A_1406] : memref<64x512xf32, #tpu.memory_space<vmem>> -> memref<8x512xf32, #tpu.memory_space<vmem>>
      %get3A_1408 = arith.index_cast %get3A_1405 : i32 to index
      %get3A_1409 = arith.constant 480 : index
      %get3A_1410 = tpu.vector_load %get3A_1407[%get3A_1408, %get3A_1409] {strides = array<i32>} : memref<8x512xf32, #tpu.memory_space<vmem>>, vector<16xf32>,
      %get3A_1411 = arith.constant 3 : i32
      %get3A_1412 = arith.constant 0 : i32
      %get3A_1413 = tpu.memref_slice %arg5[%mul3A_151, %get3A_1412] : memref<64x512xf32, #tpu.memory_space<vmem>> -> memref<8x512xf32, #tpu.memory_space<vmem>>
      %get3A_1414 = arith.index_cast %get3A_1411 : i32 to index
      %get3A_1415 = arith.constant 496 : index
      %get3A_1416 = tpu.vector_load %get3A_1413[%get3A_1414, %get3A_1415] {strides = array<i32>} : memref<8x512xf32, #tpu.memory_space<vmem>>, vector<16xf32>,
      %add3A_1417 = arith.addf %add3A_1365, %get3A_1374 : vector<16xf32>
      %swap3A_1418 = tpu.memref_slice %arg6[%mul3A_153] : memref<32832xf32, #tpu.memory_space<vmem>> -> memref<4104xf32, #tpu.memory_space<vmem>>
      %swap3A_1419 = arith.constant 1923 : index
      %swap3A_1420 = tpu.vector_load %swap3A_1418[%swap3A_1419] {strides = array<i32>} : memref<4104xf32, #tpu.memory_space<vmem>>, vector<16xf32>,
      tpu.vector_store %swap3A_1418[%swap3A_1419], %get3A_1374 {strides = array<i32>} : memref<4104xf32, #tpu.memory_space<vmem>>, vector<16xf32>,
      %add3A_1421 = arith.addf %add3A_1417, %get3A_1380 : vector<16xf32>
      %swap3A_1422 = tpu.memref_slice %arg6[%mul3A_153] : memref<32832xf32, #tpu.memory_space<vmem>> -> memref<4104xf32, #tpu.memory_space<vmem>>
      %swap3A_1423 = arith.constant 1939 : index
      %swap3A_1424 = tpu.vector_load %swap3A_1422[%swap3A_1423] {strides = array<i32>} : memref<4104xf32, #tpu.memory_space<vmem>>, vector<16xf32>,
      tpu.vector_store %swap3A_1422[%swap3A_1423], %get3A_1380 {strides = array<i32>} : memref<4104xf32, #tpu.memory_space<vmem>>, vector<16xf32>,
      %add3A_1425 = arith.addf %add3A_1421, %get3A_1386 : vector<16xf32>
      %swap3A_1426 = tpu.memref_slice %arg6[%mul3A_153] : memref<32832xf32, #tpu.memory_space<vmem>> -> memref<4104xf32, #tpu.memory_space<vmem>>
      %swap3A_1427 = arith.constant 1955 : index
      %swap3A_1428 = tpu.vector_load %swap3A_1426[%swap3A_1427] {strides = array<i32>} : memref<4104xf32, #tpu.memory_space<vmem>>, vector<16xf32>,
      tpu.vector_store %swap3A_1426[%swap3A_1427], %get3A_1386 {strides = array<i32>} : memref<4104xf32, #tpu.memory_space<vmem>>, vector<16xf32>,
      %add3A_1429 = arith.addf %add3A_1425, %get3A_1392 : vector<16xf32>
      %swap3A_1430 = tpu.memref_slice %arg6[%mul3A_153] : memref<32832xf32, #tpu.memory_space<vmem>> -> memref<4104xf32, #tpu.memory_space<vmem>>
      %swap3A_1431 = arith.constant 1971 : index
      %swap3A_1432 = tpu.vector_load %swap3A_1430[%swap3A_1431] {strides = array<i32>} : memref<4104xf32, #tpu.memory_space<vmem>>, vector<16xf32>,
      tpu.vector_store %swap3A_1430[%swap3A_1431], %get3A_1392 {strides = array<i32>} : memref<4104xf32, #tpu.memory_space<vmem>>, vector<16xf32>,
      %add3A_1433 = arith.addf %add3A_1429, %get3A_1398 : vector<16xf32>
      %swap3A_1434 = tpu.memref_slice %arg6[%mul3A_153] : memref<32832xf32, #tpu.memory_space<vmem>> -> memref<4104xf32, #tpu.memory_space<vmem>>
      %swap3A_1435 = arith.constant 1987 : index
      %swap3A_1436 = tpu.vector_load %swap3A_1434[%swap3A_1435] {strides = array<i32>} : memref<4104xf32, #tpu.memory_space<vmem>>, vector<16xf32>,
      tpu.vector_store %swap3A_1434[%swap3A_1435], %get3A_1398 {strides = array<i32>} : memref<4104xf32, #tpu.memory_space<vmem>>, vector<16xf32>,
      %add3A_1437 = arith.addf %add3A_1433, %get3A_1404 : vector<16xf32>
      %swap3A_1438 = tpu.memref_slice %arg6[%mul3A_153] : memref<32832xf32, #tpu.memory_space<vmem>> -> memref<4104xf32, #tpu.memory_space<vmem>>
      %swap3A_1439 = arith.constant 2003 : index
      %swap3A_1440 = tpu.vector_load %swap3A_1438[%swap3A_1439] {strides = array<i32>} : memref<4104xf32, #tpu.memory_space<vmem>>, vector<16xf32>,
      tpu.vector_store %swap3A_1438[%swap3A_1439], %get3A_1404 {strides = array<i32>} : memref<4104xf32, #tpu.memory_space<vmem>>, vector<16xf32>,
      %add3A_1441 = arith.addf %add3A_1437, %get3A_1410 : vector<16xf32>
      %swap3A_1442 = tpu.memref_slice %arg6[%mul3A_153] : memref<32832xf32, #tpu.memory_space<vmem>> -> memref<4104xf32, #tpu.memory_space<vmem>>
      %swap3A_1443 = arith.constant 2019 : index
      %swap3A_1444 = tpu.vector_load %swap3A_1442[%swap3A_1443] {strides = array<i32>} : memref<4104xf32, #tpu.memory_space<vmem>>, vector<16xf32>,
      tpu.vector_store %swap3A_1442[%swap3A_1443], %get3A_1410 {strides = array<i32>} : memref<4104xf32, #tpu.memory_space<vmem>>, vector<16xf32>,
      %add3A_1445 = arith.addf %add3A_1441, %get3A_1416 : vector<16xf32>
      %swap3A_1446 = tpu.memref_slice %arg6[%mul3A_153] : memref<32832xf32, #tpu.memory_space<vmem>> -> memref<4104xf32, #tpu.memory_space<vmem>>
      %swap3A_1447 = arith.constant 2035 : index
      %swap3A_1448 = tpu.vector_load %swap3A_1446[%swap3A_1447] {strides = array<i32>} : memref<4104xf32, #tpu.memory_space<vmem>>, vector<16xf32>,
      tpu.vector_store %swap3A_1446[%swap3A_1447], %get3A_1416 {strides = array<i32>} : memref<4104xf32, #tpu.memory_space<vmem>>, vector<16xf32>,
      %swap3A_1449 = arith.constant 3 : i32
      %swap3A_1450 = arith.constant 0 : i32
      %swap3A_1451 = tpu.memref_slice %arg8[%mul3A_155, %swap3A_1450] : memref<64x16xf32, #tpu.memory_space<vmem>> -> memref<8x16xf32, #tpu.memory_space<vmem>>
      %swap3A_1452 = arith.index_cast %swap3A_1449 : i32 to index
      %swap3A_1453 = arith.constant 0 : index
      %swap3A_1454 = tpu.vector_load %swap3A_1451[%swap3A_1452, %swap3A_1453] {strides = array<i32>} : memref<8x16xf32, #tpu.memory_space<vmem>>, vector<16xf32>,
      tpu.vector_store %swap3A_1451[%swap3A_1452, %swap3A_1453], %add3A_1445 {strides = array<i32>} : memref<8x16xf32, #tpu.memory_space<vmem>>, vector<16xf32>,
      %get3A_1455 = arith.constant 4 : i32
      %get3A_1456 = arith.constant 0 : i32
      %get3A_1457 = tpu.memref_slice %arg5[%mul3A_151, %get3A_1456] : memref<64x512xf32, #tpu.memory_space<vmem>> -> memref<8x512xf32, #tpu.memory_space<vmem>>
      %get3A_1458 = arith.index_cast %get3A_1455 : i32 to index
      %get3A_1459 = arith.constant 0 : index
      %get3A_1460 = tpu.vector_load %get3A_1457[%get3A_1458, %get3A_1459] {strides = array<i32>} : memref<8x512xf32, #tpu.memory_space<vmem>>, vector<16xf32>,
      %get3A_1461 = arith.constant 4 : i32
      %get3A_1462 = arith.constant 0 : i32
      %get3A_1463 = tpu.memref_slice %arg5[%mul3A_151, %get3A_1462] : memref<64x512xf32, #tpu.memory_space<vmem>> -> memref<8x512xf32, #tpu.memory_space<vmem>>
      %get3A_1464 = arith.index_cast %get3A_1461 : i32 to index
      %get3A_1465 = arith.constant 16 : index
      %get3A_1466 = tpu.vector_load %get3A_1463[%get3A_1464, %get3A_1465] {strides = array<i32>} : memref<8x512xf32, #tpu.memory_space<vmem>>, vector<16xf32>,
      %get3A_1467 = arith.constant 4 : i32
      %get3A_1468 = arith.constant 0 : i32
      %get3A_1469 = tpu.memref_slice %arg5[%mul3A_151, %get3A_1468] : memref<64x512xf32, #tpu.memory_space<vmem>> -> memref<8x512xf32, #tpu.memory_space<vmem>>
      %get3A_1470 = arith.index_cast %get3A_1467 : i32 to index
      %get3A_1471 = arith.constant 32 : index
      %get3A_1472 = tpu.vector_load %get3A_1469[%get3A_1470, %get3A_1471] {strides = array<i32>} : memref<8x512xf32, #tpu.memory_space<vmem>>, vector<16xf32>,
      %get3A_1473 = arith.constant 4 : i32
      %get3A_1474 = arith.constant 0 : i32
      %get3A_1475 = tpu.memref_slice %arg5[%mul3A_151, %get3A_1474] : memref<64x512xf32, #tpu.memory_space<vmem>> -> memref<8x512xf32, #tpu.memory_space<vmem>>
      %get3A_1476 = arith.index_cast %get3A_1473 : i32 to index
      %get3A_1477 = arith.constant 48 : index
      %get3A_1478 = tpu.vector_load %get3A_1475[%get3A_1476, %get3A_1477] {strides = array<i32>} : memref<8x512xf32, #tpu.memory_space<vmem>>, vector<16xf32>,
      %get3A_1479 = arith.constant 4 : i32
      %get3A_1480 = arith.constant 0 : i32
      %get3A_1481 = tpu.memref_slice %arg5[%mul3A_151, %get3A_1480] : memref<64x512xf32, #tpu.memory_space<vmem>> -> memref<8x512xf32, #tpu.memory_space<vmem>>
      %get3A_1482 = arith.index_cast %get3A_1479 : i32 to index
      %get3A_1483 = arith.constant 64 : index
      %get3A_1484 = tpu.vector_load %get3A_1481[%get3A_1482, %get3A_1483] {strides = array<i32>} : memref<8x512xf32, #tpu.memory_space<vmem>>, vector<16xf32>,
      %get3A_1485 = arith.constant 4 : i32
      %get3A_1486 = arith.constant 0 : i32
      %get3A_1487 = tpu.memref_slice %arg5[%mul3A_151, %get3A_1486] : memref<64x512xf32, #tpu.memory_space<vmem>> -> memref<8x512xf32, #tpu.memory_space<vmem>>
      %get3A_1488 = arith.index_cast %get3A_1485 : i32 to index
      %get3A_1489 = arith.constant 80 : index
      %get3A_1490 = tpu.vector_load %get3A_1487[%get3A_1488, %get3A_1489] {strides = array<i32>} : memref<8x512xf32, #tpu.memory_space<vmem>>, vector<16xf32>,
      %get3A_1491 = arith.constant 4 : i32
      %get3A_1492 = arith.constant 0 : i32
      %get3A_1493 = tpu.memref_slice %arg5[%mul3A_151, %get3A_1492] : memref<64x512xf32, #tpu.memory_space<vmem>> -> memref<8x512xf32, #tpu.memory_space<vmem>>
      %get3A_1494 = arith.index_cast %get3A_1491 : i32 to index
      %get3A_1495 = arith.constant 96 : index
      %get3A_1496 = tpu.vector_load %get3A_1493[%get3A_1494, %get3A_1495] {strides = array<i32>} : memref<8x512xf32, #tpu.memory_space<vmem>>, vector<16xf32>,
      %get3A_1497 = arith.constant 4 : i32
      %get3A_1498 = arith.constant 0 : i32
      %get3A_1499 = tpu.memref_slice %arg5[%mul3A_151, %get3A_1498] : memref<64x512xf32, #tpu.memory_space<vmem>> -> memref<8x512xf32, #tpu.memory_space<vmem>>
      %get3A_1500 = arith.index_cast %get3A_1497 : i32 to index
      %get3A_1501 = arith.constant 112 : index
      %get3A_1502 = tpu.vector_load %get3A_1499[%get3A_1500, %get3A_1501] {strides = array<i32>} : memref<8x512xf32, #tpu.memory_space<vmem>>, vector<16xf32>,
      %swap3A_1503 = tpu.memref_slice %arg6[%mul3A_153] : memref<32832xf32, #tpu.memory_space<vmem>> -> memref<4104xf32, #tpu.memory_space<vmem>>
      %swap3A_1504 = arith.constant 2052 : index
      %swap3A_1505 = tpu.vector_load %swap3A_1503[%swap3A_1504] {strides = array<i32>} : memref<4104xf32, #tpu.memory_space<vmem>>, vector<16xf32>,
      tpu.vector_store %swap3A_1503[%swap3A_1504], %get3A_1460 {strides = array<i32>} : memref<4104xf32, #tpu.memory_space<vmem>>, vector<16xf32>,
      %add3A_1506 = arith.addf %get3A_1460, %get3A_1466 : vector<16xf32>
      %swap3A_1507 = tpu.memref_slice %arg6[%mul3A_153] : memref<32832xf32, #tpu.memory_space<vmem>> -> memref<4104xf32, #tpu.memory_space<vmem>>
      %swap3A_1508 = arith.constant 2068 : index
      %swap3A_1509 = tpu.vector_load %swap3A_1507[%swap3A_1508] {strides = array<i32>} : memref<4104xf32, #tpu.memory_space<vmem>>, vector<16xf32>,
      tpu.vector_store %swap3A_1507[%swap3A_1508], %get3A_1466 {strides = array<i32>} : memref<4104xf32, #tpu.memory_space<vmem>>, vector<16xf32>,
      %add3A_1510 = arith.addf %add3A_1506, %get3A_1472 : vector<16xf32>
      %swap3A_1511 = tpu.memref_slice %arg6[%mul3A_153] : memref<32832xf32, #tpu.memory_space<vmem>> -> memref<4104xf32, #tpu.memory_space<vmem>>
      %swap3A_1512 = arith.constant 2084 : index
      %swap3A_1513 = tpu.vector_load %swap3A_1511[%swap3A_1512] {strides = array<i32>} : memref<4104xf32, #tpu.memory_space<vmem>>, vector<16xf32>,
      tpu.vector_store %swap3A_1511[%swap3A_1512], %get3A_1472 {strides = array<i32>} : memref<4104xf32, #tpu.memory_space<vmem>>, vector<16xf32>,
      %add3A_1514 = arith.addf %add3A_1510, %get3A_1478 : vector<16xf32>
      %swap3A_1515 = tpu.memref_slice %arg6[%mul3A_153] : memref<32832xf32, #tpu.memory_space<vmem>> -> memref<4104xf32, #tpu.memory_space<vmem>>
      %swap3A_1516 = arith.constant 2100 : index
      %swap3A_1517 = tpu.vector_load %swap3A_1515[%swap3A_1516] {strides = array<i32>} : memref<4104xf32, #tpu.memory_space<vmem>>, vector<16xf32>,
      tpu.vector_store %swap3A_1515[%swap3A_1516], %get3A_1478 {strides = array<i32>} : memref<4104xf32, #tpu.memory_space<vmem>>, vector<16xf32>,
      %add3A_1518 = arith.addf %add3A_1514, %get3A_1484 : vector<16xf32>
      %swap3A_1519 = tpu.memref_slice %arg6[%mul3A_153] : memref<32832xf32, #tpu.memory_space<vmem>> -> memref<4104xf32, #tpu.memory_space<vmem>>
      %swap3A_1520 = arith.constant 2116 : index
      %swap3A_1521 = tpu.vector_load %swap3A_1519[%swap3A_1520] {strides = array<i32>} : memref<4104xf32, #tpu.memory_space<vmem>>, vector<16xf32>,
      tpu.vector_store %swap3A_1519[%swap3A_1520], %get3A_1484 {strides = array<i32>} : memref<4104xf32, #tpu.memory_space<vmem>>, vector<16xf32>,
      %add3A_1522 = arith.addf %add3A_1518, %get3A_1490 : vector<16xf32>
      %swap3A_1523 = tpu.memref_slice %arg6[%mul3A_153] : memref<32832xf32, #tpu.memory_space<vmem>> -> memref<4104xf32, #tpu.memory_space<vmem>>
      %swap3A_1524 = arith.constant 2132 : index
      %swap3A_1525 = tpu.vector_load %swap3A_1523[%swap3A_1524] {strides = array<i32>} : memref<4104xf32, #tpu.memory_space<vmem>>, vector<16xf32>,
      tpu.vector_store %swap3A_1523[%swap3A_1524], %get3A_1490 {strides = array<i32>} : memref<4104xf32, #tpu.memory_space<vmem>>, vector<16xf32>,
      %add3A_1526 = arith.addf %add3A_1522, %get3A_1496 : vector<16xf32>
      %swap3A_1527 = tpu.memref_slice %arg6[%mul3A_153] : memref<32832xf32, #tpu.memory_space<vmem>> -> memref<4104xf32, #tpu.memory_space<vmem>>
      %swap3A_1528 = arith.constant 2148 : index
      %swap3A_1529 = tpu.vector_load %swap3A_1527[%swap3A_1528] {strides = array<i32>} : memref<4104xf32, #tpu.memory_space<vmem>>, vector<16xf32>,
      tpu.vector_store %swap3A_1527[%swap3A_1528], %get3A_1496 {strides = array<i32>} : memref<4104xf32, #tpu.memory_space<vmem>>, vector<16xf32>,
      %add3A_1530 = arith.addf %add3A_1526, %get3A_1502 : vector<16xf32>
      %swap3A_1531 = tpu.memref_slice %arg6[%mul3A_153] : memref<32832xf32, #tpu.memory_space<vmem>> -> memref<4104xf32, #tpu.memory_space<vmem>>
      %swap3A_1532 = arith.constant 2164 : index
      %swap3A_1533 = tpu.vector_load %swap3A_1531[%swap3A_1532] {strides = array<i32>} : memref<4104xf32, #tpu.memory_space<vmem>>, vector<16xf32>,
      tpu.vector_store %swap3A_1531[%swap3A_1532], %get3A_1502 {strides = array<i32>} : memref<4104xf32, #tpu.memory_space<vmem>>, vector<16xf32>,
      %get3A_1534 = arith.constant 4 : i32
      %get3A_1535 = arith.constant 0 : i32
      %get3A_1536 = tpu.memref_slice %arg5[%mul3A_151, %get3A_1535] : memref<64x512xf32, #tpu.memory_space<vmem>> -> memref<8x512xf32, #tpu.memory_space<vmem>>
      %get3A_1537 = arith.index_cast %get3A_1534 : i32 to index
      %get3A_1538 = arith.constant 128 : index
      %get3A_1539 = tpu.vector_load %get3A_1536[%get3A_1537, %get3A_1538] {strides = array<i32>} : memref<8x512xf32, #tpu.memory_space<vmem>>, vector<16xf32>,
      %get3A_1540 = arith.constant 4 : i32
      %get3A_1541 = arith.constant 0 : i32
      %get3A_1542 = tpu.memref_slice %arg5[%mul3A_151, %get3A_1541] : memref<64x512xf32, #tpu.memory_space<vmem>> -> memref<8x512xf32, #tpu.memory_space<vmem>>
      %get3A_1543 = arith.index_cast %get3A_1540 : i32 to index
      %get3A_1544 = arith.constant 144 : index
      %get3A_1545 = tpu.vector_load %get3A_1542[%get3A_1543, %get3A_1544] {strides = array<i32>} : memref<8x512xf32, #tpu.memory_space<vmem>>, vector<16xf32>,
      %get3A_1546 = arith.constant 4 : i32
      %get3A_1547 = arith.constant 0 : i32
      %get3A_1548 = tpu.memref_slice %arg5[%mul3A_151, %get3A_1547] : memref<64x512xf32, #tpu.memory_space<vmem>> -> memref<8x512xf32, #tpu.memory_space<vmem>>
      %get3A_1549 = arith.index_cast %get3A_1546 : i32 to index
      %get3A_1550 = arith.constant 160 : index
      %get3A_1551 = tpu.vector_load %get3A_1548[%get3A_1549, %get3A_1550] {strides = array<i32>} : memref<8x512xf32, #tpu.memory_space<vmem>>, vector<16xf32>,
      %get3A_1552 = arith.constant 4 : i32
      %get3A_1553 = arith.constant 0 : i32
      %get3A_1554 = tpu.memref_slice %arg5[%mul3A_151, %get3A_1553] : memref<64x512xf32, #tpu.memory_space<vmem>> -> memref<8x512xf32, #tpu.memory_space<vmem>>
      %get3A_1555 = arith.index_cast %get3A_1552 : i32 to index
      %get3A_1556 = arith.constant 176 : index
      %get3A_1557 = tpu.vector_load %get3A_1554[%get3A_1555, %get3A_1556] {strides = array<i32>} : memref<8x512xf32, #tpu.memory_space<vmem>>, vector<16xf32>,
      %get3A_1558 = arith.constant 4 : i32
      %get3A_1559 = arith.constant 0 : i32
      %get3A_1560 = tpu.memref_slice %arg5[%mul3A_151, %get3A_1559] : memref<64x512xf32, #tpu.memory_space<vmem>> -> memref<8x512xf32, #tpu.memory_space<vmem>>
      %get3A_1561 = arith.index_cast %get3A_1558 : i32 to index
      %get3A_1562 = arith.constant 192 : index
      %get3A_1563 = tpu.vector_load %get3A_1560[%get3A_1561, %get3A_1562] {strides = array<i32>} : memref<8x512xf32, #tpu.memory_space<vmem>>, vector<16xf32>,
      %get3A_1564 = arith.constant 4 : i32
      %get3A_1565 = arith.constant 0 : i32
      %get3A_1566 = tpu.memref_slice %arg5[%mul3A_151, %get3A_1565] : memref<64x512xf32, #tpu.memory_space<vmem>> -> memref<8x512xf32, #tpu.memory_space<vmem>>
      %get3A_1567 = arith.index_cast %get3A_1564 : i32 to index
      %get3A_1568 = arith.constant 208 : index
      %get3A_1569 = tpu.vector_load %get3A_1566[%get3A_1567, %get3A_1568] {strides = array<i32>} : memref<8x512xf32, #tpu.memory_space<vmem>>, vector<16xf32>,
      %get3A_1570 = arith.constant 4 : i32
      %get3A_1571 = arith.constant 0 : i32
      %get3A_1572 = tpu.memref_slice %arg5[%mul3A_151, %get3A_1571] : memref<64x512xf32, #tpu.memory_space<vmem>> -> memref<8x512xf32, #tpu.memory_space<vmem>>
      %get3A_1573 = arith.index_cast %get3A_1570 : i32 to index
      %get3A_1574 = arith.constant 224 : index
      %get3A_1575 = tpu.vector_load %get3A_1572[%get3A_1573, %get3A_1574] {strides = array<i32>} : memref<8x512xf32, #tpu.memory_space<vmem>>, vector<16xf32>,
      %get3A_1576 = arith.constant 4 : i32
      %get3A_1577 = arith.constant 0 : i32
      %get3A_1578 = tpu.memref_slice %arg5[%mul3A_151, %get3A_1577] : memref<64x512xf32, #tpu.memory_space<vmem>> -> memref<8x512xf32, #tpu.memory_space<vmem>>
      %get3A_1579 = arith.index_cast %get3A_1576 : i32 to index
      %get3A_1580 = arith.constant 240 : index
      %get3A_1581 = tpu.vector_load %get3A_1578[%get3A_1579, %get3A_1580] {strides = array<i32>} : memref<8x512xf32, #tpu.memory_space<vmem>>, vector<16xf32>,
      %add3A_1582 = arith.addf %add3A_1530, %get3A_1539 : vector<16xf32>
      %swap3A_1583 = tpu.memref_slice %arg6[%mul3A_153] : memref<32832xf32, #tpu.memory_space<vmem>> -> memref<4104xf32, #tpu.memory_space<vmem>>
      %swap3A_1584 = arith.constant 2180 : index
      %swap3A_1585 = tpu.vector_load %swap3A_1583[%swap3A_1584] {strides = array<i32>} : memref<4104xf32, #tpu.memory_space<vmem>>, vector<16xf32>,
      tpu.vector_store %swap3A_1583[%swap3A_1584], %get3A_1539 {strides = array<i32>} : memref<4104xf32, #tpu.memory_space<vmem>>, vector<16xf32>,
      %add3A_1586 = arith.addf %add3A_1582, %get3A_1545 : vector<16xf32>
      %swap3A_1587 = tpu.memref_slice %arg6[%mul3A_153] : memref<32832xf32, #tpu.memory_space<vmem>> -> memref<4104xf32, #tpu.memory_space<vmem>>
      %swap3A_1588 = arith.constant 2196 : index
      %swap3A_1589 = tpu.vector_load %swap3A_1587[%swap3A_1588] {strides = array<i32>} : memref<4104xf32, #tpu.memory_space<vmem>>, vector<16xf32>,
      tpu.vector_store %swap3A_1587[%swap3A_1588], %get3A_1545 {strides = array<i32>} : memref<4104xf32, #tpu.memory_space<vmem>>, vector<16xf32>,
      %add3A_1590 = arith.addf %add3A_1586, %get3A_1551 : vector<16xf32>
      %swap3A_1591 = tpu.memref_slice %arg6[%mul3A_153] : memref<32832xf32, #tpu.memory_space<vmem>> -> memref<4104xf32, #tpu.memory_space<vmem>>
      %swap3A_1592 = arith.constant 2212 : index
      %swap3A_1593 = tpu.vector_load %swap3A_1591[%swap3A_1592] {strides = array<i32>} : memref<4104xf32, #tpu.memory_space<vmem>>, vector<16xf32>,
      tpu.vector_store %swap3A_1591[%swap3A_1592], %get3A_1551 {strides = array<i32>} : memref<4104xf32, #tpu.memory_space<vmem>>, vector<16xf32>,
      %add3A_1594 = arith.addf %add3A_1590, %get3A_1557 : vector<16xf32>
      %swap3A_1595 = tpu.memref_slice %arg6[%mul3A_153] : memref<32832xf32, #tpu.memory_space<vmem>> -> memref<4104xf32, #tpu.memory_space<vmem>>
      %swap3A_1596 = arith.constant 2228 : index
      %swap3A_1597 = tpu.vector_load %swap3A_1595[%swap3A_1596] {strides = array<i32>} : memref<4104xf32, #tpu.memory_space<vmem>>, vector<16xf32>,
      tpu.vector_store %swap3A_1595[%swap3A_1596], %get3A_1557 {strides = array<i32>} : memref<4104xf32, #tpu.memory_space<vmem>>, vector<16xf32>,
      %add3A_1598 = arith.addf %add3A_1594, %get3A_1563 : vector<16xf32>
      %swap3A_1599 = tpu.memref_slice %arg6[%mul3A_153] : memref<32832xf32, #tpu.memory_space<vmem>> -> memref<4104xf32, #tpu.memory_space<vmem>>
      %swap3A_1600 = arith.constant 2244 : index
      %swap3A_1601 = tpu.vector_load %swap3A_1599[%swap3A_1600] {strides = array<i32>} : memref<4104xf32, #tpu.memory_space<vmem>>, vector<16xf32>,
      tpu.vector_store %swap3A_1599[%swap3A_1600], %get3A_1563 {strides = array<i32>} : memref<4104xf32, #tpu.memory_space<vmem>>, vector<16xf32>,
      %add3A_1602 = arith.addf %add3A_1598, %get3A_1569 : vector<16xf32>
      %swap3A_1603 = tpu.memref_slice %arg6[%mul3A_153] : memref<32832xf32, #tpu.memory_space<vmem>> -> memref<4104xf32, #tpu.memory_space<vmem>>
      %swap3A_1604 = arith.constant 2260 : index
      %swap3A_1605 = tpu.vector_load %swap3A_1603[%swap3A_1604] {strides = array<i32>} : memref<4104xf32, #tpu.memory_space<vmem>>, vector<16xf32>,
      tpu.vector_store %swap3A_1603[%swap3A_1604], %get3A_1569 {strides = array<i32>} : memref<4104xf32, #tpu.memory_space<vmem>>, vector<16xf32>,
      %add3A_1606 = arith.addf %add3A_1602, %get3A_1575 : vector<16xf32>
      %swap3A_1607 = tpu.memref_slice %arg6[%mul3A_153] : memref<32832xf32, #tpu.memory_space<vmem>> -> memref<4104xf32, #tpu.memory_space<vmem>>
      %swap3A_1608 = arith.constant 2276 : index
      %swap3A_1609 = tpu.vector_load %swap3A_1607[%swap3A_1608] {strides = array<i32>} : memref<4104xf32, #tpu.memory_space<vmem>>, vector<16xf32>,
      tpu.vector_store %swap3A_1607[%swap3A_1608], %get3A_1575 {strides = array<i32>} : memref<4104xf32, #tpu.memory_space<vmem>>, vector<16xf32>,
      %add3A_1610 = arith.addf %add3A_1606, %get3A_1581 : vector<16xf32>
      %swap3A_1611 = tpu.memref_slice %arg6[%mul3A_153] : memref<32832xf32, #tpu.memory_space<vmem>> -> memref<4104xf32, #tpu.memory_space<vmem>>
      %swap3A_1612 = arith.constant 2292 : index
      %swap3A_1613 = tpu.vector_load %swap3A_1611[%swap3A_1612] {strides = array<i32>} : memref<4104xf32, #tpu.memory_space<vmem>>, vector<16xf32>,
      tpu.vector_store %swap3A_1611[%swap3A_1612], %get3A_1581 {strides = array<i32>} : memref<4104xf32, #tpu.memory_space<vmem>>, vector<16xf32>,
      %get3A_1614 = arith.constant 4 : i32
      %get3A_1615 = arith.constant 0 : i32
      %get3A_1616 = tpu.memref_slice %arg5[%mul3A_151, %get3A_1615] : memref<64x512xf32, #tpu.memory_space<vmem>> -> memref<8x512xf32, #tpu.memory_space<vmem>>
      %get3A_1617 = arith.index_cast %get3A_1614 : i32 to index
      %get3A_1618 = arith.constant 256 : index
      %get3A_1619 = tpu.vector_load %get3A_1616[%get3A_1617, %get3A_1618] {strides = array<i32>} : memref<8x512xf32, #tpu.memory_space<vmem>>, vector<16xf32>,
      %get3A_1620 = arith.constant 4 : i32
      %get3A_1621 = arith.constant 0 : i32
      %get3A_1622 = tpu.memref_slice %arg5[%mul3A_151, %get3A_1621] : memref<64x512xf32, #tpu.memory_space<vmem>> -> memref<8x512xf32, #tpu.memory_space<vmem>>
      %get3A_1623 = arith.index_cast %get3A_1620 : i32 to index
      %get3A_1624 = arith.constant 272 : index
      %get3A_1625 = tpu.vector_load %get3A_1622[%get3A_1623, %get3A_1624] {strides = array<i32>} : memref<8x512xf32, #tpu.memory_space<vmem>>, vector<16xf32>,
      %get3A_1626 = arith.constant 4 : i32
      %get3A_1627 = arith.constant 0 : i32
      %get3A_1628 = tpu.memref_slice %arg5[%mul3A_151, %get3A_1627] : memref<64x512xf32, #tpu.memory_space<vmem>> -> memref<8x512xf32, #tpu.memory_space<vmem>>
      %get3A_1629 = arith.index_cast %get3A_1626 : i32 to index
      %get3A_1630 = arith.constant 288 : index
      %get3A_1631 = tpu.vector_load %get3A_1628[%get3A_1629, %get3A_1630] {strides = array<i32>} : memref<8x512xf32, #tpu.memory_space<vmem>>, vector<16xf32>,
      %get3A_1632 = arith.constant 4 : i32
      %get3A_1633 = arith.constant 0 : i32
      %get3A_1634 = tpu.memref_slice %arg5[%mul3A_151, %get3A_1633] : memref<64x512xf32, #tpu.memory_space<vmem>> -> memref<8x512xf32, #tpu.memory_space<vmem>>
      %get3A_1635 = arith.index_cast %get3A_1632 : i32 to index
      %get3A_1636 = arith.constant 304 : index
      %get3A_1637 = tpu.vector_load %get3A_1634[%get3A_1635, %get3A_1636] {strides = array<i32>} : memref<8x512xf32, #tpu.memory_space<vmem>>, vector<16xf32>,
      %get3A_1638 = arith.constant 4 : i32
      %get3A_1639 = arith.constant 0 : i32
      %get3A_1640 = tpu.memref_slice %arg5[%mul3A_151, %get3A_1639] : memref<64x512xf32, #tpu.memory_space<vmem>> -> memref<8x512xf32, #tpu.memory_space<vmem>>
      %get3A_1641 = arith.index_cast %get3A_1638 : i32 to index
      %get3A_1642 = arith.constant 320 : index
      %get3A_1643 = tpu.vector_load %get3A_1640[%get3A_1641, %get3A_1642] {strides = array<i32>} : memref<8x512xf32, #tpu.memory_space<vmem>>, vector<16xf32>,
      %get3A_1644 = arith.constant 4 : i32
      %get3A_1645 = arith.constant 0 : i32
      %get3A_1646 = tpu.memref_slice %arg5[%mul3A_151, %get3A_1645] : memref<64x512xf32, #tpu.memory_space<vmem>> -> memref<8x512xf32, #tpu.memory_space<vmem>>
      %get3A_1647 = arith.index_cast %get3A_1644 : i32 to index
      %get3A_1648 = arith.constant 336 : index
      %get3A_1649 = tpu.vector_load %get3A_1646[%get3A_1647, %get3A_1648] {strides = array<i32>} : memref<8x512xf32, #tpu.memory_space<vmem>>, vector<16xf32>,
      %get3A_1650 = arith.constant 4 : i32
      %get3A_1651 = arith.constant 0 : i32
      %get3A_1652 = tpu.memref_slice %arg5[%mul3A_151, %get3A_1651] : memref<64x512xf32, #tpu.memory_space<vmem>> -> memref<8x512xf32, #tpu.memory_space<vmem>>
      %get3A_1653 = arith.index_cast %get3A_1650 : i32 to index
      %get3A_1654 = arith.constant 352 : index
      %get3A_1655 = tpu.vector_load %get3A_1652[%get3A_1653, %get3A_1654] {strides = array<i32>} : memref<8x512xf32, #tpu.memory_space<vmem>>, vector<16xf32>,
      %get3A_1656 = arith.constant 4 : i32
      %get3A_1657 = arith.constant 0 : i32
      %get3A_1658 = tpu.memref_slice %arg5[%mul3A_151, %get3A_1657] : memref<64x512xf32, #tpu.memory_space<vmem>> -> memref<8x512xf32, #tpu.memory_space<vmem>>
      %get3A_1659 = arith.index_cast %get3A_1656 : i32 to index
      %get3A_1660 = arith.constant 368 : index
      %get3A_1661 = tpu.vector_load %get3A_1658[%get3A_1659, %get3A_1660] {strides = array<i32>} : memref<8x512xf32, #tpu.memory_space<vmem>>, vector<16xf32>,
      %add3A_1662 = arith.addf %add3A_1610, %get3A_1619 : vector<16xf32>
      %swap3A_1663 = tpu.memref_slice %arg6[%mul3A_153] : memref<32832xf32, #tpu.memory_space<vmem>> -> memref<4104xf32, #tpu.memory_space<vmem>>
      %swap3A_1664 = arith.constant 2308 : index
      %swap3A_1665 = tpu.vector_load %swap3A_1663[%swap3A_1664] {strides = array<i32>} : memref<4104xf32, #tpu.memory_space<vmem>>, vector<16xf32>,
      tpu.vector_store %swap3A_1663[%swap3A_1664], %get3A_1619 {strides = array<i32>} : memref<4104xf32, #tpu.memory_space<vmem>>, vector<16xf32>,
      %add3A_1666 = arith.addf %add3A_1662, %get3A_1625 : vector<16xf32>
      %swap3A_1667 = tpu.memref_slice %arg6[%mul3A_153] : memref<32832xf32, #tpu.memory_space<vmem>> -> memref<4104xf32, #tpu.memory_space<vmem>>
      %swap3A_1668 = arith.constant 2324 : index
      %swap3A_1669 = tpu.vector_load %swap3A_1667[%swap3A_1668] {strides = array<i32>} : memref<4104xf32, #tpu.memory_space<vmem>>, vector<16xf32>,
      tpu.vector_store %swap3A_1667[%swap3A_1668], %get3A_1625 {strides = array<i32>} : memref<4104xf32, #tpu.memory_space<vmem>>, vector<16xf32>,
      %add3A_1670 = arith.addf %add3A_1666, %get3A_1631 : vector<16xf32>
      %swap3A_1671 = tpu.memref_slice %arg6[%mul3A_153] : memref<32832xf32, #tpu.memory_space<vmem>> -> memref<4104xf32, #tpu.memory_space<vmem>>
      %swap3A_1672 = arith.constant 2340 : index
      %swap3A_1673 = tpu.vector_load %swap3A_1671[%swap3A_1672] {strides = array<i32>} : memref<4104xf32, #tpu.memory_space<vmem>>, vector<16xf32>,
      tpu.vector_store %swap3A_1671[%swap3A_1672], %get3A_1631 {strides = array<i32>} : memref<4104xf32, #tpu.memory_space<vmem>>, vector<16xf32>,
      %add3A_1674 = arith.addf %add3A_1670, %get3A_1637 : vector<16xf32>
      %swap3A_1675 = tpu.memref_slice %arg6[%mul3A_153] : memref<32832xf32, #tpu.memory_space<vmem>> -> memref<4104xf32, #tpu.memory_space<vmem>>
      %swap3A_1676 = arith.constant 2356 : index
      %swap3A_1677 = tpu.vector_load %swap3A_1675[%swap3A_1676] {strides = array<i32>} : memref<4104xf32, #tpu.memory_space<vmem>>, vector<16xf32>,
      tpu.vector_store %swap3A_1675[%swap3A_1676], %get3A_1637 {strides = array<i32>} : memref<4104xf32, #tpu.memory_space<vmem>>, vector<16xf32>,
      %add3A_1678 = arith.addf %add3A_1674, %get3A_1643 : vector<16xf32>
      %swap3A_1679 = tpu.memref_slice %arg6[%mul3A_153] : memref<32832xf32, #tpu.memory_space<vmem>> -> memref<4104xf32, #tpu.memory_space<vmem>>
      %swap3A_1680 = arith.constant 2372 : index
      %swap3A_1681 = tpu.vector_load %swap3A_1679[%swap3A_1680] {strides = array<i32>} : memref<4104xf32, #tpu.memory_space<vmem>>, vector<16xf32>,
      tpu.vector_store %swap3A_1679[%swap3A_1680], %get3A_1643 {strides = array<i32>} : memref<4104xf32, #tpu.memory_space<vmem>>, vector<16xf32>,
      %add3A_1682 = arith.addf %add3A_1678, %get3A_1649 : vector<16xf32>
      %swap3A_1683 = tpu.memref_slice %arg6[%mul3A_153] : memref<32832xf32, #tpu.memory_space<vmem>> -> memref<4104xf32, #tpu.memory_space<vmem>>
      %swap3A_1684 = arith.constant 2388 : index
      %swap3A_1685 = tpu.vector_load %swap3A_1683[%swap3A_1684] {strides = array<i32>} : memref<4104xf32, #tpu.memory_space<vmem>>, vector<16xf32>,
      tpu.vector_store %swap3A_1683[%swap3A_1684], %get3A_1649 {strides = array<i32>} : memref<4104xf32, #tpu.memory_space<vmem>>, vector<16xf32>,
      %add3A_1686 = arith.addf %add3A_1682, %get3A_1655 : vector<16xf32>
      %swap3A_1687 = tpu.memref_slice %arg6[%mul3A_153] : memref<32832xf32, #tpu.memory_space<vmem>> -> memref<4104xf32, #tpu.memory_space<vmem>>
      %swap3A_1688 = arith.constant 2404 : index
      %swap3A_1689 = tpu.vector_load %swap3A_1687[%swap3A_1688] {strides = array<i32>} : memref<4104xf32, #tpu.memory_space<vmem>>, vector<16xf32>,
      tpu.vector_store %swap3A_1687[%swap3A_1688], %get3A_1655 {strides = array<i32>} : memref<4104xf32, #tpu.memory_space<vmem>>, vector<16xf32>,
      %add3A_1690 = arith.addf %add3A_1686, %get3A_1661 : vector<16xf32>
      %swap3A_1691 = tpu.memref_slice %arg6[%mul3A_153] : memref<32832xf32, #tpu.memory_space<vmem>> -> memref<4104xf32, #tpu.memory_space<vmem>>
      %swap3A_1692 = arith.constant 2420 : index
      %swap3A_1693 = tpu.vector_load %swap3A_1691[%swap3A_1692] {strides = array<i32>} : memref<4104xf32, #tpu.memory_space<vmem>>, vector<16xf32>,
      tpu.vector_store %swap3A_1691[%swap3A_1692], %get3A_1661 {strides = array<i32>} : memref<4104xf32, #tpu.memory_space<vmem>>, vector<16xf32>,
      %get3A_1694 = arith.constant 4 : i32
      %get3A_1695 = arith.constant 0 : i32
      %get3A_1696 = tpu.memref_slice %arg5[%mul3A_151, %get3A_1695] : memref<64x512xf32, #tpu.memory_space<vmem>> -> memref<8x512xf32, #tpu.memory_space<vmem>>
      %get3A_1697 = arith.index_cast %get3A_1694 : i32 to index
      %get3A_1698 = arith.constant 384 : index
      %get3A_1699 = tpu.vector_load %get3A_1696[%get3A_1697, %get3A_1698] {strides = array<i32>} : memref<8x512xf32, #tpu.memory_space<vmem>>, vector<16xf32>,
      %get3A_1700 = arith.constant 4 : i32
      %get3A_1701 = arith.constant 0 : i32
      %get3A_1702 = tpu.memref_slice %arg5[%mul3A_151, %get3A_1701] : memref<64x512xf32, #tpu.memory_space<vmem>> -> memref<8x512xf32, #tpu.memory_space<vmem>>
      %get3A_1703 = arith.index_cast %get3A_1700 : i32 to index
      %get3A_1704 = arith.constant 400 : index
      %get3A_1705 = tpu.vector_load %get3A_1702[%get3A_1703, %get3A_1704] {strides = array<i32>} : memref<8x512xf32, #tpu.memory_space<vmem>>, vector<16xf32>,
      %get3A_1706 = arith.constant 4 : i32
      %get3A_1707 = arith.constant 0 : i32
      %get3A_1708 = tpu.memref_slice %arg5[%mul3A_151, %get3A_1707] : memref<64x512xf32, #tpu.memory_space<vmem>> -> memref<8x512xf32, #tpu.memory_space<vmem>>
      %get3A_1709 = arith.index_cast %get3A_1706 : i32 to index
      %get3A_1710 = arith.constant 416 : index
      %get3A_1711 = tpu.vector_load %get3A_1708[%get3A_1709, %get3A_1710] {strides = array<i32>} : memref<8x512xf32, #tpu.memory_space<vmem>>, vector<16xf32>,
      %get3A_1712 = arith.constant 4 : i32
      %get3A_1713 = arith.constant 0 : i32
      %get3A_1714 = tpu.memref_slice %arg5[%mul3A_151, %get3A_1713] : memref<64x512xf32, #tpu.memory_space<vmem>> -> memref<8x512xf32, #tpu.memory_space<vmem>>
      %get3A_1715 = arith.index_cast %get3A_1712 : i32 to index
      %get3A_1716 = arith.constant 432 : index
      %get3A_1717 = tpu.vector_load %get3A_1714[%get3A_1715, %get3A_1716] {strides = array<i32>} : memref<8x512xf32, #tpu.memory_space<vmem>>, vector<16xf32>,
      %get3A_1718 = arith.constant 4 : i32
      %get3A_1719 = arith.constant 0 : i32
      %get3A_1720 = tpu.memref_slice %arg5[%mul3A_151, %get3A_1719] : memref<64x512xf32, #tpu.memory_space<vmem>> -> memref<8x512xf32, #tpu.memory_space<vmem>>
      %get3A_1721 = arith.index_cast %get3A_1718 : i32 to index
      %get3A_1722 = arith.constant 448 : index
      %get3A_1723 = tpu.vector_load %get3A_1720[%get3A_1721, %get3A_1722] {strides = array<i32>} : memref<8x512xf32, #tpu.memory_space<vmem>>, vector<16xf32>,
      %get3A_1724 = arith.constant 4 : i32
      %get3A_1725 = arith.constant 0 : i32
      %get3A_1726 = tpu.memref_slice %arg5[%mul3A_151, %get3A_1725] : memref<64x512xf32, #tpu.memory_space<vmem>> -> memref<8x512xf32, #tpu.memory_space<vmem>>
      %get3A_1727 = arith.index_cast %get3A_1724 : i32 to index
      %get3A_1728 = arith.constant 464 : index
      %get3A_1729 = tpu.vector_load %get3A_1726[%get3A_1727, %get3A_1728] {strides = array<i32>} : memref<8x512xf32, #tpu.memory_space<vmem>>, vector<16xf32>,
      %get3A_1730 = arith.constant 4 : i32
      %get3A_1731 = arith.constant 0 : i32
      %get3A_1732 = tpu.memref_slice %arg5[%mul3A_151, %get3A_1731] : memref<64x512xf32, #tpu.memory_space<vmem>> -> memref<8x512xf32, #tpu.memory_space<vmem>>
      %get3A_1733 = arith.index_cast %get3A_1730 : i32 to index
      %get3A_1734 = arith.constant 480 : index
      %get3A_1735 = tpu.vector_load %get3A_1732[%get3A_1733, %get3A_1734] {strides = array<i32>} : memref<8x512xf32, #tpu.memory_space<vmem>>, vector<16xf32>,
      %get3A_1736 = arith.constant 4 : i32
      %get3A_1737 = arith.constant 0 : i32
      %get3A_1738 = tpu.memref_slice %arg5[%mul3A_151, %get3A_1737] : memref<64x512xf32, #tpu.memory_space<vmem>> -> memref<8x512xf32, #tpu.memory_space<vmem>>
      %get3A_1739 = arith.index_cast %get3A_1736 : i32 to index
      %get3A_1740 = arith.constant 496 : index
      %get3A_1741 = tpu.vector_load %get3A_1738[%get3A_1739, %get3A_1740] {strides = array<i32>} : memref<8x512xf32, #tpu.memory_space<vmem>>, vector<16xf32>,
      %add3A_1742 = arith.addf %add3A_1690, %get3A_1699 : vector<16xf32>
      %swap3A_1743 = tpu.memref_slice %arg6[%mul3A_153] : memref<32832xf32, #tpu.memory_space<vmem>> -> memref<4104xf32, #tpu.memory_space<vmem>>
      %swap3A_1744 = arith.constant 2436 : index
      %swap3A_1745 = tpu.vector_load %swap3A_1743[%swap3A_1744] {strides = array<i32>} : memref<4104xf32, #tpu.memory_space<vmem>>, vector<16xf32>,
      tpu.vector_store %swap3A_1743[%swap3A_1744], %get3A_1699 {strides = array<i32>} : memref<4104xf32, #tpu.memory_space<vmem>>, vector<16xf32>,
      %add3A_1746 = arith.addf %add3A_1742, %get3A_1705 : vector<16xf32>
      %swap3A_1747 = tpu.memref_slice %arg6[%mul3A_153] : memref<32832xf32, #tpu.memory_space<vmem>> -> memref<4104xf32, #tpu.memory_space<vmem>>
      %swap3A_1748 = arith.constant 2452 : index
      %swap3A_1749 = tpu.vector_load %swap3A_1747[%swap3A_1748] {strides = array<i32>} : memref<4104xf32, #tpu.memory_space<vmem>>, vector<16xf32>,
      tpu.vector_store %swap3A_1747[%swap3A_1748], %get3A_1705 {strides = array<i32>} : memref<4104xf32, #tpu.memory_space<vmem>>, vector<16xf32>,
      %add3A_1750 = arith.addf %add3A_1746, %get3A_1711 : vector<16xf32>
      %swap3A_1751 = tpu.memref_slice %arg6[%mul3A_153] : memref<32832xf32, #tpu.memory_space<vmem>> -> memref<4104xf32, #tpu.memory_space<vmem>>
      %swap3A_1752 = arith.constant 2468 : index
      %swap3A_1753 = tpu.vector_load %swap3A_1751[%swap3A_1752] {strides = array<i32>} : memref<4104xf32, #tpu.memory_space<vmem>>, vector<16xf32>,
      tpu.vector_store %swap3A_1751[%swap3A_1752], %get3A_1711 {strides = array<i32>} : memref<4104xf32, #tpu.memory_space<vmem>>, vector<16xf32>,
      %add3A_1754 = arith.addf %add3A_1750, %get3A_1717 : vector<16xf32>
      %swap3A_1755 = tpu.memref_slice %arg6[%mul3A_153] : memref<32832xf32, #tpu.memory_space<vmem>> -> memref<4104xf32, #tpu.memory_space<vmem>>
      %swap3A_1756 = arith.constant 2484 : index
      %swap3A_1757 = tpu.vector_load %swap3A_1755[%swap3A_1756] {strides = array<i32>} : memref<4104xf32, #tpu.memory_space<vmem>>, vector<16xf32>,
      tpu.vector_store %swap3A_1755[%swap3A_1756], %get3A_1717 {strides = array<i32>} : memref<4104xf32, #tpu.memory_space<vmem>>, vector<16xf32>,
      %add3A_1758 = arith.addf %add3A_1754, %get3A_1723 : vector<16xf32>
      %swap3A_1759 = tpu.memref_slice %arg6[%mul3A_153] : memref<32832xf32, #tpu.memory_space<vmem>> -> memref<4104xf32, #tpu.memory_space<vmem>>
      %swap3A_1760 = arith.constant 2500 : index
      %swap3A_1761 = tpu.vector_load %swap3A_1759[%swap3A_1760] {strides = array<i32>} : memref<4104xf32, #tpu.memory_space<vmem>>, vector<16xf32>,
      tpu.vector_store %swap3A_1759[%swap3A_1760], %get3A_1723 {strides = array<i32>} : memref<4104xf32, #tpu.memory_space<vmem>>, vector<16xf32>,
      %add3A_1762 = arith.addf %add3A_1758, %get3A_1729 : vector<16xf32>
      %swap3A_1763 = tpu.memref_slice %arg6[%mul3A_153] : memref<32832xf32, #tpu.memory_space<vmem>> -> memref<4104xf32, #tpu.memory_space<vmem>>
      %swap3A_1764 = arith.constant 2516 : index
      %swap3A_1765 = tpu.vector_load %swap3A_1763[%swap3A_1764] {strides = array<i32>} : memref<4104xf32, #tpu.memory_space<vmem>>, vector<16xf32>,
      tpu.vector_store %swap3A_1763[%swap3A_1764], %get3A_1729 {strides = array<i32>} : memref<4104xf32, #tpu.memory_space<vmem>>, vector<16xf32>,
      %add3A_1766 = arith.addf %add3A_1762, %get3A_1735 : vector<16xf32>
      %swap3A_1767 = tpu.memref_slice %arg6[%mul3A_153] : memref<32832xf32, #tpu.memory_space<vmem>> -> memref<4104xf32, #tpu.memory_space<vmem>>
      %swap3A_1768 = arith.constant 2532 : index
      %swap3A_1769 = tpu.vector_load %swap3A_1767[%swap3A_1768] {strides = array<i32>} : memref<4104xf32, #tpu.memory_space<vmem>>, vector<16xf32>,
      tpu.vector_store %swap3A_1767[%swap3A_1768], %get3A_1735 {strides = array<i32>} : memref<4104xf32, #tpu.memory_space<vmem>>, vector<16xf32>,
      %add3A_1770 = arith.addf %add3A_1766, %get3A_1741 : vector<16xf32>
      %swap3A_1771 = tpu.memref_slice %arg6[%mul3A_153] : memref<32832xf32, #tpu.memory_space<vmem>> -> memref<4104xf32, #tpu.memory_space<vmem>>
      %swap3A_1772 = arith.constant 2548 : index
      %swap3A_1773 = tpu.vector_load %swap3A_1771[%swap3A_1772] {strides = array<i32>} : memref<4104xf32, #tpu.memory_space<vmem>>, vector<16xf32>,
      tpu.vector_store %swap3A_1771[%swap3A_1772], %get3A_1741 {strides = array<i32>} : memref<4104xf32, #tpu.memory_space<vmem>>, vector<16xf32>,
      %swap3A_1774 = arith.constant 4 : i32
      %swap3A_1775 = arith.constant 0 : i32
      %swap3A_1776 = tpu.memref_slice %arg8[%mul3A_155, %swap3A_1775] : memref<64x16xf32, #tpu.memory_space<vmem>> -> memref<8x16xf32, #tpu.memory_space<vmem>>
      %swap3A_1777 = arith.index_cast %swap3A_1774 : i32 to index
      %swap3A_1778 = arith.constant 0 : index
      %swap3A_1779 = tpu.vector_load %swap3A_1776[%swap3A_1777, %swap3A_1778] {strides = array<i32>} : memref<8x16xf32, #tpu.memory_space<vmem>>, vector<16xf32>,
      tpu.vector_store %swap3A_1776[%swap3A_1777, %swap3A_1778], %add3A_1770 {strides = array<i32>} : memref<8x16xf32, #tpu.memory_space<vmem>>, vector<16xf32>,
      %get3A_1780 = arith.constant 5 : i32
      %get3A_1781 = arith.constant 0 : i32
      %get3A_1782 = tpu.memref_slice %arg5[%mul3A_151, %get3A_1781] : memref<64x512xf32, #tpu.memory_space<vmem>> -> memref<8x512xf32, #tpu.memory_space<vmem>>
      %get3A_1783 = arith.index_cast %get3A_1780 : i32 to index
      %get3A_1784 = arith.constant 0 : index
      %get3A_1785 = tpu.vector_load %get3A_1782[%get3A_1783, %get3A_1784] {strides = array<i32>} : memref<8x512xf32, #tpu.memory_space<vmem>>, vector<16xf32>,
      %get3A_1786 = arith.constant 5 : i32
      %get3A_1787 = arith.constant 0 : i32
      %get3A_1788 = tpu.memref_slice %arg5[%mul3A_151, %get3A_1787] : memref<64x512xf32, #tpu.memory_space<vmem>> -> memref<8x512xf32, #tpu.memory_space<vmem>>
      %get3A_1789 = arith.index_cast %get3A_1786 : i32 to index
      %get3A_1790 = arith.constant 16 : index
      %get3A_1791 = tpu.vector_load %get3A_1788[%get3A_1789, %get3A_1790] {strides = array<i32>} : memref<8x512xf32, #tpu.memory_space<vmem>>, vector<16xf32>,
      %get3A_1792 = arith.constant 5 : i32
      %get3A_1793 = arith.constant 0 : i32
      %get3A_1794 = tpu.memref_slice %arg5[%mul3A_151, %get3A_1793] : memref<64x512xf32, #tpu.memory_space<vmem>> -> memref<8x512xf32, #tpu.memory_space<vmem>>
      %get3A_1795 = arith.index_cast %get3A_1792 : i32 to index
      %get3A_1796 = arith.constant 32 : index
      %get3A_1797 = tpu.vector_load %get3A_1794[%get3A_1795, %get3A_1796] {strides = array<i32>} : memref<8x512xf32, #tpu.memory_space<vmem>>, vector<16xf32>,
      %get3A_1798 = arith.constant 5 : i32
      %get3A_1799 = arith.constant 0 : i32
      %get3A_1800 = tpu.memref_slice %arg5[%mul3A_151, %get3A_1799] : memref<64x512xf32, #tpu.memory_space<vmem>> -> memref<8x512xf32, #tpu.memory_space<vmem>>
      %get3A_1801 = arith.index_cast %get3A_1798 : i32 to index
      %get3A_1802 = arith.constant 48 : index
      %get3A_1803 = tpu.vector_load %get3A_1800[%get3A_1801, %get3A_1802] {strides = array<i32>} : memref<8x512xf32, #tpu.memory_space<vmem>>, vector<16xf32>,
      %get3A_1804 = arith.constant 5 : i32
      %get3A_1805 = arith.constant 0 : i32
      %get3A_1806 = tpu.memref_slice %arg5[%mul3A_151, %get3A_1805] : memref<64x512xf32, #tpu.memory_space<vmem>> -> memref<8x512xf32, #tpu.memory_space<vmem>>
      %get3A_1807 = arith.index_cast %get3A_1804 : i32 to index
      %get3A_1808 = arith.constant 64 : index
      %get3A_1809 = tpu.vector_load %get3A_1806[%get3A_1807, %get3A_1808] {strides = array<i32>} : memref<8x512xf32, #tpu.memory_space<vmem>>, vector<16xf32>,
      %get3A_1810 = arith.constant 5 : i32
      %get3A_1811 = arith.constant 0 : i32
      %get3A_1812 = tpu.memref_slice %arg5[%mul3A_151, %get3A_1811] : memref<64x512xf32, #tpu.memory_space<vmem>> -> memref<8x512xf32, #tpu.memory_space<vmem>>
      %get3A_1813 = arith.index_cast %get3A_1810 : i32 to index
      %get3A_1814 = arith.constant 80 : index
      %get3A_1815 = tpu.vector_load %get3A_1812[%get3A_1813, %get3A_1814] {strides = array<i32>} : memref<8x512xf32, #tpu.memory_space<vmem>>, vector<16xf32>,
      %get3A_1816 = arith.constant 5 : i32
      %get3A_1817 = arith.constant 0 : i32
      %get3A_1818 = tpu.memref_slice %arg5[%mul3A_151, %get3A_1817] : memref<64x512xf32, #tpu.memory_space<vmem>> -> memref<8x512xf32, #tpu.memory_space<vmem>>
      %get3A_1819 = arith.index_cast %get3A_1816 : i32 to index
      %get3A_1820 = arith.constant 96 : index
      %get3A_1821 = tpu.vector_load %get3A_1818[%get3A_1819, %get3A_1820] {strides = array<i32>} : memref<8x512xf32, #tpu.memory_space<vmem>>, vector<16xf32>,
      %get3A_1822 = arith.constant 5 : i32
      %get3A_1823 = arith.constant 0 : i32
      %get3A_1824 = tpu.memref_slice %arg5[%mul3A_151, %get3A_1823] : memref<64x512xf32, #tpu.memory_space<vmem>> -> memref<8x512xf32, #tpu.memory_space<vmem>>
      %get3A_1825 = arith.index_cast %get3A_1822 : i32 to index
      %get3A_1826 = arith.constant 112 : index
      %get3A_1827 = tpu.vector_load %get3A_1824[%get3A_1825, %get3A_1826] {strides = array<i32>} : memref<8x512xf32, #tpu.memory_space<vmem>>, vector<16xf32>,
      %swap3A_1828 = tpu.memref_slice %arg6[%mul3A_153] : memref<32832xf32, #tpu.memory_space<vmem>> -> memref<4104xf32, #tpu.memory_space<vmem>>
      %swap3A_1829 = arith.constant 2565 : index
      %swap3A_1830 = tpu.vector_load %swap3A_1828[%swap3A_1829] {strides = array<i32>} : memref<4104xf32, #tpu.memory_space<vmem>>, vector<16xf32>,
      tpu.vector_store %swap3A_1828[%swap3A_1829], %get3A_1785 {strides = array<i32>} : memref<4104xf32, #tpu.memory_space<vmem>>, vector<16xf32>,
      %add3A_1831 = arith.addf %get3A_1785, %get3A_1791 : vector<16xf32>
      %swap3A_1832 = tpu.memref_slice %arg6[%mul3A_153] : memref<32832xf32, #tpu.memory_space<vmem>> -> memref<4104xf32, #tpu.memory_space<vmem>>
      %swap3A_1833 = arith.constant 2581 : index
      %swap3A_1834 = tpu.vector_load %swap3A_1832[%swap3A_1833] {strides = array<i32>} : memref<4104xf32, #tpu.memory_space<vmem>>, vector<16xf32>,
      tpu.vector_store %swap3A_1832[%swap3A_1833], %get3A_1791 {strides = array<i32>} : memref<4104xf32, #tpu.memory_space<vmem>>, vector<16xf32>,
      %add3A_1835 = arith.addf %add3A_1831, %get3A_1797 : vector<16xf32>
      %swap3A_1836 = tpu.memref_slice %arg6[%mul3A_153] : memref<32832xf32, #tpu.memory_space<vmem>> -> memref<4104xf32, #tpu.memory_space<vmem>>
      %swap3A_1837 = arith.constant 2597 : index
      %swap3A_1838 = tpu.vector_load %swap3A_1836[%swap3A_1837] {strides = array<i32>} : memref<4104xf32, #tpu.memory_space<vmem>>, vector<16xf32>,
      tpu.vector_store %swap3A_1836[%swap3A_1837], %get3A_1797 {strides = array<i32>} : memref<4104xf32, #tpu.memory_space<vmem>>, vector<16xf32>,
      %add3A_1839 = arith.addf %add3A_1835, %get3A_1803 : vector<16xf32>
      %swap3A_1840 = tpu.memref_slice %arg6[%mul3A_153] : memref<32832xf32, #tpu.memory_space<vmem>> -> memref<4104xf32, #tpu.memory_space<vmem>>
      %swap3A_1841 = arith.constant 2613 : index
      %swap3A_1842 = tpu.vector_load %swap3A_1840[%swap3A_1841] {strides = array<i32>} : memref<4104xf32, #tpu.memory_space<vmem>>, vector<16xf32>,
      tpu.vector_store %swap3A_1840[%swap3A_1841], %get3A_1803 {strides = array<i32>} : memref<4104xf32, #tpu.memory_space<vmem>>, vector<16xf32>,
      %add3A_1843 = arith.addf %add3A_1839, %get3A_1809 : vector<16xf32>
      %swap3A_1844 = tpu.memref_slice %arg6[%mul3A_153] : memref<32832xf32, #tpu.memory_space<vmem>> -> memref<4104xf32, #tpu.memory_space<vmem>>
      %swap3A_1845 = arith.constant 2629 : index
      %swap3A_1846 = tpu.vector_load %swap3A_1844[%swap3A_1845] {strides = array<i32>} : memref<4104xf32, #tpu.memory_space<vmem>>, vector<16xf32>,
      tpu.vector_store %swap3A_1844[%swap3A_1845], %get3A_1809 {strides = array<i32>} : memref<4104xf32, #tpu.memory_space<vmem>>, vector<16xf32>,
      %add3A_1847 = arith.addf %add3A_1843, %get3A_1815 : vector<16xf32>
      %swap3A_1848 = tpu.memref_slice %arg6[%mul3A_153] : memref<32832xf32, #tpu.memory_space<vmem>> -> memref<4104xf32, #tpu.memory_space<vmem>>
      %swap3A_1849 = arith.constant 2645 : index
      %swap3A_1850 = tpu.vector_load %swap3A_1848[%swap3A_1849] {strides = array<i32>} : memref<4104xf32, #tpu.memory_space<vmem>>, vector<16xf32>,
      tpu.vector_store %swap3A_1848[%swap3A_1849], %get3A_1815 {strides = array<i32>} : memref<4104xf32, #tpu.memory_space<vmem>>, vector<16xf32>,
      %add3A_1851 = arith.addf %add3A_1847, %get3A_1821 : vector<16xf32>
      %swap3A_1852 = tpu.memref_slice %arg6[%mul3A_153] : memref<32832xf32, #tpu.memory_space<vmem>> -> memref<4104xf32, #tpu.memory_space<vmem>>
      %swap3A_1853 = arith.constant 2661 : index
      %swap3A_1854 = tpu.vector_load %swap3A_1852[%swap3A_1853] {strides = array<i32>} : memref<4104xf32, #tpu.memory_space<vmem>>, vector<16xf32>,
      tpu.vector_store %swap3A_1852[%swap3A_1853], %get3A_1821 {strides = array<i32>} : memref<4104xf32, #tpu.memory_space<vmem>>, vector<16xf32>,
      %add3A_1855 = arith.addf %add3A_1851, %get3A_1827 : vector<16xf32>
      %swap3A_1856 = tpu.memref_slice %arg6[%mul3A_153] : memref<32832xf32, #tpu.memory_space<vmem>> -> memref<4104xf32, #tpu.memory_space<vmem>>
      %swap3A_1857 = arith.constant 2677 : index
      %swap3A_1858 = tpu.vector_load %swap3A_1856[%swap3A_1857] {strides = array<i32>} : memref<4104xf32, #tpu.memory_space<vmem>>, vector<16xf32>,
      tpu.vector_store %swap3A_1856[%swap3A_1857], %get3A_1827 {strides = array<i32>} : memref<4104xf32, #tpu.memory_space<vmem>>, vector<16xf32>,
      %get3A_1859 = arith.constant 5 : i32
      %get3A_1860 = arith.constant 0 : i32
      %get3A_1861 = tpu.memref_slice %arg5[%mul3A_151, %get3A_1860] : memref<64x512xf32, #tpu.memory_space<vmem>> -> memref<8x512xf32, #tpu.memory_space<vmem>>
      %get3A_1862 = arith.index_cast %get3A_1859 : i32 to index
      %get3A_1863 = arith.constant 128 : index
      %get3A_1864 = tpu.vector_load %get3A_1861[%get3A_1862, %get3A_1863] {strides = array<i32>} : memref<8x512xf32, #tpu.memory_space<vmem>>, vector<16xf32>,
      %get3A_1865 = arith.constant 5 : i32
      %get3A_1866 = arith.constant 0 : i32
      %get3A_1867 = tpu.memref_slice %arg5[%mul3A_151, %get3A_1866] : memref<64x512xf32, #tpu.memory_space<vmem>> -> memref<8x512xf32, #tpu.memory_space<vmem>>
      %get3A_1868 = arith.index_cast %get3A_1865 : i32 to index
      %get3A_1869 = arith.constant 144 : index
      %get3A_1870 = tpu.vector_load %get3A_1867[%get3A_1868, %get3A_1869] {strides = array<i32>} : memref<8x512xf32, #tpu.memory_space<vmem>>, vector<16xf32>,
      %get3A_1871 = arith.constant 5 : i32
      %get3A_1872 = arith.constant 0 : i32
      %get3A_1873 = tpu.memref_slice %arg5[%mul3A_151, %get3A_1872] : memref<64x512xf32, #tpu.memory_space<vmem>> -> memref<8x512xf32, #tpu.memory_space<vmem>>
      %get3A_1874 = arith.index_cast %get3A_1871 : i32 to index
      %get3A_1875 = arith.constant 160 : index
      %get3A_1876 = tpu.vector_load %get3A_1873[%get3A_1874, %get3A_1875] {strides = array<i32>} : memref<8x512xf32, #tpu.memory_space<vmem>>, vector<16xf32>,
      %get3A_1877 = arith.constant 5 : i32
      %get3A_1878 = arith.constant 0 : i32
      %get3A_1879 = tpu.memref_slice %arg5[%mul3A_151, %get3A_1878] : memref<64x512xf32, #tpu.memory_space<vmem>> -> memref<8x512xf32, #tpu.memory_space<vmem>>
      %get3A_1880 = arith.index_cast %get3A_1877 : i32 to index
      %get3A_1881 = arith.constant 176 : index
      %get3A_1882 = tpu.vector_load %get3A_1879[%get3A_1880, %get3A_1881] {strides = array<i32>} : memref<8x512xf32, #tpu.memory_space<vmem>>, vector<16xf32>,
      %get3A_1883 = arith.constant 5 : i32
      %get3A_1884 = arith.constant 0 : i32
      %get3A_1885 = tpu.memref_slice %arg5[%mul3A_151, %get3A_1884] : memref<64x512xf32, #tpu.memory_space<vmem>> -> memref<8x512xf32, #tpu.memory_space<vmem>>
      %get3A_1886 = arith.index_cast %get3A_1883 : i32 to index
      %get3A_1887 = arith.constant 192 : index
      %get3A_1888 = tpu.vector_load %get3A_1885[%get3A_1886, %get3A_1887] {strides = array<i32>} : memref<8x512xf32, #tpu.memory_space<vmem>>, vector<16xf32>,
      %get3A_1889 = arith.constant 5 : i32
      %get3A_1890 = arith.constant 0 : i32
      %get3A_1891 = tpu.memref_slice %arg5[%mul3A_151, %get3A_1890] : memref<64x512xf32, #tpu.memory_space<vmem>> -> memref<8x512xf32, #tpu.memory_space<vmem>>
      %get3A_1892 = arith.index_cast %get3A_1889 : i32 to index
      %get3A_1893 = arith.constant 208 : index
      %get3A_1894 = tpu.vector_load %get3A_1891[%get3A_1892, %get3A_1893] {strides = array<i32>} : memref<8x512xf32, #tpu.memory_space<vmem>>, vector<16xf32>,
      %get3A_1895 = arith.constant 5 : i32
      %get3A_1896 = arith.constant 0 : i32
      %get3A_1897 = tpu.memref_slice %arg5[%mul3A_151, %get3A_1896] : memref<64x512xf32, #tpu.memory_space<vmem>> -> memref<8x512xf32, #tpu.memory_space<vmem>>
      %get3A_1898 = arith.index_cast %get3A_1895 : i32 to index
      %get3A_1899 = arith.constant 224 : index
      %get3A_1900 = tpu.vector_load %get3A_1897[%get3A_1898, %get3A_1899] {strides = array<i32>} : memref<8x512xf32, #tpu.memory_space<vmem>>, vector<16xf32>,
      %get3A_1901 = arith.constant 5 : i32
      %get3A_1902 = arith.constant 0 : i32
      %get3A_1903 = tpu.memref_slice %arg5[%mul3A_151, %get3A_1902] : memref<64x512xf32, #tpu.memory_space<vmem>> -> memref<8x512xf32, #tpu.memory_space<vmem>>
      %get3A_1904 = arith.index_cast %get3A_1901 : i32 to index
      %get3A_1905 = arith.constant 240 : index
      %get3A_1906 = tpu.vector_load %get3A_1903[%get3A_1904, %get3A_1905] {strides = array<i32>} : memref<8x512xf32, #tpu.memory_space<vmem>>, vector<16xf32>,
      %add3A_1907 = arith.addf %add3A_1855, %get3A_1864 : vector<16xf32>
      %swap3A_1908 = tpu.memref_slice %arg6[%mul3A_153] : memref<32832xf32, #tpu.memory_space<vmem>> -> memref<4104xf32, #tpu.memory_space<vmem>>
      %swap3A_1909 = arith.constant 2693 : index
      %swap3A_1910 = tpu.vector_load %swap3A_1908[%swap3A_1909] {strides = array<i32>} : memref<4104xf32, #tpu.memory_space<vmem>>, vector<16xf32>,
      tpu.vector_store %swap3A_1908[%swap3A_1909], %get3A_1864 {strides = array<i32>} : memref<4104xf32, #tpu.memory_space<vmem>>, vector<16xf32>,
      %add3A_1911 = arith.addf %add3A_1907, %get3A_1870 : vector<16xf32>
      %swap3A_1912 = tpu.memref_slice %arg6[%mul3A_153] : memref<32832xf32, #tpu.memory_space<vmem>> -> memref<4104xf32, #tpu.memory_space<vmem>>
      %swap3A_1913 = arith.constant 2709 : index
      %swap3A_1914 = tpu.vector_load %swap3A_1912[%swap3A_1913] {strides = array<i32>} : memref<4104xf32, #tpu.memory_space<vmem>>, vector<16xf32>,
      tpu.vector_store %swap3A_1912[%swap3A_1913], %get3A_1870 {strides = array<i32>} : memref<4104xf32, #tpu.memory_space<vmem>>, vector<16xf32>,
      %add3A_1915 = arith.addf %add3A_1911, %get3A_1876 : vector<16xf32>
      %swap3A_1916 = tpu.memref_slice %arg6[%mul3A_153] : memref<32832xf32, #tpu.memory_space<vmem>> -> memref<4104xf32, #tpu.memory_space<vmem>>
      %swap3A_1917 = arith.constant 2725 : index
      %swap3A_1918 = tpu.vector_load %swap3A_1916[%swap3A_1917] {strides = array<i32>} : memref<4104xf32, #tpu.memory_space<vmem>>, vector<16xf32>,
      tpu.vector_store %swap3A_1916[%swap3A_1917], %get3A_1876 {strides = array<i32>} : memref<4104xf32, #tpu.memory_space<vmem>>, vector<16xf32>,
      %add3A_1919 = arith.addf %add3A_1915, %get3A_1882 : vector<16xf32>
      %swap3A_1920 = tpu.memref_slice %arg6[%mul3A_153] : memref<32832xf32, #tpu.memory_space<vmem>> -> memref<4104xf32, #tpu.memory_space<vmem>>
      %swap3A_1921 = arith.constant 2741 : index
      %swap3A_1922 = tpu.vector_load %swap3A_1920[%swap3A_1921] {strides = array<i32>} : memref<4104xf32, #tpu.memory_space<vmem>>, vector<16xf32>,
      tpu.vector_store %swap3A_1920[%swap3A_1921], %get3A_1882 {strides = array<i32>} : memref<4104xf32, #tpu.memory_space<vmem>>, vector<16xf32>,
      %add3A_1923 = arith.addf %add3A_1919, %get3A_1888 : vector<16xf32>
      %swap3A_1924 = tpu.memref_slice %arg6[%mul3A_153] : memref<32832xf32, #tpu.memory_space<vmem>> -> memref<4104xf32, #tpu.memory_space<vmem>>
      %swap3A_1925 = arith.constant 2757 : index
      %swap3A_1926 = tpu.vector_load %swap3A_1924[%swap3A_1925] {strides = array<i32>} : memref<4104xf32, #tpu.memory_space<vmem>>, vector<16xf32>,
      tpu.vector_store %swap3A_1924[%swap3A_1925], %get3A_1888 {strides = array<i32>} : memref<4104xf32, #tpu.memory_space<vmem>>, vector<16xf32>,
      %add3A_1927 = arith.addf %add3A_1923, %get3A_1894 : vector<16xf32>
      %swap3A_1928 = tpu.memref_slice %arg6[%mul3A_153] : memref<32832xf32, #tpu.memory_space<vmem>> -> memref<4104xf32, #tpu.memory_space<vmem>>
      %swap3A_1929 = arith.constant 2773 : index
      %swap3A_1930 = tpu.vector_load %swap3A_1928[%swap3A_1929] {strides = array<i32>} : memref<4104xf32, #tpu.memory_space<vmem>>, vector<16xf32>,
      tpu.vector_store %swap3A_1928[%swap3A_1929], %get3A_1894 {strides = array<i32>} : memref<4104xf32, #tpu.memory_space<vmem>>, vector<16xf32>,
      %add3A_1931 = arith.addf %add3A_1927, %get3A_1900 : vector<16xf32>
      %swap3A_1932 = tpu.memref_slice %arg6[%mul3A_153] : memref<32832xf32, #tpu.memory_space<vmem>> -> memref<4104xf32, #tpu.memory_space<vmem>>
      %swap3A_1933 = arith.constant 2789 : index
      %swap3A_1934 = tpu.vector_load %swap3A_1932[%swap3A_1933] {strides = array<i32>} : memref<4104xf32, #tpu.memory_space<vmem>>, vector<16xf32>,
      tpu.vector_store %swap3A_1932[%swap3A_1933], %get3A_1900 {strides = array<i32>} : memref<4104xf32, #tpu.memory_space<vmem>>, vector<16xf32>,
      %add3A_1935 = arith.addf %add3A_1931, %get3A_1906 : vector<16xf32>
      %swap3A_1936 = tpu.memref_slice %arg6[%mul3A_153] : memref<32832xf32, #tpu.memory_space<vmem>> -> memref<4104xf32, #tpu.memory_space<vmem>>
      %swap3A_1937 = arith.constant 2805 : index
      %swap3A_1938 = tpu.vector_load %swap3A_1936[%swap3A_1937] {strides = array<i32>} : memref<4104xf32, #tpu.memory_space<vmem>>, vector<16xf32>,
      tpu.vector_store %swap3A_1936[%swap3A_1937], %get3A_1906 {strides = array<i32>} : memref<4104xf32, #tpu.memory_space<vmem>>, vector<16xf32>,
      %get3A_1939 = arith.constant 5 : i32
      %get3A_1940 = arith.constant 0 : i32
      %get3A_1941 = tpu.memref_slice %arg5[%mul3A_151, %get3A_1940] : memref<64x512xf32, #tpu.memory_space<vmem>> -> memref<8x512xf32, #tpu.memory_space<vmem>>
      %get3A_1942 = arith.index_cast %get3A_1939 : i32 to index
      %get3A_1943 = arith.constant 256 : index
      %get3A_1944 = tpu.vector_load %get3A_1941[%get3A_1942, %get3A_1943] {strides = array<i32>} : memref<8x512xf32, #tpu.memory_space<vmem>>, vector<16xf32>,
      %get3A_1945 = arith.constant 5 : i32
      %get3A_1946 = arith.constant 0 : i32
      %get3A_1947 = tpu.memref_slice %arg5[%mul3A_151, %get3A_1946] : memref<64x512xf32, #tpu.memory_space<vmem>> -> memref<8x512xf32, #tpu.memory_space<vmem>>
      %get3A_1948 = arith.index_cast %get3A_1945 : i32 to index
      %get3A_1949 = arith.constant 272 : index
      %get3A_1950 = tpu.vector_load %get3A_1947[%get3A_1948, %get3A_1949] {strides = array<i32>} : memref<8x512xf32, #tpu.memory_space<vmem>>, vector<16xf32>,
      %get3A_1951 = arith.constant 5 : i32
      %get3A_1952 = arith.constant 0 : i32
      %get3A_1953 = tpu.memref_slice %arg5[%mul3A_151, %get3A_1952] : memref<64x512xf32, #tpu.memory_space<vmem>> -> memref<8x512xf32, #tpu.memory_space<vmem>>
      %get3A_1954 = arith.index_cast %get3A_1951 : i32 to index
      %get3A_1955 = arith.constant 288 : index
      %get3A_1956 = tpu.vector_load %get3A_1953[%get3A_1954, %get3A_1955] {strides = array<i32>} : memref<8x512xf32, #tpu.memory_space<vmem>>, vector<16xf32>,
      %get3A_1957 = arith.constant 5 : i32
      %get3A_1958 = arith.constant 0 : i32
      %get3A_1959 = tpu.memref_slice %arg5[%mul3A_151, %get3A_1958] : memref<64x512xf32, #tpu.memory_space<vmem>> -> memref<8x512xf32, #tpu.memory_space<vmem>>
      %get3A_1960 = arith.index_cast %get3A_1957 : i32 to index
      %get3A_1961 = arith.constant 304 : index
      %get3A_1962 = tpu.vector_load %get3A_1959[%get3A_1960, %get3A_1961] {strides = array<i32>} : memref<8x512xf32, #tpu.memory_space<vmem>>, vector<16xf32>,
      %get3A_1963 = arith.constant 5 : i32
      %get3A_1964 = arith.constant 0 : i32
      %get3A_1965 = tpu.memref_slice %arg5[%mul3A_151, %get3A_1964] : memref<64x512xf32, #tpu.memory_space<vmem>> -> memref<8x512xf32, #tpu.memory_space<vmem>>
      %get3A_1966 = arith.index_cast %get3A_1963 : i32 to index
      %get3A_1967 = arith.constant 320 : index
      %get3A_1968 = tpu.vector_load %get3A_1965[%get3A_1966, %get3A_1967] {strides = array<i32>} : memref<8x512xf32, #tpu.memory_space<vmem>>, vector<16xf32>,
      %get3A_1969 = arith.constant 5 : i32
      %get3A_1970 = arith.constant 0 : i32
      %get3A_1971 = tpu.memref_slice %arg5[%mul3A_151, %get3A_1970] : memref<64x512xf32, #tpu.memory_space<vmem>> -> memref<8x512xf32, #tpu.memory_space<vmem>>
      %get3A_1972 = arith.index_cast %get3A_1969 : i32 to index
      %get3A_1973 = arith.constant 336 : index
      %get3A_1974 = tpu.vector_load %get3A_1971[%get3A_1972, %get3A_1973] {strides = array<i32>} : memref<8x512xf32, #tpu.memory_space<vmem>>, vector<16xf32>,
      %get3A_1975 = arith.constant 5 : i32
      %get3A_1976 = arith.constant 0 : i32
      %get3A_1977 = tpu.memref_slice %arg5[%mul3A_151, %get3A_1976] : memref<64x512xf32, #tpu.memory_space<vmem>> -> memref<8x512xf32, #tpu.memory_space<vmem>>
      %get3A_1978 = arith.index_cast %get3A_1975 : i32 to index
      %get3A_1979 = arith.constant 352 : index
      %get3A_1980 = tpu.vector_load %get3A_1977[%get3A_1978, %get3A_1979] {strides = array<i32>} : memref<8x512xf32, #tpu.memory_space<vmem>>, vector<16xf32>,
      %get3A_1981 = arith.constant 5 : i32
      %get3A_1982 = arith.constant 0 : i32
      %get3A_1983 = tpu.memref_slice %arg5[%mul3A_151, %get3A_1982] : memref<64x512xf32, #tpu.memory_space<vmem>> -> memref<8x512xf32, #tpu.memory_space<vmem>>
      %get3A_1984 = arith.index_cast %get3A_1981 : i32 to index
      %get3A_1985 = arith.constant 368 : index
      %get3A_1986 = tpu.vector_load %get3A_1983[%get3A_1984, %get3A_1985] {strides = array<i32>} : memref<8x512xf32, #tpu.memory_space<vmem>>, vector<16xf32>,
      %add3A_1987 = arith.addf %add3A_1935, %get3A_1944 : vector<16xf32>
      %swap3A_1988 = tpu.memref_slice %arg6[%mul3A_153] : memref<32832xf32, #tpu.memory_space<vmem>> -> memref<4104xf32, #tpu.memory_space<vmem>>
      %swap3A_1989 = arith.constant 2821 : index
      %swap3A_1990 = tpu.vector_load %swap3A_1988[%swap3A_1989] {strides = array<i32>} : memref<4104xf32, #tpu.memory_space<vmem>>, vector<16xf32>,
      tpu.vector_store %swap3A_1988[%swap3A_1989], %get3A_1944 {strides = array<i32>} : memref<4104xf32, #tpu.memory_space<vmem>>, vector<16xf32>,
      %add3A_1991 = arith.addf %add3A_1987, %get3A_1950 : vector<16xf32>
      %swap3A_1992 = tpu.memref_slice %arg6[%mul3A_153] : memref<32832xf32, #tpu.memory_space<vmem>> -> memref<4104xf32, #tpu.memory_space<vmem>>
      %swap3A_1993 = arith.constant 2837 : index
      %swap3A_1994 = tpu.vector_load %swap3A_1992[%swap3A_1993] {strides = array<i32>} : memref<4104xf32, #tpu.memory_space<vmem>>, vector<16xf32>,
      tpu.vector_store %swap3A_1992[%swap3A_1993], %get3A_1950 {strides = array<i32>} : memref<4104xf32, #tpu.memory_space<vmem>>, vector<16xf32>,
      %add3A_1995 = arith.addf %add3A_1991, %get3A_1956 : vector<16xf32>
      %swap3A_1996 = tpu.memref_slice %arg6[%mul3A_153] : memref<32832xf32, #tpu.memory_space<vmem>> -> memref<4104xf32, #tpu.memory_space<vmem>>
      %swap3A_1997 = arith.constant 2853 : index
      %swap3A_1998 = tpu.vector_load %swap3A_1996[%swap3A_1997] {strides = array<i32>} : memref<4104xf32, #tpu.memory_space<vmem>>, vector<16xf32>,
      tpu.vector_store %swap3A_1996[%swap3A_1997], %get3A_1956 {strides = array<i32>} : memref<4104xf32, #tpu.memory_space<vmem>>, vector<16xf32>,
      %add3A_1999 = arith.addf %add3A_1995, %get3A_1962 : vector<16xf32>
      %swap3A_2000 = tpu.memref_slice %arg6[%mul3A_153] : memref<32832xf32, #tpu.memory_space<vmem>> -> memref<4104xf32, #tpu.memory_space<vmem>>
      %swap3A_2001 = arith.constant 2869 : index
      %swap3A_2002 = tpu.vector_load %swap3A_2000[%swap3A_2001] {strides = array<i32>} : memref<4104xf32, #tpu.memory_space<vmem>>, vector<16xf32>,
      tpu.vector_store %swap3A_2000[%swap3A_2001], %get3A_1962 {strides = array<i32>} : memref<4104xf32, #tpu.memory_space<vmem>>, vector<16xf32>,
      %add3A_2003 = arith.addf %add3A_1999, %get3A_1968 : vector<16xf32>
      %swap3A_2004 = tpu.memref_slice %arg6[%mul3A_153] : memref<32832xf32, #tpu.memory_space<vmem>> -> memref<4104xf32, #tpu.memory_space<vmem>>
      %swap3A_2005 = arith.constant 2885 : index
      %swap3A_2006 = tpu.vector_load %swap3A_2004[%swap3A_2005] {strides = array<i32>} : memref<4104xf32, #tpu.memory_space<vmem>>, vector<16xf32>,
      tpu.vector_store %swap3A_2004[%swap3A_2005], %get3A_1968 {strides = array<i32>} : memref<4104xf32, #tpu.memory_space<vmem>>, vector<16xf32>,
      %add3A_2007 = arith.addf %add3A_2003, %get3A_1974 : vector<16xf32>
      %swap3A_2008 = tpu.memref_slice %arg6[%mul3A_153] : memref<32832xf32, #tpu.memory_space<vmem>> -> memref<4104xf32, #tpu.memory_space<vmem>>
      %swap3A_2009 = arith.constant 2901 : index
      %swap3A_2010 = tpu.vector_load %swap3A_2008[%swap3A_2009] {strides = array<i32>} : memref<4104xf32, #tpu.memory_space<vmem>>, vector<16xf32>,
      tpu.vector_store %swap3A_2008[%swap3A_2009], %get3A_1974 {strides = array<i32>} : memref<4104xf32, #tpu.memory_space<vmem>>, vector<16xf32>,
      %add3A_2011 = arith.addf %add3A_2007, %get3A_1980 : vector<16xf32>
      %swap3A_2012 = tpu.memref_slice %arg6[%mul3A_153] : memref<32832xf32, #tpu.memory_space<vmem>> -> memref<4104xf32, #tpu.memory_space<vmem>>
      %swap3A_2013 = arith.constant 2917 : index
      %swap3A_2014 = tpu.vector_load %swap3A_2012[%swap3A_2013] {strides = array<i32>} : memref<4104xf32, #tpu.memory_space<vmem>>, vector<16xf32>,
      tpu.vector_store %swap3A_2012[%swap3A_2013], %get3A_1980 {strides = array<i32>} : memref<4104xf32, #tpu.memory_space<vmem>>, vector<16xf32>,
      %add3A_2015 = arith.addf %add3A_2011, %get3A_1986 : vector<16xf32>
      %swap3A_2016 = tpu.memref_slice %arg6[%mul3A_153] : memref<32832xf32, #tpu.memory_space<vmem>> -> memref<4104xf32, #tpu.memory_space<vmem>>
      %swap3A_2017 = arith.constant 2933 : index
      %swap3A_2018 = tpu.vector_load %swap3A_2016[%swap3A_2017] {strides = array<i32>} : memref<4104xf32, #tpu.memory_space<vmem>>, vector<16xf32>,
      tpu.vector_store %swap3A_2016[%swap3A_2017], %get3A_1986 {strides = array<i32>} : memref<4104xf32, #tpu.memory_space<vmem>>, vector<16xf32>,
      %get3A_2019 = arith.constant 5 : i32
      %get3A_2020 = arith.constant 0 : i32
      %get3A_2021 = tpu.memref_slice %arg5[%mul3A_151, %get3A_2020] : memref<64x512xf32, #tpu.memory_space<vmem>> -> memref<8x512xf32, #tpu.memory_space<vmem>>
      %get3A_2022 = arith.index_cast %get3A_2019 : i32 to index
      %get3A_2023 = arith.constant 384 : index
      %get3A_2024 = tpu.vector_load %get3A_2021[%get3A_2022, %get3A_2023] {strides = array<i32>} : memref<8x512xf32, #tpu.memory_space<vmem>>, vector<16xf32>,
      %get3A_2025 = arith.constant 5 : i32
      %get3A_2026 = arith.constant 0 : i32
      %get3A_2027 = tpu.memref_slice %arg5[%mul3A_151, %get3A_2026] : memref<64x512xf32, #tpu.memory_space<vmem>> -> memref<8x512xf32, #tpu.memory_space<vmem>>
      %get3A_2028 = arith.index_cast %get3A_2025 : i32 to index
      %get3A_2029 = arith.constant 400 : index
      %get3A_2030 = tpu.vector_load %get3A_2027[%get3A_2028, %get3A_2029] {strides = array<i32>} : memref<8x512xf32, #tpu.memory_space<vmem>>, vector<16xf32>,
      %get3A_2031 = arith.constant 5 : i32
      %get3A_2032 = arith.constant 0 : i32
      %get3A_2033 = tpu.memref_slice %arg5[%mul3A_151, %get3A_2032] : memref<64x512xf32, #tpu.memory_space<vmem>> -> memref<8x512xf32, #tpu.memory_space<vmem>>
      %get3A_2034 = arith.index_cast %get3A_2031 : i32 to index
      %get3A_2035 = arith.constant 416 : index
      %get3A_2036 = tpu.vector_load %get3A_2033[%get3A_2034, %get3A_2035] {strides = array<i32>} : memref<8x512xf32, #tpu.memory_space<vmem>>, vector<16xf32>,
      %get3A_2037 = arith.constant 5 : i32
      %get3A_2038 = arith.constant 0 : i32
      %get3A_2039 = tpu.memref_slice %arg5[%mul3A_151, %get3A_2038] : memref<64x512xf32, #tpu.memory_space<vmem>> -> memref<8x512xf32, #tpu.memory_space<vmem>>
      %get3A_2040 = arith.index_cast %get3A_2037 : i32 to index
      %get3A_2041 = arith.constant 432 : index
      %get3A_2042 = tpu.vector_load %get3A_2039[%get3A_2040, %get3A_2041] {strides = array<i32>} : memref<8x512xf32, #tpu.memory_space<vmem>>, vector<16xf32>,
      %get3A_2043 = arith.constant 5 : i32
      %get3A_2044 = arith.constant 0 : i32
      %get3A_2045 = tpu.memref_slice %arg5[%mul3A_151, %get3A_2044] : memref<64x512xf32, #tpu.memory_space<vmem>> -> memref<8x512xf32, #tpu.memory_space<vmem>>
      %get3A_2046 = arith.index_cast %get3A_2043 : i32 to index
      %get3A_2047 = arith.constant 448 : index
      %get3A_2048 = tpu.vector_load %get3A_2045[%get3A_2046, %get3A_2047] {strides = array<i32>} : memref<8x512xf32, #tpu.memory_space<vmem>>, vector<16xf32>,
      %get3A_2049 = arith.constant 5 : i32
      %get3A_2050 = arith.constant 0 : i32
      %get3A_2051 = tpu.memref_slice %arg5[%mul3A_151, %get3A_2050] : memref<64x512xf32, #tpu.memory_space<vmem>> -> memref<8x512xf32, #tpu.memory_space<vmem>>
      %get3A_2052 = arith.index_cast %get3A_2049 : i32 to index
      %get3A_2053 = arith.constant 464 : index
      %get3A_2054 = tpu.vector_load %get3A_2051[%get3A_2052, %get3A_2053] {strides = array<i32>} : memref<8x512xf32, #tpu.memory_space<vmem>>, vector<16xf32>,
      %get3A_2055 = arith.constant 5 : i32
      %get3A_2056 = arith.constant 0 : i32
      %get3A_2057 = tpu.memref_slice %arg5[%mul3A_151, %get3A_2056] : memref<64x512xf32, #tpu.memory_space<vmem>> -> memref<8x512xf32, #tpu.memory_space<vmem>>
      %get3A_2058 = arith.index_cast %get3A_2055 : i32 to index
      %get3A_2059 = arith.constant 480 : index
      %get3A_2060 = tpu.vector_load %get3A_2057[%get3A_2058, %get3A_2059] {strides = array<i32>} : memref<8x512xf32, #tpu.memory_space<vmem>>, vector<16xf32>,
      %get3A_2061 = arith.constant 5 : i32
      %get3A_2062 = arith.constant 0 : i32
      %get3A_2063 = tpu.memref_slice %arg5[%mul3A_151, %get3A_2062] : memref<64x512xf32, #tpu.memory_space<vmem>> -> memref<8x512xf32, #tpu.memory_space<vmem>>
      %get3A_2064 = arith.index_cast %get3A_2061 : i32 to index
      %get3A_2065 = arith.constant 496 : index
      %get3A_2066 = tpu.vector_load %get3A_2063[%get3A_2064, %get3A_2065] {strides = array<i32>} : memref<8x512xf32, #tpu.memory_space<vmem>>, vector<16xf32>,
      %add3A_2067 = arith.addf %add3A_2015, %get3A_2024 : vector<16xf32>
      %swap3A_2068 = tpu.memref_slice %arg6[%mul3A_153] : memref<32832xf32, #tpu.memory_space<vmem>> -> memref<4104xf32, #tpu.memory_space<vmem>>
      %swap3A_2069 = arith.constant 2949 : index
      %swap3A_2070 = tpu.vector_load %swap3A_2068[%swap3A_2069] {strides = array<i32>} : memref<4104xf32, #tpu.memory_space<vmem>>, vector<16xf32>,
      tpu.vector_store %swap3A_2068[%swap3A_2069], %get3A_2024 {strides = array<i32>} : memref<4104xf32, #tpu.memory_space<vmem>>, vector<16xf32>,
      %add3A_2071 = arith.addf %add3A_2067, %get3A_2030 : vector<16xf32>
      %swap3A_2072 = tpu.memref_slice %arg6[%mul3A_153] : memref<32832xf32, #tpu.memory_space<vmem>> -> memref<4104xf32, #tpu.memory_space<vmem>>
      %swap3A_2073 = arith.constant 2965 : index
      %swap3A_2074 = tpu.vector_load %swap3A_2072[%swap3A_2073] {strides = array<i32>} : memref<4104xf32, #tpu.memory_space<vmem>>, vector<16xf32>,
      tpu.vector_store %swap3A_2072[%swap3A_2073], %get3A_2030 {strides = array<i32>} : memref<4104xf32, #tpu.memory_space<vmem>>, vector<16xf32>,
      %add3A_2075 = arith.addf %add3A_2071, %get3A_2036 : vector<16xf32>
      %swap3A_2076 = tpu.memref_slice %arg6[%mul3A_153] : memref<32832xf32, #tpu.memory_space<vmem>> -> memref<4104xf32, #tpu.memory_space<vmem>>
      %swap3A_2077 = arith.constant 2981 : index
      %swap3A_2078 = tpu.vector_load %swap3A_2076[%swap3A_2077] {strides = array<i32>} : memref<4104xf32, #tpu.memory_space<vmem>>, vector<16xf32>,
      tpu.vector_store %swap3A_2076[%swap3A_2077], %get3A_2036 {strides = array<i32>} : memref<4104xf32, #tpu.memory_space<vmem>>, vector<16xf32>,
      %add3A_2079 = arith.addf %add3A_2075, %get3A_2042 : vector<16xf32>
      %swap3A_2080 = tpu.memref_slice %arg6[%mul3A_153] : memref<32832xf32, #tpu.memory_space<vmem>> -> memref<4104xf32, #tpu.memory_space<vmem>>
      %swap3A_2081 = arith.constant 2997 : index
      %swap3A_2082 = tpu.vector_load %swap3A_2080[%swap3A_2081] {strides = array<i32>} : memref<4104xf32, #tpu.memory_space<vmem>>, vector<16xf32>,
      tpu.vector_store %swap3A_2080[%swap3A_2081], %get3A_2042 {strides = array<i32>} : memref<4104xf32, #tpu.memory_space<vmem>>, vector<16xf32>,
      %add3A_2083 = arith.addf %add3A_2079, %get3A_2048 : vector<16xf32>
      %swap3A_2084 = tpu.memref_slice %arg6[%mul3A_153] : memref<32832xf32, #tpu.memory_space<vmem>> -> memref<4104xf32, #tpu.memory_space<vmem>>
      %swap3A_2085 = arith.constant 3013 : index
      %swap3A_2086 = tpu.vector_load %swap3A_2084[%swap3A_2085] {strides = array<i32>} : memref<4104xf32, #tpu.memory_space<vmem>>, vector<16xf32>,
      tpu.vector_store %swap3A_2084[%swap3A_2085], %get3A_2048 {strides = array<i32>} : memref<4104xf32, #tpu.memory_space<vmem>>, vector<16xf32>,
      %add3A_2087 = arith.addf %add3A_2083, %get3A_2054 : vector<16xf32>
      %swap3A_2088 = tpu.memref_slice %arg6[%mul3A_153] : memref<32832xf32, #tpu.memory_space<vmem>> -> memref<4104xf32, #tpu.memory_space<vmem>>
      %swap3A_2089 = arith.constant 3029 : index
      %swap3A_2090 = tpu.vector_load %swap3A_2088[%swap3A_2089] {strides = array<i32>} : memref<4104xf32, #tpu.memory_space<vmem>>, vector<16xf32>,
      tpu.vector_store %swap3A_2088[%swap3A_2089], %get3A_2054 {strides = array<i32>} : memref<4104xf32, #tpu.memory_space<vmem>>, vector<16xf32>,
      %add3A_2091 = arith.addf %add3A_2087, %get3A_2060 : vector<16xf32>
      %swap3A_2092 = tpu.memref_slice %arg6[%mul3A_153] : memref<32832xf32, #tpu.memory_space<vmem>> -> memref<4104xf32, #tpu.memory_space<vmem>>
      %swap3A_2093 = arith.constant 3045 : index
      %swap3A_2094 = tpu.vector_load %swap3A_2092[%swap3A_2093] {strides = array<i32>} : memref<4104xf32, #tpu.memory_space<vmem>>, vector<16xf32>,
      tpu.vector_store %swap3A_2092[%swap3A_2093], %get3A_2060 {strides = array<i32>} : memref<4104xf32, #tpu.memory_space<vmem>>, vector<16xf32>,
      %add3A_2095 = arith.addf %add3A_2091, %get3A_2066 : vector<16xf32>
      %swap3A_2096 = tpu.memref_slice %arg6[%mul3A_153] : memref<32832xf32, #tpu.memory_space<vmem>> -> memref<4104xf32, #tpu.memory_space<vmem>>
      %swap3A_2097 = arith.constant 3061 : index
      %swap3A_2098 = tpu.vector_load %swap3A_2096[%swap3A_2097] {strides = array<i32>} : memref<4104xf32, #tpu.memory_space<vmem>>, vector<16xf32>,
      tpu.vector_store %swap3A_2096[%swap3A_2097], %get3A_2066 {strides = array<i32>} : memref<4104xf32, #tpu.memory_space<vmem>>, vector<16xf32>,
      %swap3A_2099 = arith.constant 5 : i32
      %swap3A_2100 = arith.constant 0 : i32
      %swap3A_2101 = tpu.memref_slice %arg8[%mul3A_155, %swap3A_2100] : memref<64x16xf32, #tpu.memory_space<vmem>> -> memref<8x16xf32, #tpu.memory_space<vmem>>
      %swap3A_2102 = arith.index_cast %swap3A_2099 : i32 to index
      %swap3A_2103 = arith.constant 0 : index
      %swap3A_2104 = tpu.vector_load %swap3A_2101[%swap3A_2102, %swap3A_2103] {strides = array<i32>} : memref<8x16xf32, #tpu.memory_space<vmem>>, vector<16xf32>,
      tpu.vector_store %swap3A_2101[%swap3A_2102, %swap3A_2103], %add3A_2095 {strides = array<i32>} : memref<8x16xf32, #tpu.memory_space<vmem>>, vector<16xf32>,
      %get3A_2105 = arith.constant 6 : i32
      %get3A_2106 = arith.constant 0 : i32
      %get3A_2107 = tpu.memref_slice %arg5[%mul3A_151, %get3A_2106] : memref<64x512xf32, #tpu.memory_space<vmem>> -> memref<8x512xf32, #tpu.memory_space<vmem>>
      %get3A_2108 = arith.index_cast %get3A_2105 : i32 to index
      %get3A_2109 = arith.constant 0 : index
      %get3A_2110 = tpu.vector_load %get3A_2107[%get3A_2108, %get3A_2109] {strides = array<i32>} : memref<8x512xf32, #tpu.memory_space<vmem>>, vector<16xf32>,
      %get3A_2111 = arith.constant 6 : i32
      %get3A_2112 = arith.constant 0 : i32
      %get3A_2113 = tpu.memref_slice %arg5[%mul3A_151, %get3A_2112] : memref<64x512xf32, #tpu.memory_space<vmem>> -> memref<8x512xf32, #tpu.memory_space<vmem>>
      %get3A_2114 = arith.index_cast %get3A_2111 : i32 to index
      %get3A_2115 = arith.constant 16 : index
      %get3A_2116 = tpu.vector_load %get3A_2113[%get3A_2114, %get3A_2115] {strides = array<i32>} : memref<8x512xf32, #tpu.memory_space<vmem>>, vector<16xf32>,
      %get3A_2117 = arith.constant 6 : i32
      %get3A_2118 = arith.constant 0 : i32
      %get3A_2119 = tpu.memref_slice %arg5[%mul3A_151, %get3A_2118] : memref<64x512xf32, #tpu.memory_space<vmem>> -> memref<8x512xf32, #tpu.memory_space<vmem>>
      %get3A_2120 = arith.index_cast %get3A_2117 : i32 to index
      %get3A_2121 = arith.constant 32 : index
      %get3A_2122 = tpu.vector_load %get3A_2119[%get3A_2120, %get3A_2121] {strides = array<i32>} : memref<8x512xf32, #tpu.memory_space<vmem>>, vector<16xf32>,
      %get3A_2123 = arith.constant 6 : i32
      %get3A_2124 = arith.constant 0 : i32
      %get3A_2125 = tpu.memref_slice %arg5[%mul3A_151, %get3A_2124] : memref<64x512xf32, #tpu.memory_space<vmem>> -> memref<8x512xf32, #tpu.memory_space<vmem>>
      %get3A_2126 = arith.index_cast %get3A_2123 : i32 to index
      %get3A_2127 = arith.constant 48 : index
      %get3A_2128 = tpu.vector_load %get3A_2125[%get3A_2126, %get3A_2127] {strides = array<i32>} : memref<8x512xf32, #tpu.memory_space<vmem>>, vector<16xf32>,
      %get3A_2129 = arith.constant 6 : i32
      %get3A_2130 = arith.constant 0 : i32
      %get3A_2131 = tpu.memref_slice %arg5[%mul3A_151, %get3A_2130] : memref<64x512xf32, #tpu.memory_space<vmem>> -> memref<8x512xf32, #tpu.memory_space<vmem>>
      %get3A_2132 = arith.index_cast %get3A_2129 : i32 to index
      %get3A_2133 = arith.constant 64 : index
      %get3A_2134 = tpu.vector_load %get3A_2131[%get3A_2132, %get3A_2133] {strides = array<i32>} : memref<8x512xf32, #tpu.memory_space<vmem>>, vector<16xf32>,
      %get3A_2135 = arith.constant 6 : i32
      %get3A_2136 = arith.constant 0 : i32
      %get3A_2137 = tpu.memref_slice %arg5[%mul3A_151, %get3A_2136] : memref<64x512xf32, #tpu.memory_space<vmem>> -> memref<8x512xf32, #tpu.memory_space<vmem>>
      %get3A_2138 = arith.index_cast %get3A_2135 : i32 to index
      %get3A_2139 = arith.constant 80 : index
      %get3A_2140 = tpu.vector_load %get3A_2137[%get3A_2138, %get3A_2139] {strides = array<i32>} : memref<8x512xf32, #tpu.memory_space<vmem>>, vector<16xf32>,
      %get3A_2141 = arith.constant 6 : i32
      %get3A_2142 = arith.constant 0 : i32
      %get3A_2143 = tpu.memref_slice %arg5[%mul3A_151, %get3A_2142] : memref<64x512xf32, #tpu.memory_space<vmem>> -> memref<8x512xf32, #tpu.memory_space<vmem>>
      %get3A_2144 = arith.index_cast %get3A_2141 : i32 to index
      %get3A_2145 = arith.constant 96 : index
      %get3A_2146 = tpu.vector_load %get3A_2143[%get3A_2144, %get3A_2145] {strides = array<i32>} : memref<8x512xf32, #tpu.memory_space<vmem>>, vector<16xf32>,
      %get3A_2147 = arith.constant 6 : i32
      %get3A_2148 = arith.constant 0 : i32
      %get3A_2149 = tpu.memref_slice %arg5[%mul3A_151, %get3A_2148] : memref<64x512xf32, #tpu.memory_space<vmem>> -> memref<8x512xf32, #tpu.memory_space<vmem>>
      %get3A_2150 = arith.index_cast %get3A_2147 : i32 to index
      %get3A_2151 = arith.constant 112 : index
      %get3A_2152 = tpu.vector_load %get3A_2149[%get3A_2150, %get3A_2151] {strides = array<i32>} : memref<8x512xf32, #tpu.memory_space<vmem>>, vector<16xf32>,
      %swap3A_2153 = tpu.memref_slice %arg6[%mul3A_153] : memref<32832xf32, #tpu.memory_space<vmem>> -> memref<4104xf32, #tpu.memory_space<vmem>>
      %swap3A_2154 = arith.constant 3078 : index
      %swap3A_2155 = tpu.vector_load %swap3A_2153[%swap3A_2154] {strides = array<i32>} : memref<4104xf32, #tpu.memory_space<vmem>>, vector<16xf32>,
      tpu.vector_store %swap3A_2153[%swap3A_2154], %get3A_2110 {strides = array<i32>} : memref<4104xf32, #tpu.memory_space<vmem>>, vector<16xf32>,
      %add3A_2156 = arith.addf %get3A_2110, %get3A_2116 : vector<16xf32>
      %swap3A_2157 = tpu.memref_slice %arg6[%mul3A_153] : memref<32832xf32, #tpu.memory_space<vmem>> -> memref<4104xf32, #tpu.memory_space<vmem>>
      %swap3A_2158 = arith.constant 3094 : index
      %swap3A_2159 = tpu.vector_load %swap3A_2157[%swap3A_2158] {strides = array<i32>} : memref<4104xf32, #tpu.memory_space<vmem>>, vector<16xf32>,
      tpu.vector_store %swap3A_2157[%swap3A_2158], %get3A_2116 {strides = array<i32>} : memref<4104xf32, #tpu.memory_space<vmem>>, vector<16xf32>,
      %add3A_2160 = arith.addf %add3A_2156, %get3A_2122 : vector<16xf32>
      %swap3A_2161 = tpu.memref_slice %arg6[%mul3A_153] : memref<32832xf32, #tpu.memory_space<vmem>> -> memref<4104xf32, #tpu.memory_space<vmem>>
      %swap3A_2162 = arith.constant 3110 : index
      %swap3A_2163 = tpu.vector_load %swap3A_2161[%swap3A_2162] {strides = array<i32>} : memref<4104xf32, #tpu.memory_space<vmem>>, vector<16xf32>,
      tpu.vector_store %swap3A_2161[%swap3A_2162], %get3A_2122 {strides = array<i32>} : memref<4104xf32, #tpu.memory_space<vmem>>, vector<16xf32>,
      %add3A_2164 = arith.addf %add3A_2160, %get3A_2128 : vector<16xf32>
      %swap3A_2165 = tpu.memref_slice %arg6[%mul3A_153] : memref<32832xf32, #tpu.memory_space<vmem>> -> memref<4104xf32, #tpu.memory_space<vmem>>
      %swap3A_2166 = arith.constant 3126 : index
      %swap3A_2167 = tpu.vector_load %swap3A_2165[%swap3A_2166] {strides = array<i32>} : memref<4104xf32, #tpu.memory_space<vmem>>, vector<16xf32>,
      tpu.vector_store %swap3A_2165[%swap3A_2166], %get3A_2128 {strides = array<i32>} : memref<4104xf32, #tpu.memory_space<vmem>>, vector<16xf32>,
      %add3A_2168 = arith.addf %add3A_2164, %get3A_2134 : vector<16xf32>
      %swap3A_2169 = tpu.memref_slice %arg6[%mul3A_153] : memref<32832xf32, #tpu.memory_space<vmem>> -> memref<4104xf32, #tpu.memory_space<vmem>>
      %swap3A_2170 = arith.constant 3142 : index
      %swap3A_2171 = tpu.vector_load %swap3A_2169[%swap3A_2170] {strides = array<i32>} : memref<4104xf32, #tpu.memory_space<vmem>>, vector<16xf32>,
      tpu.vector_store %swap3A_2169[%swap3A_2170], %get3A_2134 {strides = array<i32>} : memref<4104xf32, #tpu.memory_space<vmem>>, vector<16xf32>,
      %add3A_2172 = arith.addf %add3A_2168, %get3A_2140 : vector<16xf32>
      %swap3A_2173 = tpu.memref_slice %arg6[%mul3A_153] : memref<32832xf32, #tpu.memory_space<vmem>> -> memref<4104xf32, #tpu.memory_space<vmem>>
      %swap3A_2174 = arith.constant 3158 : index
      %swap3A_2175 = tpu.vector_load %swap3A_2173[%swap3A_2174] {strides = array<i32>} : memref<4104xf32, #tpu.memory_space<vmem>>, vector<16xf32>,
      tpu.vector_store %swap3A_2173[%swap3A_2174], %get3A_2140 {strides = array<i32>} : memref<4104xf32, #tpu.memory_space<vmem>>, vector<16xf32>,
      %add3A_2176 = arith.addf %add3A_2172, %get3A_2146 : vector<16xf32>
      %swap3A_2177 = tpu.memref_slice %arg6[%mul3A_153] : memref<32832xf32, #tpu.memory_space<vmem>> -> memref<4104xf32, #tpu.memory_space<vmem>>
      %swap3A_2178 = arith.constant 3174 : index
      %swap3A_2179 = tpu.vector_load %swap3A_2177[%swap3A_2178] {strides = array<i32>} : memref<4104xf32, #tpu.memory_space<vmem>>, vector<16xf32>,
      tpu.vector_store %swap3A_2177[%swap3A_2178], %get3A_2146 {strides = array<i32>} : memref<4104xf32, #tpu.memory_space<vmem>>, vector<16xf32>,
      %add3A_2180 = arith.addf %add3A_2176, %get3A_2152 : vector<16xf32>
      %swap3A_2181 = tpu.memref_slice %arg6[%mul3A_153] : memref<32832xf32, #tpu.memory_space<vmem>> -> memref<4104xf32, #tpu.memory_space<vmem>>
      %swap3A_2182 = arith.constant 3190 : index
      %swap3A_2183 = tpu.vector_load %swap3A_2181[%swap3A_2182] {strides = array<i32>} : memref<4104xf32, #tpu.memory_space<vmem>>, vector<16xf32>,
      tpu.vector_store %swap3A_2181[%swap3A_2182], %get3A_2152 {strides = array<i32>} : memref<4104xf32, #tpu.memory_space<vmem>>, vector<16xf32>,
      %get3A_2184 = arith.constant 6 : i32
      %get3A_2185 = arith.constant 0 : i32
      %get3A_2186 = tpu.memref_slice %arg5[%mul3A_151, %get3A_2185] : memref<64x512xf32, #tpu.memory_space<vmem>> -> memref<8x512xf32, #tpu.memory_space<vmem>>
      %get3A_2187 = arith.index_cast %get3A_2184 : i32 to index
      %get3A_2188 = arith.constant 128 : index
      %get3A_2189 = tpu.vector_load %get3A_2186[%get3A_2187, %get3A_2188] {strides = array<i32>} : memref<8x512xf32, #tpu.memory_space<vmem>>, vector<16xf32>,
      %get3A_2190 = arith.constant 6 : i32
      %get3A_2191 = arith.constant 0 : i32
      %get3A_2192 = tpu.memref_slice %arg5[%mul3A_151, %get3A_2191] : memref<64x512xf32, #tpu.memory_space<vmem>> -> memref<8x512xf32, #tpu.memory_space<vmem>>
      %get3A_2193 = arith.index_cast %get3A_2190 : i32 to index
      %get3A_2194 = arith.constant 144 : index
      %get3A_2195 = tpu.vector_load %get3A_2192[%get3A_2193, %get3A_2194] {strides = array<i32>} : memref<8x512xf32, #tpu.memory_space<vmem>>, vector<16xf32>,
      %get3A_2196 = arith.constant 6 : i32
      %get3A_2197 = arith.constant 0 : i32
      %get3A_2198 = tpu.memref_slice %arg5[%mul3A_151, %get3A_2197] : memref<64x512xf32, #tpu.memory_space<vmem>> -> memref<8x512xf32, #tpu.memory_space<vmem>>
      %get3A_2199 = arith.index_cast %get3A_2196 : i32 to index
      %get3A_2200 = arith.constant 160 : index
      %get3A_2201 = tpu.vector_load %get3A_2198[%get3A_2199, %get3A_2200] {strides = array<i32>} : memref<8x512xf32, #tpu.memory_space<vmem>>, vector<16xf32>,
      %get3A_2202 = arith.constant 6 : i32
      %get3A_2203 = arith.constant 0 : i32
      %get3A_2204 = tpu.memref_slice %arg5[%mul3A_151, %get3A_2203] : memref<64x512xf32, #tpu.memory_space<vmem>> -> memref<8x512xf32, #tpu.memory_space<vmem>>
      %get3A_2205 = arith.index_cast %get3A_2202 : i32 to index
      %get3A_2206 = arith.constant 176 : index
      %get3A_2207 = tpu.vector_load %get3A_2204[%get3A_2205, %get3A_2206] {strides = array<i32>} : memref<8x512xf32, #tpu.memory_space<vmem>>, vector<16xf32>,
      %get3A_2208 = arith.constant 6 : i32
      %get3A_2209 = arith.constant 0 : i32
      %get3A_2210 = tpu.memref_slice %arg5[%mul3A_151, %get3A_2209] : memref<64x512xf32, #tpu.memory_space<vmem>> -> memref<8x512xf32, #tpu.memory_space<vmem>>
      %get3A_2211 = arith.index_cast %get3A_2208 : i32 to index
      %get3A_2212 = arith.constant 192 : index
      %get3A_2213 = tpu.vector_load %get3A_2210[%get3A_2211, %get3A_2212] {strides = array<i32>} : memref<8x512xf32, #tpu.memory_space<vmem>>, vector<16xf32>,
      %get3A_2214 = arith.constant 6 : i32
      %get3A_2215 = arith.constant 0 : i32
      %get3A_2216 = tpu.memref_slice %arg5[%mul3A_151, %get3A_2215] : memref<64x512xf32, #tpu.memory_space<vmem>> -> memref<8x512xf32, #tpu.memory_space<vmem>>
      %get3A_2217 = arith.index_cast %get3A_2214 : i32 to index
      %get3A_2218 = arith.constant 208 : index
      %get3A_2219 = tpu.vector_load %get3A_2216[%get3A_2217, %get3A_2218] {strides = array<i32>} : memref<8x512xf32, #tpu.memory_space<vmem>>, vector<16xf32>,
      %get3A_2220 = arith.constant 6 : i32
      %get3A_2221 = arith.constant 0 : i32
      %get3A_2222 = tpu.memref_slice %arg5[%mul3A_151, %get3A_2221] : memref<64x512xf32, #tpu.memory_space<vmem>> -> memref<8x512xf32, #tpu.memory_space<vmem>>
      %get3A_2223 = arith.index_cast %get3A_2220 : i32 to index
      %get3A_2224 = arith.constant 224 : index
      %get3A_2225 = tpu.vector_load %get3A_2222[%get3A_2223, %get3A_2224] {strides = array<i32>} : memref<8x512xf32, #tpu.memory_space<vmem>>, vector<16xf32>,
      %get3A_2226 = arith.constant 6 : i32
      %get3A_2227 = arith.constant 0 : i32
      %get3A_2228 = tpu.memref_slice %arg5[%mul3A_151, %get3A_2227] : memref<64x512xf32, #tpu.memory_space<vmem>> -> memref<8x512xf32, #tpu.memory_space<vmem>>
      %get3A_2229 = arith.index_cast %get3A_2226 : i32 to index
      %get3A_2230 = arith.constant 240 : index
      %get3A_2231 = tpu.vector_load %get3A_2228[%get3A_2229, %get3A_2230] {strides = array<i32>} : memref<8x512xf32, #tpu.memory_space<vmem>>, vector<16xf32>,
      %add3A_2232 = arith.addf %add3A_2180, %get3A_2189 : vector<16xf32>
      %swap3A_2233 = tpu.memref_slice %arg6[%mul3A_153] : memref<32832xf32, #tpu.memory_space<vmem>> -> memref<4104xf32, #tpu.memory_space<vmem>>
      %swap3A_2234 = arith.constant 3206 : index
      %swap3A_2235 = tpu.vector_load %swap3A_2233[%swap3A_2234] {strides = array<i32>} : memref<4104xf32, #tpu.memory_space<vmem>>, vector<16xf32>,
      tpu.vector_store %swap3A_2233[%swap3A_2234], %get3A_2189 {strides = array<i32>} : memref<4104xf32, #tpu.memory_space<vmem>>, vector<16xf32>,
      %add3A_2236 = arith.addf %add3A_2232, %get3A_2195 : vector<16xf32>
      %swap3A_2237 = tpu.memref_slice %arg6[%mul3A_153] : memref<32832xf32, #tpu.memory_space<vmem>> -> memref<4104xf32, #tpu.memory_space<vmem>>
      %swap3A_2238 = arith.constant 3222 : index
      %swap3A_2239 = tpu.vector_load %swap3A_2237[%swap3A_2238] {strides = array<i32>} : memref<4104xf32, #tpu.memory_space<vmem>>, vector<16xf32>,
      tpu.vector_store %swap3A_2237[%swap3A_2238], %get3A_2195 {strides = array<i32>} : memref<4104xf32, #tpu.memory_space<vmem>>, vector<16xf32>,
      %add3A_2240 = arith.addf %add3A_2236, %get3A_2201 : vector<16xf32>
      %swap3A_2241 = tpu.memref_slice %arg6[%mul3A_153] : memref<32832xf32, #tpu.memory_space<vmem>> -> memref<4104xf32, #tpu.memory_space<vmem>>
      %swap3A_2242 = arith.constant 3238 : index
      %swap3A_2243 = tpu.vector_load %swap3A_2241[%swap3A_2242] {strides = array<i32>} : memref<4104xf32, #tpu.memory_space<vmem>>, vector<16xf32>,
      tpu.vector_store %swap3A_2241[%swap3A_2242], %get3A_2201 {strides = array<i32>} : memref<4104xf32, #tpu.memory_space<vmem>>, vector<16xf32>,
      %add3A_2244 = arith.addf %add3A_2240, %get3A_2207 : vector<16xf32>
      %swap3A_2245 = tpu.memref_slice %arg6[%mul3A_153] : memref<32832xf32, #tpu.memory_space<vmem>> -> memref<4104xf32, #tpu.memory_space<vmem>>
      %swap3A_2246 = arith.constant 3254 : index
      %swap3A_2247 = tpu.vector_load %swap3A_2245[%swap3A_2246] {strides = array<i32>} : memref<4104xf32, #tpu.memory_space<vmem>>, vector<16xf32>,
      tpu.vector_store %swap3A_2245[%swap3A_2246], %get3A_2207 {strides = array<i32>} : memref<4104xf32, #tpu.memory_space<vmem>>, vector<16xf32>,
      %add3A_2248 = arith.addf %add3A_2244, %get3A_2213 : vector<16xf32>
      %swap3A_2249 = tpu.memref_slice %arg6[%mul3A_153] : memref<32832xf32, #tpu.memory_space<vmem>> -> memref<4104xf32, #tpu.memory_space<vmem>>
      %swap3A_2250 = arith.constant 3270 : index
      %swap3A_2251 = tpu.vector_load %swap3A_2249[%swap3A_2250] {strides = array<i32>} : memref<4104xf32, #tpu.memory_space<vmem>>, vector<16xf32>,
      tpu.vector_store %swap3A_2249[%swap3A_2250], %get3A_2213 {strides = array<i32>} : memref<4104xf32, #tpu.memory_space<vmem>>, vector<16xf32>,
      %add3A_2252 = arith.addf %add3A_2248, %get3A_2219 : vector<16xf32>
      %swap3A_2253 = tpu.memref_slice %arg6[%mul3A_153] : memref<32832xf32, #tpu.memory_space<vmem>> -> memref<4104xf32, #tpu.memory_space<vmem>>
      %swap3A_2254 = arith.constant 3286 : index
      %swap3A_2255 = tpu.vector_load %swap3A_2253[%swap3A_2254] {strides = array<i32>} : memref<4104xf32, #tpu.memory_space<vmem>>, vector<16xf32>,
      tpu.vector_store %swap3A_2253[%swap3A_2254], %get3A_2219 {strides = array<i32>} : memref<4104xf32, #tpu.memory_space<vmem>>, vector<16xf32>,
      %add3A_2256 = arith.addf %add3A_2252, %get3A_2225 : vector<16xf32>
      %swap3A_2257 = tpu.memref_slice %arg6[%mul3A_153] : memref<32832xf32, #tpu.memory_space<vmem>> -> memref<4104xf32, #tpu.memory_space<vmem>>
      %swap3A_2258 = arith.constant 3302 : index
      %swap3A_2259 = tpu.vector_load %swap3A_2257[%swap3A_2258] {strides = array<i32>} : memref<4104xf32, #tpu.memory_space<vmem>>, vector<16xf32>,
      tpu.vector_store %swap3A_2257[%swap3A_2258], %get3A_2225 {strides = array<i32>} : memref<4104xf32, #tpu.memory_space<vmem>>, vector<16xf32>,
      %add3A_2260 = arith.addf %add3A_2256, %get3A_2231 : vector<16xf32>
      %swap3A_2261 = tpu.memref_slice %arg6[%mul3A_153] : memref<32832xf32, #tpu.memory_space<vmem>> -> memref<4104xf32, #tpu.memory_space<vmem>>
      %swap3A_2262 = arith.constant 3318 : index
      %swap3A_2263 = tpu.vector_load %swap3A_2261[%swap3A_2262] {strides = array<i32>} : memref<4104xf32, #tpu.memory_space<vmem>>, vector<16xf32>,
      tpu.vector_store %swap3A_2261[%swap3A_2262], %get3A_2231 {strides = array<i32>} : memref<4104xf32, #tpu.memory_space<vmem>>, vector<16xf32>,
      %get3A_2264 = arith.constant 6 : i32
      %get3A_2265 = arith.constant 0 : i32
      %get3A_2266 = tpu.memref_slice %arg5[%mul3A_151, %get3A_2265] : memref<64x512xf32, #tpu.memory_space<vmem>> -> memref<8x512xf32, #tpu.memory_space<vmem>>
      %get3A_2267 = arith.index_cast %get3A_2264 : i32 to index
      %get3A_2268 = arith.constant 256 : index
      %get3A_2269 = tpu.vector_load %get3A_2266[%get3A_2267, %get3A_2268] {strides = array<i32>} : memref<8x512xf32, #tpu.memory_space<vmem>>, vector<16xf32>,
      %get3A_2270 = arith.constant 6 : i32
      %get3A_2271 = arith.constant 0 : i32
      %get3A_2272 = tpu.memref_slice %arg5[%mul3A_151, %get3A_2271] : memref<64x512xf32, #tpu.memory_space<vmem>> -> memref<8x512xf32, #tpu.memory_space<vmem>>
      %get3A_2273 = arith.index_cast %get3A_2270 : i32 to index
      %get3A_2274 = arith.constant 272 : index
      %get3A_2275 = tpu.vector_load %get3A_2272[%get3A_2273, %get3A_2274] {strides = array<i32>} : memref<8x512xf32, #tpu.memory_space<vmem>>, vector<16xf32>,
      %get3A_2276 = arith.constant 6 : i32
      %get3A_2277 = arith.constant 0 : i32
      %get3A_2278 = tpu.memref_slice %arg5[%mul3A_151, %get3A_2277] : memref<64x512xf32, #tpu.memory_space<vmem>> -> memref<8x512xf32, #tpu.memory_space<vmem>>
      %get3A_2279 = arith.index_cast %get3A_2276 : i32 to index
      %get3A_2280 = arith.constant 288 : index
      %get3A_2281 = tpu.vector_load %get3A_2278[%get3A_2279, %get3A_2280] {strides = array<i32>} : memref<8x512xf32, #tpu.memory_space<vmem>>, vector<16xf32>,
      %get3A_2282 = arith.constant 6 : i32
      %get3A_2283 = arith.constant 0 : i32
      %get3A_2284 = tpu.memref_slice %arg5[%mul3A_151, %get3A_2283] : memref<64x512xf32, #tpu.memory_space<vmem>> -> memref<8x512xf32, #tpu.memory_space<vmem>>
      %get3A_2285 = arith.index_cast %get3A_2282 : i32 to index
      %get3A_2286 = arith.constant 304 : index
      %get3A_2287 = tpu.vector_load %get3A_2284[%get3A_2285, %get3A_2286] {strides = array<i32>} : memref<8x512xf32, #tpu.memory_space<vmem>>, vector<16xf32>,
      %get3A_2288 = arith.constant 6 : i32
      %get3A_2289 = arith.constant 0 : i32
      %get3A_2290 = tpu.memref_slice %arg5[%mul3A_151, %get3A_2289] : memref<64x512xf32, #tpu.memory_space<vmem>> -> memref<8x512xf32, #tpu.memory_space<vmem>>
      %get3A_2291 = arith.index_cast %get3A_2288 : i32 to index
      %get3A_2292 = arith.constant 320 : index
      %get3A_2293 = tpu.vector_load %get3A_2290[%get3A_2291, %get3A_2292] {strides = array<i32>} : memref<8x512xf32, #tpu.memory_space<vmem>>, vector<16xf32>,
      %get3A_2294 = arith.constant 6 : i32
      %get3A_2295 = arith.constant 0 : i32
      %get3A_2296 = tpu.memref_slice %arg5[%mul3A_151, %get3A_2295] : memref<64x512xf32, #tpu.memory_space<vmem>> -> memref<8x512xf32, #tpu.memory_space<vmem>>
      %get3A_2297 = arith.index_cast %get3A_2294 : i32 to index
      %get3A_2298 = arith.constant 336 : index
      %get3A_2299 = tpu.vector_load %get3A_2296[%get3A_2297, %get3A_2298] {strides = array<i32>} : memref<8x512xf32, #tpu.memory_space<vmem>>, vector<16xf32>,
      %get3A_2300 = arith.constant 6 : i32
      %get3A_2301 = arith.constant 0 : i32
      %get3A_2302 = tpu.memref_slice %arg5[%mul3A_151, %get3A_2301] : memref<64x512xf32, #tpu.memory_space<vmem>> -> memref<8x512xf32, #tpu.memory_space<vmem>>
      %get3A_2303 = arith.index_cast %get3A_2300 : i32 to index
      %get3A_2304 = arith.constant 352 : index
      %get3A_2305 = tpu.vector_load %get3A_2302[%get3A_2303, %get3A_2304] {strides = array<i32>} : memref<8x512xf32, #tpu.memory_space<vmem>>, vector<16xf32>,
      %get3A_2306 = arith.constant 6 : i32
      %get3A_2307 = arith.constant 0 : i32
      %get3A_2308 = tpu.memref_slice %arg5[%mul3A_151, %get3A_2307] : memref<64x512xf32, #tpu.memory_space<vmem>> -> memref<8x512xf32, #tpu.memory_space<vmem>>
      %get3A_2309 = arith.index_cast %get3A_2306 : i32 to index
      %get3A_2310 = arith.constant 368 : index
      %get3A_2311 = tpu.vector_load %get3A_2308[%get3A_2309, %get3A_2310] {strides = array<i32>} : memref<8x512xf32, #tpu.memory_space<vmem>>, vector<16xf32>,
      %add3A_2312 = arith.addf %add3A_2260, %get3A_2269 : vector<16xf32>
      %swap3A_2313 = tpu.memref_slice %arg6[%mul3A_153] : memref<32832xf32, #tpu.memory_space<vmem>> -> memref<4104xf32, #tpu.memory_space<vmem>>
      %swap3A_2314 = arith.constant 3334 : index
      %swap3A_2315 = tpu.vector_load %swap3A_2313[%swap3A_2314] {strides = array<i32>} : memref<4104xf32, #tpu.memory_space<vmem>>, vector<16xf32>,
      tpu.vector_store %swap3A_2313[%swap3A_2314], %get3A_2269 {strides = array<i32>} : memref<4104xf32, #tpu.memory_space<vmem>>, vector<16xf32>,
      %add3A_2316 = arith.addf %add3A_2312, %get3A_2275 : vector<16xf32>
      %swap3A_2317 = tpu.memref_slice %arg6[%mul3A_153] : memref<32832xf32, #tpu.memory_space<vmem>> -> memref<4104xf32, #tpu.memory_space<vmem>>
      %swap3A_2318 = arith.constant 3350 : index
      %swap3A_2319 = tpu.vector_load %swap3A_2317[%swap3A_2318] {strides = array<i32>} : memref<4104xf32, #tpu.memory_space<vmem>>, vector<16xf32>,
      tpu.vector_store %swap3A_2317[%swap3A_2318], %get3A_2275 {strides = array<i32>} : memref<4104xf32, #tpu.memory_space<vmem>>, vector<16xf32>,
      %add3A_2320 = arith.addf %add3A_2316, %get3A_2281 : vector<16xf32>
      %swap3A_2321 = tpu.memref_slice %arg6[%mul3A_153] : memref<32832xf32, #tpu.memory_space<vmem>> -> memref<4104xf32, #tpu.memory_space<vmem>>
      %swap3A_2322 = arith.constant 3366 : index
      %swap3A_2323 = tpu.vector_load %swap3A_2321[%swap3A_2322] {strides = array<i32>} : memref<4104xf32, #tpu.memory_space<vmem>>, vector<16xf32>,
      tpu.vector_store %swap3A_2321[%swap3A_2322], %get3A_2281 {strides = array<i32>} : memref<4104xf32, #tpu.memory_space<vmem>>, vector<16xf32>,
      %add3A_2324 = arith.addf %add3A_2320, %get3A_2287 : vector<16xf32>
      %swap3A_2325 = tpu.memref_slice %arg6[%mul3A_153] : memref<32832xf32, #tpu.memory_space<vmem>> -> memref<4104xf32, #tpu.memory_space<vmem>>
      %swap3A_2326 = arith.constant 3382 : index
      %swap3A_2327 = tpu.vector_load %swap3A_2325[%swap3A_2326] {strides = array<i32>} : memref<4104xf32, #tpu.memory_space<vmem>>, vector<16xf32>,
      tpu.vector_store %swap3A_2325[%swap3A_2326], %get3A_2287 {strides = array<i32>} : memref<4104xf32, #tpu.memory_space<vmem>>, vector<16xf32>,
      %add3A_2328 = arith.addf %add3A_2324, %get3A_2293 : vector<16xf32>
      %swap3A_2329 = tpu.memref_slice %arg6[%mul3A_153] : memref<32832xf32, #tpu.memory_space<vmem>> -> memref<4104xf32, #tpu.memory_space<vmem>>
      %swap3A_2330 = arith.constant 3398 : index
      %swap3A_2331 = tpu.vector_load %swap3A_2329[%swap3A_2330] {strides = array<i32>} : memref<4104xf32, #tpu.memory_space<vmem>>, vector<16xf32>,
      tpu.vector_store %swap3A_2329[%swap3A_2330], %get3A_2293 {strides = array<i32>} : memref<4104xf32, #tpu.memory_space<vmem>>, vector<16xf32>,
      %add3A_2332 = arith.addf %add3A_2328, %get3A_2299 : vector<16xf32>
      %swap3A_2333 = tpu.memref_slice %arg6[%mul3A_153] : memref<32832xf32, #tpu.memory_space<vmem>> -> memref<4104xf32, #tpu.memory_space<vmem>>
      %swap3A_2334 = arith.constant 3414 : index
      %swap3A_2335 = tpu.vector_load %swap3A_2333[%swap3A_2334] {strides = array<i32>} : memref<4104xf32, #tpu.memory_space<vmem>>, vector<16xf32>,
      tpu.vector_store %swap3A_2333[%swap3A_2334], %get3A_2299 {strides = array<i32>} : memref<4104xf32, #tpu.memory_space<vmem>>, vector<16xf32>,
      %add3A_2336 = arith.addf %add3A_2332, %get3A_2305 : vector<16xf32>
      %swap3A_2337 = tpu.memref_slice %arg6[%mul3A_153] : memref<32832xf32, #tpu.memory_space<vmem>> -> memref<4104xf32, #tpu.memory_space<vmem>>
      %swap3A_2338 = arith.constant 3430 : index
      %swap3A_2339 = tpu.vector_load %swap3A_2337[%swap3A_2338] {strides = array<i32>} : memref<4104xf32, #tpu.memory_space<vmem>>, vector<16xf32>,
      tpu.vector_store %swap3A_2337[%swap3A_2338], %get3A_2305 {strides = array<i32>} : memref<4104xf32, #tpu.memory_space<vmem>>, vector<16xf32>,
      %add3A_2340 = arith.addf %add3A_2336, %get3A_2311 : vector<16xf32>
      %swap3A_2341 = tpu.memref_slice %arg6[%mul3A_153] : memref<32832xf32, #tpu.memory_space<vmem>> -> memref<4104xf32, #tpu.memory_space<vmem>>
      %swap3A_2342 = arith.constant 3446 : index
      %swap3A_2343 = tpu.vector_load %swap3A_2341[%swap3A_2342] {strides = array<i32>} : memref<4104xf32, #tpu.memory_space<vmem>>, vector<16xf32>,
      tpu.vector_store %swap3A_2341[%swap3A_2342], %get3A_2311 {strides = array<i32>} : memref<4104xf32, #tpu.memory_space<vmem>>, vector<16xf32>,
      %get3A_2344 = arith.constant 6 : i32
      %get3A_2345 = arith.constant 0 : i32
      %get3A_2346 = tpu.memref_slice %arg5[%mul3A_151, %get3A_2345] : memref<64x512xf32, #tpu.memory_space<vmem>> -> memref<8x512xf32, #tpu.memory_space<vmem>>
      %get3A_2347 = arith.index_cast %get3A_2344 : i32 to index
      %get3A_2348 = arith.constant 384 : index
      %get3A_2349 = tpu.vector_load %get3A_2346[%get3A_2347, %get3A_2348] {strides = array<i32>} : memref<8x512xf32, #tpu.memory_space<vmem>>, vector<16xf32>,
      %get3A_2350 = arith.constant 6 : i32
      %get3A_2351 = arith.constant 0 : i32
      %get3A_2352 = tpu.memref_slice %arg5[%mul3A_151, %get3A_2351] : memref<64x512xf32, #tpu.memory_space<vmem>> -> memref<8x512xf32, #tpu.memory_space<vmem>>
      %get3A_2353 = arith.index_cast %get3A_2350 : i32 to index
      %get3A_2354 = arith.constant 400 : index
      %get3A_2355 = tpu.vector_load %get3A_2352[%get3A_2353, %get3A_2354] {strides = array<i32>} : memref<8x512xf32, #tpu.memory_space<vmem>>, vector<16xf32>,
      %get3A_2356 = arith.constant 6 : i32
      %get3A_2357 = arith.constant 0 : i32
      %get3A_2358 = tpu.memref_slice %arg5[%mul3A_151, %get3A_2357] : memref<64x512xf32, #tpu.memory_space<vmem>> -> memref<8x512xf32, #tpu.memory_space<vmem>>
      %get3A_2359 = arith.index_cast %get3A_2356 : i32 to index
      %get3A_2360 = arith.constant 416 : index
      %get3A_2361 = tpu.vector_load %get3A_2358[%get3A_2359, %get3A_2360] {strides = array<i32>} : memref<8x512xf32, #tpu.memory_space<vmem>>, vector<16xf32>,
      %get3A_2362 = arith.constant 6 : i32
      %get3A_2363 = arith.constant 0 : i32
      %get3A_2364 = tpu.memref_slice %arg5[%mul3A_151, %get3A_2363] : memref<64x512xf32, #tpu.memory_space<vmem>> -> memref<8x512xf32, #tpu.memory_space<vmem>>
      %get3A_2365 = arith.index_cast %get3A_2362 : i32 to index
      %get3A_2366 = arith.constant 432 : index
      %get3A_2367 = tpu.vector_load %get3A_2364[%get3A_2365, %get3A_2366] {strides = array<i32>} : memref<8x512xf32, #tpu.memory_space<vmem>>, vector<16xf32>,
      %get3A_2368 = arith.constant 6 : i32
      %get3A_2369 = arith.constant 0 : i32
      %get3A_2370 = tpu.memref_slice %arg5[%mul3A_151, %get3A_2369] : memref<64x512xf32, #tpu.memory_space<vmem>> -> memref<8x512xf32, #tpu.memory_space<vmem>>
      %get3A_2371 = arith.index_cast %get3A_2368 : i32 to index
      %get3A_2372 = arith.constant 448 : index
      %get3A_2373 = tpu.vector_load %get3A_2370[%get3A_2371, %get3A_2372] {strides = array<i32>} : memref<8x512xf32, #tpu.memory_space<vmem>>, vector<16xf32>,
      %get3A_2374 = arith.constant 6 : i32
      %get3A_2375 = arith.constant 0 : i32
      %get3A_2376 = tpu.memref_slice %arg5[%mul3A_151, %get3A_2375] : memref<64x512xf32, #tpu.memory_space<vmem>> -> memref<8x512xf32, #tpu.memory_space<vmem>>
      %get3A_2377 = arith.index_cast %get3A_2374 : i32 to index
      %get3A_2378 = arith.constant 464 : index
      %get3A_2379 = tpu.vector_load %get3A_2376[%get3A_2377, %get3A_2378] {strides = array<i32>} : memref<8x512xf32, #tpu.memory_space<vmem>>, vector<16xf32>,
      %get3A_2380 = arith.constant 6 : i32
      %get3A_2381 = arith.constant 0 : i32
      %get3A_2382 = tpu.memref_slice %arg5[%mul3A_151, %get3A_2381] : memref<64x512xf32, #tpu.memory_space<vmem>> -> memref<8x512xf32, #tpu.memory_space<vmem>>
      %get3A_2383 = arith.index_cast %get3A_2380 : i32 to index
      %get3A_2384 = arith.constant 480 : index
      %get3A_2385 = tpu.vector_load %get3A_2382[%get3A_2383, %get3A_2384] {strides = array<i32>} : memref<8x512xf32, #tpu.memory_space<vmem>>, vector<16xf32>,
      %get3A_2386 = arith.constant 6 : i32
      %get3A_2387 = arith.constant 0 : i32
      %get3A_2388 = tpu.memref_slice %arg5[%mul3A_151, %get3A_2387] : memref<64x512xf32, #tpu.memory_space<vmem>> -> memref<8x512xf32, #tpu.memory_space<vmem>>
      %get3A_2389 = arith.index_cast %get3A_2386 : i32 to index
      %get3A_2390 = arith.constant 496 : index
      %get3A_2391 = tpu.vector_load %get3A_2388[%get3A_2389, %get3A_2390] {strides = array<i32>} : memref<8x512xf32, #tpu.memory_space<vmem>>, vector<16xf32>,
      %add3A_2392 = arith.addf %add3A_2340, %get3A_2349 : vector<16xf32>
      %swap3A_2393 = tpu.memref_slice %arg6[%mul3A_153] : memref<32832xf32, #tpu.memory_space<vmem>> -> memref<4104xf32, #tpu.memory_space<vmem>>
      %swap3A_2394 = arith.constant 3462 : index
      %swap3A_2395 = tpu.vector_load %swap3A_2393[%swap3A_2394] {strides = array<i32>} : memref<4104xf32, #tpu.memory_space<vmem>>, vector<16xf32>,
      tpu.vector_store %swap3A_2393[%swap3A_2394], %get3A_2349 {strides = array<i32>} : memref<4104xf32, #tpu.memory_space<vmem>>, vector<16xf32>,
      %add3A_2396 = arith.addf %add3A_2392, %get3A_2355 : vector<16xf32>
      %swap3A_2397 = tpu.memref_slice %arg6[%mul3A_153] : memref<32832xf32, #tpu.memory_space<vmem>> -> memref<4104xf32, #tpu.memory_space<vmem>>
      %swap3A_2398 = arith.constant 3478 : index
      %swap3A_2399 = tpu.vector_load %swap3A_2397[%swap3A_2398] {strides = array<i32>} : memref<4104xf32, #tpu.memory_space<vmem>>, vector<16xf32>,
      tpu.vector_store %swap3A_2397[%swap3A_2398], %get3A_2355 {strides = array<i32>} : memref<4104xf32, #tpu.memory_space<vmem>>, vector<16xf32>,
      %add3A_2400 = arith.addf %add3A_2396, %get3A_2361 : vector<16xf32>
      %swap3A_2401 = tpu.memref_slice %arg6[%mul3A_153] : memref<32832xf32, #tpu.memory_space<vmem>> -> memref<4104xf32, #tpu.memory_space<vmem>>
      %swap3A_2402 = arith.constant 3494 : index
      %swap3A_2403 = tpu.vector_load %swap3A_2401[%swap3A_2402] {strides = array<i32>} : memref<4104xf32, #tpu.memory_space<vmem>>, vector<16xf32>,
      tpu.vector_store %swap3A_2401[%swap3A_2402], %get3A_2361 {strides = array<i32>} : memref<4104xf32, #tpu.memory_space<vmem>>, vector<16xf32>,
      %add3A_2404 = arith.addf %add3A_2400, %get3A_2367 : vector<16xf32>
      %swap3A_2405 = tpu.memref_slice %arg6[%mul3A_153] : memref<32832xf32, #tpu.memory_space<vmem>> -> memref<4104xf32, #tpu.memory_space<vmem>>
      %swap3A_2406 = arith.constant 3510 : index
      %swap3A_2407 = tpu.vector_load %swap3A_2405[%swap3A_2406] {strides = array<i32>} : memref<4104xf32, #tpu.memory_space<vmem>>, vector<16xf32>,
      tpu.vector_store %swap3A_2405[%swap3A_2406], %get3A_2367 {strides = array<i32>} : memref<4104xf32, #tpu.memory_space<vmem>>, vector<16xf32>,
      %add3A_2408 = arith.addf %add3A_2404, %get3A_2373 : vector<16xf32>
      %swap3A_2409 = tpu.memref_slice %arg6[%mul3A_153] : memref<32832xf32, #tpu.memory_space<vmem>> -> memref<4104xf32, #tpu.memory_space<vmem>>
      %swap3A_2410 = arith.constant 3526 : index
      %swap3A_2411 = tpu.vector_load %swap3A_2409[%swap3A_2410] {strides = array<i32>} : memref<4104xf32, #tpu.memory_space<vmem>>, vector<16xf32>,
      tpu.vector_store %swap3A_2409[%swap3A_2410], %get3A_2373 {strides = array<i32>} : memref<4104xf32, #tpu.memory_space<vmem>>, vector<16xf32>,
      %add3A_2412 = arith.addf %add3A_2408, %get3A_2379 : vector<16xf32>
      %swap3A_2413 = tpu.memref_slice %arg6[%mul3A_153] : memref<32832xf32, #tpu.memory_space<vmem>> -> memref<4104xf32, #tpu.memory_space<vmem>>
      %swap3A_2414 = arith.constant 3542 : index
      %swap3A_2415 = tpu.vector_load %swap3A_2413[%swap3A_2414] {strides = array<i32>} : memref<4104xf32, #tpu.memory_space<vmem>>, vector<16xf32>,
      tpu.vector_store %swap3A_2413[%swap3A_2414], %get3A_2379 {strides = array<i32>} : memref<4104xf32, #tpu.memory_space<vmem>>, vector<16xf32>,
      %add3A_2416 = arith.addf %add3A_2412, %get3A_2385 : vector<16xf32>
      %swap3A_2417 = tpu.memref_slice %arg6[%mul3A_153] : memref<32832xf32, #tpu.memory_space<vmem>> -> memref<4104xf32, #tpu.memory_space<vmem>>
      %swap3A_2418 = arith.constant 3558 : index
      %swap3A_2419 = tpu.vector_load %swap3A_2417[%swap3A_2418] {strides = array<i32>} : memref<4104xf32, #tpu.memory_space<vmem>>, vector<16xf32>,
      tpu.vector_store %swap3A_2417[%swap3A_2418], %get3A_2385 {strides = array<i32>} : memref<4104xf32, #tpu.memory_space<vmem>>, vector<16xf32>,
      %add3A_2420 = arith.addf %add3A_2416, %get3A_2391 : vector<16xf32>
      %swap3A_2421 = tpu.memref_slice %arg6[%mul3A_153] : memref<32832xf32, #tpu.memory_space<vmem>> -> memref<4104xf32, #tpu.memory_space<vmem>>
      %swap3A_2422 = arith.constant 3574 : index
      %swap3A_2423 = tpu.vector_load %swap3A_2421[%swap3A_2422] {strides = array<i32>} : memref<4104xf32, #tpu.memory_space<vmem>>, vector<16xf32>,
      tpu.vector_store %swap3A_2421[%swap3A_2422], %get3A_2391 {strides = array<i32>} : memref<4104xf32, #tpu.memory_space<vmem>>, vector<16xf32>,
      %swap3A_2424 = arith.constant 6 : i32
      %swap3A_2425 = arith.constant 0 : i32
      %swap3A_2426 = tpu.memref_slice %arg8[%mul3A_155, %swap3A_2425] : memref<64x16xf32, #tpu.memory_space<vmem>> -> memref<8x16xf32, #tpu.memory_space<vmem>>
      %swap3A_2427 = arith.index_cast %swap3A_2424 : i32 to index
      %swap3A_2428 = arith.constant 0 : index
      %swap3A_2429 = tpu.vector_load %swap3A_2426[%swap3A_2427, %swap3A_2428] {strides = array<i32>} : memref<8x16xf32, #tpu.memory_space<vmem>>, vector<16xf32>,
      tpu.vector_store %swap3A_2426[%swap3A_2427, %swap3A_2428], %add3A_2420 {strides = array<i32>} : memref<8x16xf32, #tpu.memory_space<vmem>>, vector<16xf32>,
      %get3A_2430 = arith.constant 7 : i32
      %get3A_2431 = arith.constant 0 : i32
      %get3A_2432 = tpu.memref_slice %arg5[%mul3A_151, %get3A_2431] : memref<64x512xf32, #tpu.memory_space<vmem>> -> memref<8x512xf32, #tpu.memory_space<vmem>>
      %get3A_2433 = arith.index_cast %get3A_2430 : i32 to index
      %get3A_2434 = arith.constant 0 : index
      %get3A_2435 = tpu.vector_load %get3A_2432[%get3A_2433, %get3A_2434] {strides = array<i32>} : memref<8x512xf32, #tpu.memory_space<vmem>>, vector<16xf32>,
      %get3A_2436 = arith.constant 7 : i32
      %get3A_2437 = arith.constant 0 : i32
      %get3A_2438 = tpu.memref_slice %arg5[%mul3A_151, %get3A_2437] : memref<64x512xf32, #tpu.memory_space<vmem>> -> memref<8x512xf32, #tpu.memory_space<vmem>>
      %get3A_2439 = arith.index_cast %get3A_2436 : i32 to index
      %get3A_2440 = arith.constant 16 : index
      %get3A_2441 = tpu.vector_load %get3A_2438[%get3A_2439, %get3A_2440] {strides = array<i32>} : memref<8x512xf32, #tpu.memory_space<vmem>>, vector<16xf32>,
      %get3A_2442 = arith.constant 7 : i32
      %get3A_2443 = arith.constant 0 : i32
      %get3A_2444 = tpu.memref_slice %arg5[%mul3A_151, %get3A_2443] : memref<64x512xf32, #tpu.memory_space<vmem>> -> memref<8x512xf32, #tpu.memory_space<vmem>>
      %get3A_2445 = arith.index_cast %get3A_2442 : i32 to index
      %get3A_2446 = arith.constant 32 : index
      %get3A_2447 = tpu.vector_load %get3A_2444[%get3A_2445, %get3A_2446] {strides = array<i32>} : memref<8x512xf32, #tpu.memory_space<vmem>>, vector<16xf32>,
      %get3A_2448 = arith.constant 7 : i32
      %get3A_2449 = arith.constant 0 : i32
      %get3A_2450 = tpu.memref_slice %arg5[%mul3A_151, %get3A_2449] : memref<64x512xf32, #tpu.memory_space<vmem>> -> memref<8x512xf32, #tpu.memory_space<vmem>>
      %get3A_2451 = arith.index_cast %get3A_2448 : i32 to index
      %get3A_2452 = arith.constant 48 : index
      %get3A_2453 = tpu.vector_load %get3A_2450[%get3A_2451, %get3A_2452] {strides = array<i32>} : memref<8x512xf32, #tpu.memory_space<vmem>>, vector<16xf32>,
      %get3A_2454 = arith.constant 7 : i32
      %get3A_2455 = arith.constant 0 : i32
      %get3A_2456 = tpu.memref_slice %arg5[%mul3A_151, %get3A_2455] : memref<64x512xf32, #tpu.memory_space<vmem>> -> memref<8x512xf32, #tpu.memory_space<vmem>>
      %get3A_2457 = arith.index_cast %get3A_2454 : i32 to index
      %get3A_2458 = arith.constant 64 : index
      %get3A_2459 = tpu.vector_load %get3A_2456[%get3A_2457, %get3A_2458] {strides = array<i32>} : memref<8x512xf32, #tpu.memory_space<vmem>>, vector<16xf32>,
      %get3A_2460 = arith.constant 7 : i32
      %get3A_2461 = arith.constant 0 : i32
      %get3A_2462 = tpu.memref_slice %arg5[%mul3A_151, %get3A_2461] : memref<64x512xf32, #tpu.memory_space<vmem>> -> memref<8x512xf32, #tpu.memory_space<vmem>>
      %get3A_2463 = arith.index_cast %get3A_2460 : i32 to index
      %get3A_2464 = arith.constant 80 : index
      %get3A_2465 = tpu.vector_load %get3A_2462[%get3A_2463, %get3A_2464] {strides = array<i32>} : memref<8x512xf32, #tpu.memory_space<vmem>>, vector<16xf32>,
      %get3A_2466 = arith.constant 7 : i32
      %get3A_2467 = arith.constant 0 : i32
      %get3A_2468 = tpu.memref_slice %arg5[%mul3A_151, %get3A_2467] : memref<64x512xf32, #tpu.memory_space<vmem>> -> memref<8x512xf32, #tpu.memory_space<vmem>>
      %get3A_2469 = arith.index_cast %get3A_2466 : i32 to index
      %get3A_2470 = arith.constant 96 : index
      %get3A_2471 = tpu.vector_load %get3A_2468[%get3A_2469, %get3A_2470] {strides = array<i32>} : memref<8x512xf32, #tpu.memory_space<vmem>>, vector<16xf32>,
      %get3A_2472 = arith.constant 7 : i32
      %get3A_2473 = arith.constant 0 : i32
      %get3A_2474 = tpu.memref_slice %arg5[%mul3A_151, %get3A_2473] : memref<64x512xf32, #tpu.memory_space<vmem>> -> memref<8x512xf32, #tpu.memory_space<vmem>>
      %get3A_2475 = arith.index_cast %get3A_2472 : i32 to index
      %get3A_2476 = arith.constant 112 : index
      %get3A_2477 = tpu.vector_load %get3A_2474[%get3A_2475, %get3A_2476] {strides = array<i32>} : memref<8x512xf32, #tpu.memory_space<vmem>>, vector<16xf32>,
      %swap3A_2478 = tpu.memref_slice %arg6[%mul3A_153] : memref<32832xf32, #tpu.memory_space<vmem>> -> memref<4104xf32, #tpu.memory_space<vmem>>
      %swap3A_2479 = arith.constant 3591 : index
      %swap3A_2480 = tpu.vector_load %swap3A_2478[%swap3A_2479] {strides = array<i32>} : memref<4104xf32, #tpu.memory_space<vmem>>, vector<16xf32>,
      tpu.vector_store %swap3A_2478[%swap3A_2479], %get3A_2435 {strides = array<i32>} : memref<4104xf32, #tpu.memory_space<vmem>>, vector<16xf32>,
      %add3A_2481 = arith.addf %get3A_2435, %get3A_2441 : vector<16xf32>
      %swap3A_2482 = tpu.memref_slice %arg6[%mul3A_153] : memref<32832xf32, #tpu.memory_space<vmem>> -> memref<4104xf32, #tpu.memory_space<vmem>>
      %swap3A_2483 = arith.constant 3607 : index
      %swap3A_2484 = tpu.vector_load %swap3A_2482[%swap3A_2483] {strides = array<i32>} : memref<4104xf32, #tpu.memory_space<vmem>>, vector<16xf32>,
      tpu.vector_store %swap3A_2482[%swap3A_2483], %get3A_2441 {strides = array<i32>} : memref<4104xf32, #tpu.memory_space<vmem>>, vector<16xf32>,
      %add3A_2485 = arith.addf %add3A_2481, %get3A_2447 : vector<16xf32>
      %swap3A_2486 = tpu.memref_slice %arg6[%mul3A_153] : memref<32832xf32, #tpu.memory_space<vmem>> -> memref<4104xf32, #tpu.memory_space<vmem>>
      %swap3A_2487 = arith.constant 3623 : index
      %swap3A_2488 = tpu.vector_load %swap3A_2486[%swap3A_2487] {strides = array<i32>} : memref<4104xf32, #tpu.memory_space<vmem>>, vector<16xf32>,
      tpu.vector_store %swap3A_2486[%swap3A_2487], %get3A_2447 {strides = array<i32>} : memref<4104xf32, #tpu.memory_space<vmem>>, vector<16xf32>,
      %add3A_2489 = arith.addf %add3A_2485, %get3A_2453 : vector<16xf32>
      %swap3A_2490 = tpu.memref_slice %arg6[%mul3A_153] : memref<32832xf32, #tpu.memory_space<vmem>> -> memref<4104xf32, #tpu.memory_space<vmem>>
      %swap3A_2491 = arith.constant 3639 : index
      %swap3A_2492 = tpu.vector_load %swap3A_2490[%swap3A_2491] {strides = array<i32>} : memref<4104xf32, #tpu.memory_space<vmem>>, vector<16xf32>,
      tpu.vector_store %swap3A_2490[%swap3A_2491], %get3A_2453 {strides = array<i32>} : memref<4104xf32, #tpu.memory_space<vmem>>, vector<16xf32>,
      %add3A_2493 = arith.addf %add3A_2489, %get3A_2459 : vector<16xf32>
      %swap3A_2494 = tpu.memref_slice %arg6[%mul3A_153] : memref<32832xf32, #tpu.memory_space<vmem>> -> memref<4104xf32, #tpu.memory_space<vmem>>
      %swap3A_2495 = arith.constant 3655 : index
      %swap3A_2496 = tpu.vector_load %swap3A_2494[%swap3A_2495] {strides = array<i32>} : memref<4104xf32, #tpu.memory_space<vmem>>, vector<16xf32>,
      tpu.vector_store %swap3A_2494[%swap3A_2495], %get3A_2459 {strides = array<i32>} : memref<4104xf32, #tpu.memory_space<vmem>>, vector<16xf32>,
      %add3A_2497 = arith.addf %add3A_2493, %get3A_2465 : vector<16xf32>
      %swap3A_2498 = tpu.memref_slice %arg6[%mul3A_153] : memref<32832xf32, #tpu.memory_space<vmem>> -> memref<4104xf32, #tpu.memory_space<vmem>>
      %swap3A_2499 = arith.constant 3671 : index
      %swap3A_2500 = tpu.vector_load %swap3A_2498[%swap3A_2499] {strides = array<i32>} : memref<4104xf32, #tpu.memory_space<vmem>>, vector<16xf32>,
      tpu.vector_store %swap3A_2498[%swap3A_2499], %get3A_2465 {strides = array<i32>} : memref<4104xf32, #tpu.memory_space<vmem>>, vector<16xf32>,
      %add3A_2501 = arith.addf %add3A_2497, %get3A_2471 : vector<16xf32>
      %swap3A_2502 = tpu.memref_slice %arg6[%mul3A_153] : memref<32832xf32, #tpu.memory_space<vmem>> -> memref<4104xf32, #tpu.memory_space<vmem>>
      %swap3A_2503 = arith.constant 3687 : index
      %swap3A_2504 = tpu.vector_load %swap3A_2502[%swap3A_2503] {strides = array<i32>} : memref<4104xf32, #tpu.memory_space<vmem>>, vector<16xf32>,
      tpu.vector_store %swap3A_2502[%swap3A_2503], %get3A_2471 {strides = array<i32>} : memref<4104xf32, #tpu.memory_space<vmem>>, vector<16xf32>,
      %add3A_2505 = arith.addf %add3A_2501, %get3A_2477 : vector<16xf32>
      %swap3A_2506 = tpu.memref_slice %arg6[%mul3A_153] : memref<32832xf32, #tpu.memory_space<vmem>> -> memref<4104xf32, #tpu.memory_space<vmem>>
      %swap3A_2507 = arith.constant 3703 : index
      %swap3A_2508 = tpu.vector_load %swap3A_2506[%swap3A_2507] {strides = array<i32>} : memref<4104xf32, #tpu.memory_space<vmem>>, vector<16xf32>,
      tpu.vector_store %swap3A_2506[%swap3A_2507], %get3A_2477 {strides = array<i32>} : memref<4104xf32, #tpu.memory_space<vmem>>, vector<16xf32>,
      %get3A_2509 = arith.constant 7 : i32
      %get3A_2510 = arith.constant 0 : i32
      %get3A_2511 = tpu.memref_slice %arg5[%mul3A_151, %get3A_2510] : memref<64x512xf32, #tpu.memory_space<vmem>> -> memref<8x512xf32, #tpu.memory_space<vmem>>
      %get3A_2512 = arith.index_cast %get3A_2509 : i32 to index
      %get3A_2513 = arith.constant 128 : index
      %get3A_2514 = tpu.vector_load %get3A_2511[%get3A_2512, %get3A_2513] {strides = array<i32>} : memref<8x512xf32, #tpu.memory_space<vmem>>, vector<16xf32>,
      %get3A_2515 = arith.constant 7 : i32
      %get3A_2516 = arith.constant 0 : i32
      %get3A_2517 = tpu.memref_slice %arg5[%mul3A_151, %get3A_2516] : memref<64x512xf32, #tpu.memory_space<vmem>> -> memref<8x512xf32, #tpu.memory_space<vmem>>
      %get3A_2518 = arith.index_cast %get3A_2515 : i32 to index
      %get3A_2519 = arith.constant 144 : index
      %get3A_2520 = tpu.vector_load %get3A_2517[%get3A_2518, %get3A_2519] {strides = array<i32>} : memref<8x512xf32, #tpu.memory_space<vmem>>, vector<16xf32>,
      %get3A_2521 = arith.constant 7 : i32
      %get3A_2522 = arith.constant 0 : i32
      %get3A_2523 = tpu.memref_slice %arg5[%mul3A_151, %get3A_2522] : memref<64x512xf32, #tpu.memory_space<vmem>> -> memref<8x512xf32, #tpu.memory_space<vmem>>
      %get3A_2524 = arith.index_cast %get3A_2521 : i32 to index
      %get3A_2525 = arith.constant 160 : index
      %get3A_2526 = tpu.vector_load %get3A_2523[%get3A_2524, %get3A_2525] {strides = array<i32>} : memref<8x512xf32, #tpu.memory_space<vmem>>, vector<16xf32>,
      %get3A_2527 = arith.constant 7 : i32
      %get3A_2528 = arith.constant 0 : i32
      %get3A_2529 = tpu.memref_slice %arg5[%mul3A_151, %get3A_2528] : memref<64x512xf32, #tpu.memory_space<vmem>> -> memref<8x512xf32, #tpu.memory_space<vmem>>
      %get3A_2530 = arith.index_cast %get3A_2527 : i32 to index
      %get3A_2531 = arith.constant 176 : index
      %get3A_2532 = tpu.vector_load %get3A_2529[%get3A_2530, %get3A_2531] {strides = array<i32>} : memref<8x512xf32, #tpu.memory_space<vmem>>, vector<16xf32>,
      %get3A_2533 = arith.constant 7 : i32
      %get3A_2534 = arith.constant 0 : i32
      %get3A_2535 = tpu.memref_slice %arg5[%mul3A_151, %get3A_2534] : memref<64x512xf32, #tpu.memory_space<vmem>> -> memref<8x512xf32, #tpu.memory_space<vmem>>
      %get3A_2536 = arith.index_cast %get3A_2533 : i32 to index
      %get3A_2537 = arith.constant 192 : index
      %get3A_2538 = tpu.vector_load %get3A_2535[%get3A_2536, %get3A_2537] {strides = array<i32>} : memref<8x512xf32, #tpu.memory_space<vmem>>, vector<16xf32>,
      %get3A_2539 = arith.constant 7 : i32
      %get3A_2540 = arith.constant 0 : i32
      %get3A_2541 = tpu.memref_slice %arg5[%mul3A_151, %get3A_2540] : memref<64x512xf32, #tpu.memory_space<vmem>> -> memref<8x512xf32, #tpu.memory_space<vmem>>
      %get3A_2542 = arith.index_cast %get3A_2539 : i32 to index
      %get3A_2543 = arith.constant 208 : index
      %get3A_2544 = tpu.vector_load %get3A_2541[%get3A_2542, %get3A_2543] {strides = array<i32>} : memref<8x512xf32, #tpu.memory_space<vmem>>, vector<16xf32>,
      %get3A_2545 = arith.constant 7 : i32
      %get3A_2546 = arith.constant 0 : i32
      %get3A_2547 = tpu.memref_slice %arg5[%mul3A_151, %get3A_2546] : memref<64x512xf32, #tpu.memory_space<vmem>> -> memref<8x512xf32, #tpu.memory_space<vmem>>
      %get3A_2548 = arith.index_cast %get3A_2545 : i32 to index
      %get3A_2549 = arith.constant 224 : index
      %get3A_2550 = tpu.vector_load %get3A_2547[%get3A_2548, %get3A_2549] {strides = array<i32>} : memref<8x512xf32, #tpu.memory_space<vmem>>, vector<16xf32>,
      %get3A_2551 = arith.constant 7 : i32
      %get3A_2552 = arith.constant 0 : i32
      %get3A_2553 = tpu.memref_slice %arg5[%mul3A_151, %get3A_2552] : memref<64x512xf32, #tpu.memory_space<vmem>> -> memref<8x512xf32, #tpu.memory_space<vmem>>
      %get3A_2554 = arith.index_cast %get3A_2551 : i32 to index
      %get3A_2555 = arith.constant 240 : index
      %get3A_2556 = tpu.vector_load %get3A_2553[%get3A_2554, %get3A_2555] {strides = array<i32>} : memref<8x512xf32, #tpu.memory_space<vmem>>, vector<16xf32>,
      %add3A_2557 = arith.addf %add3A_2505, %get3A_2514 : vector<16xf32>
      %swap3A_2558 = tpu.memref_slice %arg6[%mul3A_153] : memref<32832xf32, #tpu.memory_space<vmem>> -> memref<4104xf32, #tpu.memory_space<vmem>>
      %swap3A_2559 = arith.constant 3719 : index
      %swap3A_2560 = tpu.vector_load %swap3A_2558[%swap3A_2559] {strides = array<i32>} : memref<4104xf32, #tpu.memory_space<vmem>>, vector<16xf32>,
      tpu.vector_store %swap3A_2558[%swap3A_2559], %get3A_2514 {strides = array<i32>} : memref<4104xf32, #tpu.memory_space<vmem>>, vector<16xf32>,
      %add3A_2561 = arith.addf %add3A_2557, %get3A_2520 : vector<16xf32>
      %swap3A_2562 = tpu.memref_slice %arg6[%mul3A_153] : memref<32832xf32, #tpu.memory_space<vmem>> -> memref<4104xf32, #tpu.memory_space<vmem>>
      %swap3A_2563 = arith.constant 3735 : index
      %swap3A_2564 = tpu.vector_load %swap3A_2562[%swap3A_2563] {strides = array<i32>} : memref<4104xf32, #tpu.memory_space<vmem>>, vector<16xf32>,
      tpu.vector_store %swap3A_2562[%swap3A_2563], %get3A_2520 {strides = array<i32>} : memref<4104xf32, #tpu.memory_space<vmem>>, vector<16xf32>,
      %add3A_2565 = arith.addf %add3A_2561, %get3A_2526 : vector<16xf32>
      %swap3A_2566 = tpu.memref_slice %arg6[%mul3A_153] : memref<32832xf32, #tpu.memory_space<vmem>> -> memref<4104xf32, #tpu.memory_space<vmem>>
      %swap3A_2567 = arith.constant 3751 : index
      %swap3A_2568 = tpu.vector_load %swap3A_2566[%swap3A_2567] {strides = array<i32>} : memref<4104xf32, #tpu.memory_space<vmem>>, vector<16xf32>,
      tpu.vector_store %swap3A_2566[%swap3A_2567], %get3A_2526 {strides = array<i32>} : memref<4104xf32, #tpu.memory_space<vmem>>, vector<16xf32>,
      %add3A_2569 = arith.addf %add3A_2565, %get3A_2532 : vector<16xf32>
      %swap3A_2570 = tpu.memref_slice %arg6[%mul3A_153] : memref<32832xf32, #tpu.memory_space<vmem>> -> memref<4104xf32, #tpu.memory_space<vmem>>
      %swap3A_2571 = arith.constant 3767 : index
      %swap3A_2572 = tpu.vector_load %swap3A_2570[%swap3A_2571] {strides = array<i32>} : memref<4104xf32, #tpu.memory_space<vmem>>, vector<16xf32>,
      tpu.vector_store %swap3A_2570[%swap3A_2571], %get3A_2532 {strides = array<i32>} : memref<4104xf32, #tpu.memory_space<vmem>>, vector<16xf32>,
      %add3A_2573 = arith.addf %add3A_2569, %get3A_2538 : vector<16xf32>
      %swap3A_2574 = tpu.memref_slice %arg6[%mul3A_153] : memref<32832xf32, #tpu.memory_space<vmem>> -> memref<4104xf32, #tpu.memory_space<vmem>>
      %swap3A_2575 = arith.constant 3783 : index
      %swap3A_2576 = tpu.vector_load %swap3A_2574[%swap3A_2575] {strides = array<i32>} : memref<4104xf32, #tpu.memory_space<vmem>>, vector<16xf32>,
      tpu.vector_store %swap3A_2574[%swap3A_2575], %get3A_2538 {strides = array<i32>} : memref<4104xf32, #tpu.memory_space<vmem>>, vector<16xf32>,
      %add3A_2577 = arith.addf %add3A_2573, %get3A_2544 : vector<16xf32>
      %swap3A_2578 = tpu.memref_slice %arg6[%mul3A_153] : memref<32832xf32, #tpu.memory_space<vmem>> -> memref<4104xf32, #tpu.memory_space<vmem>>
      %swap3A_2579 = arith.constant 3799 : index
      %swap3A_2580 = tpu.vector_load %swap3A_2578[%swap3A_2579] {strides = array<i32>} : memref<4104xf32, #tpu.memory_space<vmem>>, vector<16xf32>,
      tpu.vector_store %swap3A_2578[%swap3A_2579], %get3A_2544 {strides = array<i32>} : memref<4104xf32, #tpu.memory_space<vmem>>, vector<16xf32>,
      %add3A_2581 = arith.addf %add3A_2577, %get3A_2550 : vector<16xf32>
      %swap3A_2582 = tpu.memref_slice %arg6[%mul3A_153] : memref<32832xf32, #tpu.memory_space<vmem>> -> memref<4104xf32, #tpu.memory_space<vmem>>
      %swap3A_2583 = arith.constant 3815 : index
      %swap3A_2584 = tpu.vector_load %swap3A_2582[%swap3A_2583] {strides = array<i32>} : memref<4104xf32, #tpu.memory_space<vmem>>, vector<16xf32>,
      tpu.vector_store %swap3A_2582[%swap3A_2583], %get3A_2550 {strides = array<i32>} : memref<4104xf32, #tpu.memory_space<vmem>>, vector<16xf32>,
      %add3A_2585 = arith.addf %add3A_2581, %get3A_2556 : vector<16xf32>
      %swap3A_2586 = tpu.memref_slice %arg6[%mul3A_153] : memref<32832xf32, #tpu.memory_space<vmem>> -> memref<4104xf32, #tpu.memory_space<vmem>>
      %swap3A_2587 = arith.constant 3831 : index
      %swap3A_2588 = tpu.vector_load %swap3A_2586[%swap3A_2587] {strides = array<i32>} : memref<4104xf32, #tpu.memory_space<vmem>>, vector<16xf32>,
      tpu.vector_store %swap3A_2586[%swap3A_2587], %get3A_2556 {strides = array<i32>} : memref<4104xf32, #tpu.memory_space<vmem>>, vector<16xf32>,
      %get3A_2589 = arith.constant 7 : i32
      %get3A_2590 = arith.constant 0 : i32
      %get3A_2591 = tpu.memref_slice %arg5[%mul3A_151, %get3A_2590] : memref<64x512xf32, #tpu.memory_space<vmem>> -> memref<8x512xf32, #tpu.memory_space<vmem>>
      %get3A_2592 = arith.index_cast %get3A_2589 : i32 to index
      %get3A_2593 = arith.constant 256 : index
      %get3A_2594 = tpu.vector_load %get3A_2591[%get3A_2592, %get3A_2593] {strides = array<i32>} : memref<8x512xf32, #tpu.memory_space<vmem>>, vector<16xf32>,
      %get3A_2595 = arith.constant 7 : i32
      %get3A_2596 = arith.constant 0 : i32
      %get3A_2597 = tpu.memref_slice %arg5[%mul3A_151, %get3A_2596] : memref<64x512xf32, #tpu.memory_space<vmem>> -> memref<8x512xf32, #tpu.memory_space<vmem>>
      %get3A_2598 = arith.index_cast %get3A_2595 : i32 to index
      %get3A_2599 = arith.constant 272 : index
      %get3A_2600 = tpu.vector_load %get3A_2597[%get3A_2598, %get3A_2599] {strides = array<i32>} : memref<8x512xf32, #tpu.memory_space<vmem>>, vector<16xf32>,
      %get3A_2601 = arith.constant 7 : i32
      %get3A_2602 = arith.constant 0 : i32
      %get3A_2603 = tpu.memref_slice %arg5[%mul3A_151, %get3A_2602] : memref<64x512xf32, #tpu.memory_space<vmem>> -> memref<8x512xf32, #tpu.memory_space<vmem>>
      %get3A_2604 = arith.index_cast %get3A_2601 : i32 to index
      %get3A_2605 = arith.constant 288 : index
      %get3A_2606 = tpu.vector_load %get3A_2603[%get3A_2604, %get3A_2605] {strides = array<i32>} : memref<8x512xf32, #tpu.memory_space<vmem>>, vector<16xf32>,
      %get3A_2607 = arith.constant 7 : i32
      %get3A_2608 = arith.constant 0 : i32
      %get3A_2609 = tpu.memref_slice %arg5[%mul3A_151, %get3A_2608] : memref<64x512xf32, #tpu.memory_space<vmem>> -> memref<8x512xf32, #tpu.memory_space<vmem>>
      %get3A_2610 = arith.index_cast %get3A_2607 : i32 to index
      %get3A_2611 = arith.constant 304 : index
      %get3A_2612 = tpu.vector_load %get3A_2609[%get3A_2610, %get3A_2611] {strides = array<i32>} : memref<8x512xf32, #tpu.memory_space<vmem>>, vector<16xf32>,
      %get3A_2613 = arith.constant 7 : i32
      %get3A_2614 = arith.constant 0 : i32
      %get3A_2615 = tpu.memref_slice %arg5[%mul3A_151, %get3A_2614] : memref<64x512xf32, #tpu.memory_space<vmem>> -> memref<8x512xf32, #tpu.memory_space<vmem>>
      %get3A_2616 = arith.index_cast %get3A_2613 : i32 to index
      %get3A_2617 = arith.constant 320 : index
      %get3A_2618 = tpu.vector_load %get3A_2615[%get3A_2616, %get3A_2617] {strides = array<i32>} : memref<8x512xf32, #tpu.memory_space<vmem>>, vector<16xf32>,
      %get3A_2619 = arith.constant 7 : i32
      %get3A_2620 = arith.constant 0 : i32
      %get3A_2621 = tpu.memref_slice %arg5[%mul3A_151, %get3A_2620] : memref<64x512xf32, #tpu.memory_space<vmem>> -> memref<8x512xf32, #tpu.memory_space<vmem>>
      %get3A_2622 = arith.index_cast %get3A_2619 : i32 to index
      %get3A_2623 = arith.constant 336 : index
      %get3A_2624 = tpu.vector_load %get3A_2621[%get3A_2622, %get3A_2623] {strides = array<i32>} : memref<8x512xf32, #tpu.memory_space<vmem>>, vector<16xf32>,
      %get3A_2625 = arith.constant 7 : i32
      %get3A_2626 = arith.constant 0 : i32
      %get3A_2627 = tpu.memref_slice %arg5[%mul3A_151, %get3A_2626] : memref<64x512xf32, #tpu.memory_space<vmem>> -> memref<8x512xf32, #tpu.memory_space<vmem>>
      %get3A_2628 = arith.index_cast %get3A_2625 : i32 to index
      %get3A_2629 = arith.constant 352 : index
      %get3A_2630 = tpu.vector_load %get3A_2627[%get3A_2628, %get3A_2629] {strides = array<i32>} : memref<8x512xf32, #tpu.memory_space<vmem>>, vector<16xf32>,
      %get3A_2631 = arith.constant 7 : i32
      %get3A_2632 = arith.constant 0 : i32
      %get3A_2633 = tpu.memref_slice %arg5[%mul3A_151, %get3A_2632] : memref<64x512xf32, #tpu.memory_space<vmem>> -> memref<8x512xf32, #tpu.memory_space<vmem>>
      %get3A_2634 = arith.index_cast %get3A_2631 : i32 to index
      %get3A_2635 = arith.constant 368 : index
      %get3A_2636 = tpu.vector_load %get3A_2633[%get3A_2634, %get3A_2635] {strides = array<i32>} : memref<8x512xf32, #tpu.memory_space<vmem>>, vector<16xf32>,
      %add3A_2637 = arith.addf %add3A_2585, %get3A_2594 : vector<16xf32>
      %swap3A_2638 = tpu.memref_slice %arg6[%mul3A_153] : memref<32832xf32, #tpu.memory_space<vmem>> -> memref<4104xf32, #tpu.memory_space<vmem>>
      %swap3A_2639 = arith.constant 3847 : index
      %swap3A_2640 = tpu.vector_load %swap3A_2638[%swap3A_2639] {strides = array<i32>} : memref<4104xf32, #tpu.memory_space<vmem>>, vector<16xf32>,
      tpu.vector_store %swap3A_2638[%swap3A_2639], %get3A_2594 {strides = array<i32>} : memref<4104xf32, #tpu.memory_space<vmem>>, vector<16xf32>,
      %add3A_2641 = arith.addf %add3A_2637, %get3A_2600 : vector<16xf32>
      %swap3A_2642 = tpu.memref_slice %arg6[%mul3A_153] : memref<32832xf32, #tpu.memory_space<vmem>> -> memref<4104xf32, #tpu.memory_space<vmem>>
      %swap3A_2643 = arith.constant 3863 : index
      %swap3A_2644 = tpu.vector_load %swap3A_2642[%swap3A_2643] {strides = array<i32>} : memref<4104xf32, #tpu.memory_space<vmem>>, vector<16xf32>,
      tpu.vector_store %swap3A_2642[%swap3A_2643], %get3A_2600 {strides = array<i32>} : memref<4104xf32, #tpu.memory_space<vmem>>, vector<16xf32>,
      %add3A_2645 = arith.addf %add3A_2641, %get3A_2606 : vector<16xf32>
      %swap3A_2646 = tpu.memref_slice %arg6[%mul3A_153] : memref<32832xf32, #tpu.memory_space<vmem>> -> memref<4104xf32, #tpu.memory_space<vmem>>
      %swap3A_2647 = arith.constant 3879 : index
      %swap3A_2648 = tpu.vector_load %swap3A_2646[%swap3A_2647] {strides = array<i32>} : memref<4104xf32, #tpu.memory_space<vmem>>, vector<16xf32>,
      tpu.vector_store %swap3A_2646[%swap3A_2647], %get3A_2606 {strides = array<i32>} : memref<4104xf32, #tpu.memory_space<vmem>>, vector<16xf32>,
      %add3A_2649 = arith.addf %add3A_2645, %get3A_2612 : vector<16xf32>
      %swap3A_2650 = tpu.memref_slice %arg6[%mul3A_153] : memref<32832xf32, #tpu.memory_space<vmem>> -> memref<4104xf32, #tpu.memory_space<vmem>>
      %swap3A_2651 = arith.constant 3895 : index
      %swap3A_2652 = tpu.vector_load %swap3A_2650[%swap3A_2651] {strides = array<i32>} : memref<4104xf32, #tpu.memory_space<vmem>>, vector<16xf32>,
      tpu.vector_store %swap3A_2650[%swap3A_2651], %get3A_2612 {strides = array<i32>} : memref<4104xf32, #tpu.memory_space<vmem>>, vector<16xf32>,
      %add3A_2653 = arith.addf %add3A_2649, %get3A_2618 : vector<16xf32>
      %swap3A_2654 = tpu.memref_slice %arg6[%mul3A_153] : memref<32832xf32, #tpu.memory_space<vmem>> -> memref<4104xf32, #tpu.memory_space<vmem>>
      %swap3A_2655 = arith.constant 3911 : index
      %swap3A_2656 = tpu.vector_load %swap3A_2654[%swap3A_2655] {strides = array<i32>} : memref<4104xf32, #tpu.memory_space<vmem>>, vector<16xf32>,
      tpu.vector_store %swap3A_2654[%swap3A_2655], %get3A_2618 {strides = array<i32>} : memref<4104xf32, #tpu.memory_space<vmem>>, vector<16xf32>,
      %add3A_2657 = arith.addf %add3A_2653, %get3A_2624 : vector<16xf32>
      %swap3A_2658 = tpu.memref_slice %arg6[%mul3A_153] : memref<32832xf32, #tpu.memory_space<vmem>> -> memref<4104xf32, #tpu.memory_space<vmem>>
      %swap3A_2659 = arith.constant 3927 : index
      %swap3A_2660 = tpu.vector_load %swap3A_2658[%swap3A_2659] {strides = array<i32>} : memref<4104xf32, #tpu.memory_space<vmem>>, vector<16xf32>,
      tpu.vector_store %swap3A_2658[%swap3A_2659], %get3A_2624 {strides = array<i32>} : memref<4104xf32, #tpu.memory_space<vmem>>, vector<16xf32>,
      %add3A_2661 = arith.addf %add3A_2657, %get3A_2630 : vector<16xf32>
      %swap3A_2662 = tpu.memref_slice %arg6[%mul3A_153] : memref<32832xf32, #tpu.memory_space<vmem>> -> memref<4104xf32, #tpu.memory_space<vmem>>
      %swap3A_2663 = arith.constant 3943 : index
      %swap3A_2664 = tpu.vector_load %swap3A_2662[%swap3A_2663] {strides = array<i32>} : memref<4104xf32, #tpu.memory_space<vmem>>, vector<16xf32>,
      tpu.vector_store %swap3A_2662[%swap3A_2663], %get3A_2630 {strides = array<i32>} : memref<4104xf32, #tpu.memory_space<vmem>>, vector<16xf32>,
      %add3A_2665 = arith.addf %add3A_2661, %get3A_2636 : vector<16xf32>
      %swap3A_2666 = tpu.memref_slice %arg6[%mul3A_153] : memref<32832xf32, #tpu.memory_space<vmem>> -> memref<4104xf32, #tpu.memory_space<vmem>>
      %swap3A_2667 = arith.constant 3959 : index
      %swap3A_2668 = tpu.vector_load %swap3A_2666[%swap3A_2667] {strides = array<i32>} : memref<4104xf32, #tpu.memory_space<vmem>>, vector<16xf32>,
      tpu.vector_store %swap3A_2666[%swap3A_2667], %get3A_2636 {strides = array<i32>} : memref<4104xf32, #tpu.memory_space<vmem>>, vector<16xf32>,
      %get3A_2669 = arith.constant 7 : i32
      %get3A_2670 = arith.constant 0 : i32
      %get3A_2671 = tpu.memref_slice %arg5[%mul3A_151, %get3A_2670] : memref<64x512xf32, #tpu.memory_space<vmem>> -> memref<8x512xf32, #tpu.memory_space<vmem>>
      %get3A_2672 = arith.index_cast %get3A_2669 : i32 to index
      %get3A_2673 = arith.constant 384 : index
      %get3A_2674 = tpu.vector_load %get3A_2671[%get3A_2672, %get3A_2673] {strides = array<i32>} : memref<8x512xf32, #tpu.memory_space<vmem>>, vector<16xf32>,
      %get3A_2675 = arith.constant 7 : i32
      %get3A_2676 = arith.constant 0 : i32
      %get3A_2677 = tpu.memref_slice %arg5[%mul3A_151, %get3A_2676] : memref<64x512xf32, #tpu.memory_space<vmem>> -> memref<8x512xf32, #tpu.memory_space<vmem>>
      %get3A_2678 = arith.index_cast %get3A_2675 : i32 to index
      %get3A_2679 = arith.constant 400 : index
      %get3A_2680 = tpu.vector_load %get3A_2677[%get3A_2678, %get3A_2679] {strides = array<i32>} : memref<8x512xf32, #tpu.memory_space<vmem>>, vector<16xf32>,
      %get3A_2681 = arith.constant 7 : i32
      %get3A_2682 = arith.constant 0 : i32
      %get3A_2683 = tpu.memref_slice %arg5[%mul3A_151, %get3A_2682] : memref<64x512xf32, #tpu.memory_space<vmem>> -> memref<8x512xf32, #tpu.memory_space<vmem>>
      %get3A_2684 = arith.index_cast %get3A_2681 : i32 to index
      %get3A_2685 = arith.constant 416 : index
      %get3A_2686 = tpu.vector_load %get3A_2683[%get3A_2684, %get3A_2685] {strides = array<i32>} : memref<8x512xf32, #tpu.memory_space<vmem>>, vector<16xf32>,
      %get3A_2687 = arith.constant 7 : i32
      %get3A_2688 = arith.constant 0 : i32
      %get3A_2689 = tpu.memref_slice %arg5[%mul3A_151, %get3A_2688] : memref<64x512xf32, #tpu.memory_space<vmem>> -> memref<8x512xf32, #tpu.memory_space<vmem>>
      %get3A_2690 = arith.index_cast %get3A_2687 : i32 to index
      %get3A_2691 = arith.constant 432 : index
      %get3A_2692 = tpu.vector_load %get3A_2689[%get3A_2690, %get3A_2691] {strides = array<i32>} : memref<8x512xf32, #tpu.memory_space<vmem>>, vector<16xf32>,
      %get3A_2693 = arith.constant 7 : i32
      %get3A_2694 = arith.constant 0 : i32
      %get3A_2695 = tpu.memref_slice %arg5[%mul3A_151, %get3A_2694] : memref<64x512xf32, #tpu.memory_space<vmem>> -> memref<8x512xf32, #tpu.memory_space<vmem>>
      %get3A_2696 = arith.index_cast %get3A_2693 : i32 to index
      %get3A_2697 = arith.constant 448 : index
      %get3A_2698 = tpu.vector_load %get3A_2695[%get3A_2696, %get3A_2697] {strides = array<i32>} : memref<8x512xf32, #tpu.memory_space<vmem>>, vector<16xf32>,
      %get3A_2699 = arith.constant 7 : i32
      %get3A_2700 = arith.constant 0 : i32
      %get3A_2701 = tpu.memref_slice %arg5[%mul3A_151, %get3A_2700] : memref<64x512xf32, #tpu.memory_space<vmem>> -> memref<8x512xf32, #tpu.memory_space<vmem>>
      %get3A_2702 = arith.index_cast %get3A_2699 : i32 to index
      %get3A_2703 = arith.constant 464 : index
      %get3A_2704 = tpu.vector_load %get3A_2701[%get3A_2702, %get3A_2703] {strides = array<i32>} : memref<8x512xf32, #tpu.memory_space<vmem>>, vector<16xf32>,
      %get3A_2705 = arith.constant 7 : i32
      %get3A_2706 = arith.constant 0 : i32
      %get3A_2707 = tpu.memref_slice %arg5[%mul3A_151, %get3A_2706] : memref<64x512xf32, #tpu.memory_space<vmem>> -> memref<8x512xf32, #tpu.memory_space<vmem>>
      %get3A_2708 = arith.index_cast %get3A_2705 : i32 to index
      %get3A_2709 = arith.constant 480 : index
      %get3A_2710 = tpu.vector_load %get3A_2707[%get3A_2708, %get3A_2709] {strides = array<i32>} : memref<8x512xf32, #tpu.memory_space<vmem>>, vector<16xf32>,
      %get3A_2711 = arith.constant 7 : i32
      %get3A_2712 = arith.constant 0 : i32
      %get3A_2713 = tpu.memref_slice %arg5[%mul3A_151, %get3A_2712] : memref<64x512xf32, #tpu.memory_space<vmem>> -> memref<8x512xf32, #tpu.memory_space<vmem>>
      %get3A_2714 = arith.index_cast %get3A_2711 : i32 to index
      %get3A_2715 = arith.constant 496 : index
      %get3A_2716 = tpu.vector_load %get3A_2713[%get3A_2714, %get3A_2715] {strides = array<i32>} : memref<8x512xf32, #tpu.memory_space<vmem>>, vector<16xf32>,
      %add3A_2717 = arith.addf %add3A_2665, %get3A_2674 : vector<16xf32>
      %swap3A_2718 = tpu.memref_slice %arg6[%mul3A_153] : memref<32832xf32, #tpu.memory_space<vmem>> -> memref<4104xf32, #tpu.memory_space<vmem>>
      %swap3A_2719 = arith.constant 3975 : index
      %swap3A_2720 = tpu.vector_load %swap3A_2718[%swap3A_2719] {strides = array<i32>} : memref<4104xf32, #tpu.memory_space<vmem>>, vector<16xf32>,
      tpu.vector_store %swap3A_2718[%swap3A_2719], %get3A_2674 {strides = array<i32>} : memref<4104xf32, #tpu.memory_space<vmem>>, vector<16xf32>,
      %add3A_2721 = arith.addf %add3A_2717, %get3A_2680 : vector<16xf32>
      %swap3A_2722 = tpu.memref_slice %arg6[%mul3A_153] : memref<32832xf32, #tpu.memory_space<vmem>> -> memref<4104xf32, #tpu.memory_space<vmem>>
      %swap3A_2723 = arith.constant 3991 : index
      %swap3A_2724 = tpu.vector_load %swap3A_2722[%swap3A_2723] {strides = array<i32>} : memref<4104xf32, #tpu.memory_space<vmem>>, vector<16xf32>,
      tpu.vector_store %swap3A_2722[%swap3A_2723], %get3A_2680 {strides = array<i32>} : memref<4104xf32, #tpu.memory_space<vmem>>, vector<16xf32>,
      %add3A_2725 = arith.addf %add3A_2721, %get3A_2686 : vector<16xf32>
      %swap3A_2726 = tpu.memref_slice %arg6[%mul3A_153] : memref<32832xf32, #tpu.memory_space<vmem>> -> memref<4104xf32, #tpu.memory_space<vmem>>
      %swap3A_2727 = arith.constant 4007 : index
      %swap3A_2728 = tpu.vector_load %swap3A_2726[%swap3A_2727] {strides = array<i32>} : memref<4104xf32, #tpu.memory_space<vmem>>, vector<16xf32>,
      tpu.vector_store %swap3A_2726[%swap3A_2727], %get3A_2686 {strides = array<i32>} : memref<4104xf32, #tpu.memory_space<vmem>>, vector<16xf32>,
      %add3A_2729 = arith.addf %add3A_2725, %get3A_2692 : vector<16xf32>
      %swap3A_2730 = tpu.memref_slice %arg6[%mul3A_153] : memref<32832xf32, #tpu.memory_space<vmem>> -> memref<4104xf32, #tpu.memory_space<vmem>>
      %swap3A_2731 = arith.constant 4023 : index
      %swap3A_2732 = tpu.vector_load %swap3A_2730[%swap3A_2731] {strides = array<i32>} : memref<4104xf32, #tpu.memory_space<vmem>>, vector<16xf32>,
      tpu.vector_store %swap3A_2730[%swap3A_2731], %get3A_2692 {strides = array<i32>} : memref<4104xf32, #tpu.memory_space<vmem>>, vector<16xf32>,
      %add3A_2733 = arith.addf %add3A_2729, %get3A_2698 : vector<16xf32>
      %swap3A_2734 = tpu.memref_slice %arg6[%mul3A_153] : memref<32832xf32, #tpu.memory_space<vmem>> -> memref<4104xf32, #tpu.memory_space<vmem>>
      %swap3A_2735 = arith.constant 4039 : index
      %swap3A_2736 = tpu.vector_load %swap3A_2734[%swap3A_2735] {strides = array<i32>} : memref<4104xf32, #tpu.memory_space<vmem>>, vector<16xf32>,
      tpu.vector_store %swap3A_2734[%swap3A_2735], %get3A_2698 {strides = array<i32>} : memref<4104xf32, #tpu.memory_space<vmem>>, vector<16xf32>,
      %add3A_2737 = arith.addf %add3A_2733, %get3A_2704 : vector<16xf32>
      %swap3A_2738 = tpu.memref_slice %arg6[%mul3A_153] : memref<32832xf32, #tpu.memory_space<vmem>> -> memref<4104xf32, #tpu.memory_space<vmem>>
      %swap3A_2739 = arith.constant 4055 : index
      %swap3A_2740 = tpu.vector_load %swap3A_2738[%swap3A_2739] {strides = array<i32>} : memref<4104xf32, #tpu.memory_space<vmem>>, vector<16xf32>,
      tpu.vector_store %swap3A_2738[%swap3A_2739], %get3A_2704 {strides = array<i32>} : memref<4104xf32, #tpu.memory_space<vmem>>, vector<16xf32>,
      %add3A_2741 = arith.addf %add3A_2737, %get3A_2710 : vector<16xf32>
      %swap3A_2742 = tpu.memref_slice %arg6[%mul3A_153] : memref<32832xf32, #tpu.memory_space<vmem>> -> memref<4104xf32, #tpu.memory_space<vmem>>
      %swap3A_2743 = arith.constant 4071 : index
      %swap3A_2744 = tpu.vector_load %swap3A_2742[%swap3A_2743] {strides = array<i32>} : memref<4104xf32, #tpu.memory_space<vmem>>, vector<16xf32>,
      tpu.vector_store %swap3A_2742[%swap3A_2743], %get3A_2710 {strides = array<i32>} : memref<4104xf32, #tpu.memory_space<vmem>>, vector<16xf32>,
      %add3A_2745 = arith.addf %add3A_2741, %get3A_2716 : vector<16xf32>
      %swap3A_2746 = tpu.memref_slice %arg6[%mul3A_153] : memref<32832xf32, #tpu.memory_space<vmem>> -> memref<4104xf32, #tpu.memory_space<vmem>>
      %swap3A_2747 = arith.constant 4087 : index
      %swap3A_2748 = tpu.vector_load %swap3A_2746[%swap3A_2747] {strides = array<i32>} : memref<4104xf32, #tpu.memory_space<vmem>>, vector<16xf32>,
      tpu.vector_store %swap3A_2746[%swap3A_2747], %get3A_2716 {strides = array<i32>} : memref<4104xf32, #tpu.memory_space<vmem>>, vector<16xf32>,
      %swap3A_2749 = arith.constant 7 : i32
      %swap3A_2750 = arith.constant 0 : i32
      %swap3A_2751 = tpu.memref_slice %arg8[%mul3A_155, %swap3A_2750] : memref<64x16xf32, #tpu.memory_space<vmem>> -> memref<8x16xf32, #tpu.memory_space<vmem>>
      %swap3A_2752 = arith.index_cast %swap3A_2749 : i32 to index
      %swap3A_2753 = arith.constant 0 : index
      %swap3A_2754 = tpu.vector_load %swap3A_2751[%swap3A_2752, %swap3A_2753] {strides = array<i32>} : memref<8x16xf32, #tpu.memory_space<vmem>>, vector<16xf32>,
      tpu.vector_store %swap3A_2751[%swap3A_2752, %swap3A_2753], %add3A_2745 {strides = array<i32>} : memref<8x16xf32, #tpu.memory_space<vmem>>, vector<16xf32>,
    }
    %scan3A_140 = arith.constant 8 : i32
    %broadcast_in_dim3A_141 = arith.constant 0 : i32
    %broadcast_in_dim3A_142 = vector.broadcast %broadcast_in_dim3A_141 : i32 to vector<16xi32>
    %scan3A_143 = arith.constant 0 : i32
    %scan3A_144 = arith.constant 0 : i32
    %scan3A_145 = arith.constant 16 : i32
    %scan3A_146 = arith.addi %scan3A_144, %scan3A_145 : i32
    %scan3A_147 = arith.constant 1 : i32
    scf.for %scan3A_149 = %scan3A_144 to %scan3A_146 step %scan3A_147  : i32 {
      %mul3A_150 = arith.constant 32 : i32
      %mul3A_151 = arith.muli %scan3A_149, %mul3A_150 : i32
      %get3A = tpu.memref_slice %arg6[%mul3A_151] : memref<32832xf32, #tpu.memory_space<vmem>> -> memref<32352xf32, #tpu.memory_space<vmem>>
      %get3A_152 = arith.constant 0 : index
      %get3A_153 = tpu.vector_load %get3A[%get3A_152] {strides = array<i32>} : memref<32352xf32, #tpu.memory_space<vmem>>, vector<16xf32>,
      %get3A_154 = tpu.memref_slice %arg6[%mul3A_151] : memref<32832xf32, #tpu.memory_space<vmem>> -> memref<32352xf32, #tpu.memory_space<vmem>>
      %get3A_155 = arith.constant 16 : index
      %get3A_156 = tpu.vector_load %get3A_154[%get3A_155] {strides = array<i32>} : memref<32352xf32, #tpu.memory_space<vmem>>, vector<16xf32>,
      %get3A_157 = tpu.memref_slice %arg6[%mul3A_151] : memref<32832xf32, #tpu.memory_space<vmem>> -> memref<32352xf32, #tpu.memory_space<vmem>>
      %get3A_158 = arith.constant 513 : index
      %get3A_159 = tpu.vector_load %get3A_157[%get3A_158] {strides = array<i32>} : memref<32352xf32, #tpu.memory_space<vmem>>, vector<16xf32>,
      %gt3A = arith.cmpf ogt, %get3A_159, %get3A_153 : vector<16xf32>
      %select_n3A = arith.select %gt3A, %get3A_159, %get3A_153 : vector<16xi1>, vector<16xf32>
      %jit3A = arith.constant 1 : i32
      %broadcast_in_dim3A_160 = vector.broadcast %jit3A : i32 to vector<16xi32>
      %select_n3A_161 = arith.select %gt3A, %broadcast_in_dim3A_160, %broadcast_in_dim3A_142 : vector<16xi1>, vector<16xi32>
      %get3A_162 = tpu.memref_slice %arg6[%mul3A_151] : memref<32832xf32, #tpu.memory_space<vmem>> -> memref<32352xf32, #tpu.memory_space<vmem>>
      %get3A_163 = arith.constant 529 : index
      %get3A_164 = tpu.vector_load %get3A_162[%get3A_163] {strides = array<i32>} : memref<32352xf32, #tpu.memory_space<vmem>>, vector<16xf32>,
      %gt3A_165 = arith.cmpf ogt, %get3A_164, %get3A_156 : vector<16xf32>
      %select_n3A_166 = arith.select %gt3A_165, %get3A_164, %get3A_156 : vector<16xi1>, vector<16xf32>
      %jit3A_167 = arith.constant 1 : i32
      %broadcast_in_dim3A_168 = vector.broadcast %jit3A_167 : i32 to vector<16xi32>
      %select_n3A_169 = arith.select %gt3A_165, %broadcast_in_dim3A_168, %broadcast_in_dim3A_142 : vector<16xi1>, vector<16xi32>
      %get3A_170 = tpu.memref_slice %arg6[%mul3A_151] : memref<32832xf32, #tpu.memory_space<vmem>> -> memref<32352xf32, #tpu.memory_space<vmem>>
      %get3A_171 = arith.constant 1026 : index
      %get3A_172 = tpu.vector_load %get3A_170[%get3A_171] {strides = array<i32>} : memref<32352xf32, #tpu.memory_space<vmem>>, vector<16xf32>,
      %gt3A_173 = arith.cmpf ogt, %get3A_172, %select_n3A : vector<16xf32>
      %select_n3A_174 = arith.select %gt3A_173, %get3A_172, %select_n3A : vector<16xi1>, vector<16xf32>
      %jit3A_175 = arith.constant 2 : i32
      %broadcast_in_dim3A_176 = vector.broadcast %jit3A_175 : i32 to vector<16xi32>
      %select_n3A_177 = arith.select %gt3A_173, %broadcast_in_dim3A_176, %select_n3A_161 : vector<16xi1>, vector<16xi32>
      %get3A_178 = tpu.memref_slice %arg6[%mul3A_151] : memref<32832xf32, #tpu.memory_space<vmem>> -> memref<32352xf32, #tpu.memory_space<vmem>>
      %get3A_179 = arith.constant 1042 : index
      %get3A_180 = tpu.vector_load %get3A_178[%get3A_179] {strides = array<i32>} : memref<32352xf32, #tpu.memory_space<vmem>>, vector<16xf32>,
      %gt3A_181 = arith.cmpf ogt, %get3A_180, %select_n3A_166 : vector<16xf32>
      %select_n3A_182 = arith.select %gt3A_181, %get3A_180, %select_n3A_166 : vector<16xi1>, vector<16xf32>
      %jit3A_183 = arith.constant 2 : i32
      %broadcast_in_dim3A_184 = vector.broadcast %jit3A_183 : i32 to vector<16xi32>
      %select_n3A_185 = arith.select %gt3A_181, %broadcast_in_dim3A_184, %select_n3A_169 : vector<16xi1>, vector<16xi32>
      %get3A_186 = tpu.memref_slice %arg6[%mul3A_151] : memref<32832xf32, #tpu.memory_space<vmem>> -> memref<32352xf32, #tpu.memory_space<vmem>>
      %get3A_187 = arith.constant 1539 : index
      %get3A_188 = tpu.vector_load %get3A_186[%get3A_187] {strides = array<i32>} : memref<32352xf32, #tpu.memory_space<vmem>>, vector<16xf32>,
      %gt3A_189 = arith.cmpf ogt, %get3A_188, %select_n3A_174 : vector<16xf32>
      %select_n3A_190 = arith.select %gt3A_189, %get3A_188, %select_n3A_174 : vector<16xi1>, vector<16xf32>
      %jit3A_191 = arith.constant 3 : i32
      %broadcast_in_dim3A_192 = vector.broadcast %jit3A_191 : i32 to vector<16xi32>
      %select_n3A_193 = arith.select %gt3A_189, %broadcast_in_dim3A_192, %select_n3A_177 : vector<16xi1>, vector<16xi32>
      %get3A_194 = tpu.memref_slice %arg6[%mul3A_151] : memref<32832xf32, #tpu.memory_space<vmem>> -> memref<32352xf32, #tpu.memory_space<vmem>>
      %get3A_195 = arith.constant 1555 : index
      %get3A_196 = tpu.vector_load %get3A_194[%get3A_195] {strides = array<i32>} : memref<32352xf32, #tpu.memory_space<vmem>>, vector<16xf32>,
      %gt3A_197 = arith.cmpf ogt, %get3A_196, %select_n3A_182 : vector<16xf32>
      %select_n3A_198 = arith.select %gt3A_197, %get3A_196, %select_n3A_182 : vector<16xi1>, vector<16xf32>
      %jit3A_199 = arith.constant 3 : i32
      %broadcast_in_dim3A_200 = vector.broadcast %jit3A_199 : i32 to vector<16xi32>
      %select_n3A_201 = arith.select %gt3A_197, %broadcast_in_dim3A_200, %select_n3A_185 : vector<16xi1>, vector<16xi32>
      %get3A_202 = tpu.memref_slice %arg6[%mul3A_151] : memref<32832xf32, #tpu.memory_space<vmem>> -> memref<32352xf32, #tpu.memory_space<vmem>>
      %get3A_203 = arith.constant 2052 : index
      %get3A_204 = tpu.vector_load %get3A_202[%get3A_203] {strides = array<i32>} : memref<32352xf32, #tpu.memory_space<vmem>>, vector<16xf32>,
      %gt3A_205 = arith.cmpf ogt, %get3A_204, %select_n3A_190 : vector<16xf32>
      %select_n3A_206 = arith.select %gt3A_205, %get3A_204, %select_n3A_190 : vector<16xi1>, vector<16xf32>
      %jit3A_207 = arith.constant 4 : i32
      %broadcast_in_dim3A_208 = vector.broadcast %jit3A_207 : i32 to vector<16xi32>
      %select_n3A_209 = arith.select %gt3A_205, %broadcast_in_dim3A_208, %select_n3A_193 : vector<16xi1>, vector<16xi32>
      %get3A_210 = tpu.memref_slice %arg6[%mul3A_151] : memref<32832xf32, #tpu.memory_space<vmem>> -> memref<32352xf32, #tpu.memory_space<vmem>>
      %get3A_211 = arith.constant 2068 : index
      %get3A_212 = tpu.vector_load %get3A_210[%get3A_211] {strides = array<i32>} : memref<32352xf32, #tpu.memory_space<vmem>>, vector<16xf32>,
      %gt3A_213 = arith.cmpf ogt, %get3A_212, %select_n3A_198 : vector<16xf32>
      %select_n3A_214 = arith.select %gt3A_213, %get3A_212, %select_n3A_198 : vector<16xi1>, vector<16xf32>
      %jit3A_215 = arith.constant 4 : i32
      %broadcast_in_dim3A_216 = vector.broadcast %jit3A_215 : i32 to vector<16xi32>
      %select_n3A_217 = arith.select %gt3A_213, %broadcast_in_dim3A_216, %select_n3A_201 : vector<16xi1>, vector<16xi32>
      %get3A_218 = tpu.memref_slice %arg6[%mul3A_151] : memref<32832xf32, #tpu.memory_space<vmem>> -> memref<32352xf32, #tpu.memory_space<vmem>>
      %get3A_219 = arith.constant 2565 : index
      %get3A_220 = tpu.vector_load %get3A_218[%get3A_219] {strides = array<i32>} : memref<32352xf32, #tpu.memory_space<vmem>>, vector<16xf32>,
      %gt3A_221 = arith.cmpf ogt, %get3A_220, %select_n3A_206 : vector<16xf32>
      %select_n3A_222 = arith.select %gt3A_221, %get3A_220, %select_n3A_206 : vector<16xi1>, vector<16xf32>
      %jit3A_223 = arith.constant 5 : i32
      %broadcast_in_dim3A_224 = vector.broadcast %jit3A_223 : i32 to vector<16xi32>
      %select_n3A_225 = arith.select %gt3A_221, %broadcast_in_dim3A_224, %select_n3A_209 : vector<16xi1>, vector<16xi32>
      %get3A_226 = tpu.memref_slice %arg6[%mul3A_151] : memref<32832xf32, #tpu.memory_space<vmem>> -> memref<32352xf32, #tpu.memory_space<vmem>>
      %get3A_227 = arith.constant 2581 : index
      %get3A_228 = tpu.vector_load %get3A_226[%get3A_227] {strides = array<i32>} : memref<32352xf32, #tpu.memory_space<vmem>>, vector<16xf32>,
      %gt3A_229 = arith.cmpf ogt, %get3A_228, %select_n3A_214 : vector<16xf32>
      %select_n3A_230 = arith.select %gt3A_229, %get3A_228, %select_n3A_214 : vector<16xi1>, vector<16xf32>
      %jit3A_231 = arith.constant 5 : i32
      %broadcast_in_dim3A_232 = vector.broadcast %jit3A_231 : i32 to vector<16xi32>
      %select_n3A_233 = arith.select %gt3A_229, %broadcast_in_dim3A_232, %select_n3A_217 : vector<16xi1>, vector<16xi32>
      %get3A_234 = tpu.memref_slice %arg6[%mul3A_151] : memref<32832xf32, #tpu.memory_space<vmem>> -> memref<32352xf32, #tpu.memory_space<vmem>>
      %get3A_235 = arith.constant 3078 : index
      %get3A_236 = tpu.vector_load %get3A_234[%get3A_235] {strides = array<i32>} : memref<32352xf32, #tpu.memory_space<vmem>>, vector<16xf32>,
      %gt3A_237 = arith.cmpf ogt, %get3A_236, %select_n3A_222 : vector<16xf32>
      %select_n3A_238 = arith.select %gt3A_237, %get3A_236, %select_n3A_222 : vector<16xi1>, vector<16xf32>
      %jit3A_239 = arith.constant 6 : i32
      %broadcast_in_dim3A_240 = vector.broadcast %jit3A_239 : i32 to vector<16xi32>
      %select_n3A_241 = arith.select %gt3A_237, %broadcast_in_dim3A_240, %select_n3A_225 : vector<16xi1>, vector<16xi32>
      %get3A_242 = tpu.memref_slice %arg6[%mul3A_151] : memref<32832xf32, #tpu.memory_space<vmem>> -> memref<32352xf32, #tpu.memory_space<vmem>>
      %get3A_243 = arith.constant 3094 : index
      %get3A_244 = tpu.vector_load %get3A_242[%get3A_243] {strides = array<i32>} : memref<32352xf32, #tpu.memory_space<vmem>>, vector<16xf32>,
      %gt3A_245 = arith.cmpf ogt, %get3A_244, %select_n3A_230 : vector<16xf32>
      %select_n3A_246 = arith.select %gt3A_245, %get3A_244, %select_n3A_230 : vector<16xi1>, vector<16xf32>
      %jit3A_247 = arith.constant 6 : i32
      %broadcast_in_dim3A_248 = vector.broadcast %jit3A_247 : i32 to vector<16xi32>
      %select_n3A_249 = arith.select %gt3A_245, %broadcast_in_dim3A_248, %select_n3A_233 : vector<16xi1>, vector<16xi32>
      %get3A_250 = tpu.memref_slice %arg6[%mul3A_151] : memref<32832xf32, #tpu.memory_space<vmem>> -> memref<32352xf32, #tpu.memory_space<vmem>>
      %get3A_251 = arith.constant 3591 : index
      %get3A_252 = tpu.vector_load %get3A_250[%get3A_251] {strides = array<i32>} : memref<32352xf32, #tpu.memory_space<vmem>>, vector<16xf32>,
      %gt3A_253 = arith.cmpf ogt, %get3A_252, %select_n3A_238 : vector<16xf32>
      %select_n3A_254 = arith.select %gt3A_253, %get3A_252, %select_n3A_238 : vector<16xi1>, vector<16xf32>
      %jit3A_255 = arith.constant 7 : i32
      %broadcast_in_dim3A_256 = vector.broadcast %jit3A_255 : i32 to vector<16xi32>
      %select_n3A_257 = arith.select %gt3A_253, %broadcast_in_dim3A_256, %select_n3A_241 : vector<16xi1>, vector<16xi32>
      %get3A_258 = tpu.memref_slice %arg6[%mul3A_151] : memref<32832xf32, #tpu.memory_space<vmem>> -> memref<32352xf32, #tpu.memory_space<vmem>>
      %get3A_259 = arith.constant 3607 : index
      %get3A_260 = tpu.vector_load %get3A_258[%get3A_259] {strides = array<i32>} : memref<32352xf32, #tpu.memory_space<vmem>>, vector<16xf32>,
      %gt3A_261 = arith.cmpf ogt, %get3A_260, %select_n3A_246 : vector<16xf32>
      %select_n3A_262 = arith.select %gt3A_261, %get3A_260, %select_n3A_246 : vector<16xi1>, vector<16xf32>
      %jit3A_263 = arith.constant 7 : i32
      %broadcast_in_dim3A_264 = vector.broadcast %jit3A_263 : i32 to vector<16xi32>
      %select_n3A_265 = arith.select %gt3A_261, %broadcast_in_dim3A_264, %select_n3A_249 : vector<16xi1>, vector<16xi32>
      %get3A_266 = tpu.memref_slice %arg6[%mul3A_151] : memref<32832xf32, #tpu.memory_space<vmem>> -> memref<32352xf32, #tpu.memory_space<vmem>>
      %get3A_267 = arith.constant 4104 : index
      %get3A_268 = tpu.vector_load %get3A_266[%get3A_267] {strides = array<i32>} : memref<32352xf32, #tpu.memory_space<vmem>>, vector<16xf32>,
      %gt3A_269 = arith.cmpf ogt, %get3A_268, %select_n3A_254 : vector<16xf32>
      %select_n3A_270 = arith.select %gt3A_269, %get3A_268, %select_n3A_254 : vector<16xi1>, vector<16xf32>
      %jit3A_271 = arith.constant 8 : i32
      %broadcast_in_dim3A_272 = vector.broadcast %jit3A_271 : i32 to vector<16xi32>
      %select_n3A_273 = arith.select %gt3A_269, %broadcast_in_dim3A_272, %select_n3A_257 : vector<16xi1>, vector<16xi32>
      %get3A_274 = tpu.memref_slice %arg6[%mul3A_151] : memref<32832xf32, #tpu.memory_space<vmem>> -> memref<32352xf32, #tpu.memory_space<vmem>>
      %get3A_275 = arith.constant 4120 : index
      %get3A_276 = tpu.vector_load %get3A_274[%get3A_275] {strides = array<i32>} : memref<32352xf32, #tpu.memory_space<vmem>>, vector<16xf32>,
      %gt3A_277 = arith.cmpf ogt, %get3A_276, %select_n3A_262 : vector<16xf32>
      %select_n3A_278 = arith.select %gt3A_277, %get3A_276, %select_n3A_262 : vector<16xi1>, vector<16xf32>
      %jit3A_279 = arith.constant 8 : i32
      %broadcast_in_dim3A_280 = vector.broadcast %jit3A_279 : i32 to vector<16xi32>
      %select_n3A_281 = arith.select %gt3A_277, %broadcast_in_dim3A_280, %select_n3A_265 : vector<16xi1>, vector<16xi32>
      %get3A_282 = tpu.memref_slice %arg6[%mul3A_151] : memref<32832xf32, #tpu.memory_space<vmem>> -> memref<32352xf32, #tpu.memory_space<vmem>>
      %get3A_283 = arith.constant 4617 : index
      %get3A_284 = tpu.vector_load %get3A_282[%get3A_283] {strides = array<i32>} : memref<32352xf32, #tpu.memory_space<vmem>>, vector<16xf32>,
      %gt3A_285 = arith.cmpf ogt, %get3A_284, %select_n3A_270 : vector<16xf32>
      %select_n3A_286 = arith.select %gt3A_285, %get3A_284, %select_n3A_270 : vector<16xi1>, vector<16xf32>
      %jit3A_287 = arith.constant 9 : i32
      %broadcast_in_dim3A_288 = vector.broadcast %jit3A_287 : i32 to vector<16xi32>
      %select_n3A_289 = arith.select %gt3A_285, %broadcast_in_dim3A_288, %select_n3A_273 : vector<16xi1>, vector<16xi32>
      %get3A_290 = tpu.memref_slice %arg6[%mul3A_151] : memref<32832xf32, #tpu.memory_space<vmem>> -> memref<32352xf32, #tpu.memory_space<vmem>>
      %get3A_291 = arith.constant 4633 : index
      %get3A_292 = tpu.vector_load %get3A_290[%get3A_291] {strides = array<i32>} : memref<32352xf32, #tpu.memory_space<vmem>>, vector<16xf32>,
      %gt3A_293 = arith.cmpf ogt, %get3A_292, %select_n3A_278 : vector<16xf32>
      %select_n3A_294 = arith.select %gt3A_293, %get3A_292, %select_n3A_278 : vector<16xi1>, vector<16xf32>
      %jit3A_295 = arith.constant 9 : i32
      %broadcast_in_dim3A_296 = vector.broadcast %jit3A_295 : i32 to vector<16xi32>
      %select_n3A_297 = arith.select %gt3A_293, %broadcast_in_dim3A_296, %select_n3A_281 : vector<16xi1>, vector<16xi32>
      %get3A_298 = tpu.memref_slice %arg6[%mul3A_151] : memref<32832xf32, #tpu.memory_space<vmem>> -> memref<32352xf32, #tpu.memory_space<vmem>>
      %get3A_299 = arith.constant 5130 : index
      %get3A_300 = tpu.vector_load %get3A_298[%get3A_299] {strides = array<i32>} : memref<32352xf32, #tpu.memory_space<vmem>>, vector<16xf32>,
      %gt3A_301 = arith.cmpf ogt, %get3A_300, %select_n3A_286 : vector<16xf32>
      %select_n3A_302 = arith.select %gt3A_301, %get3A_300, %select_n3A_286 : vector<16xi1>, vector<16xf32>
      %jit3A_303 = arith.constant 10 : i32
      %broadcast_in_dim3A_304 = vector.broadcast %jit3A_303 : i32 to vector<16xi32>
      %select_n3A_305 = arith.select %gt3A_301, %broadcast_in_dim3A_304, %select_n3A_289 : vector<16xi1>, vector<16xi32>
      %get3A_306 = tpu.memref_slice %arg6[%mul3A_151] : memref<32832xf32, #tpu.memory_space<vmem>> -> memref<32352xf32, #tpu.memory_space<vmem>>
      %get3A_307 = arith.constant 5146 : index
      %get3A_308 = tpu.vector_load %get3A_306[%get3A_307] {strides = array<i32>} : memref<32352xf32, #tpu.memory_space<vmem>>, vector<16xf32>,
      %gt3A_309 = arith.cmpf ogt, %get3A_308, %select_n3A_294 : vector<16xf32>
      %select_n3A_310 = arith.select %gt3A_309, %get3A_308, %select_n3A_294 : vector<16xi1>, vector<16xf32>
      %jit3A_311 = arith.constant 10 : i32
      %broadcast_in_dim3A_312 = vector.broadcast %jit3A_311 : i32 to vector<16xi32>
      %select_n3A_313 = arith.select %gt3A_309, %broadcast_in_dim3A_312, %select_n3A_297 : vector<16xi1>, vector<16xi32>
      %get3A_314 = tpu.memref_slice %arg6[%mul3A_151] : memref<32832xf32, #tpu.memory_space<vmem>> -> memref<32352xf32, #tpu.memory_space<vmem>>
      %get3A_315 = arith.constant 5643 : index
      %get3A_316 = tpu.vector_load %get3A_314[%get3A_315] {strides = array<i32>} : memref<32352xf32, #tpu.memory_space<vmem>>, vector<16xf32>,
      %gt3A_317 = arith.cmpf ogt, %get3A_316, %select_n3A_302 : vector<16xf32>
      %select_n3A_318 = arith.select %gt3A_317, %get3A_316, %select_n3A_302 : vector<16xi1>, vector<16xf32>
      %jit3A_319 = arith.constant 11 : i32
      %broadcast_in_dim3A_320 = vector.broadcast %jit3A_319 : i32 to vector<16xi32>
      %select_n3A_321 = arith.select %gt3A_317, %broadcast_in_dim3A_320, %select_n3A_305 : vector<16xi1>, vector<16xi32>
      %get3A_322 = tpu.memref_slice %arg6[%mul3A_151] : memref<32832xf32, #tpu.memory_space<vmem>> -> memref<32352xf32, #tpu.memory_space<vmem>>
      %get3A_323 = arith.constant 5659 : index
      %get3A_324 = tpu.vector_load %get3A_322[%get3A_323] {strides = array<i32>} : memref<32352xf32, #tpu.memory_space<vmem>>, vector<16xf32>,
      %gt3A_325 = arith.cmpf ogt, %get3A_324, %select_n3A_310 : vector<16xf32>
      %select_n3A_326 = arith.select %gt3A_325, %get3A_324, %select_n3A_310 : vector<16xi1>, vector<16xf32>
      %jit3A_327 = arith.constant 11 : i32
      %broadcast_in_dim3A_328 = vector.broadcast %jit3A_327 : i32 to vector<16xi32>
      %select_n3A_329 = arith.select %gt3A_325, %broadcast_in_dim3A_328, %select_n3A_313 : vector<16xi1>, vector<16xi32>
      %get3A_330 = tpu.memref_slice %arg6[%mul3A_151] : memref<32832xf32, #tpu.memory_space<vmem>> -> memref<32352xf32, #tpu.memory_space<vmem>>
      %get3A_331 = arith.constant 6156 : index
      %get3A_332 = tpu.vector_load %get3A_330[%get3A_331] {strides = array<i32>} : memref<32352xf32, #tpu.memory_space<vmem>>, vector<16xf32>,
      %gt3A_333 = arith.cmpf ogt, %get3A_332, %select_n3A_318 : vector<16xf32>
      %select_n3A_334 = arith.select %gt3A_333, %get3A_332, %select_n3A_318 : vector<16xi1>, vector<16xf32>
      %jit3A_335 = arith.constant 12 : i32
      %broadcast_in_dim3A_336 = vector.broadcast %jit3A_335 : i32 to vector<16xi32>
      %select_n3A_337 = arith.select %gt3A_333, %broadcast_in_dim3A_336, %select_n3A_321 : vector<16xi1>, vector<16xi32>
      %get3A_338 = tpu.memref_slice %arg6[%mul3A_151] : memref<32832xf32, #tpu.memory_space<vmem>> -> memref<32352xf32, #tpu.memory_space<vmem>>
      %get3A_339 = arith.constant 6172 : index
      %get3A_340 = tpu.vector_load %get3A_338[%get3A_339] {strides = array<i32>} : memref<32352xf32, #tpu.memory_space<vmem>>, vector<16xf32>,
      %gt3A_341 = arith.cmpf ogt, %get3A_340, %select_n3A_326 : vector<16xf32>
      %select_n3A_342 = arith.select %gt3A_341, %get3A_340, %select_n3A_326 : vector<16xi1>, vector<16xf32>
      %jit3A_343 = arith.constant 12 : i32
      %broadcast_in_dim3A_344 = vector.broadcast %jit3A_343 : i32 to vector<16xi32>
      %select_n3A_345 = arith.select %gt3A_341, %broadcast_in_dim3A_344, %select_n3A_329 : vector<16xi1>, vector<16xi32>
      %get3A_346 = tpu.memref_slice %arg6[%mul3A_151] : memref<32832xf32, #tpu.memory_space<vmem>> -> memref<32352xf32, #tpu.memory_space<vmem>>
      %get3A_347 = arith.constant 6669 : index
      %get3A_348 = tpu.vector_load %get3A_346[%get3A_347] {strides = array<i32>} : memref<32352xf32, #tpu.memory_space<vmem>>, vector<16xf32>,
      %gt3A_349 = arith.cmpf ogt, %get3A_348, %select_n3A_334 : vector<16xf32>
      %select_n3A_350 = arith.select %gt3A_349, %get3A_348, %select_n3A_334 : vector<16xi1>, vector<16xf32>
      %jit3A_351 = arith.constant 13 : i32
      %broadcast_in_dim3A_352 = vector.broadcast %jit3A_351 : i32 to vector<16xi32>
      %select_n3A_353 = arith.select %gt3A_349, %broadcast_in_dim3A_352, %select_n3A_337 : vector<16xi1>, vector<16xi32>
      %get3A_354 = tpu.memref_slice %arg6[%mul3A_151] : memref<32832xf32, #tpu.memory_space<vmem>> -> memref<32352xf32, #tpu.memory_space<vmem>>
      %get3A_355 = arith.constant 6685 : index
      %get3A_356 = tpu.vector_load %get3A_354[%get3A_355] {strides = array<i32>} : memref<32352xf32, #tpu.memory_space<vmem>>, vector<16xf32>,
      %gt3A_357 = arith.cmpf ogt, %get3A_356, %select_n3A_342 : vector<16xf32>
      %select_n3A_358 = arith.select %gt3A_357, %get3A_356, %select_n3A_342 : vector<16xi1>, vector<16xf32>
      %jit3A_359 = arith.constant 13 : i32
      %broadcast_in_dim3A_360 = vector.broadcast %jit3A_359 : i32 to vector<16xi32>
      %select_n3A_361 = arith.select %gt3A_357, %broadcast_in_dim3A_360, %select_n3A_345 : vector<16xi1>, vector<16xi32>
      %get3A_362 = tpu.memref_slice %arg6[%mul3A_151] : memref<32832xf32, #tpu.memory_space<vmem>> -> memref<32352xf32, #tpu.memory_space<vmem>>
      %get3A_363 = arith.constant 7182 : index
      %get3A_364 = tpu.vector_load %get3A_362[%get3A_363] {strides = array<i32>} : memref<32352xf32, #tpu.memory_space<vmem>>, vector<16xf32>,
      %gt3A_365 = arith.cmpf ogt, %get3A_364, %select_n3A_350 : vector<16xf32>
      %select_n3A_366 = arith.select %gt3A_365, %get3A_364, %select_n3A_350 : vector<16xi1>, vector<16xf32>
      %jit3A_367 = arith.constant 14 : i32
      %broadcast_in_dim3A_368 = vector.broadcast %jit3A_367 : i32 to vector<16xi32>
      %select_n3A_369 = arith.select %gt3A_365, %broadcast_in_dim3A_368, %select_n3A_353 : vector<16xi1>, vector<16xi32>
      %get3A_370 = tpu.memref_slice %arg6[%mul3A_151] : memref<32832xf32, #tpu.memory_space<vmem>> -> memref<32352xf32, #tpu.memory_space<vmem>>
      %get3A_371 = arith.constant 7198 : index
      %get3A_372 = tpu.vector_load %get3A_370[%get3A_371] {strides = array<i32>} : memref<32352xf32, #tpu.memory_space<vmem>>, vector<16xf32>,
      %gt3A_373 = arith.cmpf ogt, %get3A_372, %select_n3A_358 : vector<16xf32>
      %select_n3A_374 = arith.select %gt3A_373, %get3A_372, %select_n3A_358 : vector<16xi1>, vector<16xf32>
      %jit3A_375 = arith.constant 14 : i32
      %broadcast_in_dim3A_376 = vector.broadcast %jit3A_375 : i32 to vector<16xi32>
      %select_n3A_377 = arith.select %gt3A_373, %broadcast_in_dim3A_376, %select_n3A_361 : vector<16xi1>, vector<16xi32>
      %get3A_378 = tpu.memref_slice %arg6[%mul3A_151] : memref<32832xf32, #tpu.memory_space<vmem>> -> memref<32352xf32, #tpu.memory_space<vmem>>
      %get3A_379 = arith.constant 7695 : index
      %get3A_380 = tpu.vector_load %get3A_378[%get3A_379] {strides = array<i32>} : memref<32352xf32, #tpu.memory_space<vmem>>, vector<16xf32>,
      %gt3A_381 = arith.cmpf ogt, %get3A_380, %select_n3A_366 : vector<16xf32>
      %select_n3A_382 = arith.select %gt3A_381, %get3A_380, %select_n3A_366 : vector<16xi1>, vector<16xf32>
      %jit3A_383 = arith.constant 15 : i32
      %broadcast_in_dim3A_384 = vector.broadcast %jit3A_383 : i32 to vector<16xi32>
      %select_n3A_385 = arith.select %gt3A_381, %broadcast_in_dim3A_384, %select_n3A_369 : vector<16xi1>, vector<16xi32>
      %get3A_386 = tpu.memref_slice %arg6[%mul3A_151] : memref<32832xf32, #tpu.memory_space<vmem>> -> memref<32352xf32, #tpu.memory_space<vmem>>
      %get3A_387 = arith.constant 7711 : index
      %get3A_388 = tpu.vector_load %get3A_386[%get3A_387] {strides = array<i32>} : memref<32352xf32, #tpu.memory_space<vmem>>, vector<16xf32>,
      %gt3A_389 = arith.cmpf ogt, %get3A_388, %select_n3A_374 : vector<16xf32>
      %select_n3A_390 = arith.select %gt3A_389, %get3A_388, %select_n3A_374 : vector<16xi1>, vector<16xf32>
      %jit3A_391 = arith.constant 15 : i32
      %broadcast_in_dim3A_392 = vector.broadcast %jit3A_391 : i32 to vector<16xi32>
      %select_n3A_393 = arith.select %gt3A_389, %broadcast_in_dim3A_392, %select_n3A_377 : vector<16xi1>, vector<16xi32>
      %get3A_394 = tpu.memref_slice %arg6[%mul3A_151] : memref<32832xf32, #tpu.memory_space<vmem>> -> memref<32352xf32, #tpu.memory_space<vmem>>
      %get3A_395 = arith.constant 8208 : index
      %get3A_396 = tpu.vector_load %get3A_394[%get3A_395] {strides = array<i32>} : memref<32352xf32, #tpu.memory_space<vmem>>, vector<16xf32>,
      %gt3A_397 = arith.cmpf ogt, %get3A_396, %select_n3A_382 : vector<16xf32>
      %select_n3A_398 = arith.select %gt3A_397, %get3A_396, %select_n3A_382 : vector<16xi1>, vector<16xf32>
      %jit3A_399 = arith.constant 16 : i32
      %broadcast_in_dim3A_400 = vector.broadcast %jit3A_399 : i32 to vector<16xi32>
      %select_n3A_401 = arith.select %gt3A_397, %broadcast_in_dim3A_400, %select_n3A_385 : vector<16xi1>, vector<16xi32>
      %get3A_402 = tpu.memref_slice %arg6[%mul3A_151] : memref<32832xf32, #tpu.memory_space<vmem>> -> memref<32352xf32, #tpu.memory_space<vmem>>
      %get3A_403 = arith.constant 8224 : index
      %get3A_404 = tpu.vector_load %get3A_402[%get3A_403] {strides = array<i32>} : memref<32352xf32, #tpu.memory_space<vmem>>, vector<16xf32>,
      %gt3A_405 = arith.cmpf ogt, %get3A_404, %select_n3A_390 : vector<16xf32>
      %select_n3A_406 = arith.select %gt3A_405, %get3A_404, %select_n3A_390 : vector<16xi1>, vector<16xf32>
      %jit3A_407 = arith.constant 16 : i32
      %broadcast_in_dim3A_408 = vector.broadcast %jit3A_407 : i32 to vector<16xi32>
      %select_n3A_409 = arith.select %gt3A_405, %broadcast_in_dim3A_408, %select_n3A_393 : vector<16xi1>, vector<16xi32>
      %get3A_410 = tpu.memref_slice %arg6[%mul3A_151] : memref<32832xf32, #tpu.memory_space<vmem>> -> memref<32352xf32, #tpu.memory_space<vmem>>
      %get3A_411 = arith.constant 8721 : index
      %get3A_412 = tpu.vector_load %get3A_410[%get3A_411] {strides = array<i32>} : memref<32352xf32, #tpu.memory_space<vmem>>, vector<16xf32>,
      %gt3A_413 = arith.cmpf ogt, %get3A_412, %select_n3A_398 : vector<16xf32>
      %select_n3A_414 = arith.select %gt3A_413, %get3A_412, %select_n3A_398 : vector<16xi1>, vector<16xf32>
      %jit3A_415 = arith.constant 17 : i32
      %broadcast_in_dim3A_416 = vector.broadcast %jit3A_415 : i32 to vector<16xi32>
      %select_n3A_417 = arith.select %gt3A_413, %broadcast_in_dim3A_416, %select_n3A_401 : vector<16xi1>, vector<16xi32>
      %get3A_418 = tpu.memref_slice %arg6[%mul3A_151] : memref<32832xf32, #tpu.memory_space<vmem>> -> memref<32352xf32, #tpu.memory_space<vmem>>
      %get3A_419 = arith.constant 8737 : index
      %get3A_420 = tpu.vector_load %get3A_418[%get3A_419] {strides = array<i32>} : memref<32352xf32, #tpu.memory_space<vmem>>, vector<16xf32>,
      %gt3A_421 = arith.cmpf ogt, %get3A_420, %select_n3A_406 : vector<16xf32>
      %select_n3A_422 = arith.select %gt3A_421, %get3A_420, %select_n3A_406 : vector<16xi1>, vector<16xf32>
      %jit3A_423 = arith.constant 17 : i32
      %broadcast_in_dim3A_424 = vector.broadcast %jit3A_423 : i32 to vector<16xi32>
      %select_n3A_425 = arith.select %gt3A_421, %broadcast_in_dim3A_424, %select_n3A_409 : vector<16xi1>, vector<16xi32>
      %get3A_426 = tpu.memref_slice %arg6[%mul3A_151] : memref<32832xf32, #tpu.memory_space<vmem>> -> memref<32352xf32, #tpu.memory_space<vmem>>
      %get3A_427 = arith.constant 9234 : index
      %get3A_428 = tpu.vector_load %get3A_426[%get3A_427] {strides = array<i32>} : memref<32352xf32, #tpu.memory_space<vmem>>, vector<16xf32>,
      %gt3A_429 = arith.cmpf ogt, %get3A_428, %select_n3A_414 : vector<16xf32>
      %select_n3A_430 = arith.select %gt3A_429, %get3A_428, %select_n3A_414 : vector<16xi1>, vector<16xf32>
      %jit3A_431 = arith.constant 18 : i32
      %broadcast_in_dim3A_432 = vector.broadcast %jit3A_431 : i32 to vector<16xi32>
      %select_n3A_433 = arith.select %gt3A_429, %broadcast_in_dim3A_432, %select_n3A_417 : vector<16xi1>, vector<16xi32>
      %get3A_434 = tpu.memref_slice %arg6[%mul3A_151] : memref<32832xf32, #tpu.memory_space<vmem>> -> memref<32352xf32, #tpu.memory_space<vmem>>
      %get3A_435 = arith.constant 9250 : index
      %get3A_436 = tpu.vector_load %get3A_434[%get3A_435] {strides = array<i32>} : memref<32352xf32, #tpu.memory_space<vmem>>, vector<16xf32>,
      %gt3A_437 = arith.cmpf ogt, %get3A_436, %select_n3A_422 : vector<16xf32>
      %select_n3A_438 = arith.select %gt3A_437, %get3A_436, %select_n3A_422 : vector<16xi1>, vector<16xf32>
      %jit3A_439 = arith.constant 18 : i32
      %broadcast_in_dim3A_440 = vector.broadcast %jit3A_439 : i32 to vector<16xi32>
      %select_n3A_441 = arith.select %gt3A_437, %broadcast_in_dim3A_440, %select_n3A_425 : vector<16xi1>, vector<16xi32>
      %get3A_442 = tpu.memref_slice %arg6[%mul3A_151] : memref<32832xf32, #tpu.memory_space<vmem>> -> memref<32352xf32, #tpu.memory_space<vmem>>
      %get3A_443 = arith.constant 9747 : index
      %get3A_444 = tpu.vector_load %get3A_442[%get3A_443] {strides = array<i32>} : memref<32352xf32, #tpu.memory_space<vmem>>, vector<16xf32>,
      %gt3A_445 = arith.cmpf ogt, %get3A_444, %select_n3A_430 : vector<16xf32>
      %select_n3A_446 = arith.select %gt3A_445, %get3A_444, %select_n3A_430 : vector<16xi1>, vector<16xf32>
      %jit3A_447 = arith.constant 19 : i32
      %broadcast_in_dim3A_448 = vector.broadcast %jit3A_447 : i32 to vector<16xi32>
      %select_n3A_449 = arith.select %gt3A_445, %broadcast_in_dim3A_448, %select_n3A_433 : vector<16xi1>, vector<16xi32>
      %get3A_450 = tpu.memref_slice %arg6[%mul3A_151] : memref<32832xf32, #tpu.memory_space<vmem>> -> memref<32352xf32, #tpu.memory_space<vmem>>
      %get3A_451 = arith.constant 9763 : index
      %get3A_452 = tpu.vector_load %get3A_450[%get3A_451] {strides = array<i32>} : memref<32352xf32, #tpu.memory_space<vmem>>, vector<16xf32>,
      %gt3A_453 = arith.cmpf ogt, %get3A_452, %select_n3A_438 : vector<16xf32>
      %select_n3A_454 = arith.select %gt3A_453, %get3A_452, %select_n3A_438 : vector<16xi1>, vector<16xf32>
      %jit3A_455 = arith.constant 19 : i32
      %broadcast_in_dim3A_456 = vector.broadcast %jit3A_455 : i32 to vector<16xi32>
      %select_n3A_457 = arith.select %gt3A_453, %broadcast_in_dim3A_456, %select_n3A_441 : vector<16xi1>, vector<16xi32>
      %get3A_458 = tpu.memref_slice %arg6[%mul3A_151] : memref<32832xf32, #tpu.memory_space<vmem>> -> memref<32352xf32, #tpu.memory_space<vmem>>
      %get3A_459 = arith.constant 10260 : index
      %get3A_460 = tpu.vector_load %get3A_458[%get3A_459] {strides = array<i32>} : memref<32352xf32, #tpu.memory_space<vmem>>, vector<16xf32>,
      %gt3A_461 = arith.cmpf ogt, %get3A_460, %select_n3A_446 : vector<16xf32>
      %select_n3A_462 = arith.select %gt3A_461, %get3A_460, %select_n3A_446 : vector<16xi1>, vector<16xf32>
      %jit3A_463 = arith.constant 20 : i32
      %broadcast_in_dim3A_464 = vector.broadcast %jit3A_463 : i32 to vector<16xi32>
      %select_n3A_465 = arith.select %gt3A_461, %broadcast_in_dim3A_464, %select_n3A_449 : vector<16xi1>, vector<16xi32>
      %get3A_466 = tpu.memref_slice %arg6[%mul3A_151] : memref<32832xf32, #tpu.memory_space<vmem>> -> memref<32352xf32, #tpu.memory_space<vmem>>
      %get3A_467 = arith.constant 10276 : index
      %get3A_468 = tpu.vector_load %get3A_466[%get3A_467] {strides = array<i32>} : memref<32352xf32, #tpu.memory_space<vmem>>, vector<16xf32>,
      %gt3A_469 = arith.cmpf ogt, %get3A_468, %select_n3A_454 : vector<16xf32>
      %select_n3A_470 = arith.select %gt3A_469, %get3A_468, %select_n3A_454 : vector<16xi1>, vector<16xf32>
      %jit3A_471 = arith.constant 20 : i32
      %broadcast_in_dim3A_472 = vector.broadcast %jit3A_471 : i32 to vector<16xi32>
      %select_n3A_473 = arith.select %gt3A_469, %broadcast_in_dim3A_472, %select_n3A_457 : vector<16xi1>, vector<16xi32>
      %get3A_474 = tpu.memref_slice %arg6[%mul3A_151] : memref<32832xf32, #tpu.memory_space<vmem>> -> memref<32352xf32, #tpu.memory_space<vmem>>
      %get3A_475 = arith.constant 10773 : index
      %get3A_476 = tpu.vector_load %get3A_474[%get3A_475] {strides = array<i32>} : memref<32352xf32, #tpu.memory_space<vmem>>, vector<16xf32>,
      %gt3A_477 = arith.cmpf ogt, %get3A_476, %select_n3A_462 : vector<16xf32>
      %select_n3A_478 = arith.select %gt3A_477, %get3A_476, %select_n3A_462 : vector<16xi1>, vector<16xf32>
      %jit3A_479 = arith.constant 21 : i32
      %broadcast_in_dim3A_480 = vector.broadcast %jit3A_479 : i32 to vector<16xi32>
      %select_n3A_481 = arith.select %gt3A_477, %broadcast_in_dim3A_480, %select_n3A_465 : vector<16xi1>, vector<16xi32>
      %get3A_482 = tpu.memref_slice %arg6[%mul3A_151] : memref<32832xf32, #tpu.memory_space<vmem>> -> memref<32352xf32, #tpu.memory_space<vmem>>
      %get3A_483 = arith.constant 10789 : index
      %get3A_484 = tpu.vector_load %get3A_482[%get3A_483] {strides = array<i32>} : memref<32352xf32, #tpu.memory_space<vmem>>, vector<16xf32>,
      %gt3A_485 = arith.cmpf ogt, %get3A_484, %select_n3A_470 : vector<16xf32>
      %select_n3A_486 = arith.select %gt3A_485, %get3A_484, %select_n3A_470 : vector<16xi1>, vector<16xf32>
      %jit3A_487 = arith.constant 21 : i32
      %broadcast_in_dim3A_488 = vector.broadcast %jit3A_487 : i32 to vector<16xi32>
      %select_n3A_489 = arith.select %gt3A_485, %broadcast_in_dim3A_488, %select_n3A_473 : vector<16xi1>, vector<16xi32>
      %get3A_490 = tpu.memref_slice %arg6[%mul3A_151] : memref<32832xf32, #tpu.memory_space<vmem>> -> memref<32352xf32, #tpu.memory_space<vmem>>
      %get3A_491 = arith.constant 11286 : index
      %get3A_492 = tpu.vector_load %get3A_490[%get3A_491] {strides = array<i32>} : memref<32352xf32, #tpu.memory_space<vmem>>, vector<16xf32>,
      %gt3A_493 = arith.cmpf ogt, %get3A_492, %select_n3A_478 : vector<16xf32>
      %select_n3A_494 = arith.select %gt3A_493, %get3A_492, %select_n3A_478 : vector<16xi1>, vector<16xf32>
      %jit3A_495 = arith.constant 22 : i32
      %broadcast_in_dim3A_496 = vector.broadcast %jit3A_495 : i32 to vector<16xi32>
      %select_n3A_497 = arith.select %gt3A_493, %broadcast_in_dim3A_496, %select_n3A_481 : vector<16xi1>, vector<16xi32>
      %get3A_498 = tpu.memref_slice %arg6[%mul3A_151] : memref<32832xf32, #tpu.memory_space<vmem>> -> memref<32352xf32, #tpu.memory_space<vmem>>
      %get3A_499 = arith.constant 11302 : index
      %get3A_500 = tpu.vector_load %get3A_498[%get3A_499] {strides = array<i32>} : memref<32352xf32, #tpu.memory_space<vmem>>, vector<16xf32>,
      %gt3A_501 = arith.cmpf ogt, %get3A_500, %select_n3A_486 : vector<16xf32>
      %select_n3A_502 = arith.select %gt3A_501, %get3A_500, %select_n3A_486 : vector<16xi1>, vector<16xf32>
      %jit3A_503 = arith.constant 22 : i32
      %broadcast_in_dim3A_504 = vector.broadcast %jit3A_503 : i32 to vector<16xi32>
      %select_n3A_505 = arith.select %gt3A_501, %broadcast_in_dim3A_504, %select_n3A_489 : vector<16xi1>, vector<16xi32>
      %get3A_506 = tpu.memref_slice %arg6[%mul3A_151] : memref<32832xf32, #tpu.memory_space<vmem>> -> memref<32352xf32, #tpu.memory_space<vmem>>
      %get3A_507 = arith.constant 11799 : index
      %get3A_508 = tpu.vector_load %get3A_506[%get3A_507] {strides = array<i32>} : memref<32352xf32, #tpu.memory_space<vmem>>, vector<16xf32>,
      %gt3A_509 = arith.cmpf ogt, %get3A_508, %select_n3A_494 : vector<16xf32>
      %select_n3A_510 = arith.select %gt3A_509, %get3A_508, %select_n3A_494 : vector<16xi1>, vector<16xf32>
      %jit3A_511 = arith.constant 23 : i32
      %broadcast_in_dim3A_512 = vector.broadcast %jit3A_511 : i32 to vector<16xi32>
      %select_n3A_513 = arith.select %gt3A_509, %broadcast_in_dim3A_512, %select_n3A_497 : vector<16xi1>, vector<16xi32>
      %get3A_514 = tpu.memref_slice %arg6[%mul3A_151] : memref<32832xf32, #tpu.memory_space<vmem>> -> memref<32352xf32, #tpu.memory_space<vmem>>
      %get3A_515 = arith.constant 11815 : index
      %get3A_516 = tpu.vector_load %get3A_514[%get3A_515] {strides = array<i32>} : memref<32352xf32, #tpu.memory_space<vmem>>, vector<16xf32>,
      %gt3A_517 = arith.cmpf ogt, %get3A_516, %select_n3A_502 : vector<16xf32>
      %select_n3A_518 = arith.select %gt3A_517, %get3A_516, %select_n3A_502 : vector<16xi1>, vector<16xf32>
      %jit3A_519 = arith.constant 23 : i32
      %broadcast_in_dim3A_520 = vector.broadcast %jit3A_519 : i32 to vector<16xi32>
      %select_n3A_521 = arith.select %gt3A_517, %broadcast_in_dim3A_520, %select_n3A_505 : vector<16xi1>, vector<16xi32>
      %get3A_522 = tpu.memref_slice %arg6[%mul3A_151] : memref<32832xf32, #tpu.memory_space<vmem>> -> memref<32352xf32, #tpu.memory_space<vmem>>
      %get3A_523 = arith.constant 12312 : index
      %get3A_524 = tpu.vector_load %get3A_522[%get3A_523] {strides = array<i32>} : memref<32352xf32, #tpu.memory_space<vmem>>, vector<16xf32>,
      %gt3A_525 = arith.cmpf ogt, %get3A_524, %select_n3A_510 : vector<16xf32>
      %select_n3A_526 = arith.select %gt3A_525, %get3A_524, %select_n3A_510 : vector<16xi1>, vector<16xf32>
      %jit3A_527 = arith.constant 24 : i32
      %broadcast_in_dim3A_528 = vector.broadcast %jit3A_527 : i32 to vector<16xi32>
      %select_n3A_529 = arith.select %gt3A_525, %broadcast_in_dim3A_528, %select_n3A_513 : vector<16xi1>, vector<16xi32>
      %get3A_530 = tpu.memref_slice %arg6[%mul3A_151] : memref<32832xf32, #tpu.memory_space<vmem>> -> memref<32352xf32, #tpu.memory_space<vmem>>
      %get3A_531 = arith.constant 12328 : index
      %get3A_532 = tpu.vector_load %get3A_530[%get3A_531] {strides = array<i32>} : memref<32352xf32, #tpu.memory_space<vmem>>, vector<16xf32>,
      %gt3A_533 = arith.cmpf ogt, %get3A_532, %select_n3A_518 : vector<16xf32>
      %select_n3A_534 = arith.select %gt3A_533, %get3A_532, %select_n3A_518 : vector<16xi1>, vector<16xf32>
      %jit3A_535 = arith.constant 24 : i32
      %broadcast_in_dim3A_536 = vector.broadcast %jit3A_535 : i32 to vector<16xi32>
      %select_n3A_537 = arith.select %gt3A_533, %broadcast_in_dim3A_536, %select_n3A_521 : vector<16xi1>, vector<16xi32>
      %get3A_538 = tpu.memref_slice %arg6[%mul3A_151] : memref<32832xf32, #tpu.memory_space<vmem>> -> memref<32352xf32, #tpu.memory_space<vmem>>
      %get3A_539 = arith.constant 12825 : index
      %get3A_540 = tpu.vector_load %get3A_538[%get3A_539] {strides = array<i32>} : memref<32352xf32, #tpu.memory_space<vmem>>, vector<16xf32>,
      %gt3A_541 = arith.cmpf ogt, %get3A_540, %select_n3A_526 : vector<16xf32>
      %select_n3A_542 = arith.select %gt3A_541, %get3A_540, %select_n3A_526 : vector<16xi1>, vector<16xf32>
      %jit3A_543 = arith.constant 25 : i32
      %broadcast_in_dim3A_544 = vector.broadcast %jit3A_543 : i32 to vector<16xi32>
      %select_n3A_545 = arith.select %gt3A_541, %broadcast_in_dim3A_544, %select_n3A_529 : vector<16xi1>, vector<16xi32>
      %get3A_546 = tpu.memref_slice %arg6[%mul3A_151] : memref<32832xf32, #tpu.memory_space<vmem>> -> memref<32352xf32, #tpu.memory_space<vmem>>
      %get3A_547 = arith.constant 12841 : index
      %get3A_548 = tpu.vector_load %get3A_546[%get3A_547] {strides = array<i32>} : memref<32352xf32, #tpu.memory_space<vmem>>, vector<16xf32>,
      %gt3A_549 = arith.cmpf ogt, %get3A_548, %select_n3A_534 : vector<16xf32>
      %select_n3A_550 = arith.select %gt3A_549, %get3A_548, %select_n3A_534 : vector<16xi1>, vector<16xf32>
      %jit3A_551 = arith.constant 25 : i32
      %broadcast_in_dim3A_552 = vector.broadcast %jit3A_551 : i32 to vector<16xi32>
      %select_n3A_553 = arith.select %gt3A_549, %broadcast_in_dim3A_552, %select_n3A_537 : vector<16xi1>, vector<16xi32>
      %get3A_554 = tpu.memref_slice %arg6[%mul3A_151] : memref<32832xf32, #tpu.memory_space<vmem>> -> memref<32352xf32, #tpu.memory_space<vmem>>
      %get3A_555 = arith.constant 13338 : index
      %get3A_556 = tpu.vector_load %get3A_554[%get3A_555] {strides = array<i32>} : memref<32352xf32, #tpu.memory_space<vmem>>, vector<16xf32>,
      %gt3A_557 = arith.cmpf ogt, %get3A_556, %select_n3A_542 : vector<16xf32>
      %select_n3A_558 = arith.select %gt3A_557, %get3A_556, %select_n3A_542 : vector<16xi1>, vector<16xf32>
      %jit3A_559 = arith.constant 26 : i32
      %broadcast_in_dim3A_560 = vector.broadcast %jit3A_559 : i32 to vector<16xi32>
      %select_n3A_561 = arith.select %gt3A_557, %broadcast_in_dim3A_560, %select_n3A_545 : vector<16xi1>, vector<16xi32>
      %get3A_562 = tpu.memref_slice %arg6[%mul3A_151] : memref<32832xf32, #tpu.memory_space<vmem>> -> memref<32352xf32, #tpu.memory_space<vmem>>
      %get3A_563 = arith.constant 13354 : index
      %get3A_564 = tpu.vector_load %get3A_562[%get3A_563] {strides = array<i32>} : memref<32352xf32, #tpu.memory_space<vmem>>, vector<16xf32>,
      %gt3A_565 = arith.cmpf ogt, %get3A_564, %select_n3A_550 : vector<16xf32>
      %select_n3A_566 = arith.select %gt3A_565, %get3A_564, %select_n3A_550 : vector<16xi1>, vector<16xf32>
      %jit3A_567 = arith.constant 26 : i32
      %broadcast_in_dim3A_568 = vector.broadcast %jit3A_567 : i32 to vector<16xi32>
      %select_n3A_569 = arith.select %gt3A_565, %broadcast_in_dim3A_568, %select_n3A_553 : vector<16xi1>, vector<16xi32>
      %get3A_570 = tpu.memref_slice %arg6[%mul3A_151] : memref<32832xf32, #tpu.memory_space<vmem>> -> memref<32352xf32, #tpu.memory_space<vmem>>
      %get3A_571 = arith.constant 13851 : index
      %get3A_572 = tpu.vector_load %get3A_570[%get3A_571] {strides = array<i32>} : memref<32352xf32, #tpu.memory_space<vmem>>, vector<16xf32>,
      %gt3A_573 = arith.cmpf ogt, %get3A_572, %select_n3A_558 : vector<16xf32>
      %select_n3A_574 = arith.select %gt3A_573, %get3A_572, %select_n3A_558 : vector<16xi1>, vector<16xf32>
      %jit3A_575 = arith.constant 27 : i32
      %broadcast_in_dim3A_576 = vector.broadcast %jit3A_575 : i32 to vector<16xi32>
      %select_n3A_577 = arith.select %gt3A_573, %broadcast_in_dim3A_576, %select_n3A_561 : vector<16xi1>, vector<16xi32>
      %get3A_578 = tpu.memref_slice %arg6[%mul3A_151] : memref<32832xf32, #tpu.memory_space<vmem>> -> memref<32352xf32, #tpu.memory_space<vmem>>
      %get3A_579 = arith.constant 13867 : index
      %get3A_580 = tpu.vector_load %get3A_578[%get3A_579] {strides = array<i32>} : memref<32352xf32, #tpu.memory_space<vmem>>, vector<16xf32>,
      %gt3A_581 = arith.cmpf ogt, %get3A_580, %select_n3A_566 : vector<16xf32>
      %select_n3A_582 = arith.select %gt3A_581, %get3A_580, %select_n3A_566 : vector<16xi1>, vector<16xf32>
      %jit3A_583 = arith.constant 27 : i32
      %broadcast_in_dim3A_584 = vector.broadcast %jit3A_583 : i32 to vector<16xi32>
      %select_n3A_585 = arith.select %gt3A_581, %broadcast_in_dim3A_584, %select_n3A_569 : vector<16xi1>, vector<16xi32>
      %get3A_586 = tpu.memref_slice %arg6[%mul3A_151] : memref<32832xf32, #tpu.memory_space<vmem>> -> memref<32352xf32, #tpu.memory_space<vmem>>
      %get3A_587 = arith.constant 14364 : index
      %get3A_588 = tpu.vector_load %get3A_586[%get3A_587] {strides = array<i32>} : memref<32352xf32, #tpu.memory_space<vmem>>, vector<16xf32>,
      %gt3A_589 = arith.cmpf ogt, %get3A_588, %select_n3A_574 : vector<16xf32>
      %select_n3A_590 = arith.select %gt3A_589, %get3A_588, %select_n3A_574 : vector<16xi1>, vector<16xf32>
      %jit3A_591 = arith.constant 28 : i32
      %broadcast_in_dim3A_592 = vector.broadcast %jit3A_591 : i32 to vector<16xi32>
      %select_n3A_593 = arith.select %gt3A_589, %broadcast_in_dim3A_592, %select_n3A_577 : vector<16xi1>, vector<16xi32>
      %get3A_594 = tpu.memref_slice %arg6[%mul3A_151] : memref<32832xf32, #tpu.memory_space<vmem>> -> memref<32352xf32, #tpu.memory_space<vmem>>
      %get3A_595 = arith.constant 14380 : index
      %get3A_596 = tpu.vector_load %get3A_594[%get3A_595] {strides = array<i32>} : memref<32352xf32, #tpu.memory_space<vmem>>, vector<16xf32>,
      %gt3A_597 = arith.cmpf ogt, %get3A_596, %select_n3A_582 : vector<16xf32>
      %select_n3A_598 = arith.select %gt3A_597, %get3A_596, %select_n3A_582 : vector<16xi1>, vector<16xf32>
      %jit3A_599 = arith.constant 28 : i32
      %broadcast_in_dim3A_600 = vector.broadcast %jit3A_599 : i32 to vector<16xi32>
      %select_n3A_601 = arith.select %gt3A_597, %broadcast_in_dim3A_600, %select_n3A_585 : vector<16xi1>, vector<16xi32>
      %get3A_602 = tpu.memref_slice %arg6[%mul3A_151] : memref<32832xf32, #tpu.memory_space<vmem>> -> memref<32352xf32, #tpu.memory_space<vmem>>
      %get3A_603 = arith.constant 14877 : index
      %get3A_604 = tpu.vector_load %get3A_602[%get3A_603] {strides = array<i32>} : memref<32352xf32, #tpu.memory_space<vmem>>, vector<16xf32>,
      %gt3A_605 = arith.cmpf ogt, %get3A_604, %select_n3A_590 : vector<16xf32>
      %select_n3A_606 = arith.select %gt3A_605, %get3A_604, %select_n3A_590 : vector<16xi1>, vector<16xf32>
      %jit3A_607 = arith.constant 29 : i32
      %broadcast_in_dim3A_608 = vector.broadcast %jit3A_607 : i32 to vector<16xi32>
      %select_n3A_609 = arith.select %gt3A_605, %broadcast_in_dim3A_608, %select_n3A_593 : vector<16xi1>, vector<16xi32>
      %get3A_610 = tpu.memref_slice %arg6[%mul3A_151] : memref<32832xf32, #tpu.memory_space<vmem>> -> memref<32352xf32, #tpu.memory_space<vmem>>
      %get3A_611 = arith.constant 14893 : index
      %get3A_612 = tpu.vector_load %get3A_610[%get3A_611] {strides = array<i32>} : memref<32352xf32, #tpu.memory_space<vmem>>, vector<16xf32>,
      %gt3A_613 = arith.cmpf ogt, %get3A_612, %select_n3A_598 : vector<16xf32>
      %select_n3A_614 = arith.select %gt3A_613, %get3A_612, %select_n3A_598 : vector<16xi1>, vector<16xf32>
      %jit3A_615 = arith.constant 29 : i32
      %broadcast_in_dim3A_616 = vector.broadcast %jit3A_615 : i32 to vector<16xi32>
      %select_n3A_617 = arith.select %gt3A_613, %broadcast_in_dim3A_616, %select_n3A_601 : vector<16xi1>, vector<16xi32>
      %get3A_618 = tpu.memref_slice %arg6[%mul3A_151] : memref<32832xf32, #tpu.memory_space<vmem>> -> memref<32352xf32, #tpu.memory_space<vmem>>
      %get3A_619 = arith.constant 15390 : index
      %get3A_620 = tpu.vector_load %get3A_618[%get3A_619] {strides = array<i32>} : memref<32352xf32, #tpu.memory_space<vmem>>, vector<16xf32>,
      %gt3A_621 = arith.cmpf ogt, %get3A_620, %select_n3A_606 : vector<16xf32>
      %select_n3A_622 = arith.select %gt3A_621, %get3A_620, %select_n3A_606 : vector<16xi1>, vector<16xf32>
      %jit3A_623 = arith.constant 30 : i32
      %broadcast_in_dim3A_624 = vector.broadcast %jit3A_623 : i32 to vector<16xi32>
      %select_n3A_625 = arith.select %gt3A_621, %broadcast_in_dim3A_624, %select_n3A_609 : vector<16xi1>, vector<16xi32>
      %get3A_626 = tpu.memref_slice %arg6[%mul3A_151] : memref<32832xf32, #tpu.memory_space<vmem>> -> memref<32352xf32, #tpu.memory_space<vmem>>
      %get3A_627 = arith.constant 15406 : index
      %get3A_628 = tpu.vector_load %get3A_626[%get3A_627] {strides = array<i32>} : memref<32352xf32, #tpu.memory_space<vmem>>, vector<16xf32>,
      %gt3A_629 = arith.cmpf ogt, %get3A_628, %select_n3A_614 : vector<16xf32>
      %select_n3A_630 = arith.select %gt3A_629, %get3A_628, %select_n3A_614 : vector<16xi1>, vector<16xf32>
      %jit3A_631 = arith.constant 30 : i32
      %broadcast_in_dim3A_632 = vector.broadcast %jit3A_631 : i32 to vector<16xi32>
      %select_n3A_633 = arith.select %gt3A_629, %broadcast_in_dim3A_632, %select_n3A_617 : vector<16xi1>, vector<16xi32>
      %get3A_634 = tpu.memref_slice %arg6[%mul3A_151] : memref<32832xf32, #tpu.memory_space<vmem>> -> memref<32352xf32, #tpu.memory_space<vmem>>
      %get3A_635 = arith.constant 15903 : index
      %get3A_636 = tpu.vector_load %get3A_634[%get3A_635] {strides = array<i32>} : memref<32352xf32, #tpu.memory_space<vmem>>, vector<16xf32>,
      %gt3A_637 = arith.cmpf ogt, %get3A_636, %select_n3A_622 : vector<16xf32>
      %select_n3A_638 = arith.select %gt3A_637, %get3A_636, %select_n3A_622 : vector<16xi1>, vector<16xf32>
      %jit3A_639 = arith.constant 31 : i32
      %broadcast_in_dim3A_640 = vector.broadcast %jit3A_639 : i32 to vector<16xi32>
      %select_n3A_641 = arith.select %gt3A_637, %broadcast_in_dim3A_640, %select_n3A_625 : vector<16xi1>, vector<16xi32>
      %get3A_642 = tpu.memref_slice %arg6[%mul3A_151] : memref<32832xf32, #tpu.memory_space<vmem>> -> memref<32352xf32, #tpu.memory_space<vmem>>
      %get3A_643 = arith.constant 15919 : index
      %get3A_644 = tpu.vector_load %get3A_642[%get3A_643] {strides = array<i32>} : memref<32352xf32, #tpu.memory_space<vmem>>, vector<16xf32>,
      %gt3A_645 = arith.cmpf ogt, %get3A_644, %select_n3A_630 : vector<16xf32>
      %select_n3A_646 = arith.select %gt3A_645, %get3A_644, %select_n3A_630 : vector<16xi1>, vector<16xf32>
      %jit3A_647 = arith.constant 31 : i32
      %broadcast_in_dim3A_648 = vector.broadcast %jit3A_647 : i32 to vector<16xi32>
      %select_n3A_649 = arith.select %gt3A_645, %broadcast_in_dim3A_648, %select_n3A_633 : vector<16xi1>, vector<16xi32>
      %get3A_650 = tpu.memref_slice %arg6[%mul3A_151] : memref<32832xf32, #tpu.memory_space<vmem>> -> memref<32352xf32, #tpu.memory_space<vmem>>
      %get3A_651 = arith.constant 16416 : index
      %get3A_652 = tpu.vector_load %get3A_650[%get3A_651] {strides = array<i32>} : memref<32352xf32, #tpu.memory_space<vmem>>, vector<16xf32>,
      %gt3A_653 = arith.cmpf ogt, %get3A_652, %select_n3A_638 : vector<16xf32>
      %select_n3A_654 = arith.select %gt3A_653, %get3A_652, %select_n3A_638 : vector<16xi1>, vector<16xf32>
      %jit3A_655 = arith.constant 32 : i32
      %broadcast_in_dim3A_656 = vector.broadcast %jit3A_655 : i32 to vector<16xi32>
      %select_n3A_657 = arith.select %gt3A_653, %broadcast_in_dim3A_656, %select_n3A_641 : vector<16xi1>, vector<16xi32>
      %get3A_658 = tpu.memref_slice %arg6[%mul3A_151] : memref<32832xf32, #tpu.memory_space<vmem>> -> memref<32352xf32, #tpu.memory_space<vmem>>
      %get3A_659 = arith.constant 16432 : index
      %get3A_660 = tpu.vector_load %get3A_658[%get3A_659] {strides = array<i32>} : memref<32352xf32, #tpu.memory_space<vmem>>, vector<16xf32>,
      %gt3A_661 = arith.cmpf ogt, %get3A_660, %select_n3A_646 : vector<16xf32>
      %select_n3A_662 = arith.select %gt3A_661, %get3A_660, %select_n3A_646 : vector<16xi1>, vector<16xf32>
      %jit3A_663 = arith.constant 32 : i32
      %broadcast_in_dim3A_664 = vector.broadcast %jit3A_663 : i32 to vector<16xi32>
      %select_n3A_665 = arith.select %gt3A_661, %broadcast_in_dim3A_664, %select_n3A_649 : vector<16xi1>, vector<16xi32>
      %get3A_666 = tpu.memref_slice %arg6[%mul3A_151] : memref<32832xf32, #tpu.memory_space<vmem>> -> memref<32352xf32, #tpu.memory_space<vmem>>
      %get3A_667 = arith.constant 16929 : index
      %get3A_668 = tpu.vector_load %get3A_666[%get3A_667] {strides = array<i32>} : memref<32352xf32, #tpu.memory_space<vmem>>, vector<16xf32>,
      %gt3A_669 = arith.cmpf ogt, %get3A_668, %select_n3A_654 : vector<16xf32>
      %select_n3A_670 = arith.select %gt3A_669, %get3A_668, %select_n3A_654 : vector<16xi1>, vector<16xf32>
      %jit3A_671 = arith.constant 33 : i32
      %broadcast_in_dim3A_672 = vector.broadcast %jit3A_671 : i32 to vector<16xi32>
      %select_n3A_673 = arith.select %gt3A_669, %broadcast_in_dim3A_672, %select_n3A_657 : vector<16xi1>, vector<16xi32>
      %get3A_674 = tpu.memref_slice %arg6[%mul3A_151] : memref<32832xf32, #tpu.memory_space<vmem>> -> memref<32352xf32, #tpu.memory_space<vmem>>
      %get3A_675 = arith.constant 16945 : index
      %get3A_676 = tpu.vector_load %get3A_674[%get3A_675] {strides = array<i32>} : memref<32352xf32, #tpu.memory_space<vmem>>, vector<16xf32>,
      %gt3A_677 = arith.cmpf ogt, %get3A_676, %select_n3A_662 : vector<16xf32>
      %select_n3A_678 = arith.select %gt3A_677, %get3A_676, %select_n3A_662 : vector<16xi1>, vector<16xf32>
      %jit3A_679 = arith.constant 33 : i32
      %broadcast_in_dim3A_680 = vector.broadcast %jit3A_679 : i32 to vector<16xi32>
      %select_n3A_681 = arith.select %gt3A_677, %broadcast_in_dim3A_680, %select_n3A_665 : vector<16xi1>, vector<16xi32>
      %get3A_682 = tpu.memref_slice %arg6[%mul3A_151] : memref<32832xf32, #tpu.memory_space<vmem>> -> memref<32352xf32, #tpu.memory_space<vmem>>
      %get3A_683 = arith.constant 17442 : index
      %get3A_684 = tpu.vector_load %get3A_682[%get3A_683] {strides = array<i32>} : memref<32352xf32, #tpu.memory_space<vmem>>, vector<16xf32>,
      %gt3A_685 = arith.cmpf ogt, %get3A_684, %select_n3A_670 : vector<16xf32>
      %select_n3A_686 = arith.select %gt3A_685, %get3A_684, %select_n3A_670 : vector<16xi1>, vector<16xf32>
      %jit3A_687 = arith.constant 34 : i32
      %broadcast_in_dim3A_688 = vector.broadcast %jit3A_687 : i32 to vector<16xi32>
      %select_n3A_689 = arith.select %gt3A_685, %broadcast_in_dim3A_688, %select_n3A_673 : vector<16xi1>, vector<16xi32>
      %get3A_690 = tpu.memref_slice %arg6[%mul3A_151] : memref<32832xf32, #tpu.memory_space<vmem>> -> memref<32352xf32, #tpu.memory_space<vmem>>
      %get3A_691 = arith.constant 17458 : index
      %get3A_692 = tpu.vector_load %get3A_690[%get3A_691] {strides = array<i32>} : memref<32352xf32, #tpu.memory_space<vmem>>, vector<16xf32>,
      %gt3A_693 = arith.cmpf ogt, %get3A_692, %select_n3A_678 : vector<16xf32>
      %select_n3A_694 = arith.select %gt3A_693, %get3A_692, %select_n3A_678 : vector<16xi1>, vector<16xf32>
      %jit3A_695 = arith.constant 34 : i32
      %broadcast_in_dim3A_696 = vector.broadcast %jit3A_695 : i32 to vector<16xi32>
      %select_n3A_697 = arith.select %gt3A_693, %broadcast_in_dim3A_696, %select_n3A_681 : vector<16xi1>, vector<16xi32>
      %get3A_698 = tpu.memref_slice %arg6[%mul3A_151] : memref<32832xf32, #tpu.memory_space<vmem>> -> memref<32352xf32, #tpu.memory_space<vmem>>
      %get3A_699 = arith.constant 17955 : index
      %get3A_700 = tpu.vector_load %get3A_698[%get3A_699] {strides = array<i32>} : memref<32352xf32, #tpu.memory_space<vmem>>, vector<16xf32>,
      %gt3A_701 = arith.cmpf ogt, %get3A_700, %select_n3A_686 : vector<16xf32>
      %select_n3A_702 = arith.select %gt3A_701, %get3A_700, %select_n3A_686 : vector<16xi1>, vector<16xf32>
      %jit3A_703 = arith.constant 35 : i32
      %broadcast_in_dim3A_704 = vector.broadcast %jit3A_703 : i32 to vector<16xi32>
      %select_n3A_705 = arith.select %gt3A_701, %broadcast_in_dim3A_704, %select_n3A_689 : vector<16xi1>, vector<16xi32>
      %get3A_706 = tpu.memref_slice %arg6[%mul3A_151] : memref<32832xf32, #tpu.memory_space<vmem>> -> memref<32352xf32, #tpu.memory_space<vmem>>
      %get3A_707 = arith.constant 17971 : index
      %get3A_708 = tpu.vector_load %get3A_706[%get3A_707] {strides = array<i32>} : memref<32352xf32, #tpu.memory_space<vmem>>, vector<16xf32>,
      %gt3A_709 = arith.cmpf ogt, %get3A_708, %select_n3A_694 : vector<16xf32>
      %select_n3A_710 = arith.select %gt3A_709, %get3A_708, %select_n3A_694 : vector<16xi1>, vector<16xf32>
      %jit3A_711 = arith.constant 35 : i32
      %broadcast_in_dim3A_712 = vector.broadcast %jit3A_711 : i32 to vector<16xi32>
      %select_n3A_713 = arith.select %gt3A_709, %broadcast_in_dim3A_712, %select_n3A_697 : vector<16xi1>, vector<16xi32>
      %get3A_714 = tpu.memref_slice %arg6[%mul3A_151] : memref<32832xf32, #tpu.memory_space<vmem>> -> memref<32352xf32, #tpu.memory_space<vmem>>
      %get3A_715 = arith.constant 18468 : index
      %get3A_716 = tpu.vector_load %get3A_714[%get3A_715] {strides = array<i32>} : memref<32352xf32, #tpu.memory_space<vmem>>, vector<16xf32>,
      %gt3A_717 = arith.cmpf ogt, %get3A_716, %select_n3A_702 : vector<16xf32>
      %select_n3A_718 = arith.select %gt3A_717, %get3A_716, %select_n3A_702 : vector<16xi1>, vector<16xf32>
      %jit3A_719 = arith.constant 36 : i32
      %broadcast_in_dim3A_720 = vector.broadcast %jit3A_719 : i32 to vector<16xi32>
      %select_n3A_721 = arith.select %gt3A_717, %broadcast_in_dim3A_720, %select_n3A_705 : vector<16xi1>, vector<16xi32>
      %get3A_722 = tpu.memref_slice %arg6[%mul3A_151] : memref<32832xf32, #tpu.memory_space<vmem>> -> memref<32352xf32, #tpu.memory_space<vmem>>
      %get3A_723 = arith.constant 18484 : index
      %get3A_724 = tpu.vector_load %get3A_722[%get3A_723] {strides = array<i32>} : memref<32352xf32, #tpu.memory_space<vmem>>, vector<16xf32>,
      %gt3A_725 = arith.cmpf ogt, %get3A_724, %select_n3A_710 : vector<16xf32>
      %select_n3A_726 = arith.select %gt3A_725, %get3A_724, %select_n3A_710 : vector<16xi1>, vector<16xf32>
      %jit3A_727 = arith.constant 36 : i32
      %broadcast_in_dim3A_728 = vector.broadcast %jit3A_727 : i32 to vector<16xi32>
      %select_n3A_729 = arith.select %gt3A_725, %broadcast_in_dim3A_728, %select_n3A_713 : vector<16xi1>, vector<16xi32>
      %get3A_730 = tpu.memref_slice %arg6[%mul3A_151] : memref<32832xf32, #tpu.memory_space<vmem>> -> memref<32352xf32, #tpu.memory_space<vmem>>
      %get3A_731 = arith.constant 18981 : index
      %get3A_732 = tpu.vector_load %get3A_730[%get3A_731] {strides = array<i32>} : memref<32352xf32, #tpu.memory_space<vmem>>, vector<16xf32>,
      %gt3A_733 = arith.cmpf ogt, %get3A_732, %select_n3A_718 : vector<16xf32>
      %select_n3A_734 = arith.select %gt3A_733, %get3A_732, %select_n3A_718 : vector<16xi1>, vector<16xf32>
      %jit3A_735 = arith.constant 37 : i32
      %broadcast_in_dim3A_736 = vector.broadcast %jit3A_735 : i32 to vector<16xi32>
      %select_n3A_737 = arith.select %gt3A_733, %broadcast_in_dim3A_736, %select_n3A_721 : vector<16xi1>, vector<16xi32>
      %get3A_738 = tpu.memref_slice %arg6[%mul3A_151] : memref<32832xf32, #tpu.memory_space<vmem>> -> memref<32352xf32, #tpu.memory_space<vmem>>
      %get3A_739 = arith.constant 18997 : index
      %get3A_740 = tpu.vector_load %get3A_738[%get3A_739] {strides = array<i32>} : memref<32352xf32, #tpu.memory_space<vmem>>, vector<16xf32>,
      %gt3A_741 = arith.cmpf ogt, %get3A_740, %select_n3A_726 : vector<16xf32>
      %select_n3A_742 = arith.select %gt3A_741, %get3A_740, %select_n3A_726 : vector<16xi1>, vector<16xf32>
      %jit3A_743 = arith.constant 37 : i32
      %broadcast_in_dim3A_744 = vector.broadcast %jit3A_743 : i32 to vector<16xi32>
      %select_n3A_745 = arith.select %gt3A_741, %broadcast_in_dim3A_744, %select_n3A_729 : vector<16xi1>, vector<16xi32>
      %get3A_746 = tpu.memref_slice %arg6[%mul3A_151] : memref<32832xf32, #tpu.memory_space<vmem>> -> memref<32352xf32, #tpu.memory_space<vmem>>
      %get3A_747 = arith.constant 19494 : index
      %get3A_748 = tpu.vector_load %get3A_746[%get3A_747] {strides = array<i32>} : memref<32352xf32, #tpu.memory_space<vmem>>, vector<16xf32>,
      %gt3A_749 = arith.cmpf ogt, %get3A_748, %select_n3A_734 : vector<16xf32>
      %select_n3A_750 = arith.select %gt3A_749, %get3A_748, %select_n3A_734 : vector<16xi1>, vector<16xf32>
      %jit3A_751 = arith.constant 38 : i32
      %broadcast_in_dim3A_752 = vector.broadcast %jit3A_751 : i32 to vector<16xi32>
      %select_n3A_753 = arith.select %gt3A_749, %broadcast_in_dim3A_752, %select_n3A_737 : vector<16xi1>, vector<16xi32>
      %get3A_754 = tpu.memref_slice %arg6[%mul3A_151] : memref<32832xf32, #tpu.memory_space<vmem>> -> memref<32352xf32, #tpu.memory_space<vmem>>
      %get3A_755 = arith.constant 19510 : index
      %get3A_756 = tpu.vector_load %get3A_754[%get3A_755] {strides = array<i32>} : memref<32352xf32, #tpu.memory_space<vmem>>, vector<16xf32>,
      %gt3A_757 = arith.cmpf ogt, %get3A_756, %select_n3A_742 : vector<16xf32>
      %select_n3A_758 = arith.select %gt3A_757, %get3A_756, %select_n3A_742 : vector<16xi1>, vector<16xf32>
      %jit3A_759 = arith.constant 38 : i32
      %broadcast_in_dim3A_760 = vector.broadcast %jit3A_759 : i32 to vector<16xi32>
      %select_n3A_761 = arith.select %gt3A_757, %broadcast_in_dim3A_760, %select_n3A_745 : vector<16xi1>, vector<16xi32>
      %get3A_762 = tpu.memref_slice %arg6[%mul3A_151] : memref<32832xf32, #tpu.memory_space<vmem>> -> memref<32352xf32, #tpu.memory_space<vmem>>
      %get3A_763 = arith.constant 20007 : index
      %get3A_764 = tpu.vector_load %get3A_762[%get3A_763] {strides = array<i32>} : memref<32352xf32, #tpu.memory_space<vmem>>, vector<16xf32>,
      %gt3A_765 = arith.cmpf ogt, %get3A_764, %select_n3A_750 : vector<16xf32>
      %select_n3A_766 = arith.select %gt3A_765, %get3A_764, %select_n3A_750 : vector<16xi1>, vector<16xf32>
      %jit3A_767 = arith.constant 39 : i32
      %broadcast_in_dim3A_768 = vector.broadcast %jit3A_767 : i32 to vector<16xi32>
      %select_n3A_769 = arith.select %gt3A_765, %broadcast_in_dim3A_768, %select_n3A_753 : vector<16xi1>, vector<16xi32>
      %get3A_770 = tpu.memref_slice %arg6[%mul3A_151] : memref<32832xf32, #tpu.memory_space<vmem>> -> memref<32352xf32, #tpu.memory_space<vmem>>
      %get3A_771 = arith.constant 20023 : index
      %get3A_772 = tpu.vector_load %get3A_770[%get3A_771] {strides = array<i32>} : memref<32352xf32, #tpu.memory_space<vmem>>, vector<16xf32>,
      %gt3A_773 = arith.cmpf ogt, %get3A_772, %select_n3A_758 : vector<16xf32>
      %select_n3A_774 = arith.select %gt3A_773, %get3A_772, %select_n3A_758 : vector<16xi1>, vector<16xf32>
      %jit3A_775 = arith.constant 39 : i32
      %broadcast_in_dim3A_776 = vector.broadcast %jit3A_775 : i32 to vector<16xi32>
      %select_n3A_777 = arith.select %gt3A_773, %broadcast_in_dim3A_776, %select_n3A_761 : vector<16xi1>, vector<16xi32>
      %get3A_778 = tpu.memref_slice %arg6[%mul3A_151] : memref<32832xf32, #tpu.memory_space<vmem>> -> memref<32352xf32, #tpu.memory_space<vmem>>
      %get3A_779 = arith.constant 20520 : index
      %get3A_780 = tpu.vector_load %get3A_778[%get3A_779] {strides = array<i32>} : memref<32352xf32, #tpu.memory_space<vmem>>, vector<16xf32>,
      %gt3A_781 = arith.cmpf ogt, %get3A_780, %select_n3A_766 : vector<16xf32>
      %select_n3A_782 = arith.select %gt3A_781, %get3A_780, %select_n3A_766 : vector<16xi1>, vector<16xf32>
      %jit3A_783 = arith.constant 40 : i32
      %broadcast_in_dim3A_784 = vector.broadcast %jit3A_783 : i32 to vector<16xi32>
      %select_n3A_785 = arith.select %gt3A_781, %broadcast_in_dim3A_784, %select_n3A_769 : vector<16xi1>, vector<16xi32>
      %get3A_786 = tpu.memref_slice %arg6[%mul3A_151] : memref<32832xf32, #tpu.memory_space<vmem>> -> memref<32352xf32, #tpu.memory_space<vmem>>
      %get3A_787 = arith.constant 20536 : index
      %get3A_788 = tpu.vector_load %get3A_786[%get3A_787] {strides = array<i32>} : memref<32352xf32, #tpu.memory_space<vmem>>, vector<16xf32>,
      %gt3A_789 = arith.cmpf ogt, %get3A_788, %select_n3A_774 : vector<16xf32>
      %select_n3A_790 = arith.select %gt3A_789, %get3A_788, %select_n3A_774 : vector<16xi1>, vector<16xf32>
      %jit3A_791 = arith.constant 40 : i32
      %broadcast_in_dim3A_792 = vector.broadcast %jit3A_791 : i32 to vector<16xi32>
      %select_n3A_793 = arith.select %gt3A_789, %broadcast_in_dim3A_792, %select_n3A_777 : vector<16xi1>, vector<16xi32>
      %get3A_794 = tpu.memref_slice %arg6[%mul3A_151] : memref<32832xf32, #tpu.memory_space<vmem>> -> memref<32352xf32, #tpu.memory_space<vmem>>
      %get3A_795 = arith.constant 21033 : index
      %get3A_796 = tpu.vector_load %get3A_794[%get3A_795] {strides = array<i32>} : memref<32352xf32, #tpu.memory_space<vmem>>, vector<16xf32>,
      %gt3A_797 = arith.cmpf ogt, %get3A_796, %select_n3A_782 : vector<16xf32>
      %select_n3A_798 = arith.select %gt3A_797, %get3A_796, %select_n3A_782 : vector<16xi1>, vector<16xf32>
      %jit3A_799 = arith.constant 41 : i32
      %broadcast_in_dim3A_800 = vector.broadcast %jit3A_799 : i32 to vector<16xi32>
      %select_n3A_801 = arith.select %gt3A_797, %broadcast_in_dim3A_800, %select_n3A_785 : vector<16xi1>, vector<16xi32>
      %get3A_802 = tpu.memref_slice %arg6[%mul3A_151] : memref<32832xf32, #tpu.memory_space<vmem>> -> memref<32352xf32, #tpu.memory_space<vmem>>
      %get3A_803 = arith.constant 21049 : index
      %get3A_804 = tpu.vector_load %get3A_802[%get3A_803] {strides = array<i32>} : memref<32352xf32, #tpu.memory_space<vmem>>, vector<16xf32>,
      %gt3A_805 = arith.cmpf ogt, %get3A_804, %select_n3A_790 : vector<16xf32>
      %select_n3A_806 = arith.select %gt3A_805, %get3A_804, %select_n3A_790 : vector<16xi1>, vector<16xf32>
      %jit3A_807 = arith.constant 41 : i32
      %broadcast_in_dim3A_808 = vector.broadcast %jit3A_807 : i32 to vector<16xi32>
      %select_n3A_809 = arith.select %gt3A_805, %broadcast_in_dim3A_808, %select_n3A_793 : vector<16xi1>, vector<16xi32>
      %get3A_810 = tpu.memref_slice %arg6[%mul3A_151] : memref<32832xf32, #tpu.memory_space<vmem>> -> memref<32352xf32, #tpu.memory_space<vmem>>
      %get3A_811 = arith.constant 21546 : index
      %get3A_812 = tpu.vector_load %get3A_810[%get3A_811] {strides = array<i32>} : memref<32352xf32, #tpu.memory_space<vmem>>, vector<16xf32>,
      %gt3A_813 = arith.cmpf ogt, %get3A_812, %select_n3A_798 : vector<16xf32>
      %select_n3A_814 = arith.select %gt3A_813, %get3A_812, %select_n3A_798 : vector<16xi1>, vector<16xf32>
      %jit3A_815 = arith.constant 42 : i32
      %broadcast_in_dim3A_816 = vector.broadcast %jit3A_815 : i32 to vector<16xi32>
      %select_n3A_817 = arith.select %gt3A_813, %broadcast_in_dim3A_816, %select_n3A_801 : vector<16xi1>, vector<16xi32>
      %get3A_818 = tpu.memref_slice %arg6[%mul3A_151] : memref<32832xf32, #tpu.memory_space<vmem>> -> memref<32352xf32, #tpu.memory_space<vmem>>
      %get3A_819 = arith.constant 21562 : index
      %get3A_820 = tpu.vector_load %get3A_818[%get3A_819] {strides = array<i32>} : memref<32352xf32, #tpu.memory_space<vmem>>, vector<16xf32>,
      %gt3A_821 = arith.cmpf ogt, %get3A_820, %select_n3A_806 : vector<16xf32>
      %select_n3A_822 = arith.select %gt3A_821, %get3A_820, %select_n3A_806 : vector<16xi1>, vector<16xf32>
      %jit3A_823 = arith.constant 42 : i32
      %broadcast_in_dim3A_824 = vector.broadcast %jit3A_823 : i32 to vector<16xi32>
      %select_n3A_825 = arith.select %gt3A_821, %broadcast_in_dim3A_824, %select_n3A_809 : vector<16xi1>, vector<16xi32>
      %get3A_826 = tpu.memref_slice %arg6[%mul3A_151] : memref<32832xf32, #tpu.memory_space<vmem>> -> memref<32352xf32, #tpu.memory_space<vmem>>
      %get3A_827 = arith.constant 22059 : index
      %get3A_828 = tpu.vector_load %get3A_826[%get3A_827] {strides = array<i32>} : memref<32352xf32, #tpu.memory_space<vmem>>, vector<16xf32>,
      %gt3A_829 = arith.cmpf ogt, %get3A_828, %select_n3A_814 : vector<16xf32>
      %select_n3A_830 = arith.select %gt3A_829, %get3A_828, %select_n3A_814 : vector<16xi1>, vector<16xf32>
      %jit3A_831 = arith.constant 43 : i32
      %broadcast_in_dim3A_832 = vector.broadcast %jit3A_831 : i32 to vector<16xi32>
      %select_n3A_833 = arith.select %gt3A_829, %broadcast_in_dim3A_832, %select_n3A_817 : vector<16xi1>, vector<16xi32>
      %get3A_834 = tpu.memref_slice %arg6[%mul3A_151] : memref<32832xf32, #tpu.memory_space<vmem>> -> memref<32352xf32, #tpu.memory_space<vmem>>
      %get3A_835 = arith.constant 22075 : index
      %get3A_836 = tpu.vector_load %get3A_834[%get3A_835] {strides = array<i32>} : memref<32352xf32, #tpu.memory_space<vmem>>, vector<16xf32>,
      %gt3A_837 = arith.cmpf ogt, %get3A_836, %select_n3A_822 : vector<16xf32>
      %select_n3A_838 = arith.select %gt3A_837, %get3A_836, %select_n3A_822 : vector<16xi1>, vector<16xf32>
      %jit3A_839 = arith.constant 43 : i32
      %broadcast_in_dim3A_840 = vector.broadcast %jit3A_839 : i32 to vector<16xi32>
      %select_n3A_841 = arith.select %gt3A_837, %broadcast_in_dim3A_840, %select_n3A_825 : vector<16xi1>, vector<16xi32>
      %get3A_842 = tpu.memref_slice %arg6[%mul3A_151] : memref<32832xf32, #tpu.memory_space<vmem>> -> memref<32352xf32, #tpu.memory_space<vmem>>
      %get3A_843 = arith.constant 22572 : index
      %get3A_844 = tpu.vector_load %get3A_842[%get3A_843] {strides = array<i32>} : memref<32352xf32, #tpu.memory_space<vmem>>, vector<16xf32>,
      %gt3A_845 = arith.cmpf ogt, %get3A_844, %select_n3A_830 : vector<16xf32>
      %select_n3A_846 = arith.select %gt3A_845, %get3A_844, %select_n3A_830 : vector<16xi1>, vector<16xf32>
      %jit3A_847 = arith.constant 44 : i32
      %broadcast_in_dim3A_848 = vector.broadcast %jit3A_847 : i32 to vector<16xi32>
      %select_n3A_849 = arith.select %gt3A_845, %broadcast_in_dim3A_848, %select_n3A_833 : vector<16xi1>, vector<16xi32>
      %get3A_850 = tpu.memref_slice %arg6[%mul3A_151] : memref<32832xf32, #tpu.memory_space<vmem>> -> memref<32352xf32, #tpu.memory_space<vmem>>
      %get3A_851 = arith.constant 22588 : index
      %get3A_852 = tpu.vector_load %get3A_850[%get3A_851] {strides = array<i32>} : memref<32352xf32, #tpu.memory_space<vmem>>, vector<16xf32>,
      %gt3A_853 = arith.cmpf ogt, %get3A_852, %select_n3A_838 : vector<16xf32>
      %select_n3A_854 = arith.select %gt3A_853, %get3A_852, %select_n3A_838 : vector<16xi1>, vector<16xf32>
      %jit3A_855 = arith.constant 44 : i32
      %broadcast_in_dim3A_856 = vector.broadcast %jit3A_855 : i32 to vector<16xi32>
      %select_n3A_857 = arith.select %gt3A_853, %broadcast_in_dim3A_856, %select_n3A_841 : vector<16xi1>, vector<16xi32>
      %get3A_858 = tpu.memref_slice %arg6[%mul3A_151] : memref<32832xf32, #tpu.memory_space<vmem>> -> memref<32352xf32, #tpu.memory_space<vmem>>
      %get3A_859 = arith.constant 23085 : index
      %get3A_860 = tpu.vector_load %get3A_858[%get3A_859] {strides = array<i32>} : memref<32352xf32, #tpu.memory_space<vmem>>, vector<16xf32>,
      %gt3A_861 = arith.cmpf ogt, %get3A_860, %select_n3A_846 : vector<16xf32>
      %select_n3A_862 = arith.select %gt3A_861, %get3A_860, %select_n3A_846 : vector<16xi1>, vector<16xf32>
      %jit3A_863 = arith.constant 45 : i32
      %broadcast_in_dim3A_864 = vector.broadcast %jit3A_863 : i32 to vector<16xi32>
      %select_n3A_865 = arith.select %gt3A_861, %broadcast_in_dim3A_864, %select_n3A_849 : vector<16xi1>, vector<16xi32>
      %get3A_866 = tpu.memref_slice %arg6[%mul3A_151] : memref<32832xf32, #tpu.memory_space<vmem>> -> memref<32352xf32, #tpu.memory_space<vmem>>
      %get3A_867 = arith.constant 23101 : index
      %get3A_868 = tpu.vector_load %get3A_866[%get3A_867] {strides = array<i32>} : memref<32352xf32, #tpu.memory_space<vmem>>, vector<16xf32>,
      %gt3A_869 = arith.cmpf ogt, %get3A_868, %select_n3A_854 : vector<16xf32>
      %select_n3A_870 = arith.select %gt3A_869, %get3A_868, %select_n3A_854 : vector<16xi1>, vector<16xf32>
      %jit3A_871 = arith.constant 45 : i32
      %broadcast_in_dim3A_872 = vector.broadcast %jit3A_871 : i32 to vector<16xi32>
      %select_n3A_873 = arith.select %gt3A_869, %broadcast_in_dim3A_872, %select_n3A_857 : vector<16xi1>, vector<16xi32>
      %get3A_874 = tpu.memref_slice %arg6[%mul3A_151] : memref<32832xf32, #tpu.memory_space<vmem>> -> memref<32352xf32, #tpu.memory_space<vmem>>
      %get3A_875 = arith.constant 23598 : index
      %get3A_876 = tpu.vector_load %get3A_874[%get3A_875] {strides = array<i32>} : memref<32352xf32, #tpu.memory_space<vmem>>, vector<16xf32>,
      %gt3A_877 = arith.cmpf ogt, %get3A_876, %select_n3A_862 : vector<16xf32>
      %select_n3A_878 = arith.select %gt3A_877, %get3A_876, %select_n3A_862 : vector<16xi1>, vector<16xf32>
      %jit3A_879 = arith.constant 46 : i32
      %broadcast_in_dim3A_880 = vector.broadcast %jit3A_879 : i32 to vector<16xi32>
      %select_n3A_881 = arith.select %gt3A_877, %broadcast_in_dim3A_880, %select_n3A_865 : vector<16xi1>, vector<16xi32>
      %get3A_882 = tpu.memref_slice %arg6[%mul3A_151] : memref<32832xf32, #tpu.memory_space<vmem>> -> memref<32352xf32, #tpu.memory_space<vmem>>
      %get3A_883 = arith.constant 23614 : index
      %get3A_884 = tpu.vector_load %get3A_882[%get3A_883] {strides = array<i32>} : memref<32352xf32, #tpu.memory_space<vmem>>, vector<16xf32>,
      %gt3A_885 = arith.cmpf ogt, %get3A_884, %select_n3A_870 : vector<16xf32>
      %select_n3A_886 = arith.select %gt3A_885, %get3A_884, %select_n3A_870 : vector<16xi1>, vector<16xf32>
      %jit3A_887 = arith.constant 46 : i32
      %broadcast_in_dim3A_888 = vector.broadcast %jit3A_887 : i32 to vector<16xi32>
      %select_n3A_889 = arith.select %gt3A_885, %broadcast_in_dim3A_888, %select_n3A_873 : vector<16xi1>, vector<16xi32>
      %get3A_890 = tpu.memref_slice %arg6[%mul3A_151] : memref<32832xf32, #tpu.memory_space<vmem>> -> memref<32352xf32, #tpu.memory_space<vmem>>
      %get3A_891 = arith.constant 24111 : index
      %get3A_892 = tpu.vector_load %get3A_890[%get3A_891] {strides = array<i32>} : memref<32352xf32, #tpu.memory_space<vmem>>, vector<16xf32>,
      %gt3A_893 = arith.cmpf ogt, %get3A_892, %select_n3A_878 : vector<16xf32>
      %select_n3A_894 = arith.select %gt3A_893, %get3A_892, %select_n3A_878 : vector<16xi1>, vector<16xf32>
      %jit3A_895 = arith.constant 47 : i32
      %broadcast_in_dim3A_896 = vector.broadcast %jit3A_895 : i32 to vector<16xi32>
      %select_n3A_897 = arith.select %gt3A_893, %broadcast_in_dim3A_896, %select_n3A_881 : vector<16xi1>, vector<16xi32>
      %get3A_898 = tpu.memref_slice %arg6[%mul3A_151] : memref<32832xf32, #tpu.memory_space<vmem>> -> memref<32352xf32, #tpu.memory_space<vmem>>
      %get3A_899 = arith.constant 24127 : index
      %get3A_900 = tpu.vector_load %get3A_898[%get3A_899] {strides = array<i32>} : memref<32352xf32, #tpu.memory_space<vmem>>, vector<16xf32>,
      %gt3A_901 = arith.cmpf ogt, %get3A_900, %select_n3A_886 : vector<16xf32>
      %select_n3A_902 = arith.select %gt3A_901, %get3A_900, %select_n3A_886 : vector<16xi1>, vector<16xf32>
      %jit3A_903 = arith.constant 47 : i32
      %broadcast_in_dim3A_904 = vector.broadcast %jit3A_903 : i32 to vector<16xi32>
      %select_n3A_905 = arith.select %gt3A_901, %broadcast_in_dim3A_904, %select_n3A_889 : vector<16xi1>, vector<16xi32>
      %get3A_906 = tpu.memref_slice %arg6[%mul3A_151] : memref<32832xf32, #tpu.memory_space<vmem>> -> memref<32352xf32, #tpu.memory_space<vmem>>
      %get3A_907 = arith.constant 24624 : index
      %get3A_908 = tpu.vector_load %get3A_906[%get3A_907] {strides = array<i32>} : memref<32352xf32, #tpu.memory_space<vmem>>, vector<16xf32>,
      %gt3A_909 = arith.cmpf ogt, %get3A_908, %select_n3A_894 : vector<16xf32>
      %select_n3A_910 = arith.select %gt3A_909, %get3A_908, %select_n3A_894 : vector<16xi1>, vector<16xf32>
      %jit3A_911 = arith.constant 48 : i32
      %broadcast_in_dim3A_912 = vector.broadcast %jit3A_911 : i32 to vector<16xi32>
      %select_n3A_913 = arith.select %gt3A_909, %broadcast_in_dim3A_912, %select_n3A_897 : vector<16xi1>, vector<16xi32>
      %get3A_914 = tpu.memref_slice %arg6[%mul3A_151] : memref<32832xf32, #tpu.memory_space<vmem>> -> memref<32352xf32, #tpu.memory_space<vmem>>
      %get3A_915 = arith.constant 24640 : index
      %get3A_916 = tpu.vector_load %get3A_914[%get3A_915] {strides = array<i32>} : memref<32352xf32, #tpu.memory_space<vmem>>, vector<16xf32>,
      %gt3A_917 = arith.cmpf ogt, %get3A_916, %select_n3A_902 : vector<16xf32>
      %select_n3A_918 = arith.select %gt3A_917, %get3A_916, %select_n3A_902 : vector<16xi1>, vector<16xf32>
      %jit3A_919 = arith.constant 48 : i32
      %broadcast_in_dim3A_920 = vector.broadcast %jit3A_919 : i32 to vector<16xi32>
      %select_n3A_921 = arith.select %gt3A_917, %broadcast_in_dim3A_920, %select_n3A_905 : vector<16xi1>, vector<16xi32>
      %get3A_922 = tpu.memref_slice %arg6[%mul3A_151] : memref<32832xf32, #tpu.memory_space<vmem>> -> memref<32352xf32, #tpu.memory_space<vmem>>
      %get3A_923 = arith.constant 25137 : index
      %get3A_924 = tpu.vector_load %get3A_922[%get3A_923] {strides = array<i32>} : memref<32352xf32, #tpu.memory_space<vmem>>, vector<16xf32>,
      %gt3A_925 = arith.cmpf ogt, %get3A_924, %select_n3A_910 : vector<16xf32>
      %select_n3A_926 = arith.select %gt3A_925, %get3A_924, %select_n3A_910 : vector<16xi1>, vector<16xf32>
      %jit3A_927 = arith.constant 49 : i32
      %broadcast_in_dim3A_928 = vector.broadcast %jit3A_927 : i32 to vector<16xi32>
      %select_n3A_929 = arith.select %gt3A_925, %broadcast_in_dim3A_928, %select_n3A_913 : vector<16xi1>, vector<16xi32>
      %get3A_930 = tpu.memref_slice %arg6[%mul3A_151] : memref<32832xf32, #tpu.memory_space<vmem>> -> memref<32352xf32, #tpu.memory_space<vmem>>
      %get3A_931 = arith.constant 25153 : index
      %get3A_932 = tpu.vector_load %get3A_930[%get3A_931] {strides = array<i32>} : memref<32352xf32, #tpu.memory_space<vmem>>, vector<16xf32>,
      %gt3A_933 = arith.cmpf ogt, %get3A_932, %select_n3A_918 : vector<16xf32>
      %select_n3A_934 = arith.select %gt3A_933, %get3A_932, %select_n3A_918 : vector<16xi1>, vector<16xf32>
      %jit3A_935 = arith.constant 49 : i32
      %broadcast_in_dim3A_936 = vector.broadcast %jit3A_935 : i32 to vector<16xi32>
      %select_n3A_937 = arith.select %gt3A_933, %broadcast_in_dim3A_936, %select_n3A_921 : vector<16xi1>, vector<16xi32>
      %get3A_938 = tpu.memref_slice %arg6[%mul3A_151] : memref<32832xf32, #tpu.memory_space<vmem>> -> memref<32352xf32, #tpu.memory_space<vmem>>
      %get3A_939 = arith.constant 25650 : index
      %get3A_940 = tpu.vector_load %get3A_938[%get3A_939] {strides = array<i32>} : memref<32352xf32, #tpu.memory_space<vmem>>, vector<16xf32>,
      %gt3A_941 = arith.cmpf ogt, %get3A_940, %select_n3A_926 : vector<16xf32>
      %select_n3A_942 = arith.select %gt3A_941, %get3A_940, %select_n3A_926 : vector<16xi1>, vector<16xf32>
      %jit3A_943 = arith.constant 50 : i32
      %broadcast_in_dim3A_944 = vector.broadcast %jit3A_943 : i32 to vector<16xi32>
      %select_n3A_945 = arith.select %gt3A_941, %broadcast_in_dim3A_944, %select_n3A_929 : vector<16xi1>, vector<16xi32>
      %get3A_946 = tpu.memref_slice %arg6[%mul3A_151] : memref<32832xf32, #tpu.memory_space<vmem>> -> memref<32352xf32, #tpu.memory_space<vmem>>
      %get3A_947 = arith.constant 25666 : index
      %get3A_948 = tpu.vector_load %get3A_946[%get3A_947] {strides = array<i32>} : memref<32352xf32, #tpu.memory_space<vmem>>, vector<16xf32>,
      %gt3A_949 = arith.cmpf ogt, %get3A_948, %select_n3A_934 : vector<16xf32>
      %select_n3A_950 = arith.select %gt3A_949, %get3A_948, %select_n3A_934 : vector<16xi1>, vector<16xf32>
      %jit3A_951 = arith.constant 50 : i32
      %broadcast_in_dim3A_952 = vector.broadcast %jit3A_951 : i32 to vector<16xi32>
      %select_n3A_953 = arith.select %gt3A_949, %broadcast_in_dim3A_952, %select_n3A_937 : vector<16xi1>, vector<16xi32>
      %get3A_954 = tpu.memref_slice %arg6[%mul3A_151] : memref<32832xf32, #tpu.memory_space<vmem>> -> memref<32352xf32, #tpu.memory_space<vmem>>
      %get3A_955 = arith.constant 26163 : index
      %get3A_956 = tpu.vector_load %get3A_954[%get3A_955] {strides = array<i32>} : memref<32352xf32, #tpu.memory_space<vmem>>, vector<16xf32>,
      %gt3A_957 = arith.cmpf ogt, %get3A_956, %select_n3A_942 : vector<16xf32>
      %select_n3A_958 = arith.select %gt3A_957, %get3A_956, %select_n3A_942 : vector<16xi1>, vector<16xf32>
      %jit3A_959 = arith.constant 51 : i32
      %broadcast_in_dim3A_960 = vector.broadcast %jit3A_959 : i32 to vector<16xi32>
      %select_n3A_961 = arith.select %gt3A_957, %broadcast_in_dim3A_960, %select_n3A_945 : vector<16xi1>, vector<16xi32>
      %get3A_962 = tpu.memref_slice %arg6[%mul3A_151] : memref<32832xf32, #tpu.memory_space<vmem>> -> memref<32352xf32, #tpu.memory_space<vmem>>
      %get3A_963 = arith.constant 26179 : index
      %get3A_964 = tpu.vector_load %get3A_962[%get3A_963] {strides = array<i32>} : memref<32352xf32, #tpu.memory_space<vmem>>, vector<16xf32>,
      %gt3A_965 = arith.cmpf ogt, %get3A_964, %select_n3A_950 : vector<16xf32>
      %select_n3A_966 = arith.select %gt3A_965, %get3A_964, %select_n3A_950 : vector<16xi1>, vector<16xf32>
      %jit3A_967 = arith.constant 51 : i32
      %broadcast_in_dim3A_968 = vector.broadcast %jit3A_967 : i32 to vector<16xi32>
      %select_n3A_969 = arith.select %gt3A_965, %broadcast_in_dim3A_968, %select_n3A_953 : vector<16xi1>, vector<16xi32>
      %get3A_970 = tpu.memref_slice %arg6[%mul3A_151] : memref<32832xf32, #tpu.memory_space<vmem>> -> memref<32352xf32, #tpu.memory_space<vmem>>
      %get3A_971 = arith.constant 26676 : index
      %get3A_972 = tpu.vector_load %get3A_970[%get3A_971] {strides = array<i32>} : memref<32352xf32, #tpu.memory_space<vmem>>, vector<16xf32>,
      %gt3A_973 = arith.cmpf ogt, %get3A_972, %select_n3A_958 : vector<16xf32>
      %select_n3A_974 = arith.select %gt3A_973, %get3A_972, %select_n3A_958 : vector<16xi1>, vector<16xf32>
      %jit3A_975 = arith.constant 52 : i32
      %broadcast_in_dim3A_976 = vector.broadcast %jit3A_975 : i32 to vector<16xi32>
      %select_n3A_977 = arith.select %gt3A_973, %broadcast_in_dim3A_976, %select_n3A_961 : vector<16xi1>, vector<16xi32>
      %get3A_978 = tpu.memref_slice %arg6[%mul3A_151] : memref<32832xf32, #tpu.memory_space<vmem>> -> memref<32352xf32, #tpu.memory_space<vmem>>
      %get3A_979 = arith.constant 26692 : index
      %get3A_980 = tpu.vector_load %get3A_978[%get3A_979] {strides = array<i32>} : memref<32352xf32, #tpu.memory_space<vmem>>, vector<16xf32>,
      %gt3A_981 = arith.cmpf ogt, %get3A_980, %select_n3A_966 : vector<16xf32>
      %select_n3A_982 = arith.select %gt3A_981, %get3A_980, %select_n3A_966 : vector<16xi1>, vector<16xf32>
      %jit3A_983 = arith.constant 52 : i32
      %broadcast_in_dim3A_984 = vector.broadcast %jit3A_983 : i32 to vector<16xi32>
      %select_n3A_985 = arith.select %gt3A_981, %broadcast_in_dim3A_984, %select_n3A_969 : vector<16xi1>, vector<16xi32>
      %get3A_986 = tpu.memref_slice %arg6[%mul3A_151] : memref<32832xf32, #tpu.memory_space<vmem>> -> memref<32352xf32, #tpu.memory_space<vmem>>
      %get3A_987 = arith.constant 27189 : index
      %get3A_988 = tpu.vector_load %get3A_986[%get3A_987] {strides = array<i32>} : memref<32352xf32, #tpu.memory_space<vmem>>, vector<16xf32>,
      %gt3A_989 = arith.cmpf ogt, %get3A_988, %select_n3A_974 : vector<16xf32>
      %select_n3A_990 = arith.select %gt3A_989, %get3A_988, %select_n3A_974 : vector<16xi1>, vector<16xf32>
      %jit3A_991 = arith.constant 53 : i32
      %broadcast_in_dim3A_992 = vector.broadcast %jit3A_991 : i32 to vector<16xi32>
      %select_n3A_993 = arith.select %gt3A_989, %broadcast_in_dim3A_992, %select_n3A_977 : vector<16xi1>, vector<16xi32>
      %get3A_994 = tpu.memref_slice %arg6[%mul3A_151] : memref<32832xf32, #tpu.memory_space<vmem>> -> memref<32352xf32, #tpu.memory_space<vmem>>
      %get3A_995 = arith.constant 27205 : index
      %get3A_996 = tpu.vector_load %get3A_994[%get3A_995] {strides = array<i32>} : memref<32352xf32, #tpu.memory_space<vmem>>, vector<16xf32>,
      %gt3A_997 = arith.cmpf ogt, %get3A_996, %select_n3A_982 : vector<16xf32>
      %select_n3A_998 = arith.select %gt3A_997, %get3A_996, %select_n3A_982 : vector<16xi1>, vector<16xf32>
      %jit3A_999 = arith.constant 53 : i32
      %broadcast_in_dim3A_1000 = vector.broadcast %jit3A_999 : i32 to vector<16xi32>
      %select_n3A_1001 = arith.select %gt3A_997, %broadcast_in_dim3A_1000, %select_n3A_985 : vector<16xi1>, vector<16xi32>
      %get3A_1002 = tpu.memref_slice %arg6[%mul3A_151] : memref<32832xf32, #tpu.memory_space<vmem>> -> memref<32352xf32, #tpu.memory_space<vmem>>
      %get3A_1003 = arith.constant 27702 : index
      %get3A_1004 = tpu.vector_load %get3A_1002[%get3A_1003] {strides = array<i32>} : memref<32352xf32, #tpu.memory_space<vmem>>, vector<16xf32>,
      %gt3A_1005 = arith.cmpf ogt, %get3A_1004, %select_n3A_990 : vector<16xf32>
      %select_n3A_1006 = arith.select %gt3A_1005, %get3A_1004, %select_n3A_990 : vector<16xi1>, vector<16xf32>
      %jit3A_1007 = arith.constant 54 : i32
      %broadcast_in_dim3A_1008 = vector.broadcast %jit3A_1007 : i32 to vector<16xi32>
      %select_n3A_1009 = arith.select %gt3A_1005, %broadcast_in_dim3A_1008, %select_n3A_993 : vector<16xi1>, vector<16xi32>
      %get3A_1010 = tpu.memref_slice %arg6[%mul3A_151] : memref<32832xf32, #tpu.memory_space<vmem>> -> memref<32352xf32, #tpu.memory_space<vmem>>
      %get3A_1011 = arith.constant 27718 : index
      %get3A_1012 = tpu.vector_load %get3A_1010[%get3A_1011] {strides = array<i32>} : memref<32352xf32, #tpu.memory_space<vmem>>, vector<16xf32>,
      %gt3A_1013 = arith.cmpf ogt, %get3A_1012, %select_n3A_998 : vector<16xf32>
      %select_n3A_1014 = arith.select %gt3A_1013, %get3A_1012, %select_n3A_998 : vector<16xi1>, vector<16xf32>
      %jit3A_1015 = arith.constant 54 : i32
      %broadcast_in_dim3A_1016 = vector.broadcast %jit3A_1015 : i32 to vector<16xi32>
      %select_n3A_1017 = arith.select %gt3A_1013, %broadcast_in_dim3A_1016, %select_n3A_1001 : vector<16xi1>, vector<16xi32>
      %get3A_1018 = tpu.memref_slice %arg6[%mul3A_151] : memref<32832xf32, #tpu.memory_space<vmem>> -> memref<32352xf32, #tpu.memory_space<vmem>>
      %get3A_1019 = arith.constant 28215 : index
      %get3A_1020 = tpu.vector_load %get3A_1018[%get3A_1019] {strides = array<i32>} : memref<32352xf32, #tpu.memory_space<vmem>>, vector<16xf32>,
      %gt3A_1021 = arith.cmpf ogt, %get3A_1020, %select_n3A_1006 : vector<16xf32>
      %select_n3A_1022 = arith.select %gt3A_1021, %get3A_1020, %select_n3A_1006 : vector<16xi1>, vector<16xf32>
      %jit3A_1023 = arith.constant 55 : i32
      %broadcast_in_dim3A_1024 = vector.broadcast %jit3A_1023 : i32 to vector<16xi32>
      %select_n3A_1025 = arith.select %gt3A_1021, %broadcast_in_dim3A_1024, %select_n3A_1009 : vector<16xi1>, vector<16xi32>
      %get3A_1026 = tpu.memref_slice %arg6[%mul3A_151] : memref<32832xf32, #tpu.memory_space<vmem>> -> memref<32352xf32, #tpu.memory_space<vmem>>
      %get3A_1027 = arith.constant 28231 : index
      %get3A_1028 = tpu.vector_load %get3A_1026[%get3A_1027] {strides = array<i32>} : memref<32352xf32, #tpu.memory_space<vmem>>, vector<16xf32>,
      %gt3A_1029 = arith.cmpf ogt, %get3A_1028, %select_n3A_1014 : vector<16xf32>
      %select_n3A_1030 = arith.select %gt3A_1029, %get3A_1028, %select_n3A_1014 : vector<16xi1>, vector<16xf32>
      %jit3A_1031 = arith.constant 55 : i32
      %broadcast_in_dim3A_1032 = vector.broadcast %jit3A_1031 : i32 to vector<16xi32>
      %select_n3A_1033 = arith.select %gt3A_1029, %broadcast_in_dim3A_1032, %select_n3A_1017 : vector<16xi1>, vector<16xi32>
      %get3A_1034 = tpu.memref_slice %arg6[%mul3A_151] : memref<32832xf32, #tpu.memory_space<vmem>> -> memref<32352xf32, #tpu.memory_space<vmem>>
      %get3A_1035 = arith.constant 28728 : index
      %get3A_1036 = tpu.vector_load %get3A_1034[%get3A_1035] {strides = array<i32>} : memref<32352xf32, #tpu.memory_space<vmem>>, vector<16xf32>,
      %gt3A_1037 = arith.cmpf ogt, %get3A_1036, %select_n3A_1022 : vector<16xf32>
      %select_n3A_1038 = arith.select %gt3A_1037, %get3A_1036, %select_n3A_1022 : vector<16xi1>, vector<16xf32>
      %jit3A_1039 = arith.constant 56 : i32
      %broadcast_in_dim3A_1040 = vector.broadcast %jit3A_1039 : i32 to vector<16xi32>
      %select_n3A_1041 = arith.select %gt3A_1037, %broadcast_in_dim3A_1040, %select_n3A_1025 : vector<16xi1>, vector<16xi32>
      %get3A_1042 = tpu.memref_slice %arg6[%mul3A_151] : memref<32832xf32, #tpu.memory_space<vmem>> -> memref<32352xf32, #tpu.memory_space<vmem>>
      %get3A_1043 = arith.constant 28744 : index
      %get3A_1044 = tpu.vector_load %get3A_1042[%get3A_1043] {strides = array<i32>} : memref<32352xf32, #tpu.memory_space<vmem>>, vector<16xf32>,
      %gt3A_1045 = arith.cmpf ogt, %get3A_1044, %select_n3A_1030 : vector<16xf32>
      %select_n3A_1046 = arith.select %gt3A_1045, %get3A_1044, %select_n3A_1030 : vector<16xi1>, vector<16xf32>
      %jit3A_1047 = arith.constant 56 : i32
      %broadcast_in_dim3A_1048 = vector.broadcast %jit3A_1047 : i32 to vector<16xi32>
      %select_n3A_1049 = arith.select %gt3A_1045, %broadcast_in_dim3A_1048, %select_n3A_1033 : vector<16xi1>, vector<16xi32>
      %get3A_1050 = tpu.memref_slice %arg6[%mul3A_151] : memref<32832xf32, #tpu.memory_space<vmem>> -> memref<32352xf32, #tpu.memory_space<vmem>>
      %get3A_1051 = arith.constant 29241 : index
      %get3A_1052 = tpu.vector_load %get3A_1050[%get3A_1051] {strides = array<i32>} : memref<32352xf32, #tpu.memory_space<vmem>>, vector<16xf32>,
      %gt3A_1053 = arith.cmpf ogt, %get3A_1052, %select_n3A_1038 : vector<16xf32>
      %select_n3A_1054 = arith.select %gt3A_1053, %get3A_1052, %select_n3A_1038 : vector<16xi1>, vector<16xf32>
      %jit3A_1055 = arith.constant 57 : i32
      %broadcast_in_dim3A_1056 = vector.broadcast %jit3A_1055 : i32 to vector<16xi32>
      %select_n3A_1057 = arith.select %gt3A_1053, %broadcast_in_dim3A_1056, %select_n3A_1041 : vector<16xi1>, vector<16xi32>
      %get3A_1058 = tpu.memref_slice %arg6[%mul3A_151] : memref<32832xf32, #tpu.memory_space<vmem>> -> memref<32352xf32, #tpu.memory_space<vmem>>
      %get3A_1059 = arith.constant 29257 : index
      %get3A_1060 = tpu.vector_load %get3A_1058[%get3A_1059] {strides = array<i32>} : memref<32352xf32, #tpu.memory_space<vmem>>, vector<16xf32>,
      %gt3A_1061 = arith.cmpf ogt, %get3A_1060, %select_n3A_1046 : vector<16xf32>
      %select_n3A_1062 = arith.select %gt3A_1061, %get3A_1060, %select_n3A_1046 : vector<16xi1>, vector<16xf32>
      %jit3A_1063 = arith.constant 57 : i32
      %broadcast_in_dim3A_1064 = vector.broadcast %jit3A_1063 : i32 to vector<16xi32>
      %select_n3A_1065 = arith.select %gt3A_1061, %broadcast_in_dim3A_1064, %select_n3A_1049 : vector<16xi1>, vector<16xi32>
      %get3A_1066 = tpu.memref_slice %arg6[%mul3A_151] : memref<32832xf32, #tpu.memory_space<vmem>> -> memref<32352xf32, #tpu.memory_space<vmem>>
      %get3A_1067 = arith.constant 29754 : index
      %get3A_1068 = tpu.vector_load %get3A_1066[%get3A_1067] {strides = array<i32>} : memref<32352xf32, #tpu.memory_space<vmem>>, vector<16xf32>,
      %gt3A_1069 = arith.cmpf ogt, %get3A_1068, %select_n3A_1054 : vector<16xf32>
      %select_n3A_1070 = arith.select %gt3A_1069, %get3A_1068, %select_n3A_1054 : vector<16xi1>, vector<16xf32>
      %jit3A_1071 = arith.constant 58 : i32
      %broadcast_in_dim3A_1072 = vector.broadcast %jit3A_1071 : i32 to vector<16xi32>
      %select_n3A_1073 = arith.select %gt3A_1069, %broadcast_in_dim3A_1072, %select_n3A_1057 : vector<16xi1>, vector<16xi32>
      %get3A_1074 = tpu.memref_slice %arg6[%mul3A_151] : memref<32832xf32, #tpu.memory_space<vmem>> -> memref<32352xf32, #tpu.memory_space<vmem>>
      %get3A_1075 = arith.constant 29770 : index
      %get3A_1076 = tpu.vector_load %get3A_1074[%get3A_1075] {strides = array<i32>} : memref<32352xf32, #tpu.memory_space<vmem>>, vector<16xf32>,
      %gt3A_1077 = arith.cmpf ogt, %get3A_1076, %select_n3A_1062 : vector<16xf32>
      %select_n3A_1078 = arith.select %gt3A_1077, %get3A_1076, %select_n3A_1062 : vector<16xi1>, vector<16xf32>
      %jit3A_1079 = arith.constant 58 : i32
      %broadcast_in_dim3A_1080 = vector.broadcast %jit3A_1079 : i32 to vector<16xi32>
      %select_n3A_1081 = arith.select %gt3A_1077, %broadcast_in_dim3A_1080, %select_n3A_1065 : vector<16xi1>, vector<16xi32>
      %get3A_1082 = tpu.memref_slice %arg6[%mul3A_151] : memref<32832xf32, #tpu.memory_space<vmem>> -> memref<32352xf32, #tpu.memory_space<vmem>>
      %get3A_1083 = arith.constant 30267 : index
      %get3A_1084 = tpu.vector_load %get3A_1082[%get3A_1083] {strides = array<i32>} : memref<32352xf32, #tpu.memory_space<vmem>>, vector<16xf32>,
      %gt3A_1085 = arith.cmpf ogt, %get3A_1084, %select_n3A_1070 : vector<16xf32>
      %select_n3A_1086 = arith.select %gt3A_1085, %get3A_1084, %select_n3A_1070 : vector<16xi1>, vector<16xf32>
      %jit3A_1087 = arith.constant 59 : i32
      %broadcast_in_dim3A_1088 = vector.broadcast %jit3A_1087 : i32 to vector<16xi32>
      %select_n3A_1089 = arith.select %gt3A_1085, %broadcast_in_dim3A_1088, %select_n3A_1073 : vector<16xi1>, vector<16xi32>
      %get3A_1090 = tpu.memref_slice %arg6[%mul3A_151] : memref<32832xf32, #tpu.memory_space<vmem>> -> memref<32352xf32, #tpu.memory_space<vmem>>
      %get3A_1091 = arith.constant 30283 : index
      %get3A_1092 = tpu.vector_load %get3A_1090[%get3A_1091] {strides = array<i32>} : memref<32352xf32, #tpu.memory_space<vmem>>, vector<16xf32>,
      %gt3A_1093 = arith.cmpf ogt, %get3A_1092, %select_n3A_1078 : vector<16xf32>
      %select_n3A_1094 = arith.select %gt3A_1093, %get3A_1092, %select_n3A_1078 : vector<16xi1>, vector<16xf32>
      %jit3A_1095 = arith.constant 59 : i32
      %broadcast_in_dim3A_1096 = vector.broadcast %jit3A_1095 : i32 to vector<16xi32>
      %select_n3A_1097 = arith.select %gt3A_1093, %broadcast_in_dim3A_1096, %select_n3A_1081 : vector<16xi1>, vector<16xi32>
      %get3A_1098 = tpu.memref_slice %arg6[%mul3A_151] : memref<32832xf32, #tpu.memory_space<vmem>> -> memref<32352xf32, #tpu.memory_space<vmem>>
      %get3A_1099 = arith.constant 30780 : index
      %get3A_1100 = tpu.vector_load %get3A_1098[%get3A_1099] {strides = array<i32>} : memref<32352xf32, #tpu.memory_space<vmem>>, vector<16xf32>,
      %gt3A_1101 = arith.cmpf ogt, %get3A_1100, %select_n3A_1086 : vector<16xf32>
      %select_n3A_1102 = arith.select %gt3A_1101, %get3A_1100, %select_n3A_1086 : vector<16xi1>, vector<16xf32>
      %jit3A_1103 = arith.constant 60 : i32
      %broadcast_in_dim3A_1104 = vector.broadcast %jit3A_1103 : i32 to vector<16xi32>
      %select_n3A_1105 = arith.select %gt3A_1101, %broadcast_in_dim3A_1104, %select_n3A_1089 : vector<16xi1>, vector<16xi32>
      %get3A_1106 = tpu.memref_slice %arg6[%mul3A_151] : memref<32832xf32, #tpu.memory_space<vmem>> -> memref<32352xf32, #tpu.memory_space<vmem>>
      %get3A_1107 = arith.constant 30796 : index
      %get3A_1108 = tpu.vector_load %get3A_1106[%get3A_1107] {strides = array<i32>} : memref<32352xf32, #tpu.memory_space<vmem>>, vector<16xf32>,
      %gt3A_1109 = arith.cmpf ogt, %get3A_1108, %select_n3A_1094 : vector<16xf32>
      %select_n3A_1110 = arith.select %gt3A_1109, %get3A_1108, %select_n3A_1094 : vector<16xi1>, vector<16xf32>
      %jit3A_1111 = arith.constant 60 : i32
      %broadcast_in_dim3A_1112 = vector.broadcast %jit3A_1111 : i32 to vector<16xi32>
      %select_n3A_1113 = arith.select %gt3A_1109, %broadcast_in_dim3A_1112, %select_n3A_1097 : vector<16xi1>, vector<16xi32>
      %get3A_1114 = tpu.memref_slice %arg6[%mul3A_151] : memref<32832xf32, #tpu.memory_space<vmem>> -> memref<32352xf32, #tpu.memory_space<vmem>>
      %get3A_1115 = arith.constant 31293 : index
      %get3A_1116 = tpu.vector_load %get3A_1114[%get3A_1115] {strides = array<i32>} : memref<32352xf32, #tpu.memory_space<vmem>>, vector<16xf32>,
      %gt3A_1117 = arith.cmpf ogt, %get3A_1116, %select_n3A_1102 : vector<16xf32>
      %select_n3A_1118 = arith.select %gt3A_1117, %get3A_1116, %select_n3A_1102 : vector<16xi1>, vector<16xf32>
      %jit3A_1119 = arith.constant 61 : i32
      %broadcast_in_dim3A_1120 = vector.broadcast %jit3A_1119 : i32 to vector<16xi32>
      %select_n3A_1121 = arith.select %gt3A_1117, %broadcast_in_dim3A_1120, %select_n3A_1105 : vector<16xi1>, vector<16xi32>
      %get3A_1122 = tpu.memref_slice %arg6[%mul3A_151] : memref<32832xf32, #tpu.memory_space<vmem>> -> memref<32352xf32, #tpu.memory_space<vmem>>
      %get3A_1123 = arith.constant 31309 : index
      %get3A_1124 = tpu.vector_load %get3A_1122[%get3A_1123] {strides = array<i32>} : memref<32352xf32, #tpu.memory_space<vmem>>, vector<16xf32>,
      %gt3A_1125 = arith.cmpf ogt, %get3A_1124, %select_n3A_1110 : vector<16xf32>
      %select_n3A_1126 = arith.select %gt3A_1125, %get3A_1124, %select_n3A_1110 : vector<16xi1>, vector<16xf32>
      %jit3A_1127 = arith.constant 61 : i32
      %broadcast_in_dim3A_1128 = vector.broadcast %jit3A_1127 : i32 to vector<16xi32>
      %select_n3A_1129 = arith.select %gt3A_1125, %broadcast_in_dim3A_1128, %select_n3A_1113 : vector<16xi1>, vector<16xi32>
      %get3A_1130 = tpu.memref_slice %arg6[%mul3A_151] : memref<32832xf32, #tpu.memory_space<vmem>> -> memref<32352xf32, #tpu.memory_space<vmem>>
      %get3A_1131 = arith.constant 31806 : index
      %get3A_1132 = tpu.vector_load %get3A_1130[%get3A_1131] {strides = array<i32>} : memref<32352xf32, #tpu.memory_space<vmem>>, vector<16xf32>,
      %gt3A_1133 = arith.cmpf ogt, %get3A_1132, %select_n3A_1118 : vector<16xf32>
      %select_n3A_1134 = arith.select %gt3A_1133, %get3A_1132, %select_n3A_1118 : vector<16xi1>, vector<16xf32>
      %jit3A_1135 = arith.constant 62 : i32
      %broadcast_in_dim3A_1136 = vector.broadcast %jit3A_1135 : i32 to vector<16xi32>
      %select_n3A_1137 = arith.select %gt3A_1133, %broadcast_in_dim3A_1136, %select_n3A_1121 : vector<16xi1>, vector<16xi32>
      %get3A_1138 = tpu.memref_slice %arg6[%mul3A_151] : memref<32832xf32, #tpu.memory_space<vmem>> -> memref<32352xf32, #tpu.memory_space<vmem>>
      %get3A_1139 = arith.constant 31822 : index
      %get3A_1140 = tpu.vector_load %get3A_1138[%get3A_1139] {strides = array<i32>} : memref<32352xf32, #tpu.memory_space<vmem>>, vector<16xf32>,
      %gt3A_1141 = arith.cmpf ogt, %get3A_1140, %select_n3A_1126 : vector<16xf32>
      %select_n3A_1142 = arith.select %gt3A_1141, %get3A_1140, %select_n3A_1126 : vector<16xi1>, vector<16xf32>
      %jit3A_1143 = arith.constant 62 : i32
      %broadcast_in_dim3A_1144 = vector.broadcast %jit3A_1143 : i32 to vector<16xi32>
      %select_n3A_1145 = arith.select %gt3A_1141, %broadcast_in_dim3A_1144, %select_n3A_1129 : vector<16xi1>, vector<16xi32>
      %get3A_1146 = tpu.memref_slice %arg6[%mul3A_151] : memref<32832xf32, #tpu.memory_space<vmem>> -> memref<32352xf32, #tpu.memory_space<vmem>>
      %get3A_1147 = arith.constant 32319 : index
      %get3A_1148 = tpu.vector_load %get3A_1146[%get3A_1147] {strides = array<i32>} : memref<32352xf32, #tpu.memory_space<vmem>>, vector<16xf32>,
      %gt3A_1149 = arith.cmpf ogt, %get3A_1148, %select_n3A_1134 : vector<16xf32>
      %select_n3A_1150 = arith.select %gt3A_1149, %get3A_1148, %select_n3A_1134 : vector<16xi1>, vector<16xf32>
      %jit3A_1151 = arith.constant 63 : i32
      %broadcast_in_dim3A_1152 = vector.broadcast %jit3A_1151 : i32 to vector<16xi32>
      %select_n3A_1153 = arith.select %gt3A_1149, %broadcast_in_dim3A_1152, %select_n3A_1137 : vector<16xi1>, vector<16xi32>
      %get3A_1154 = tpu.memref_slice %arg6[%mul3A_151] : memref<32832xf32, #tpu.memory_space<vmem>> -> memref<32352xf32, #tpu.memory_space<vmem>>
      %get3A_1155 = arith.constant 32335 : index
      %get3A_1156 = tpu.vector_load %get3A_1154[%get3A_1155] {strides = array<i32>} : memref<32352xf32, #tpu.memory_space<vmem>>, vector<16xf32>,
      %gt3A_1157 = arith.cmpf ogt, %get3A_1156, %select_n3A_1142 : vector<16xf32>
      %select_n3A_1158 = arith.select %gt3A_1157, %get3A_1156, %select_n3A_1142 : vector<16xi1>, vector<16xf32>
      %jit3A_1159 = arith.constant 63 : i32
      %broadcast_in_dim3A_1160 = vector.broadcast %jit3A_1159 : i32 to vector<16xi32>
      %select_n3A_1161 = arith.select %gt3A_1157, %broadcast_in_dim3A_1160, %select_n3A_1145 : vector<16xi1>, vector<16xi32>
      %add3A_1162 = arith.addi %mul3A_133, %select_n3A_1153 : vector<16xi32>
      tpu.vector_store_idx %arg7[%add3A_1162], %broadcast_in_dim3A_135 {add = true} : memref<1024xf32, #tpu.memory_space<vmem>>[vector<16xi32>], vector<16xf32>,
      %add3A_1163 = arith.addi %mul3A_133, %select_n3A_1161 : vector<16xi32>
      tpu.vector_store_idx %arg7[%add3A_1163], %broadcast_in_dim3A_135 {add = true} : memref<1024xf32, #tpu.memory_space<vmem>>[vector<16xi32>], vector<16xf32>,
    }
    %scan3A_148 = arith.constant 16 : i32
    "tpu.region"() ({
      %run_scoped3A = tpu.sem_alloc : memref<!tpu.dma_semaphore, #tpu.memory_space<semaphore_mem>>
      %dma_start3A = arith.constant 0 : i32
      %dma_start3A_149 = tpu.memref_slice %arg3[%add3A, %dma_start3A] : memref<32x1024xf32, #tpu.memory_space<hbm>> -> memref<1x1024xf32, #tpu.memory_space<hbm>>
      %dma_start3A_150 = tpu.memref_squeeze %dma_start3A_149 : memref<1x1024xf32, #tpu.memory_space<hbm>> -> memref<1024xf32, #tpu.memory_space<hbm>>
      %dma_start3A_151 = arith.constant 0 : i32
      %dma_start3A_152 = tpu.memref_slice %arg3[%add3A, %dma_start3A_151] : memref<32x1024xf32, #tpu.memory_space<hbm>> -> memref<1x1024xf32, #tpu.memory_space<hbm>>
      %dma_start3A_153 = tpu.memref_squeeze %dma_start3A_152 : memref<1x1024xf32, #tpu.memory_space<hbm>> -> memref<1024xf32, #tpu.memory_space<hbm>>
      tpu.enqueue_dma source(%arg7 : memref<1024xf32, #tpu.memory_space<vmem>>) target(%dma_start3A_153 : memref<1024xf32, #tpu.memory_space<hbm>>) target_semaphore(%run_scoped3A : memref<!tpu.dma_semaphore, #tpu.memory_space<semaphore_mem>>)
      %dma_wait3A = arith.constant 0 : i32
      %dma_wait3A_154 = tpu.memref_slice %arg3[%add3A, %dma_wait3A] : memref<32x1024xf32, #tpu.memory_space<hbm>> -> memref<1x1024xf32, #tpu.memory_space<hbm>>
      %dma_wait3A_155 = tpu.memref_squeeze %dma_wait3A_154 : memref<1x1024xf32, #tpu.memory_space<hbm>> -> memref<1024xf32, #tpu.memory_space<hbm>>
      %dma_wait3A_156 = arith.constant 0 : i32
      %dma_wait3A_157 = tpu.memref_slice %arg3[%add3A, %dma_wait3A_156] : memref<32x1024xf32, #tpu.memory_space<hbm>> -> memref<1x1024xf32, #tpu.memory_space<hbm>>
      %dma_wait3A_158 = tpu.memref_squeeze %dma_wait3A_157 : memref<1x1024xf32, #tpu.memory_space<hbm>> -> memref<1024xf32, #tpu.memory_space<hbm>>
      tpu.wait_dma2 semaphore(%run_scoped3A : memref<!tpu.dma_semaphore, #tpu.memory_space<semaphore_mem>>) src(%arg7 : memref<1024xf32, #tpu.memory_space<vmem>>) dst(%dma_wait3A_158 : memref<1024xf32, #tpu.memory_space<hbm>>)
      tpu.yield
    }) : () -> ()
    "tpu.region"() ({
      %run_scoped3A = tpu.sem_alloc : memref<!tpu.dma_semaphore, #tpu.memory_space<semaphore_mem>>
      %dma_start3A = arith.constant 0 : i32
      %dma_start3A_149 = arith.constant 0 : i32
      %dma_start3A_150 = tpu.memref_slice %arg4[%add3A, %dma_start3A, %dma_start3A_149] : memref<32x64x16xf32, #tpu.memory_space<hbm>> -> memref<1x64x16xf32, #tpu.memory_space<hbm>>
      %dma_start3A_151 = tpu.memref_squeeze %dma_start3A_150 : memref<1x64x16xf32, #tpu.memory_space<hbm>> -> memref<64x16xf32, #tpu.memory_space<hbm>>
      %dma_start3A_152 = arith.constant 0 : i32
      %dma_start3A_153 = arith.constant 0 : i32
      %dma_start3A_154 = tpu.memref_slice %arg4[%add3A, %dma_start3A_152, %dma_start3A_153] : memref<32x64x16xf32, #tpu.memory_space<hbm>> -> memref<1x64x16xf32, #tpu.memory_space<hbm>>
      %dma_start3A_155 = tpu.memref_squeeze %dma_start3A_154 : memref<1x64x16xf32, #tpu.memory_space<hbm>> -> memref<64x16xf32, #tpu.memory_space<hbm>>
      tpu.enqueue_dma source(%arg8 : memref<64x16xf32, #tpu.memory_space<vmem>>) target(%dma_start3A_155 : memref<64x16xf32, #tpu.memory_space<hbm>>) target_semaphore(%run_scoped3A : memref<!tpu.dma_semaphore, #tpu.memory_space<semaphore_mem>>)
      %dma_wait3A = arith.constant 0 : i32
      %dma_wait3A_156 = arith.constant 0 : i32
      %dma_wait3A_157 = tpu.memref_slice %arg4[%add3A, %dma_wait3A, %dma_wait3A_156] : memref<32x64x16xf32, #tpu.memory_space<hbm>> -> memref<1x64x16xf32, #tpu.memory_space<hbm>>
      %dma_wait3A_158 = tpu.memref_squeeze %dma_wait3A_157 : memref<1x64x16xf32, #tpu.memory_space<hbm>> -> memref<64x16xf32, #tpu.memory_space<hbm>>
      %dma_wait3A_159 = arith.constant 0 : i32
      %dma_wait3A_160 = arith.constant 0 : i32
      %dma_wait3A_161 = tpu.memref_slice %arg4[%add3A, %dma_wait3A_159, %dma_wait3A_160] : memref<32x64x16xf32, #tpu.memory_space<hbm>> -> memref<1x64x16xf32, #tpu.memory_space<hbm>>
      %dma_wait3A_162 = tpu.memref_squeeze %dma_wait3A_161 : memref<1x64x16xf32, #tpu.memory_space<hbm>> -> memref<64x16xf32, #tpu.memory_space<hbm>>
      tpu.wait_dma2 semaphore(%run_scoped3A : memref<!tpu.dma_semaphore, #tpu.memory_space<semaphore_mem>>) src(%arg8 : memref<64x16xf32, #tpu.memory_space<vmem>>) dst(%dma_wait3A_162 : memref<64x16xf32, #tpu.memory_space<hbm>>)
      tpu.yield
    }) : () -> ()
    return
  }
}

module attributes {stable_mosaic.version = 14 : i64} {
  func.func @_lambda_(%arg0: memref<32x1024xf32, #tpu.memory_space<vmem>>, %arg1: memref<32x64x16xf32, #tpu.memory_space<vmem>>, %arg2: memref<1x1xf32, #tpu.memory_space<smem>>) attributes {dimension_semantics = [], scalar_prefetch = 0 : i64, scratch_operands = 0 : i64, tpu.core_type = #tpu.core_type<tc>} {
    %get3A = arith.constant 0 : index
    %get3A_0 = arith.constant 0 : index
    %get3A_1 = vector.load %arg0[%get3A, %get3A_0] : memref<32x1024xf32, #tpu.memory_space<vmem>>, vector<32x1024xf32>
    %reduce_sum3A = arith.constant dense<0.000000e+00> : vector<1024xf32>
    %reduce_sum3A_2 = vector.multi_reduction <add>, %get3A_1, %reduce_sum3A [0] : vector<32x1024xf32> to vector<1024xf32>
    %get3A_3 = arith.constant 0 : index
    %get3A_4 = arith.constant 0 : index
    %get3A_5 = arith.constant 0 : index
    %get3A_6 = vector.load %arg1[%get3A_3, %get3A_4, %get3A_5] : memref<32x64x16xf32, #tpu.memory_space<vmem>>, vector<32x64x16xf32>
    %reduce_sum3A_7 = arith.constant dense<0.000000e+00> : vector<64x16xf32>
    %reduce_sum3A_8 = vector.multi_reduction <add>, %get3A_6, %reduce_sum3A_7 [0] : vector<32x64x16xf32> to vector<64x16xf32>
    %reduce_sum3A_9 = arith.constant dense<0.000000e+00> : vector<64xf32>
    %reduce_sum3A_10 = vector.multi_reduction <add>, %reduce_sum3A_8, %reduce_sum3A_9 [1] : vector<64x16xf32> to vector<64xf32>
    %tile3A = tpu.concatenate %reduce_sum3A_10, %reduce_sum3A_10, %reduce_sum3A_10, %reduce_sum3A_10, %reduce_sum3A_10, %reduce_sum3A_10, %reduce_sum3A_10, %reduce_sum3A_10, %reduce_sum3A_10, %reduce_sum3A_10, %reduce_sum3A_10, %reduce_sum3A_10, %reduce_sum3A_10, %reduce_sum3A_10, %reduce_sum3A_10, %reduce_sum3A_10 in 0 : vector<64xf32>, vector<64xf32>, vector<64xf32>, vector<64xf32>, vector<64xf32>, vector<64xf32>, vector<64xf32>, vector<64xf32>, vector<64xf32>, vector<64xf32>, vector<64xf32>, vector<64xf32>, vector<64xf32>, vector<64xf32>, vector<64xf32>, vector<64xf32> -> vector<1024xf32>
    %mul3A = arith.mulf %reduce_sum3A_2, %tile3A : vector<1024xf32>
    %reduce_sum3A_11 = vector.shape_cast %mul3A : vector<1024xf32> to vector<1x1024xf32>
    %reduce_sum3A_12 = arith.constant dense<0.000000e+00> : vector<1xf32>
    %reduce_sum3A_13 = vector.multi_reduction <add>, %reduce_sum3A_11, %reduce_sum3A_12 [1] : vector<1x1024xf32> to vector<1xf32>
    %reduce_sum3A_14 = vector.shape_cast %reduce_sum3A_13 : vector<1xf32> to vector<1x1xf32>
    %reduce_sum3A_15 = vector.extract %reduce_sum3A_14[0, 0] : f32 from vector<1x1xf32>
    %mul3A_16 = arith.constant 2.38418579E-7 : f32
    %mul3A_17 = arith.mulf %mul3A_16, %reduce_sum3A_15 : f32
    %swap3A = arith.constant 0 : index
    %swap3A_18 = arith.constant 0 : index
    %swap3A_19 = memref.load %arg2[%swap3A, %swap3A_18] : memref<1x1xf32, #tpu.memory_space<smem>>
    memref.store %mul3A_17, %arg2[%swap3A, %swap3A_18] : memref<1x1xf32, #tpu.memory_space<smem>>
    return
  }
}

</mosaic_0001>

<sc_bundles>
// kernel: kernel.4.cloned.1.call-start
scs
__scs_entry_jumppad:
0x0: {  	(pc) =	sbr.rel $0x88, $3  }
0x1: {  	(tag) =	ssettag $0x0;
	lr =	simm.s32 $0x1  }
0x2: {  	[smem:$0x3FA0] =	sst lr;
	_ =	strace $0xD0000000  }
0x3: {  	_ = 	snop  }
0x4: {  	_ = 	snop  }
0x5: {  	_ = 	snop  }
0x6: {  	_ = 	snop  }
0x7: {  	_ = 	snop  }
__scs_overlays_trampoline_lowered:
0x8: {  	[smem:$0x3FAF] =	sst s0  }
0x9: {  	[smem:$0x3FB0] =	sst s1  }
0xa: {  	[smem:$0x3FB1] =	sst s2  }
0xb: {  	[smem:$0x3FB2] =	sst s3  }
0xc: {  	[smem:$0x3FB3] =	sst s4  }
0xd: {  	[smem:$0x3FB4] =	sst s5  }
0xe: {  	[smem:$0x3FB5] =	sst s6  }
0xf: {  	[smem:$0x3FB6] =	sst s7  }
0x10: {  	[smem:$0x3FB7] =	sst s8  }
0x11: {  	[smem:$0x3FB8] =	sst s9;
	s0 =	simm.s32 @!p0 $0x0  }
0x12: {  	s1 =	sld [smem:$0x3F9E];
	s0 =	simm.s32 @p0 $0x1  }
0x13: {  	[smem:$0x3FB9] =	sst s0;
	s0 =	simm.s32 @!p1 $0x0  }
0x14: {  	s2 =	sld [smem:$0x3F9D];
	s0 =	simm.s32 @p1 $0x1  }
0x15: {  	[smem:$0x3FBA] =	sst s0;
	s0 =	simm.s32 @!p2 $0x0  }
0x16: {  	s3 =	sld [smem:$0x3FDB];
	s0 =	simm.s32 @p2 $0x1  }
0x17: {  	s4 =	simm.s32 $0x1BF5;
	[smem:$0x3FBC] =	sst s0  }
0x18: {  	s0 =	sld [smem:$0x3F9F];
	_ =	swait.ge [sflag:s4], $0x0  }
0x19: {  	s7 =	sld [smem:$0x3FA0]  }
0x1a: {  	s8 =	sadd.s32 $0xFFFFE003, lr  }
0x1b: {  	s9 =	sadd.s32 $0xFFFFFEF7, lr;
	s5 =	simm.s32 $0xFFFFFFFF;
	p2 =	slt.u32 s8, $0xFFFFF086  }
0x1c: {  	p1 =	slt.u32 s9, $0xF7A;
	s5 =	simm.s32 @!p2 $0x0  }
0x1d: {  	s5 =	simm.s32 @p1 $0x1;
	p0 =	seq.s32 s7, s2  }
0x1e: {  	s7 =	smul.u32 @!p0 $0xF7A, s2;
	p2 =	seq.s32 @!p0 s5, $0x0  }
0x1f: {  	s9 =	smul.u32 $0xF7A, s1;
	s8 =	simm.s32 @!p0 $0x1BF5;
	p2 =	por !p2, p0  }
0x20: {  	[sflag:s8] =	ssyncset.s32 @!p0 $0xFFFFF086;
	s6 =	sadd.s32 @!p0 s3, s7;
	s7 =	simm.s32 @!p0 $0x108  }
0x21: {  	s3 =	sadd.s32 s3, s9;
	s6 =	sadd.s32 @!p0 $0x88, s6;
	s7 =	simm.s32 @p2 $0x1082  }
0x22: {  	[simem:s7], [sflag:s8] =	dma.local @!p0 [hbm:s6], $0xF7A  }
0x23: {  	s9 =	sor.u32 $0xD0000000, s2;
	s6 =	simm.s32 $0x108;
	_ =	swait.ge @!p0 [sflag:s8], $0x0  }
0x24: {  	s3 =	sadd.s32 $0x88, s3;
	s6 =	simm.s32 @!p1 $0x1082;
	[sflag:s4] =	ssyncset.s32 $0xFFFFF086  }
0x25: {  	[simem:s6], [sflag:s4] =	dma.local [hbm:s3], $0xF7A  }
0x26: {  	[smem:$0x3FA0] =	sst s1;
	(tag) =	ssettag s2;
	_ =	strace s9  }
0x27: {  	s1 =	sld [smem:$0x3FB0]  }
0x28: {  	s2 =	sld [smem:$0x3FB1]  }
0x29: {  	s4 =	sld [smem:$0x3FB3]  }
0x2a: {  	p0 =	seq.s32 s5, $0x0;
	s5 =	sld [smem:$0x3FB4]  }
0x2b: {  	s6 =	sld [smem:$0x3FB5]  }
0x2c: {  	s7 =	sld [smem:$0x3FB6]  }
0x2d: {  	s3 =	simm.s32 $0x108;
	s8 =	sld [smem:$0x3FB7]  }
0x2e: {  	s3 =	simm.s32 @!p0 $0x1082;
	s9 =	sld [smem:$0x3FB8]  }
0x2f: {  	lr =	sadd.s32 s0, s3;
	s0 =	sld [smem:$0x3FAF]  }
0x30: {  	s3 =	sld [smem:$0x3FB2]  }
0x31: {  	[smem:$0x3FBB] =	sst s10  }
0x32: {  	s10 =	sld [smem:$0x3FB9];
	_ =	sdelay $0x3  }
0x33: {  	p0 =	seq.s32 s10, $0x1;
	s10 =	sld [smem:$0x3FBB];
	_ =	sdelay $0x3  }
0x34: {  	[smem:$0x3FBB] =	sst s10  }
0x35: {  	s10 =	sld [smem:$0x3FBA];
	_ =	sdelay $0x3  }
0x36: {  	p1 =	seq.s32 s10, $0x1;
	s10 =	sld [smem:$0x3FBB];
	_ =	sdelay $0x3  }
0x37: {  	[smem:$0x3FBB] =	sst s10  }
0x38: {  	s10 =	sld [smem:$0x3FBC]  }
0x39: {  	_ = 	snop;
	(pc) =	sbr.ind lr, $3  }
0x3a: {  	_ = 	snop  }
0x3b: {  	_ = 	snop  }
0x3c: {  	p2 =	seq.s32 s10, $0x1;
	s10 =	sld [smem:$0x3FBB]  }
0x3d: {  	_ =	shalt  }
0x3e: {  	_ =	shalt  }
0x3f: {  	_ =	shalt  }
0x40: {  	_ =	shalt  }
0x41: {  	_ =	shalt  }
0x42: {  	_ =	shalt  }
0x43: {  	_ =	shalt  }
0x44: {  	_ =	shalt  }
0x45: {  	_ =	shalt  }
0x46: {  	_ =	shalt  }
0x47: {  	_ =	shalt  }
0x48: {  	_ =	shalt  }
0x49: {  	_ =	shalt  }
0x4a: {  	_ =	shalt  }
0x4b: {  	_ =	shalt  }
0x4c: {  	_ =	shalt  }
0x4d: {  	_ =	shalt  }
0x4e: {  	_ =	shalt  }
0x4f: {  	_ =	shalt  }
0x50: {  	_ =	shalt  }
0x51: {  	_ =	shalt  }
0x52: {  	_ =	shalt  }
0x53: {  	_ =	shalt  }
0x54: {  	_ =	shalt  }
0x55: {  	_ =	shalt  }
0x56: {  	_ =	shalt  }
0x57: {  	_ =	shalt  }
0x58: {  	_ =	shalt  }
0x59: {  	_ =	shalt  }
0x5a: {  	_ =	shalt  }
0x5b: {  	_ =	shalt  }
0x5c: {  	_ =	shalt  }
0x5d: {  	_ =	shalt  }
0x5e: {  	_ =	shalt  }
0x5f: {  	_ =	shalt  }
0x60: {  	_ =	shalt  }
0x61: {  	_ =	shalt  }
0x62: {  	_ =	shalt  }
0x63: {  	_ =	shalt  }
0x64: {  	_ =	shalt  }
0x65: {  	_ =	shalt  }
0x66: {  	_ =	shalt  }
0x67: {  	_ =	shalt  }
0x68: {  	_ =	shalt  }
0x69: {  	_ =	shalt  }
0x6a: {  	_ =	shalt  }
0x6b: {  	_ =	shalt  }
0x6c: {  	_ =	shalt  }
0x6d: {  	_ =	shalt  }
0x6e: {  	_ =	shalt  }
0x6f: {  	_ =	shalt  }
0x70: {  	_ =	shalt  }
0x71: {  	_ =	shalt  }
0x72: {  	_ =	shalt  }
0x73: {  	_ =	shalt  }
0x74: {  	_ =	shalt  }
0x75: {  	_ =	shalt  }
0x76: {  	_ =	shalt  }
0x77: {  	_ =	shalt  }
0x78: {  	_ =	shalt  }
0x79: {  	_ =	shalt  }
0x7a: {  	_ =	shalt  }
0x7b: {  	_ =	shalt  }
0x7c: {  	_ =	shalt  }
0x7d: {  	_ =	shalt  }
0x7e: {  	_ =	shalt  }
0x7f: {  	_ =	shalt  }
0x80: {  	_ =	shalt  }
0x81: {  	_ =	shalt  }
0x82: {  	_ =	shalt  }
0x83: {  	_ =	shalt  }
0x84: {  	_ =	shalt  }
0x85: {  	_ =	shalt  }
0x86: {  	_ =	shalt  }
0x87: {  	_ =	shalt  }
.Lfunc_end0:
.L_simem_size_0:
called_computation_lowered:
.L_overlay_start_0:
0x88: {  	s2 =	sld [smem:$0x3FD9]  }
0x89: {  	s3 =	sld [smem:$0x3FFE];
	_ =	sdelay $0x1  }
0x8a: {  	s1 =	srdreg.scid  }
0x8b: {  	s0 =	sand.u32 $0x1, s1  }
0x8c: {  	s17 =	sshll.u32 s0, $0xA;
	s2 =	sadd.s32 s3, s2  }
0x8d: {  	s2 =	sadd.s32 s2, s17  }
0x8e: {  	[smem:$0x3FC7] =	sst s2  }
0x8f: {  	_ = 	snop  }
0x90: {  	s2 =	sld [smem:$0x3FC9];
	(tm) =	ssettm $0x1  }
0x91: {  	s18 =	sld [smem:$0x3FFB];
	_ =	sdelay $0x3  }
0x92: {  	_ =	strace s18  }
0x93: {  	s3 =	sld [smem:$0x3FFC];
	_ =	sdelay $0x3  }
0x94: {  	_ =	strace s3  }
0x95: {  	s3 =	sld [smem:$0x3FFD];
	_ =	sdelay $0x3  }
0x96: {  	_ =	strace s3  }
0x97: {  	_ =	strace $0x8FFFFFFF  }
0x98: {  	s19 =	sld [smem:$0x3FDB];
	_ =	sdelay $0x1  }
0x99: {  	s4 =	simm.s32 $_scs_section_size  }
0x9a: {  	s5 =	simm.s32 $_size__tile_overlayer_lowered;
	s6 =	simm.s32 $_tile_overlayer_lowered  }
0x9b: {  	s22 =	simm.s32 $0x1BFF;
	s21 =	sshll.u32 s6, $0x1;
	s3 =	sadd.s32 s4, s19  }
0x9c: {  	s7 =	simm.s32 $0x0;
	s20 =	sshll.u32 s5, $0x1;
	s5 =	sadd.s32 s21, s3  }
0x9d: {  	[timem:s7], [sflag:s22] =	dma.local [hbm:s5], s20  }
0x9e: {  	_ =	swait.ge [sflag:s22], s20  }
0x9f: {  	s4 =	ssub.s32 $0x0, s20;
	[sflag:s22] =	ssyncset.done $0x0  }
0xa0: {  	[sflag:s22] =	ssyncadd.s32 s4;
	_ =	sdelay $0x1  }
0xa1: {  	s23 =	simm.s32 $0x1B8B  }
0xa2: {  	_ =	swait.ge [sflag:s23], $0x1  }
0xa3: {  	[sflag:s23] =	ssyncset.done $0x0  }
0xa4: {  	s25 =	simm.s32 $0x1B8E;
	s24 =	sld [smem:$0x3FFE];
	[sflag:s23] =	ssyncadd.s32 $0xFFFFFFFF  }
0xa5: {  	s26 =	simm.s32 $execute0_lowered;
	[smem:$0x3FD2] =	sst s25  }
0xa6: {  	s5 =	sshll.u32 s26, $0x1;
	_ =	strace $0x80000046;
	[dreg:$0x1] =	wrdreg $0xFFFFFFFF  }
0xa7: {  	s28 =	simm.s32 $_size_execute0_lowered;
	s3 =	sadd.s32 s3, s5;
	[dreg:$0x0] =	wrdreg $0x0  }
0xa8: {  	s5 =	sshll.u32 s28, $0x1;
	[dreg:$0x2] =	wrdreg s3  }
0xa9: {  	[dreg:$0x3] =	wrdreg s5  }
0xaa: {  	[dreg:$0x4] =	wrdreg $0xC0  }
0xab: {  	_ =	task [dreg:s7], $0x5FFFF  }
0xac: {  	[dreg:$0x1] =	wrdreg $0xFFFFFFFF  }
0xad: {  	[dreg:$0x0] =	wrdreg $0x60  }
0xae: {  	[dreg:$0x2] =	wrdreg s2  }
0xaf: {  	[dreg:$0x3] =	wrdreg s24  }
0xb0: {  	[dreg:$0x4] =	wrdreg $0x9  }
0xb1: {  	_ =	task.clear_ibuf [dreg:s7], $0x5FFFF;
	_ =	strace $0x90000046  }
0xb2: {  	s29 =	simm.s32 $0x9;
	_ =	strace $0x80000048  }
0xb3: {  	_ =	swait.ge [sflag:s29], $0x1  }
0xb4: {  	[sflag:s29] =	ssyncadd.s32 $0xFFFFFFFF  }
0xb5: {  	_ =	strace $0x90000048  }
0xb6: {  	_ =	sfence  }
0xb7: {  	s30 =	sld [smem:$0x0];
	_ =	sdelay $0x2  }
0xb8: {  	s31 =	sshll.u32 s1, $0xD;
	s1 =	sshrl.u32 s1, $0x2  }
0xb9: {  	s3 =	sand.u32 $0x4000, s31;
	s1 =	sadd.s32 s1, s30  }
0xba: {  	s0 =	sor.u32 s3, s0;
	s1 =	sshll.u32 s1, $0x11  }
0xbb: {  	s0 =	sor.u32 s1, s0  }
0xbc: {  	s0 =	sadd.s32 $0x8F2B, s0  }
0xbd: {  	[sflag:s0] =	ssyncadd.remote.s32 $0x1  }
0xbe: {  	_ =	sfence.sel $0xFFFF  }
0xbf: {  	[dreg:$0x0] =	wrdreg $0xFFFFFFFF;
	(pc) =	sbr.abs _section_cstart, $3  }
0xc0: {  	[dreg:$0x1] =	wrdreg $0xFFFFFFFF  }
0xc1: {  	_ =	task.clear_ibuf [dreg:s7], $0x2FFFF;
	_ =	strace $0x9FFFFFFF  }
0xc2: {  	(tm) =	ssettm $0x7FFFFFFF  }
0xc3: {  	_ =	shalt  }
tec
execute0_lowered:
.L_overlay_start_1:
0x0: {  	(tag) =	ssettag $0x1  }
0x1: {  	s1 =	srdreg.scid;
	s5 =	rddreg [dreg:$0x0]  }
0x2: {  	s0 =	stileid.u32;
	s7 =	rddreg [dreg:$0x1]  }
0x3: {  	s2 =	simm.s32 $0x0;
	s10 =	simm.s32 $0x10080;
	s11 =	simm.s32 $0x80  }
0x4: {  	s12 =	simm.s32 $0x400;
	s3 =	sand.u32 $0x1, s1;
	s29 =	sshll.u32 s0, $0x1  }
0x5: {  	s13 =	simm.s32 $0x10480;
	s14 =	simm.s32 $0x0;
	s4 =	sor.u32 s3, s29  }
0x6: {  	[smem:$0x7FF] =	sst s2;
	s3 =	ssub.s32 $0x2, s3;
	s6 =	sshll.u32 s4, $0xA  }
0x7: {  	s1 =	sshll.u32 s4, $0x7;
	s9 =	sshrl.u32 s3, $0x1;
	s31 =	sshll.u32 s4, $0x9  }
0x8: {  	s8 =	sor.u32 s1, s6;
	s1 =	rddreg [dreg:$0x2];
	_ =	strace $0x80000047  }
0x9: {  	s6 =	sadd.s32 s6, s7;
	s30 =	ssub.s32 s3, s9;
	s8 =	sand.u32 $0x6380, s8  }
0xa: {  	s3 =	sadd.s32 s5, s31;
	s9 =	simm.s32 $0x1;
	s8 =	sshrl.u32 s8, $0x3  }
0xb: {  	v0 =	vlaneseq.u32;
	s5 =	sadd.s32 $0xC00, s6;
	s6 =	smax.u32 s30, $0x1;
	s8 =	sadd.s32 s8, s7  }
0xc: {  	v1 =	vmul.u32 $0x40, v0;
	s7 =	simm.s32 $0x1000;
	s4 =	sadd.s32 $0x8C00, s8;
	s8 =	simm.s32 $0x20000  }
.LBB2_1:
0xd: {  	[tilespmem:s2], [sflag:$0x1] =	stream.strided.gather [hbm4b:s3+s7], $0x8000, s8, s7, $0x38;
	[tilespmem:$0x12480] =	vst v63  }
0xe: {  	_ =	swait.ge [sflag:s9], $0x8000  }
0xf: {  	[sflag:s9] =	ssyncset.done $0x0  }
0x10: {  	v0 =	vimm.f32 $0.0e+00;
	[sflag:s9] =	ssyncadd.s32 $0xFFFF8000  }
0x11: {  	[tilespmem:$0x10080] =	vst v0  }
0x12: {  	[tilespmem:$0x10090] =	vst v0  }
0x13: {  	[tilespmem:$0x100A0] =	vst v0  }
0x14: {  	[tilespmem:$0x100B0] =	vst v0  }
0x15: {  	[tilespmem:$0x100C0] =	vst v0  }
0x16: {  	[tilespmem:$0x100D0] =	vst v0  }
0x17: {  	[tilespmem:$0x100E0] =	vst v0  }
0x18: {  	[tilespmem:$0x100F0] =	vst v0  }
0x19: {  	[tilespmem:$0x10100] =	vst v0  }
0x1a: {  	[tilespmem:$0x10110] =	vst v0  }
0x1b: {  	[tilespmem:$0x10120] =	vst v0  }
0x1c: {  	[tilespmem:$0x10130] =	vst v0  }
0x1d: {  	[tilespmem:$0x10140] =	vst v0  }
0x1e: {  	[tilespmem:$0x10150] =	vst v0  }
0x1f: {  	[tilespmem:$0x10160] =	vst v0  }
0x20: {  	[tilespmem:$0x10170] =	vst v0  }
0x21: {  	[tilespmem:$0x10180] =	vst v0  }
0x22: {  	[tilespmem:$0x10190] =	vst v0  }
0x23: {  	[tilespmem:$0x101A0] =	vst v0  }
0x24: {  	[tilespmem:$0x101B0] =	vst v0  }
0x25: {  	[tilespmem:$0x101C0] =	vst v0  }
0x26: {  	[tilespmem:$0x101D0] =	vst v0  }
0x27: {  	[tilespmem:$0x101E0] =	vst v0  }
0x28: {  	[tilespmem:$0x101F0] =	vst v0  }
0x29: {  	[tilespmem:$0x10200] =	vst v0  }
0x2a: {  	[tilespmem:$0x10210] =	vst v0  }
0x2b: {  	[tilespmem:$0x10220] =	vst v0  }
0x2c: {  	[tilespmem:$0x10230] =	vst v0  }
0x2d: {  	[tilespmem:$0x10240] =	vst v0  }
0x2e: {  	[tilespmem:$0x10250] =	vst v0  }
0x2f: {  	[tilespmem:$0x10260] =	vst v0  }
0x30: {  	[tilespmem:$0x10270] =	vst v0  }
0x31: {  	[tilespmem:$0x10280] =	vst v0  }
0x32: {  	[tilespmem:$0x10290] =	vst v0  }
0x33: {  	[tilespmem:$0x102A0] =	vst v0  }
0x34: {  	[tilespmem:$0x102B0] =	vst v0  }
0x35: {  	[tilespmem:$0x102C0] =	vst v0  }
0x36: {  	[tilespmem:$0x102D0] =	vst v0  }
0x37: {  	[tilespmem:$0x102E0] =	vst v0  }
0x38: {  	[tilespmem:$0x102F0] =	vst v0  }
0x39: {  	[tilespmem:$0x10300] =	vst v0  }
0x3a: {  	[tilespmem:$0x10310] =	vst v0  }
0x3b: {  	[tilespmem:$0x10320] =	vst v0  }
0x3c: {  	[tilespmem:$0x10330] =	vst v0  }
0x3d: {  	[tilespmem:$0x10340] =	vst v0  }
0x3e: {  	[tilespmem:$0x10350] =	vst v0  }
0x3f: {  	[tilespmem:$0x10360] =	vst v0  }
0x40: {  	[tilespmem:$0x10370] =	vst v0  }
0x41: {  	[tilespmem:$0x10380] =	vst v0  }
0x42: {  	[tilespmem:$0x10390] =	vst v0  }
0x43: {  	[tilespmem:$0x103A0] =	vst v0  }
0x44: {  	[tilespmem:$0x103B0] =	vst v0  }
0x45: {  	[tilespmem:$0x103C0] =	vst v0  }
0x46: {  	[tilespmem:$0x103D0] =	vst v0  }
0x47: {  	[tilespmem:$0x103E0] =	vst v0  }
0x48: {  	[tilespmem:$0x103F0] =	vst v0  }
0x49: {  	[tilespmem:$0x10400] =	vst v0  }
0x4a: {  	[tilespmem:$0x10410] =	vst v0  }
0x4b: {  	[tilespmem:$0x10420] =	vst v0  }
0x4c: {  	[tilespmem:$0x10430] =	vst v0  }
0x4d: {  	[tilespmem:$0x10440] =	vst v0  }
0x4e: {  	[tilespmem:$0x10450] =	vst v0  }
0x4f: {  	[tilespmem:$0x10460] =	vst v0  }
0x50: {  	s15 =	simm.s32 $0x0;
	[tilespmem:$0x10470] =	vst v0  }
.LBB2_2:
0x51: {  	s16 =	sshll.u32 s15, $0xC  }
0x52: {  	s17 =	sand.u32 $0x3FFFF000, s16  }
0x53: {  	v0 =	vld [tilespmem:s17+$0x0]  }
0x54: {  	v2 =	vld [tilespmem:s17+$0x10]  }
0x55: {  	v3 =	vld [tilespmem:s17+$0x20]  }
0x56: {  	v4 =	vld [tilespmem:s17+$0x30]  }
0x57: {  	s31 =	smul.u32 $0x4020, s15;
	v5 =	vld [tilespmem:s17+$0x40]  }
0x58: {  	v6 =	vld [tilespmem:s17+$0x50]  }
0x59: {  	v7 =	vld [tilespmem:s17+$0x60];
	s16 =	sshra.s32 s31, $0x2;
	v9 =	vadd.f32 v2, v0  }
0x5a: {  	v8 =	vld [tilespmem:s17+$0x70];
	[tilespmem:s16+$0x8000] =	vst v0  }
0x5b: {  	[tilespmem:s16+$0x8010] =	vst v2;
	v0 =	vadd.f32 v3, v9  }
0x5c: {  	[tilespmem:s16+$0x8020] =	vst v3  }
0x5d: {  	[tilespmem:s16+$0x8030] =	vst v4;
	v0 =	vadd.f32 v4, v0  }
0x5e: {  	[tilespmem:s16+$0x8040] =	vst v5  }
0x5f: {  	[tilespmem:s16+$0x8050] =	vst v6;
	v0 =	vadd.f32 v5, v0  }
0x60: {  	[tilespmem:s16+$0x8060] =	vst v7  }
0x61: {  	[tilespmem:s16+$0x8070] =	vst v8;
	v0 =	vadd.f32 v6, v0  }
0x62: {  	v2 =	vld [tilespmem:s17+$0x400]  }
0x63: {  	v0 =	vadd.f32 v7, v0  }
0x64: {  	v3 =	vld [tilespmem:s17+$0x410]  }
0x65: {  	v57 =	vld [tilespmem:s17+$0x430];
	v0 =	vadd.f32 v8, v0  }
0x66: {  	v4 =	vld [tilespmem:s17+$0x420]  }
0x67: {  	v58 =	vld [tilespmem:s17+$0x440];
	v0 =	vadd.f32 v2, v0  }
0x68: {  	v59 =	vld [tilespmem:s17+$0x450]  }
0x69: {  	v60 =	vld [tilespmem:s17+$0x460];
	v0 =	vadd.f32 v3, v0  }
0x6a: {  	v61 =	vld [tilespmem:s17+$0x470];
	[tilespmem:s16+$0x8080] =	vst v2  }
0x6b: {  	[tilespmem:s16+$0x80B0] =	vst v57;
	v0 =	vadd.f32 v4, v0  }
0x6c: {  	[tilespmem:s16+$0x8090] =	vst v3  }
0x6d: {  	[tilespmem:s16+$0x80A0] =	vst v4;
	v0 =	vadd.f32 v57, v0  }
0x6e: {  	[tilespmem:s16+$0x80C0] =	vst v58  }
0x6f: {  	[tilespmem:s16+$0x80D0] =	vst v59;
	v0 =	vadd.f32 v58, v0  }
0x70: {  	[tilespmem:s16+$0x80E0] =	vst v60  }
0x71: {  	[tilespmem:s16+$0x80F0] =	vst v61;
	v0 =	vadd.f32 v59, v0  }
0x72: {  	v2 =	vld [tilespmem:s17+$0x800]  }
0x73: {  	v5 =	vld [tilespmem:s17+$0x830];
	v0 =	vadd.f32 v60, v0  }
0x74: {  	v3 =	vld [tilespmem:s17+$0x810]  }
0x75: {  	v62 =	vld [tilespmem:s17+$0x840];
	v0 =	vadd.f32 v61, v0  }
0x76: {  	v4 =	vld [tilespmem:s17+$0x820]  }
0x77: {  	v63 =	vld [tilespmem:s17+$0x850];
	v0 =	vadd.f32 v2, v0  }
0x78: {  	v12 =	vld [tilespmem:s17+$0x860]  }
0x79: {  	v13 =	vld [tilespmem:s17+$0x870];
	v0 =	vadd.f32 v3, v0  }
0x7a: {  	[tilespmem:s16+$0x8130] =	vst v5  }
0x7b: {  	[tilespmem:s16+$0x8140] =	vst v62;
	v0 =	vadd.f32 v4, v0  }
0x7c: {  	[tilespmem:s16+$0x8150] =	vst v63  }
0x7d: {  	[tilespmem:s16+$0x8160] =	vst v12;
	v0 =	vadd.f32 v5, v0  }
0x7e: {  	[tilespmem:s16+$0x8170] =	vst v13  }
0x7f: {  	[tilespmem:s16+$0x8100] =	vst v2;
	v0 =	vadd.f32 v62, v0  }
0x80: {  	[tilespmem:s16+$0x8110] =	vst v3  }
0x81: {  	[tilespmem:s16+$0x8120] =	vst v4;
	v0 =	vadd.f32 v63, v0  }
0x82: {  	v2 =	vld [tilespmem:s17+$0xC00]  }
0x83: {  	v0 =	vadd.f32 v12, v0  }
0x84: {  	v3 =	vld [tilespmem:s17+$0xC10]  }
0x85: {  	v0 =	vadd.f32 v13, v0  }
0x86: {  	v4 =	vld [tilespmem:s17+$0xC20]  }
0x87: {  	v0 =	vadd.f32 v2, v0  }
0x88: {  	v5 =	vld [tilespmem:s17+$0xC30]  }
0x89: {  	v0 =	vadd.f32 v3, v0  }
0x8a: {  	v14 =	vld [tilespmem:s17+$0xC40]  }
0x8b: {  	v0 =	vadd.f32 v4, v0  }
0x8c: {  	v15 =	vld [tilespmem:s17+$0xC50]  }
0x8d: {  	v16 =	vld [tilespmem:s17+$0xC60];
	v0 =	vadd.f32 v5, v0  }
0x8e: {  	v17 =	vld [tilespmem:s17+$0xC70]  }
0x8f: {  	[tilespmem:s16+$0x8180] =	vst v2;
	v0 =	vadd.f32 v14, v0  }
0x90: {  	[tilespmem:s16+$0x81C0] =	vst v14  }
0x91: {  	[tilespmem:s16+$0x81D0] =	vst v15;
	v0 =	vadd.f32 v15, v0  }
0x92: {  	[tilespmem:s16+$0x81E0] =	vst v16  }
0x93: {  	[tilespmem:s16+$0x81F0] =	vst v17;
	v0 =	vadd.f32 v16, v0  }
0x94: {  	[tilespmem:s16+$0x8190] =	vst v3  }
0x95: {  	s18 =	sshll.u32 s15, $0xA;
	[tilespmem:s16+$0x81A0] =	vst v4;
	v0 =	vadd.f32 v17, v0  }
0x96: {  	s18 =	sand.u32 $0x3FFFFC00, s18;
	[tilespmem:s16+$0x81B0] =	vst v5  }
0x97: {  	[tilespmem:s18+$0x10480] =	vst v0  }
0x98: {  	v0 =	vld [tilespmem:s17+$0x80]  }
0x99: {  	v2 =	vld [tilespmem:s17+$0x90]  }
0x9a: {  	v3 =	vld [tilespmem:s17+$0xA0]  }
0x9b: {  	v4 =	vld [tilespmem:s17+$0xB0]  }
0x9c: {  	v5 =	vld [tilespmem:s17+$0xC0]  }
0x9d: {  	v6 =	vld [tilespmem:s17+$0xD0]  }
0x9e: {  	v7 =	vld [tilespmem:s17+$0xE0];
	v18 =	vadd.f32 v2, v0  }
0x9f: {  	v8 =	vld [tilespmem:s17+$0xF0];
	[tilespmem:s16+$0x8201] =	vst v0  }
0xa0: {  	[tilespmem:s16+$0x8211] =	vst v2;
	v0 =	vadd.f32 v3, v18  }
0xa1: {  	[tilespmem:s16+$0x8221] =	vst v3  }
0xa2: {  	[tilespmem:s16+$0x8231] =	vst v4;
	v0 =	vadd.f32 v4, v0  }
0xa3: {  	[tilespmem:s16+$0x8241] =	vst v5  }
0xa4: {  	[tilespmem:s16+$0x8251] =	vst v6;
	v0 =	vadd.f32 v5, v0  }
0xa5: {  	[tilespmem:s16+$0x8261] =	vst v7  }
0xa6: {  	[tilespmem:s16+$0x8271] =	vst v8;
	v0 =	vadd.f32 v6, v0  }
0xa7: {  	v2 =	vld [tilespmem:s17+$0x480]  }
0xa8: {  	v0 =	vadd.f32 v7, v0  }
0xa9: {  	v3 =	vld [tilespmem:s17+$0x490]  }
0xaa: {  	v19 =	vld [tilespmem:s17+$0x4B0];
	v0 =	vadd.f32 v8, v0  }
0xab: {  	v4 =	vld [tilespmem:s17+$0x4A0]  }
0xac: {  	v20 =	vld [tilespmem:s17+$0x4C0];
	v0 =	vadd.f32 v2, v0  }
0xad: {  	v21 =	vld [tilespmem:s17+$0x4D0]  }
0xae: {  	v22 =	vld [tilespmem:s17+$0x4E0];
	v0 =	vadd.f32 v3, v0  }
0xaf: {  	v23 =	vld [tilespmem:s17+$0x4F0];
	[tilespmem:s16+$0x8281] =	vst v2  }
0xb0: {  	[tilespmem:s16+$0x82B1] =	vst v19;
	v0 =	vadd.f32 v4, v0  }
0xb1: {  	[tilespmem:s16+$0x82C1] =	vst v20  }
0xb2: {  	[tilespmem:s16+$0x82D1] =	vst v21;
	v0 =	vadd.f32 v19, v0  }
0xb3: {  	[tilespmem:s16+$0x82E1] =	vst v22  }
0xb4: {  	[tilespmem:s16+$0x82F1] =	vst v23;
	v0 =	vadd.f32 v20, v0  }
0xb5: {  	[tilespmem:s16+$0x8291] =	vst v3  }
0xb6: {  	[tilespmem:s16+$0x82A1] =	vst v4;
	v0 =	vadd.f32 v21, v0  }
0xb7: {  	v2 =	vld [tilespmem:s17+$0x880]  }
0xb8: {  	v5 =	vld [tilespmem:s17+$0x8B0];
	v0 =	vadd.f32 v22, v0  }
0xb9: {  	v3 =	vld [tilespmem:s17+$0x890]  }
0xba: {  	v24 =	vld [tilespmem:s17+$0x8C0];
	v0 =	vadd.f32 v23, v0  }
0xbb: {  	v4 =	vld [tilespmem:s17+$0x8A0]  }
0xbc: {  	v25 =	vld [tilespmem:s17+$0x8D0];
	v0 =	vadd.f32 v2, v0  }
0xbd: {  	v26 =	vld [tilespmem:s17+$0x8E0]  }
0xbe: {  	v27 =	vld [tilespmem:s17+$0x8F0];
	v0 =	vadd.f32 v3, v0  }
0xbf: {  	[tilespmem:s16+$0x8331] =	vst v5  }
0xc0: {  	[tilespmem:s16+$0x8341] =	vst v24;
	v0 =	vadd.f32 v4, v0  }
0xc1: {  	[tilespmem:s16+$0x8351] =	vst v25  }
0xc2: {  	[tilespmem:s16+$0x8361] =	vst v26;
	v0 =	vadd.f32 v5, v0  }
0xc3: {  	[tilespmem:s16+$0x8371] =	vst v27  }
0xc4: {  	[tilespmem:s16+$0x8301] =	vst v2;
	v0 =	vadd.f32 v24, v0  }
0xc5: {  	[tilespmem:s16+$0x8311] =	vst v3  }
0xc6: {  	[tilespmem:s16+$0x8321] =	vst v4;
	v0 =	vadd.f32 v25, v0  }
0xc7: {  	v2 =	vld [tilespmem:s17+$0xC80]  }
0xc8: {  	v0 =	vadd.f32 v26, v0  }
0xc9: {  	v3 =	vld [tilespmem:s17+$0xC90]  }
0xca: {  	v0 =	vadd.f32 v27, v0  }
0xcb: {  	v4 =	vld [tilespmem:s17+$0xCA0]  }
0xcc: {  	v0 =	vadd.f32 v2, v0  }
0xcd: {  	v5 =	vld [tilespmem:s17+$0xCB0]  }
0xce: {  	v0 =	vadd.f32 v3, v0  }
0xcf: {  	v28 =	vld [tilespmem:s17+$0xCC0]  }
0xd0: {  	v0 =	vadd.f32 v4, v0  }
0xd1: {  	v29 =	vld [tilespmem:s17+$0xCD0]  }
0xd2: {  	v30 =	vld [tilespmem:s17+$0xCE0];
	v0 =	vadd.f32 v5, v0  }
0xd3: {  	v31 =	vld [tilespmem:s17+$0xCF0]  }
0xd4: {  	[tilespmem:s16+$0x8381] =	vst v2;
	v0 =	vadd.f32 v28, v0  }
0xd5: {  	[tilespmem:s16+$0x83C1] =	vst v28  }
0xd6: {  	[tilespmem:s16+$0x83D1] =	vst v29;
	v0 =	vadd.f32 v29, v0  }
0xd7: {  	[tilespmem:s16+$0x83E1] =	vst v30  }
0xd8: {  	[tilespmem:s16+$0x83F1] =	vst v31;
	v0 =	vadd.f32 v30, v0  }
0xd9: {  	[tilespmem:s16+$0x8391] =	vst v3  }
0xda: {  	[tilespmem:s16+$0x83A1] =	vst v4;
	v0 =	vadd.f32 v31, v0  }
0xdb: {  	[tilespmem:s16+$0x83B1] =	vst v5  }
0xdc: {  	[tilespmem:s18+$0x10500] =	vst v0  }
0xdd: {  	v0 =	vld [tilespmem:s17+$0x100]  }
0xde: {  	v2 =	vld [tilespmem:s17+$0x110]  }
0xdf: {  	v3 =	vld [tilespmem:s17+$0x120]  }
0xe0: {  	v4 =	vld [tilespmem:s17+$0x130]  }
0xe1: {  	v5 =	vld [tilespmem:s17+$0x140]  }
0xe2: {  	v6 =	vld [tilespmem:s17+$0x150]  }
0xe3: {  	v7 =	vld [tilespmem:s17+$0x160];
	v32 =	vadd.f32 v2, v0  }
0xe4: {  	v8 =	vld [tilespmem:s17+$0x170];
	[tilespmem:s16+$0x8402] =	vst v0  }
0xe5: {  	[tilespmem:s16+$0x8412] =	vst v2;
	v0 =	vadd.f32 v3, v32  }
0xe6: {  	[tilespmem:s16+$0x8422] =	vst v3  }
0xe7: {  	[tilespmem:s16+$0x8432] =	vst v4;
	v0 =	vadd.f32 v4, v0  }
0xe8: {  	[tilespmem:s16+$0x8442] =	vst v5  }
0xe9: {  	[tilespmem:s16+$0x8452] =	vst v6;
	v0 =	vadd.f32 v5, v0  }
0xea: {  	[tilespmem:s16+$0x8462] =	vst v7  }
0xeb: {  	[tilespmem:s16+$0x8472] =	vst v8;
	v0 =	vadd.f32 v6, v0  }
0xec: {  	v2 =	vld [tilespmem:s17+$0x500]  }
0xed: {  	v0 =	vadd.f32 v7, v0  }
0xee: {  	v3 =	vld [tilespmem:s17+$0x510]  }
0xef: {  	v33 =	vld [tilespmem:s17+$0x530];
	v0 =	vadd.f32 v8, v0  }
0xf0: {  	v4 =	vld [tilespmem:s17+$0x520]  }
0xf1: {  	v34 =	vld [tilespmem:s17+$0x540];
	v0 =	vadd.f32 v2, v0  }
0xf2: {  	v35 =	vld [tilespmem:s17+$0x550]  }
0xf3: {  	v36 =	vld [tilespmem:s17+$0x560];
	v0 =	vadd.f32 v3, v0  }
0xf4: {  	v37 =	vld [tilespmem:s17+$0x570];
	[tilespmem:s16+$0x8482] =	vst v2  }
0xf5: {  	[tilespmem:s16+$0x84B2] =	vst v33;
	v0 =	vadd.f32 v4, v0  }
0xf6: {  	[tilespmem:s16+$0x84C2] =	vst v34  }
0xf7: {  	[tilespmem:s16+$0x84D2] =	vst v35;
	v0 =	vadd.f32 v33, v0  }
0xf8: {  	[tilespmem:s16+$0x84E2] =	vst v36  }
0xf9: {  	[tilespmem:s16+$0x84F2] =	vst v37;
	v0 =	vadd.f32 v34, v0  }
0xfa: {  	[tilespmem:s16+$0x8492] =	vst v3  }
0xfb: {  	[tilespmem:s16+$0x84A2] =	vst v4;
	v0 =	vadd.f32 v35, v0  }
0xfc: {  	v2 =	vld [tilespmem:s17+$0x900]  }
0xfd: {  	v5 =	vld [tilespmem:s17+$0x930];
	v0 =	vadd.f32 v36, v0  }
0xfe: {  	v3 =	vld [tilespmem:s17+$0x910]  }
0xff: {  	v38 =	vld [tilespmem:s17+$0x940];
	v0 =	vadd.f32 v37, v0  }
0x100: {  	v4 =	vld [tilespmem:s17+$0x920]  }
0x101: {  	v39 =	vld [tilespmem:s17+$0x950];
	v0 =	vadd.f32 v2, v0  }
0x102: {  	v40 =	vld [tilespmem:s17+$0x960]  }
0x103: {  	v41 =	vld [tilespmem:s17+$0x970];
	v0 =	vadd.f32 v3, v0  }
0x104: {  	[tilespmem:s16+$0x8532] =	vst v5  }
0x105: {  	[tilespmem:s16+$0x8542] =	vst v38;
	v0 =	vadd.f32 v4, v0  }
0x106: {  	[tilespmem:s16+$0x8552] =	vst v39  }
0x107: {  	[tilespmem:s16+$0x8562] =	vst v40;
	v0 =	vadd.f32 v5, v0  }
0x108: {  	[tilespmem:s16+$0x8572] =	vst v41  }
0x109: {  	[tilespmem:s16+$0x8502] =	vst v2;
	v0 =	vadd.f32 v38, v0  }
0x10a: {  	[tilespmem:s16+$0x8512] =	vst v3  }
0x10b: {  	[tilespmem:s16+$0x8522] =	vst v4;
	v0 =	vadd.f32 v39, v0  }
0x10c: {  	v2 =	vld [tilespmem:s17+$0xD00]  }
0x10d: {  	v0 =	vadd.f32 v40, v0  }
0x10e: {  	v3 =	vld [tilespmem:s17+$0xD10]  }
0x10f: {  	v0 =	vadd.f32 v41, v0  }
0x110: {  	v4 =	vld [tilespmem:s17+$0xD20]  }
0x111: {  	v0 =	vadd.f32 v2, v0  }
0x112: {  	v5 =	vld [tilespmem:s17+$0xD30]  }
0x113: {  	v0 =	vadd.f32 v3, v0  }
0x114: {  	v42 =	vld [tilespmem:s17+$0xD40]  }
0x115: {  	v0 =	vadd.f32 v4, v0  }
0x116: {  	v43 =	vld [tilespmem:s17+$0xD50]  }
0x117: {  	v44 =	vld [tilespmem:s17+$0xD60];
	v0 =	vadd.f32 v5, v0  }
0x118: {  	v45 =	vld [tilespmem:s17+$0xD70]  }
0x119: {  	[tilespmem:s16+$0x8582] =	vst v2;
	v0 =	vadd.f32 v42, v0  }
0x11a: {  	[tilespmem:s16+$0x85C2] =	vst v42  }
0x11b: {  	[tilespmem:s16+$0x85D2] =	vst v43;
	v0 =	vadd.f32 v43, v0  }
0x11c: {  	[tilespmem:s16+$0x85E2] =	vst v44  }
0x11d: {  	[tilespmem:s16+$0x85F2] =	vst v45;
	v0 =	vadd.f32 v44, v0  }
0x11e: {  	[tilespmem:s16+$0x8592] =	vst v3  }
0x11f: {  	[tilespmem:s16+$0x85A2] =	vst v4;
	v0 =	vadd.f32 v45, v0  }
0x120: {  	[tilespmem:s16+$0x85B2] =	vst v5  }
0x121: {  	[tilespmem:s18+$0x10580] =	vst v0  }
0x122: {  	v0 =	vld [tilespmem:s17+$0x180]  }
0x123: {  	v2 =	vld [tilespmem:s17+$0x190]  }
0x124: {  	v3 =	vld [tilespmem:s17+$0x1A0]  }
0x125: {  	v4 =	vld [tilespmem:s17+$0x1B0]  }
0x126: {  	v5 =	vld [tilespmem:s17+$0x1C0]  }
0x127: {  	v6 =	vld [tilespmem:s17+$0x1D0]  }
0x128: {  	v7 =	vld [tilespmem:s17+$0x1E0];
	v46 =	vadd.f32 v2, v0  }
0x129: {  	v8 =	vld [tilespmem:s17+$0x1F0];
	[tilespmem:s16+$0x8603] =	vst v0  }
0x12a: {  	[tilespmem:s16+$0x8613] =	vst v2;
	v0 =	vadd.f32 v3, v46  }
0x12b: {  	[tilespmem:s16+$0x8623] =	vst v3  }
0x12c: {  	[tilespmem:s16+$0x8633] =	vst v4;
	v0 =	vadd.f32 v4, v0  }
0x12d: {  	[tilespmem:s16+$0x8643] =	vst v5  }
0x12e: {  	[tilespmem:s16+$0x8653] =	vst v6;
	v0 =	vadd.f32 v5, v0  }
0x12f: {  	[tilespmem:s16+$0x8663] =	vst v7  }
0x130: {  	[tilespmem:s16+$0x8673] =	vst v8;
	v0 =	vadd.f32 v6, v0  }
0x131: {  	v2 =	vld [tilespmem:s17+$0x580]  }
0x132: {  	v0 =	vadd.f32 v7, v0  }
0x133: {  	v3 =	vld [tilespmem:s17+$0x590]  }
0x134: {  	v47 =	vld [tilespmem:s17+$0x5B0];
	v0 =	vadd.f32 v8, v0  }
0x135: {  	v4 =	vld [tilespmem:s17+$0x5A0]  }
0x136: {  	v48 =	vld [tilespmem:s17+$0x5C0];
	v0 =	vadd.f32 v2, v0  }
0x137: {  	v49 =	vld [tilespmem:s17+$0x5D0]  }
0x138: {  	v50 =	vld [tilespmem:s17+$0x5E0];
	v0 =	vadd.f32 v3, v0  }
0x139: {  	v51 =	vld [tilespmem:s17+$0x5F0];
	[tilespmem:s16+$0x8683] =	vst v2  }
0x13a: {  	[tilespmem:s16+$0x86B3] =	vst v47;
	v0 =	vadd.f32 v4, v0  }
0x13b: {  	[tilespmem:s16+$0x86C3] =	vst v48  }
0x13c: {  	[tilespmem:s16+$0x86D3] =	vst v49;
	v0 =	vadd.f32 v47, v0  }
0x13d: {  	[tilespmem:s16+$0x86E3] =	vst v50  }
0x13e: {  	[tilespmem:s16+$0x86F3] =	vst v51;
	v0 =	vadd.f32 v48, v0  }
0x13f: {  	[tilespmem:s16+$0x8693] =	vst v3  }
0x140: {  	[tilespmem:s16+$0x86A3] =	vst v4;
	v0 =	vadd.f32 v49, v0  }
0x141: {  	v2 =	vld [tilespmem:s17+$0x980]  }
0x142: {  	v5 =	vld [tilespmem:s17+$0x9B0];
	v0 =	vadd.f32 v50, v0  }
0x143: {  	v3 =	vld [tilespmem:s17+$0x990]  }
0x144: {  	v52 =	vld [tilespmem:s17+$0x9C0];
	v0 =	vadd.f32 v51, v0  }
0x145: {  	v4 =	vld [tilespmem:s17+$0x9A0]  }
0x146: {  	v53 =	vld [tilespmem:s17+$0x9D0];
	v0 =	vadd.f32 v2, v0  }
0x147: {  	v54 =	vld [tilespmem:s17+$0x9E0]  }
0x148: {  	v55 =	vld [tilespmem:s17+$0x9F0];
	v0 =	vadd.f32 v3, v0  }
0x149: {  	[tilespmem:s16+$0x8733] =	vst v5  }
0x14a: {  	[tilespmem:s16+$0x8743] =	vst v52;
	v0 =	vadd.f32 v4, v0  }
0x14b: {  	[tilespmem:s16+$0x8753] =	vst v53  }
0x14c: {  	[tilespmem:s16+$0x8763] =	vst v54;
	v0 =	vadd.f32 v5, v0  }
0x14d: {  	[tilespmem:s16+$0x8773] =	vst v55  }
0x14e: {  	[tilespmem:s16+$0x8703] =	vst v2;
	v0 =	vadd.f32 v52, v0  }
0x14f: {  	[tilespmem:s16+$0x8713] =	vst v3  }
0x150: {  	[tilespmem:s16+$0x8723] =	vst v4;
	v0 =	vadd.f32 v53, v0  }
0x151: {  	v2 =	vld [tilespmem:s17+$0xD80]  }
0x152: {  	v0 =	vadd.f32 v54, v0  }
0x153: {  	v3 =	vld [tilespmem:s17+$0xD90]  }
0x154: {  	v0 =	vadd.f32 v55, v0  }
0x155: {  	v4 =	vld [tilespmem:s17+$0xDA0]  }
0x156: {  	v0 =	vadd.f32 v2, v0  }
0x157: {  	v5 =	vld [tilespmem:s17+$0xDB0]  }
0x158: {  	v0 =	vadd.f32 v3, v0  }
0x159: {  	v56 =	vld [tilespmem:s17+$0xDC0]  }
0x15a: {  	v0 =	vadd.f32 v4, v0  }
0x15b: {  	v57 =	vld [tilespmem:s17+$0xDD0]  }
0x15c: {  	v58 =	vld [tilespmem:s17+$0xDE0];
	v0 =	vadd.f32 v5, v0  }
0x15d: {  	v59 =	vld [tilespmem:s17+$0xDF0]  }
0x15e: {  	[tilespmem:s16+$0x8783] =	vst v2;
	v0 =	vadd.f32 v56, v0  }
0x15f: {  	[tilespmem:s16+$0x87C3] =	vst v56  }
0x160: {  	[tilespmem:s16+$0x87D3] =	vst v57;
	v0 =	vadd.f32 v57, v0  }
0x161: {  	[tilespmem:s16+$0x87E3] =	vst v58  }
0x162: {  	[tilespmem:s16+$0x87F3] =	vst v59;
	v0 =	vadd.f32 v58, v0  }
0x163: {  	[tilespmem:s16+$0x8793] =	vst v3  }
0x164: {  	[tilespmem:s16+$0x87A3] =	vst v4;
	v0 =	vadd.f32 v59, v0  }
0x165: {  	[tilespmem:s16+$0x87B3] =	vst v5  }
0x166: {  	[tilespmem:s18+$0x10600] =	vst v0  }
0x167: {  	v0 =	vld [tilespmem:s17+$0x200]  }
0x168: {  	v2 =	vld [tilespmem:s17+$0x210]  }
0x169: {  	v3 =	vld [tilespmem:s17+$0x220]  }
0x16a: {  	v4 =	vld [tilespmem:s17+$0x230]  }
0x16b: {  	v5 =	vld [tilespmem:s17+$0x240]  }
0x16c: {  	v6 =	vld [tilespmem:s17+$0x250]  }
0x16d: {  	v7 =	vld [tilespmem:s17+$0x260];
	v60 =	vadd.f32 v2, v0  }
0x16e: {  	v8 =	vld [tilespmem:s17+$0x270];
	[tilespmem:s16+$0x8804] =	vst v0  }
0x16f: {  	[tilespmem:s16+$0x8814] =	vst v2;
	v0 =	vadd.f32 v3, v60  }
0x170: {  	[tilespmem:s16+$0x8824] =	vst v3  }
0x171: {  	[tilespmem:s16+$0x8834] =	vst v4;
	v0 =	vadd.f32 v4, v0  }
0x172: {  	[tilespmem:s16+$0x8844] =	vst v5  }
0x173: {  	[tilespmem:s16+$0x8854] =	vst v6;
	v0 =	vadd.f32 v5, v0  }
0x174: {  	[tilespmem:s16+$0x8864] =	vst v7  }
0x175: {  	[tilespmem:s16+$0x8874] =	vst v8;
	v0 =	vadd.f32 v6, v0  }
0x176: {  	v2 =	vld [tilespmem:s17+$0x600]  }
0x177: {  	v0 =	vadd.f32 v7, v0  }
0x178: {  	v3 =	vld [tilespmem:s17+$0x610]  }
0x179: {  	v61 =	vld [tilespmem:s17+$0x630];
	v0 =	vadd.f32 v8, v0  }
0x17a: {  	v4 =	vld [tilespmem:s17+$0x620]  }
0x17b: {  	v62 =	vld [tilespmem:s17+$0x640];
	v0 =	vadd.f32 v2, v0  }
0x17c: {  	v63 =	vld [tilespmem:s17+$0x650]  }
0x17d: {  	v12 =	vld [tilespmem:s17+$0x660];
	v0 =	vadd.f32 v3, v0  }
0x17e: {  	v13 =	vld [tilespmem:s17+$0x670];
	[tilespmem:s16+$0x8884] =	vst v2  }
0x17f: {  	[tilespmem:s16+$0x88B4] =	vst v61;
	v0 =	vadd.f32 v4, v0  }
0x180: {  	[tilespmem:s16+$0x88C4] =	vst v62  }
0x181: {  	[tilespmem:s16+$0x88D4] =	vst v63;
	v0 =	vadd.f32 v61, v0  }
0x182: {  	[tilespmem:s16+$0x88E4] =	vst v12  }
0x183: {  	[tilespmem:s16+$0x88F4] =	vst v13;
	v0 =	vadd.f32 v62, v0  }
0x184: {  	[tilespmem:s16+$0x8894] =	vst v3  }
0x185: {  	[tilespmem:s16+$0x88A4] =	vst v4;
	v0 =	vadd.f32 v63, v0  }
0x186: {  	v2 =	vld [tilespmem:s17+$0xA00]  }
0x187: {  	v5 =	vld [tilespmem:s17+$0xA30];
	v0 =	vadd.f32 v12, v0  }
0x188: {  	v3 =	vld [tilespmem:s17+$0xA10]  }
0x189: {  	v14 =	vld [tilespmem:s17+$0xA40];
	v0 =	vadd.f32 v13, v0  }
0x18a: {  	v4 =	vld [tilespmem:s17+$0xA20]  }
0x18b: {  	v15 =	vld [tilespmem:s17+$0xA50];
	v0 =	vadd.f32 v2, v0  }
0x18c: {  	v16 =	vld [tilespmem:s17+$0xA60]  }
0x18d: {  	v17 =	vld [tilespmem:s17+$0xA70];
	v0 =	vadd.f32 v3, v0  }
0x18e: {  	[tilespmem:s16+$0x8934] =	vst v5  }
0x18f: {  	[tilespmem:s16+$0x8944] =	vst v14;
	v0 =	vadd.f32 v4, v0  }
0x190: {  	[tilespmem:s16+$0x8954] =	vst v15  }
0x191: {  	[tilespmem:s16+$0x8964] =	vst v16;
	v0 =	vadd.f32 v5, v0  }
0x192: {  	[tilespmem:s16+$0x8974] =	vst v17  }
0x193: {  	[tilespmem:s16+$0x8904] =	vst v2;
	v0 =	vadd.f32 v14, v0  }
0x194: {  	[tilespmem:s16+$0x8914] =	vst v3  }
0x195: {  	[tilespmem:s16+$0x8924] =	vst v4;
	v0 =	vadd.f32 v15, v0  }
0x196: {  	v2 =	vld [tilespmem:s17+$0xE00]  }
0x197: {  	v0 =	vadd.f32 v16, v0  }
0x198: {  	v3 =	vld [tilespmem:s17+$0xE10]  }
0x199: {  	v0 =	vadd.f32 v17, v0  }
0x19a: {  	v4 =	vld [tilespmem:s17+$0xE20]  }
0x19b: {  	v0 =	vadd.f32 v2, v0  }
0x19c: {  	v5 =	vld [tilespmem:s17+$0xE30]  }
0x19d: {  	v0 =	vadd.f32 v3, v0  }
0x19e: {  	v18 =	vld [tilespmem:s17+$0xE40]  }
0x19f: {  	v0 =	vadd.f32 v4, v0  }
0x1a0: {  	v19 =	vld [tilespmem:s17+$0xE50]  }
0x1a1: {  	v20 =	vld [tilespmem:s17+$0xE60];
	v0 =	vadd.f32 v5, v0  }
0x1a2: {  	v21 =	vld [tilespmem:s17+$0xE70]  }
0x1a3: {  	[tilespmem:s16+$0x8984] =	vst v2;
	v0 =	vadd.f32 v18, v0  }
0x1a4: {  	[tilespmem:s16+$0x89C4] =	vst v18  }
0x1a5: {  	[tilespmem:s16+$0x89D4] =	vst v19;
	v0 =	vadd.f32 v19, v0  }
0x1a6: {  	[tilespmem:s16+$0x89E4] =	vst v20  }
0x1a7: {  	[tilespmem:s16+$0x89F4] =	vst v21;
	v0 =	vadd.f32 v20, v0  }
0x1a8: {  	[tilespmem:s16+$0x8994] =	vst v3  }
0x1a9: {  	[tilespmem:s16+$0x89A4] =	vst v4;
	v0 =	vadd.f32 v21, v0  }
0x1aa: {  	[tilespmem:s16+$0x89B4] =	vst v5  }
0x1ab: {  	[tilespmem:s18+$0x10680] =	vst v0  }
0x1ac: {  	v0 =	vld [tilespmem:s17+$0x280]  }
0x1ad: {  	v2 =	vld [tilespmem:s17+$0x290]  }
0x1ae: {  	v3 =	vld [tilespmem:s17+$0x2A0]  }
0x1af: {  	v4 =	vld [tilespmem:s17+$0x2B0]  }
0x1b0: {  	v5 =	vld [tilespmem:s17+$0x2C0]  }
0x1b1: {  	v6 =	vld [tilespmem:s17+$0x2D0]  }
0x1b2: {  	v7 =	vld [tilespmem:s17+$0x2E0];
	v22 =	vadd.f32 v2, v0  }
0x1b3: {  	v8 =	vld [tilespmem:s17+$0x2F0];
	[tilespmem:s16+$0x8A05] =	vst v0  }
0x1b4: {  	[tilespmem:s16+$0x8A15] =	vst v2;
	v0 =	vadd.f32 v3, v22  }
0x1b5: {  	[tilespmem:s16+$0x8A25] =	vst v3  }
0x1b6: {  	[tilespmem:s16+$0x8A35] =	vst v4;
	v0 =	vadd.f32 v4, v0  }
0x1b7: {  	[tilespmem:s16+$0x8A45] =	vst v5  }
0x1b8: {  	[tilespmem:s16+$0x8A55] =	vst v6;
	v0 =	vadd.f32 v5, v0  }
0x1b9: {  	[tilespmem:s16+$0x8A65] =	vst v7  }
0x1ba: {  	[tilespmem:s16+$0x8A75] =	vst v8;
	v0 =	vadd.f32 v6, v0  }
0x1bb: {  	v2 =	vld [tilespmem:s17+$0x680]  }
0x1bc: {  	v0 =	vadd.f32 v7, v0  }
0x1bd: {  	v3 =	vld [tilespmem:s17+$0x690]  }
0x1be: {  	v23 =	vld [tilespmem:s17+$0x6B0];
	v0 =	vadd.f32 v8, v0  }
0x1bf: {  	v4 =	vld [tilespmem:s17+$0x6A0]  }
0x1c0: {  	v24 =	vld [tilespmem:s17+$0x6C0];
	v0 =	vadd.f32 v2, v0  }
0x1c1: {  	v25 =	vld [tilespmem:s17+$0x6D0]  }
0x1c2: {  	v26 =	vld [tilespmem:s17+$0x6E0];
	v0 =	vadd.f32 v3, v0  }
0x1c3: {  	v27 =	vld [tilespmem:s17+$0x6F0];
	[tilespmem:s16+$0x8A85] =	vst v2  }
0x1c4: {  	[tilespmem:s16+$0x8AB5] =	vst v23;
	v0 =	vadd.f32 v4, v0  }
0x1c5: {  	[tilespmem:s16+$0x8AC5] =	vst v24  }
0x1c6: {  	[tilespmem:s16+$0x8AD5] =	vst v25;
	v0 =	vadd.f32 v23, v0  }
0x1c7: {  	[tilespmem:s16+$0x8AE5] =	vst v26  }
0x1c8: {  	[tilespmem:s16+$0x8AF5] =	vst v27;
	v0 =	vadd.f32 v24, v0  }
0x1c9: {  	[tilespmem:s16+$0x8A95] =	vst v3  }
0x1ca: {  	[tilespmem:s16+$0x8AA5] =	vst v4;
	v0 =	vadd.f32 v25, v0  }
0x1cb: {  	v2 =	vld [tilespmem:s17+$0xA80]  }
0x1cc: {  	v5 =	vld [tilespmem:s17+$0xAB0];
	v0 =	vadd.f32 v26, v0  }
0x1cd: {  	v3 =	vld [tilespmem:s17+$0xA90]  }
0x1ce: {  	v28 =	vld [tilespmem:s17+$0xAC0];
	v0 =	vadd.f32 v27, v0  }
0x1cf: {  	v4 =	vld [tilespmem:s17+$0xAA0]  }
0x1d0: {  	v29 =	vld [tilespmem:s17+$0xAD0];
	v0 =	vadd.f32 v2, v0  }
0x1d1: {  	v30 =	vld [tilespmem:s17+$0xAE0]  }
0x1d2: {  	v31 =	vld [tilespmem:s17+$0xAF0];
	v0 =	vadd.f32 v3, v0  }
0x1d3: {  	[tilespmem:s16+$0x8B35] =	vst v5  }
0x1d4: {  	[tilespmem:s16+$0x8B45] =	vst v28;
	v0 =	vadd.f32 v4, v0  }
0x1d5: {  	[tilespmem:s16+$0x8B55] =	vst v29  }
0x1d6: {  	[tilespmem:s16+$0x8B65] =	vst v30;
	v0 =	vadd.f32 v5, v0  }
0x1d7: {  	[tilespmem:s16+$0x8B75] =	vst v31  }
0x1d8: {  	[tilespmem:s16+$0x8B05] =	vst v2;
	v0 =	vadd.f32 v28, v0  }
0x1d9: {  	[tilespmem:s16+$0x8B15] =	vst v3  }
0x1da: {  	[tilespmem:s16+$0x8B25] =	vst v4;
	v0 =	vadd.f32 v29, v0  }
0x1db: {  	v2 =	vld [tilespmem:s17+$0xE80]  }
0x1dc: {  	v0 =	vadd.f32 v30, v0  }
0x1dd: {  	v3 =	vld [tilespmem:s17+$0xE90]  }
0x1de: {  	v0 =	vadd.f32 v31, v0  }
0x1df: {  	v4 =	vld [tilespmem:s17+$0xEA0]  }
0x1e0: {  	v0 =	vadd.f32 v2, v0  }
0x1e1: {  	v5 =	vld [tilespmem:s17+$0xEB0]  }
0x1e2: {  	v0 =	vadd.f32 v3, v0  }
0x1e3: {  	v32 =	vld [tilespmem:s17+$0xEC0]  }
0x1e4: {  	v0 =	vadd.f32 v4, v0  }
0x1e5: {  	v33 =	vld [tilespmem:s17+$0xED0]  }
0x1e6: {  	v34 =	vld [tilespmem:s17+$0xEE0];
	v0 =	vadd.f32 v5, v0  }
0x1e7: {  	v35 =	vld [tilespmem:s17+$0xEF0]  }
0x1e8: {  	[tilespmem:s16+$0x8B85] =	vst v2;
	v0 =	vadd.f32 v32, v0  }
0x1e9: {  	[tilespmem:s16+$0x8BC5] =	vst v32  }
0x1ea: {  	[tilespmem:s16+$0x8BD5] =	vst v33;
	v0 =	vadd.f32 v33, v0  }
0x1eb: {  	[tilespmem:s16+$0x8BE5] =	vst v34  }
0x1ec: {  	[tilespmem:s16+$0x8BF5] =	vst v35;
	v0 =	vadd.f32 v34, v0  }
0x1ed: {  	[tilespmem:s16+$0x8B95] =	vst v3  }
0x1ee: {  	[tilespmem:s16+$0x8BA5] =	vst v4;
	v0 =	vadd.f32 v35, v0  }
0x1ef: {  	[tilespmem:s16+$0x8BB5] =	vst v5  }
0x1f0: {  	[tilespmem:s18+$0x10700] =	vst v0  }
0x1f1: {  	v0 =	vld [tilespmem:s17+$0x300]  }
0x1f2: {  	v2 =	vld [tilespmem:s17+$0x310]  }
0x1f3: {  	v3 =	vld [tilespmem:s17+$0x320]  }
0x1f4: {  	v4 =	vld [tilespmem:s17+$0x330]  }
0x1f5: {  	v5 =	vld [tilespmem:s17+$0x340]  }
0x1f6: {  	v6 =	vld [tilespmem:s17+$0x350]  }
0x1f7: {  	v7 =	vld [tilespmem:s17+$0x360];
	v36 =	vadd.f32 v2, v0  }
0x1f8: {  	v8 =	vld [tilespmem:s17+$0x370];
	[tilespmem:s16+$0x8C06] =	vst v0  }
0x1f9: {  	[tilespmem:s16+$0x8C16] =	vst v2;
	v0 =	vadd.f32 v3, v36  }
0x1fa: {  	[tilespmem:s16+$0x8C26] =	vst v3  }
0x1fb: {  	[tilespmem:s16+$0x8C36] =	vst v4;
	v0 =	vadd.f32 v4, v0  }
0x1fc: {  	[tilespmem:s16+$0x8C46] =	vst v5  }
0x1fd: {  	[tilespmem:s16+$0x8C56] =	vst v6;
	v0 =	vadd.f32 v5, v0  }
0x1fe: {  	[tilespmem:s16+$0x8C66] =	vst v7  }
0x1ff: {  	[tilespmem:s16+$0x8C76] =	vst v8;
	v0 =	vadd.f32 v6, v0  }
0x200: {  	v2 =	vld [tilespmem:s17+$0x700]  }
0x201: {  	v0 =	vadd.f32 v7, v0  }
0x202: {  	v3 =	vld [tilespmem:s17+$0x710]  }
0x203: {  	v37 =	vld [tilespmem:s17+$0x730];
	v0 =	vadd.f32 v8, v0  }
0x204: {  	v4 =	vld [tilespmem:s17+$0x720]  }
0x205: {  	v38 =	vld [tilespmem:s17+$0x740];
	v0 =	vadd.f32 v2, v0  }
0x206: {  	v39 =	vld [tilespmem:s17+$0x750]  }
0x207: {  	v40 =	vld [tilespmem:s17+$0x760];
	v0 =	vadd.f32 v3, v0  }
0x208: {  	v41 =	vld [tilespmem:s17+$0x770];
	[tilespmem:s16+$0x8C86] =	vst v2  }
0x209: {  	[tilespmem:s16+$0x8CB6] =	vst v37;
	v0 =	vadd.f32 v4, v0  }
0x20a: {  	[tilespmem:s16+$0x8CC6] =	vst v38  }
0x20b: {  	[tilespmem:s16+$0x8CD6] =	vst v39;
	v0 =	vadd.f32 v37, v0  }
0x20c: {  	[tilespmem:s16+$0x8CE6] =	vst v40  }
0x20d: {  	[tilespmem:s16+$0x8CF6] =	vst v41;
	v0 =	vadd.f32 v38, v0  }
0x20e: {  	[tilespmem:s16+$0x8C96] =	vst v3  }
0x20f: {  	[tilespmem:s16+$0x8CA6] =	vst v4;
	v0 =	vadd.f32 v39, v0  }
0x210: {  	v2 =	vld [tilespmem:s17+$0xB00]  }
0x211: {  	v5 =	vld [tilespmem:s17+$0xB30];
	v0 =	vadd.f32 v40, v0  }
0x212: {  	v3 =	vld [tilespmem:s17+$0xB10]  }
0x213: {  	v42 =	vld [tilespmem:s17+$0xB40];
	v0 =	vadd.f32 v41, v0  }
0x214: {  	v4 =	vld [tilespmem:s17+$0xB20]  }
0x215: {  	v43 =	vld [tilespmem:s17+$0xB50];
	v0 =	vadd.f32 v2, v0  }
0x216: {  	v44 =	vld [tilespmem:s17+$0xB60]  }
0x217: {  	v45 =	vld [tilespmem:s17+$0xB70];
	v0 =	vadd.f32 v3, v0  }
0x218: {  	[tilespmem:s16+$0x8D36] =	vst v5  }
0x219: {  	[tilespmem:s16+$0x8D46] =	vst v42;
	v0 =	vadd.f32 v4, v0  }
0x21a: {  	[tilespmem:s16+$0x8D56] =	vst v43  }
0x21b: {  	[tilespmem:s16+$0x8D66] =	vst v44;
	v0 =	vadd.f32 v5, v0  }
0x21c: {  	[tilespmem:s16+$0x8D76] =	vst v45  }
0x21d: {  	[tilespmem:s16+$0x8D06] =	vst v2;
	v0 =	vadd.f32 v42, v0  }
0x21e: {  	[tilespmem:s16+$0x8D16] =	vst v3  }
0x21f: {  	[tilespmem:s16+$0x8D26] =	vst v4;
	v0 =	vadd.f32 v43, v0  }
0x220: {  	v2 =	vld [tilespmem:s17+$0xF00]  }
0x221: {  	v0 =	vadd.f32 v44, v0  }
0x222: {  	v3 =	vld [tilespmem:s17+$0xF10]  }
0x223: {  	v0 =	vadd.f32 v45, v0  }
0x224: {  	v4 =	vld [tilespmem:s17+$0xF20]  }
0x225: {  	v0 =	vadd.f32 v2, v0  }
0x226: {  	v5 =	vld [tilespmem:s17+$0xF30]  }
0x227: {  	v0 =	vadd.f32 v3, v0  }
0x228: {  	v46 =	vld [tilespmem:s17+$0xF40]  }
0x229: {  	v0 =	vadd.f32 v4, v0  }
0x22a: {  	v47 =	vld [tilespmem:s17+$0xF50]  }
0x22b: {  	v48 =	vld [tilespmem:s17+$0xF60];
	v0 =	vadd.f32 v5, v0  }
0x22c: {  	v49 =	vld [tilespmem:s17+$0xF70]  }
0x22d: {  	[tilespmem:s16+$0x8D86] =	vst v2;
	v0 =	vadd.f32 v46, v0  }
0x22e: {  	[tilespmem:s16+$0x8DC6] =	vst v46  }
0x22f: {  	[tilespmem:s16+$0x8DD6] =	vst v47;
	v0 =	vadd.f32 v47, v0  }
0x230: {  	[tilespmem:s16+$0x8DE6] =	vst v48  }
0x231: {  	[tilespmem:s16+$0x8DF6] =	vst v49;
	v0 =	vadd.f32 v48, v0  }
0x232: {  	[tilespmem:s16+$0x8D96] =	vst v3  }
0x233: {  	[tilespmem:s16+$0x8DA6] =	vst v4;
	v0 =	vadd.f32 v49, v0  }
0x234: {  	[tilespmem:s16+$0x8DB6] =	vst v5  }
0x235: {  	[tilespmem:s18+$0x10780] =	vst v0  }
0x236: {  	v0 =	vld [tilespmem:s17+$0x380]  }
0x237: {  	v2 =	vld [tilespmem:s17+$0x390]  }
0x238: {  	v3 =	vld [tilespmem:s17+$0x3A0]  }
0x239: {  	v4 =	vld [tilespmem:s17+$0x3B0]  }
0x23a: {  	v5 =	vld [tilespmem:s17+$0x3C0]  }
0x23b: {  	v6 =	vld [tilespmem:s17+$0x3D0]  }
0x23c: {  	v7 =	vld [tilespmem:s17+$0x3E0];
	v50 =	vadd.f32 v2, v0  }
0x23d: {  	v8 =	vld [tilespmem:s17+$0x3F0];
	[tilespmem:s16+$0x8E07] =	vst v0  }
0x23e: {  	[tilespmem:s16+$0x8E17] =	vst v2;
	v0 =	vadd.f32 v3, v50  }
0x23f: {  	[tilespmem:s16+$0x8E27] =	vst v3  }
0x240: {  	[tilespmem:s16+$0x8E37] =	vst v4;
	v0 =	vadd.f32 v4, v0  }
0x241: {  	[tilespmem:s16+$0x8E47] =	vst v5  }
0x242: {  	[tilespmem:s16+$0x8E57] =	vst v6;
	v0 =	vadd.f32 v5, v0  }
0x243: {  	[tilespmem:s16+$0x8E67] =	vst v7  }
0x244: {  	[tilespmem:s16+$0x8E77] =	vst v8;
	v0 =	vadd.f32 v6, v0  }
0x245: {  	v2 =	vld [tilespmem:s17+$0x780]  }
0x246: {  	v0 =	vadd.f32 v7, v0  }
0x247: {  	v3 =	vld [tilespmem:s17+$0x790]  }
0x248: {  	v51 =	vld [tilespmem:s17+$0x7B0];
	v0 =	vadd.f32 v8, v0  }
0x249: {  	v4 =	vld [tilespmem:s17+$0x7A0]  }
0x24a: {  	v52 =	vld [tilespmem:s17+$0x7C0];
	v0 =	vadd.f32 v2, v0  }
0x24b: {  	v53 =	vld [tilespmem:s17+$0x7D0]  }
0x24c: {  	v54 =	vld [tilespmem:s17+$0x7E0];
	v0 =	vadd.f32 v3, v0  }
0x24d: {  	v55 =	vld [tilespmem:s17+$0x7F0];
	[tilespmem:s16+$0x8E87] =	vst v2  }
0x24e: {  	[tilespmem:s16+$0x8EB7] =	vst v51;
	v0 =	vadd.f32 v4, v0  }
0x24f: {  	[tilespmem:s16+$0x8EC7] =	vst v52  }
0x250: {  	[tilespmem:s16+$0x8ED7] =	vst v53;
	v0 =	vadd.f32 v51, v0  }
0x251: {  	[tilespmem:s16+$0x8EE7] =	vst v54  }
0x252: {  	[tilespmem:s16+$0x8EF7] =	vst v55;
	v0 =	vadd.f32 v52, v0  }
0x253: {  	[tilespmem:s16+$0x8E97] =	vst v3  }
0x254: {  	[tilespmem:s16+$0x8EA7] =	vst v4;
	v0 =	vadd.f32 v53, v0  }
0x255: {  	v2 =	vld [tilespmem:s17+$0xB80]  }
0x256: {  	v5 =	vld [tilespmem:s17+$0xBB0];
	v0 =	vadd.f32 v54, v0  }
0x257: {  	v3 =	vld [tilespmem:s17+$0xB90]  }
0x258: {  	v56 =	vld [tilespmem:s17+$0xBC0];
	v0 =	vadd.f32 v55, v0  }
0x259: {  	v4 =	vld [tilespmem:s17+$0xBA0]  }
0x25a: {  	v57 =	vld [tilespmem:s17+$0xBD0];
	v0 =	vadd.f32 v2, v0  }
0x25b: {  	v58 =	vld [tilespmem:s17+$0xBE0]  }
0x25c: {  	v59 =	vld [tilespmem:s17+$0xBF0];
	v0 =	vadd.f32 v3, v0  }
0x25d: {  	[tilespmem:s16+$0x8F37] =	vst v5  }
0x25e: {  	[tilespmem:s16+$0x8F47] =	vst v56;
	v0 =	vadd.f32 v4, v0  }
0x25f: {  	[tilespmem:s16+$0x8F57] =	vst v57  }
0x260: {  	[tilespmem:s16+$0x8F67] =	vst v58;
	v0 =	vadd.f32 v5, v0  }
0x261: {  	[tilespmem:s16+$0x8F77] =	vst v59  }
0x262: {  	[tilespmem:s16+$0x8F07] =	vst v2;
	v0 =	vadd.f32 v56, v0  }
0x263: {  	[tilespmem:s16+$0x8F17] =	vst v3  }
0x264: {  	[tilespmem:s16+$0x8F27] =	vst v4;
	v0 =	vadd.f32 v57, v0  }
0x265: {  	v2 =	vld [tilespmem:s17+$0xF80]  }
0x266: {  	v0 =	vadd.f32 v58, v0  }
0x267: {  	v3 =	vld [tilespmem:s17+$0xF90]  }
0x268: {  	v0 =	vadd.f32 v59, v0  }
0x269: {  	v4 =	vld [tilespmem:s17+$0xFA0]  }
0x26a: {  	v0 =	vadd.f32 v2, v0  }
0x26b: {  	v5 =	vld [tilespmem:s17+$0xFB0]  }
0x26c: {  	v0 =	vadd.f32 v3, v0  }
0x26d: {  	v60 =	vld [tilespmem:s17+$0xFC0]  }
0x26e: {  	v0 =	vadd.f32 v4, v0  }
0x26f: {  	v61 =	vld [tilespmem:s17+$0xFD0]  }
0x270: {  	v62 =	vld [tilespmem:s17+$0xFE0];
	v0 =	vadd.f32 v5, v0  }
0x271: {  	v63 =	vld [tilespmem:s17+$0xFF0]  }
0x272: {  	[tilespmem:s16+$0x8F87] =	vst v2;
	v0 =	vadd.f32 v60, v0  }
0x273: {  	[tilespmem:s16+$0x8FC7] =	vst v60  }
0x274: {  	[tilespmem:s16+$0x8FD7] =	vst v61;
	v0 =	vadd.f32 v61, v0  }
0x275: {  	p0 =	sne.s32 s15, $0x7;
	[tilespmem:s16+$0x8FE7] =	vst v62  }
.Ltmp0:
0x276: {  	[tilespmem:s16+$0x8FF7] =	vst v63;
	v0 =	vadd.f32 v62, v0;
	(pc) =	sbr.rel @p0 .LBB2_2-.Ltmp0, $4  }
0x277: {  	[tilespmem:s16+$0x8F97] =	vst v3  }
0x278: {  	[tilespmem:s16+$0x8FA7] =	vst v4;
	v0 =	vadd.f32 v63, v0  }
0x279: {  	[tilespmem:s16+$0x8FB7] =	vst v5  }
0x27a: {  	s15 =	sadd.s32 $0x1, s15;
	[tilespmem:s18+$0x10800] =	vst v0  }
0x27b: {  	v0 =	vor.u32 $0x3D, v1;
	v17 =	vor.u32 $0x31, v1;
	v20 =	vor.u32 $0x2E, v1  }
0x27c: {  	v19 =	vor.u32 $0x2F, v1;
	v18 =	vor.u32 $0x30, v1;
	v23 =	vor.u32 $0x2B, v1  }
0x27d: {  	v22 =	vor.u32 $0x2C, v1;
	v21 =	vor.u32 $0x2D, v1;
	[tilespmem:$0x1FF20] =	vst v0;
	v0 =	vor.u32 $0x3E, v1  }
0x27e: {  	v26 =	vor.u32 $0x28, v1;
	v25 =	vor.u32 $0x29, v1;
	[tilespmem:$0x1FF30] =	vst v0;
	v0 =	vor.u32 $0x3F, v1  }
0x27f: {  	v24 =	vor.u32 $0x2A, v1;
	v29 =	vor.u32 $0x25, v1;
	[tilespmem:$0x1FF40] =	vst v0;
	v0 =	vor.u32 $0x3A, v1  }
0x280: {  	v28 =	vor.u32 $0x26, v1;
	v27 =	vor.u32 $0x27, v1;
	[tilespmem:$0x1FF50] =	vst v0;
	v0 =	vor.u32 $0x3B, v1  }
0x281: {  	v32 =	vor.u32 $0x22, v1;
	v31 =	vor.u32 $0x23, v1;
	[tilespmem:$0x1FF60] =	vst v0;
	v0 =	vor.u32 $0x3C, v1  }
0x282: {  	v30 =	vor.u32 $0x24, v1;
	v35 =	vor.u32 $0x1F, v1;
	[tilespmem:$0x1FF70] =	vst v0;
	v0 =	vor.u32 $0x37, v1  }
0x283: {  	v34 =	vor.u32 $0x20, v1;
	v33 =	vor.u32 $0x21, v1;
	[tilespmem:$0x1FF80] =	vst v0;
	v0 =	vor.u32 $0x38, v1  }
0x284: {  	v38 =	vor.u32 $0x1C, v1;
	v37 =	vor.u32 $0x1D, v1;
	[tilespmem:$0x1FF90] =	vst v0;
	v0 =	vor.u32 $0x39, v1  }
0x285: {  	v36 =	vor.u32 $0x1E, v1;
	v41 =	vor.u32 $0x19, v1;
	[tilespmem:$0x1FFA0] =	vst v0;
	v0 =	vor.u32 $0x34, v1  }
0x286: {  	s15 =	simm.s32 $0x0;
	v40 =	vor.u32 $0x1A, v1;
	v39 =	vor.u32 $0x1B, v1;
	[tilespmem:$0x1FFB0] =	vst v0;
	v0 =	vor.u32 $0x35, v1  }
0x287: {  	v44 =	vor.u32 $0x16, v1;
	v43 =	vor.u32 $0x17, v1;
	v3 =	vld [tilespmem:s15+$0x8010];
	[tilespmem:$0x1FFC0] =	vst v0;
	v0 =	vor.u32 $0x36, v1  }
0x288: {  	v42 =	vor.u32 $0x18, v1;
	v47 =	vor.u32 $0x13, v1;
	v4 =	vld [tilespmem:s15+$0x8211];
	[tilespmem:$0x1FFD0] =	vst v0;
	v0 =	vor.u32 $0x32, v1  }
0x289: {  	v46 =	vor.u32 $0x14, v1;
	v45 =	vor.u32 $0x15, v1;
	v5 =	vld [tilespmem:s15+$0x8201];
	[tilespmem:$0x1FFE0] =	vst v0;
	v0 =	vor.u32 $0x33, v1  }
0x28a: {  	v50 =	vor.u32 $0x10, v1;
	v49 =	vor.u32 $0x11, v1;
	v48 =	vor.u32 $0x12, v1;
	s16 =	simm.s32 $0x80;
	v6 =	vld [tilespmem:s15+$0x8000];
	[tilespmem:$0x1FFF0] =	vst v0  }
.LBB2_4:
0x28b: {  	v0 =	vld [tilespmem:s15+$0x8412]  }
0x28c: {  	v2 =	vld [tilespmem:s15+$0x8402]  }
0x28d: {  	v7 =	vld [tilespmem:s15+$0x8613]  }
0x28e: {  	v53 =	vor.u32 $0xD, v1;
	v8 =	vld [tilespmem:s15+$0x8603]  }
0x28f: {  	v52 =	vor.u32 $0xE, v1;
	v51 =	vor.u32 $0xF, v1;
	v56 =	vor.u32 $0xA, v1;
	v10 =	vld [tilespmem:s15+$0x8C16]  }
0x290: {  	v55 =	vor.u32 $0xB, v1;
	v54 =	vor.u32 $0xC, v1;
	v59 =	vor.u32 $0x7, v1;
	v11 =	vld [tilespmem:s15+$0x8C06]  }
0x291: {  	v58 =	vor.u32 $0x8, v1;
	v57 =	vor.u32 $0x9, v1;
	v61 =	vor.u32 $0x5, v1;
	v14 =	vld [tilespmem:$0x1FFE0]  }
0x292: {  	v60 =	vor.u32 $0x6, v1;
	v62 =	vor.u32 $0x1, v1;
	v13 =	vld [tilespmem:$0x1FFF0];
	vm0 =	vgt.f32 v4, v3  }
0x293: {  	v63 =	vor.u32 $0x2, v1;
	vm2 =	vgt.f32 v5, v6;
	v3 =	vsel vm0, v4, v3;
	v4 =	vld [tilespmem:s15+$0x8814]  }
0x294: {  	v5 =	vsel vm2, v5, v6;
	v6 =	vld [tilespmem:s15+$0x8804];
	v9 =	vsel vm2, v62, v1;
	vm1 =	vgt.f32 v0, v3  }
0x295: {  	v12 =	vsel vm0, v62, v1;
	vm3 =	vgt.f32 v2, v5;
	v0 =	vsel vm1, v0, v3;
	v3 =	vld [tilespmem:s15+$0x8A15]  }
0x296: {  	v2 =	vsel vm3, v2, v5;
	v5 =	vld [tilespmem:s15+$0x8A05];
	v9 =	vsel vm3, v63, v9;
	vm13 =	vgt.f32 v7, v0  }
0x297: {  	v16 =	vld [tilespmem:$0x1FFB0];
	v12 =	vsel vm1, v63, v12;
	vm4 =	vgt.f32 v8, v2;
	v7 =	vsel vm13, v7, v0  }
0x298: {  	v15 =	vld [tilespmem:$0x1FFC0];
	v0 =	vor.u32 $0x3, v1;
	v8 =	vsel vm4, v8, v2;
	vm14 =	vgt.f32 v4, v7  }
0x299: {  	v2 =	vor.u32 $0x4, v1;
	vm5 =	vgt.f32 v6, v8;
	v4 =	vsel vm14, v4, v7;
	v7 =	vld [tilespmem:s15+$0x8E17]  }
0x29a: {  	v9 =	vsel vm4, v0, v9;
	v6 =	vsel vm5, v6, v8;
	v8 =	vld [tilespmem:s15+$0x8E07];
	vm4 =	vgt.f32 v3, v4  }
0x29b: {  	v12 =	vsel vm13, v0, v12;
	vm15 =	vgt.f32 v5, v6;
	v3 =	vsel vm4, v3, v4;
	v4 =	vld [tilespmem:s15+$0x9018]  }
0x29c: {  	v9 =	vsel vm5, v2, v9;
	v5 =	vsel vm15, v5, v6;
	v6 =	vld [tilespmem:s15+$0x9008];
	vm8 =	vgt.f32 v10, v3  }
0x29d: {  	v12 =	vsel vm14, v2, v12;
	vm9 =	vgt.f32 v11, v5;
	v3 =	vsel vm8, v10, v3;
	v10 =	vld [tilespmem:s15+$0x9219]  }
0x29e: {  	v9 =	vsel vm15, v61, v9;
	v5 =	vsel vm9, v11, v5;
	v11 =	vld [tilespmem:s15+$0x9209];
	vm1 =	vgt.f32 v7, v3  }
0x29f: {  	v12 =	vsel vm4, v61, v12;
	vm10 =	vgt.f32 v8, v5;
	v3 =	vsel vm1, v7, v3;
	v7 =	vld [tilespmem:s15+$0x941A]  }
0x2a0: {  	v9 =	vsel vm9, v60, v9;
	v5 =	vsel vm10, v8, v5;
	v8 =	vld [tilespmem:s15+$0x940A];
	vm11 =	vgt.f32 v4, v3  }
0x2a1: {  	v12 =	vsel vm8, v60, v12;
	vm12 =	vgt.f32 v6, v5;
	v3 =	vsel vm11, v4, v3;
	v4 =	vld [tilespmem:s15+$0x961B]  }
0x2a2: {  	v9 =	vsel vm10, v59, v9;
	v5 =	vsel vm12, v6, v5;
	v6 =	vld [tilespmem:s15+$0x960B];
	vm13 =	vgt.f32 v10, v3  }
0x2a3: {  	v12 =	vsel vm1, v59, v12;
	vm14 =	vgt.f32 v11, v5;
	v3 =	vsel vm13, v10, v3;
	v10 =	vld [tilespmem:s15+$0x981C]  }
0x2a4: {  	v9 =	vsel vm12, v58, v9;
	v5 =	vsel vm14, v11, v5;
	v11 =	vld [tilespmem:s15+$0x980C];
	vm4 =	vgt.f32 v7, v3  }
0x2a5: {  	v12 =	vsel vm11, v58, v12;
	vm15 =	vgt.f32 v8, v5;
	v3 =	vsel vm4, v7, v3;
	v7 =	vld [tilespmem:s15+$0x9A1D]  }
0x2a6: {  	v9 =	vsel vm14, v57, v9;
	v5 =	vsel vm15, v8, v5;
	v8 =	vld [tilespmem:s15+$0x9A0D];
	vm8 =	vgt.f32 v4, v3  }
0x2a7: {  	v12 =	vsel vm13, v57, v12;
	vm9 =	vgt.f32 v6, v5;
	v3 =	vsel vm8, v4, v3;
	v4 =	vld [tilespmem:s15+$0x9C1E]  }
0x2a8: {  	v9 =	vsel vm15, v56, v9;
	v5 =	vsel vm9, v6, v5;
	v6 =	vld [tilespmem:s15+$0x9C0E];
	vm1 =	vgt.f32 v10, v3  }
0x2a9: {  	v12 =	vsel vm4, v56, v12;
	vm10 =	vgt.f32 v11, v5;
	v3 =	vsel vm1, v10, v3;
	v10 =	vld [tilespmem:s15+$0x9E1F]  }
0x2aa: {  	v9 =	vsel vm9, v55, v9;
	v5 =	vsel vm10, v11, v5;
	v11 =	vld [tilespmem:s15+$0x9E0F];
	vm11 =	vgt.f32 v7, v3  }
0x2ab: {  	v12 =	vsel vm8, v55, v12;
	vm12 =	vgt.f32 v8, v5;
	v3 =	vsel vm11, v7, v3;
	v7 =	vld [tilespmem:s15+$0xA020]  }
0x2ac: {  	v9 =	vsel vm10, v54, v9;
	v5 =	vsel vm12, v8, v5;
	v8 =	vld [tilespmem:s15+$0xA010];
	vm13 =	vgt.f32 v4, v3  }
0x2ad: {  	v12 =	vsel vm1, v54, v12;
	vm14 =	vgt.f32 v6, v5;
	v3 =	vsel vm13, v4, v3;
	v4 =	vld [tilespmem:s15+$0xA221]  }
0x2ae: {  	v9 =	vsel vm12, v53, v9;
	v5 =	vsel vm14, v6, v5;
	v6 =	vld [tilespmem:s15+$0xA211];
	vm4 =	vgt.f32 v10, v3  }
0x2af: {  	v12 =	vsel vm11, v53, v12;
	vm15 =	vgt.f32 v11, v5;
	v3 =	vsel vm4, v10, v3;
	v10 =	vld [tilespmem:s15+$0xA422]  }
0x2b0: {  	v9 =	vsel vm14, v52, v9;
	v5 =	vsel vm15, v11, v5;
	v11 =	vld [tilespmem:s15+$0xA412];
	vm8 =	vgt.f32 v7, v3  }
0x2b1: {  	v12 =	vsel vm13, v52, v12;
	vm9 =	vgt.f32 v8, v5;
	v3 =	vsel vm8, v7, v3;
	v7 =	vld [tilespmem:s15+$0xA623]  }
0x2b2: {  	v9 =	vsel vm15, v51, v9;
	v5 =	vsel vm9, v8, v5;
	v8 =	vld [tilespmem:s15+$0xA613];
	vm1 =	vgt.f32 v4, v3  }
0x2b3: {  	v12 =	vsel vm4, v51, v12;
	vm10 =	vgt.f32 v6, v5;
	v3 =	vsel vm1, v4, v3;
	v4 =	vld [tilespmem:s15+$0xA824]  }
0x2b4: {  	v9 =	vsel vm9, v50, v9;
	v5 =	vsel vm10, v6, v5;
	v6 =	vld [tilespmem:s15+$0xA814];
	vm11 =	vgt.f32 v10, v3  }
0x2b5: {  	v12 =	vsel vm8, v50, v12;
	vm12 =	vgt.f32 v11, v5;
	v3 =	vsel vm11, v10, v3;
	v10 =	vld [tilespmem:s15+$0xAA25]  }
0x2b6: {  	v9 =	vsel vm10, v49, v9;
	v5 =	vsel vm12, v11, v5;
	v11 =	vld [tilespmem:s15+$0xAA15];
	vm13 =	vgt.f32 v7, v3  }
0x2b7: {  	v12 =	vsel vm1, v49, v12;
	vm14 =	vgt.f32 v8, v5;
	v3 =	vsel vm13, v7, v3;
	v7 =	vld [tilespmem:s15+$0xAC26]  }
0x2b8: {  	v9 =	vsel vm12, v48, v9;
	v5 =	vsel vm14, v8, v5;
	v8 =	vld [tilespmem:s15+$0xAC16];
	vm4 =	vgt.f32 v4, v3  }
0x2b9: {  	v12 =	vsel vm11, v48, v12;
	vm15 =	vgt.f32 v6, v5;
	v3 =	vsel vm4, v4, v3;
	v4 =	vld [tilespmem:s15+$0xAE27]  }
0x2ba: {  	v9 =	vsel vm14, v47, v9;
	v5 =	vsel vm15, v6, v5;
	v6 =	vld [tilespmem:s15+$0xAE17];
	vm8 =	vgt.f32 v10, v3  }
0x2bb: {  	v12 =	vsel vm13, v47, v12;
	vm9 =	vgt.f32 v11, v5;
	v3 =	vsel vm8, v10, v3;
	v10 =	vld [tilespmem:s15+$0xB028]  }
0x2bc: {  	v9 =	vsel vm15, v46, v9;
	v5 =	vsel vm9, v11, v5;
	v11 =	vld [tilespmem:s15+$0xB018];
	vm1 =	vgt.f32 v7, v3  }
0x2bd: {  	v12 =	vsel vm4, v46, v12;
	vm10 =	vgt.f32 v8, v5;
	v3 =	vsel vm1, v7, v3;
	v7 =	vld [tilespmem:s15+$0xB229]  }
0x2be: {  	v9 =	vsel vm9, v45, v9;
	v5 =	vsel vm10, v8, v5;
	v8 =	vld [tilespmem:s15+$0xB219];
	vm11 =	vgt.f32 v4, v3  }
0x2bf: {  	v12 =	vsel vm8, v45, v12;
	vm12 =	vgt.f32 v6, v5;
	v3 =	vsel vm11, v4, v3;
	v4 =	vld [tilespmem:s15+$0xB42A]  }
0x2c0: {  	v9 =	vsel vm10, v44, v9;
	v5 =	vsel vm12, v6, v5;
	v6 =	vld [tilespmem:s15+$0xB41A];
	vm13 =	vgt.f32 v10, v3  }
0x2c1: {  	v12 =	vsel vm1, v44, v12;
	vm14 =	vgt.f32 v11, v5;
	v3 =	vsel vm13, v10, v3;
	v10 =	vld [tilespmem:s15+$0xB62B]  }
0x2c2: {  	v9 =	vsel vm12, v43, v9;
	v5 =	vsel vm14, v11, v5;
	v11 =	vld [tilespmem:s15+$0xB61B];
	vm4 =	vgt.f32 v7, v3  }
0x2c3: {  	v12 =	vsel vm11, v43, v12;
	vm15 =	vgt.f32 v8, v5;
	v3 =	vsel vm4, v7, v3;
	v7 =	vld [tilespmem:s15+$0xB82C]  }
0x2c4: {  	v9 =	vsel vm14, v42, v9;
	v5 =	vsel vm15, v8, v5;
	v8 =	vld [tilespmem:s15+$0xB81C];
	vm8 =	vgt.f32 v4, v3  }
0x2c5: {  	v12 =	vsel vm13, v42, v12;
	vm9 =	vgt.f32 v6, v5;
	v3 =	vsel vm8, v4, v3;
	v4 =	vld [tilespmem:s15+$0xBA2D]  }
0x2c6: {  	v9 =	vsel vm15, v41, v9;
	v5 =	vsel vm9, v6, v5;
	v6 =	vld [tilespmem:s15+$0xBA1D];
	vm1 =	vgt.f32 v10, v3  }
0x2c7: {  	v12 =	vsel vm4, v41, v12;
	vm10 =	vgt.f32 v11, v5;
	v3 =	vsel vm1, v10, v3;
	v10 =	vld [tilespmem:s15+$0xBC2E]  }
0x2c8: {  	v9 =	vsel vm9, v40, v9;
	v5 =	vsel vm10, v11, v5;
	v11 =	vld [tilespmem:s15+$0xBC1E];
	vm11 =	vgt.f32 v7, v3  }
0x2c9: {  	v12 =	vsel vm8, v40, v12;
	vm12 =	vgt.f32 v8, v5;
	v3 =	vsel vm11, v7, v3;
	v7 =	vld [tilespmem:s15+$0xBE2F]  }
0x2ca: {  	v9 =	vsel vm10, v39, v9;
	v5 =	vsel vm12, v8, v5;
	v8 =	vld [tilespmem:s15+$0xBE1F];
	vm13 =	vgt.f32 v4, v3  }
0x2cb: {  	v12 =	vsel vm1, v39, v12;
	vm14 =	vgt.f32 v6, v5;
	v3 =	vsel vm13, v4, v3;
	v4 =	vld [tilespmem:s15+$0xC030]  }
0x2cc: {  	v9 =	vsel vm12, v38, v9;
	v5 =	vsel vm14, v6, v5;
	v6 =	vld [tilespmem:s15+$0xC020];
	vm4 =	vgt.f32 v10, v3  }
0x2cd: {  	v12 =	vsel vm11, v38, v12;
	vm15 =	vgt.f32 v11, v5;
	v3 =	vsel vm4, v10, v3;
	v10 =	vld [tilespmem:s15+$0xC231]  }
0x2ce: {  	v9 =	vsel vm14, v37, v9;
	v5 =	vsel vm15, v11, v5;
	v11 =	vld [tilespmem:s15+$0xC221];
	vm8 =	vgt.f32 v7, v3  }
0x2cf: {  	v12 =	vsel vm13, v37, v12;
	vm9 =	vgt.f32 v8, v5;
	v3 =	vsel vm8, v7, v3;
	v7 =	vld [tilespmem:s15+$0xC432]  }
0x2d0: {  	v9 =	vsel vm15, v36, v9;
	v5 =	vsel vm9, v8, v5;
	v8 =	vld [tilespmem:s15+$0xC422];
	vm1 =	vgt.f32 v4, v3  }
0x2d1: {  	v12 =	vsel vm4, v36, v12;
	vm10 =	vgt.f32 v6, v5;
	v3 =	vsel vm1, v4, v3;
	v4 =	vld [tilespmem:s15+$0xC633]  }
0x2d2: {  	v9 =	vsel vm9, v35, v9;
	v5 =	vsel vm10, v6, v5;
	v6 =	vld [tilespmem:s15+$0xC623];
	vm11 =	vgt.f32 v10, v3  }
0x2d3: {  	v12 =	vsel vm8, v35, v12;
	vm12 =	vgt.f32 v11, v5;
	v3 =	vsel vm11, v10, v3;
	v10 =	vld [tilespmem:s15+$0xC834]  }
0x2d4: {  	v9 =	vsel vm10, v34, v9;
	v5 =	vsel vm12, v11, v5;
	v11 =	vld [tilespmem:s15+$0xC824];
	vm13 =	vgt.f32 v7, v3  }
0x2d5: {  	v12 =	vsel vm1, v34, v12;
	vm14 =	vgt.f32 v8, v5;
	v3 =	vsel vm13, v7, v3;
	v7 =	vld [tilespmem:s15+$0xCA35]  }
0x2d6: {  	v9 =	vsel vm12, v33, v9;
	v5 =	vsel vm14, v8, v5;
	v8 =	vld [tilespmem:s15+$0xCA25];
	vm4 =	vgt.f32 v4, v3  }
0x2d7: {  	v12 =	vsel vm11, v33, v12;
	vm15 =	vgt.f32 v6, v5;
	v3 =	vsel vm4, v4, v3;
	v4 =	vld [tilespmem:s15+$0xCC36]  }
0x2d8: {  	v9 =	vsel vm14, v32, v9;
	v5 =	vsel vm15, v6, v5;
	v6 =	vld [tilespmem:s15+$0xCC26];
	vm8 =	vgt.f32 v10, v3  }
0x2d9: {  	v12 =	vsel vm13, v32, v12;
	vm9 =	vgt.f32 v11, v5;
	v3 =	vsel vm8, v10, v3;
	v10 =	vld [tilespmem:s15+$0xCE37]  }
0x2da: {  	v9 =	vsel vm15, v31, v9;
	v5 =	vsel vm9, v11, v5;
	v11 =	vld [tilespmem:s15+$0xCE27];
	vm1 =	vgt.f32 v7, v3  }
0x2db: {  	v12 =	vsel vm4, v31, v12;
	vm10 =	vgt.f32 v8, v5;
	v3 =	vsel vm1, v7, v3;
	v7 =	vld [tilespmem:s15+$0xD038]  }
0x2dc: {  	v9 =	vsel vm9, v30, v9;
	v5 =	vsel vm10, v8, v5;
	v8 =	vld [tilespmem:s15+$0xD028];
	vm11 =	vgt.f32 v4, v3  }
0x2dd: {  	v12 =	vsel vm8, v30, v12;
	vm12 =	vgt.f32 v6, v5;
	v3 =	vsel vm11, v4, v3;
	v4 =	vld [tilespmem:s15+$0xD239]  }
0x2de: {  	v9 =	vsel vm10, v29, v9;
	v5 =	vsel vm12, v6, v5;
	v6 =	vld [tilespmem:s15+$0xD229];
	vm13 =	vgt.f32 v10, v3  }
0x2df: {  	v12 =	vsel vm1, v29, v12;
	vm14 =	vgt.f32 v11, v5;
	v3 =	vsel vm13, v10, v3;
	v10 =	vld [tilespmem:s15+$0xD43A]  }
0x2e0: {  	v9 =	vsel vm12, v28, v9;
	v5 =	vsel vm14, v11, v5;
	v11 =	vld [tilespmem:s15+$0xD42A];
	vm4 =	vgt.f32 v7, v3  }
0x2e1: {  	v12 =	vsel vm11, v28, v12;
	vm15 =	vgt.f32 v8, v5;
	v3 =	vsel vm4, v7, v3;
	v7 =	vld [tilespmem:s15+$0xD63B]  }
0x2e2: {  	v9 =	vsel vm14, v27, v9;
	v5 =	vsel vm15, v8, v5;
	v8 =	vld [tilespmem:s15+$0xD62B];
	vm8 =	vgt.f32 v4, v3  }
0x2e3: {  	v12 =	vsel vm13, v27, v12;
	vm9 =	vgt.f32 v6, v5;
	v3 =	vsel vm8, v4, v3;
	v4 =	vld [tilespmem:s15+$0xD83C]  }
0x2e4: {  	v9 =	vsel vm15, v26, v9;
	v5 =	vsel vm9, v6, v5;
	v6 =	vld [tilespmem:s15+$0xD82C];
	vm1 =	vgt.f32 v10, v3  }
0x2e5: {  	v12 =	vsel vm4, v26, v12;
	vm10 =	vgt.f32 v11, v5;
	v3 =	vsel vm1, v10, v3;
	v10 =	vld [tilespmem:s15+$0xDA3D]  }
0x2e6: {  	v9 =	vsel vm9, v25, v9;
	v5 =	vsel vm10, v11, v5;
	v11 =	vld [tilespmem:s15+$0xDA2D];
	vm11 =	vgt.f32 v7, v3  }
0x2e7: {  	v12 =	vsel vm8, v25, v12;
	vm12 =	vgt.f32 v8, v5;
	v3 =	vsel vm11, v7, v3;
	v7 =	vld [tilespmem:s15+$0xDC3E]  }
0x2e8: {  	v9 =	vsel vm10, v24, v9;
	v5 =	vsel vm12, v8, v5;
	v8 =	vld [tilespmem:s15+$0xDC2E];
	vm13 =	vgt.f32 v4, v3  }
0x2e9: {  	v12 =	vsel vm1, v24, v12;
	vm14 =	vgt.f32 v6, v5;
	v3 =	vsel vm13, v4, v3;
	v4 =	vld [tilespmem:s15+$0xDE3F]  }
0x2ea: {  	v9 =	vsel vm12, v23, v9;
	v5 =	vsel vm14, v6, v5;
	v6 =	vld [tilespmem:s15+$0xDE2F];
	vm4 =	vgt.f32 v10, v3  }
0x2eb: {  	v12 =	vsel vm11, v23, v12;
	vm15 =	vgt.f32 v11, v5;
	v3 =	vsel vm4, v10, v3;
	v10 =	vld [tilespmem:s15+$0xE040]  }
0x2ec: {  	v9 =	vsel vm14, v22, v9;
	v5 =	vsel vm15, v11, v5;
	v11 =	vld [tilespmem:s15+$0xE030];
	vm8 =	vgt.f32 v7, v3  }
0x2ed: {  	v12 =	vsel vm13, v22, v12;
	vm9 =	vgt.f32 v8, v5;
	v3 =	vsel vm8, v7, v3;
	v7 =	vld [tilespmem:s15+$0xE241]  }
0x2ee: {  	v9 =	vsel vm15, v21, v9;
	v5 =	vsel vm9, v8, v5;
	v8 =	vld [tilespmem:s15+$0xE231];
	vm1 =	vgt.f32 v4, v3  }
0x2ef: {  	v12 =	vsel vm4, v21, v12;
	vm10 =	vgt.f32 v6, v5;
	v3 =	vsel vm1, v4, v3;
	v4 =	vld [tilespmem:s15+$0xE442]  }
0x2f0: {  	v9 =	vsel vm9, v20, v9;
	v5 =	vsel vm10, v6, v5;
	v6 =	vld [tilespmem:s15+$0xE432];
	vm11 =	vgt.f32 v10, v3  }
0x2f1: {  	v12 =	vsel vm8, v20, v12;
	vm12 =	vgt.f32 v11, v5;
	v3 =	vsel vm11, v10, v3;
	v10 =	vld [tilespmem:s15+$0xE643]  }
0x2f2: {  	v9 =	vsel vm10, v19, v9;
	v5 =	vsel vm12, v11, v5;
	v11 =	vld [tilespmem:s15+$0xE633];
	vm13 =	vgt.f32 v7, v3  }
0x2f3: {  	v12 =	vsel vm1, v19, v12;
	vm14 =	vgt.f32 v8, v5;
	v3 =	vsel vm13, v7, v3;
	v7 =	vld [tilespmem:s15+$0xE844]  }
0x2f4: {  	v9 =	vsel vm12, v18, v9;
	v5 =	vsel vm14, v8, v5;
	v8 =	vld [tilespmem:s15+$0xE834];
	vm4 =	vgt.f32 v4, v3  }
0x2f5: {  	v12 =	vsel vm11, v18, v12;
	vm15 =	vgt.f32 v6, v5;
	v3 =	vsel vm4, v4, v3;
	v4 =	vld [tilespmem:s15+$0xEA45]  }
0x2f6: {  	v9 =	vsel vm14, v17, v9;
	v12 =	vsel vm13, v17, v12;
	v5 =	vsel vm15, v6, v5;
	v6 =	vld [tilespmem:s15+$0xEA35]  }
0x2f7: {  	v9 =	vsel vm15, v14, v9;
	v12 =	vsel vm4, v14, v12;
	v14 =	vld [tilespmem:$0x1FFD0];
	vm8 =	vgt.f32 v10, v3  }
0x2f8: {  	vm9 =	vgt.f32 v11, v5;
	v3 =	vsel vm8, v10, v3;
	v10 =	vld [tilespmem:s15+$0xEC46]  }
0x2f9: {  	v5 =	vsel vm9, v11, v5;
	v11 =	vld [tilespmem:s15+$0xEC36]  }
0x2fa: {  	v9 =	vsel vm9, v13, v9;
	v12 =	vsel vm8, v13, v12;
	v13 =	vld [tilespmem:$0x1FF80];
	vm1 =	vgt.f32 v7, v3  }
0x2fb: {  	vm10 =	vgt.f32 v8, v5;
	v3 =	vsel vm1, v7, v3;
	v7 =	vld [tilespmem:s15+$0xEE47]  }
0x2fc: {  	v5 =	vsel vm10, v8, v5;
	v8 =	vld [tilespmem:s15+$0xEE37]  }
0x2fd: {  	v9 =	vsel vm10, v16, v9;
	v12 =	vsel vm1, v16, v12;
	v16 =	vld [tilespmem:$0x1FFA0];
	vm11 =	vgt.f32 v4, v3  }
0x2fe: {  	vm12 =	vgt.f32 v6, v5;
	v3 =	vsel vm11, v4, v3;
	v4 =	vld [tilespmem:s15+$0xF048]  }
0x2ff: {  	v5 =	vsel vm12, v6, v5;
	v6 =	vld [tilespmem:s15+$0xF038];
	vm13 =	vgt.f32 v10, v3  }
0x300: {  	vm14 =	vgt.f32 v11, v5;
	v3 =	vsel vm13, v10, v3;
	v10 =	vld [tilespmem:s15+$0xF249]  }
0x301: {  	v9 =	vsel vm12, v15, v9;
	v5 =	vsel vm14, v11, v5;
	v11 =	vld [tilespmem:s15+$0xF239];
	vm15 =	vgt.f32 v7, v3  }
0x302: {  	v12 =	vsel vm11, v15, v12;
	vm9 =	vgt.f32 v8, v5;
	v3 =	vsel vm15, v7, v3;
	v7 =	vld [tilespmem:s15+$0xF44A]  }
0x303: {  	v9 =	vsel vm14, v14, v9;
	v12 =	vsel vm13, v14, v12;
	v5 =	vsel vm9, v8, v5;
	v8 =	vld [tilespmem:s15+$0xF43A]  }
0x304: {  	v9 =	vsel vm9, v13, v9;
	v12 =	vsel vm15, v13, v12;
	v13 =	vld [tilespmem:$0x1FF90];
	vm0 =	vgt.f32 v6, v5  }
0x305: {  	v5 =	vsel vm0, v6, v5;
	v6 =	vld [tilespmem:s15+$0xF63B]  }
0x306: {  	v15 =	vld [tilespmem:$0x1FF50];
	vm6 =	vgt.f32 v4, v3;
	vm11 =	vgt.f32 v11, v5  }
0x307: {  	v3 =	vsel vm6, v4, v3;
	v5 =	vsel vm11, v11, v5;
	v11 =	vld [tilespmem:s15+$0xF83C]  }
0x308: {  	v4 =	vld [tilespmem:s15+$0xF64B];
	vm10 =	vgt.f32 v10, v3;
	vm13 =	vgt.f32 v8, v5  }
0x309: {  	v3 =	vsel vm10, v10, v3;
	v5 =	vsel vm13, v8, v5;
	v8 =	vld [tilespmem:s15+$0xFA3D]  }
0x30a: {  	v14 =	vld [tilespmem:$0x1FF60];
	vm12 =	vgt.f32 v7, v3;
	v12 =	vsel vm6, v13, v12;
	vm15 =	vgt.f32 v6, v5  }
0x30b: {  	v10 =	vld [tilespmem:s15+$0xF84C];
	v9 =	vsel vm0, v13, v9;
	v3 =	vsel vm12, v7, v3;
	v5 =	vsel vm15, v6, v5  }
0x30c: {  	v13 =	vld [tilespmem:$0x1FF70];
	v12 =	vsel vm10, v16, v12;
	v9 =	vsel vm11, v16, v9;
	vm9 =	vgt.f32 v11, v5  }
0x30d: {  	v7 =	vld [tilespmem:s15+$0xFA4D];
	vm14 =	vgt.f32 v4, v3;
	v9 =	vsel vm13, v15, v9;
	v5 =	vsel vm9, v11, v5  }
0x30e: {  	v3 =	vsel vm14, v4, v3;
	v4 =	vsel vm12, v15, v12;
	v6 =	vld [tilespmem:s15+$0xFC3E];
	vm10 =	vgt.f32 v8, v5  }
0x30f: {  	v4 =	vsel vm14, v14, v4;
	v5 =	vsel vm10, v8, v5;
	v8 =	vsel vm15, v14, v9;
	v14 =	vld [tilespmem:$0x1FF20]  }
0x310: {  	vm8 =	vgt.f32 v10, v3  }
0x311: {  	v3 =	vsel vm8, v10, v3  }
0x312: {  	vm11 =	vgt.f32 v7, v3  }
0x313: {  	v10 =	vld [tilespmem:s15+$0xFE3F];
	v3 =	vsel vm11, v7, v3;
	vm12 =	vgt.f32 v6, v5;
	v7 =	vsel vm9, v13, v8  }
0x314: {  	v5 =	vsel vm12, v6, v5;
	v6 =	vsel vm10, v14, v7;
	v7 =	vld [tilespmem:$0x1FF30];
	_ =	sdelay $0x2  }
0x315: {  	v12 =	vld [tilespmem:s15+$0xFC4E]  }
0x316: {  	v11 =	vld [tilespmem:s15+$0xFE4F]  }
0x317: {  	vm14 =	vgt.f32 v10, v5;
	v5 =	vsel vm12, v7, v6;
	v6 =	vld [tilespmem:$0x1FF40];
	_ =	sdelay $0x2  }
0x318: {  	v4 =	vsel vm8, v13, v4;
	vm13 =	vgt.f32 v12, v3  }
0x319: {  	v3 =	vsel vm13, v12, v3;
	v4 =	vsel vm11, v14, v4  }
0x31a: {  	vm15 =	vgt.f32 v11, v3;
	v4 =	vsel vm13, v7, v4;
	v3 =	vsel vm14, v6, v5  }
0x31b: {  	v4 =	vsel vm15, v6, v4;
	_ =	sdelay $0x2  }
0x31c: {  	v5 =	vimm.f32 $1.000000000e+00  }
0x31d: {  	p0 =	sne.s32 s16, $0x780;
	[tilespmem:v3+s10+$0x0] =	vst.idx.add.f32.msk $0xffff, v5  }
.Ltmp1:
0x31e: {  	s15 =	sshra.s32 s16, $0x2;
	[tilespmem:v4+s10+$0x0] =	vst.idx.add.f32.msk $0xffff, v5;
	(pc) =	sbr.rel @p0 .LBB2_4-.Ltmp1, $4  }
0x31f: {  	v3 =	vld [tilespmem:s15+$0x8010]  }
0x320: {  	v4 =	vld [tilespmem:s15+$0x8211]  }
0x321: {  	v5 =	vld [tilespmem:s15+$0x8201]  }
0x322: {  	s16 =	sadd.s32 $0x80, s16;
	v6 =	vld [tilespmem:s15+$0x8000]  }
0x323: {  	_ = 	snop  }
0x324: {  	v7 =	vld [tilespmem:s15+$0x8402];
	_ =	sdelay $0x1  }
0x325: {  	v8 =	vld [tilespmem:s15+$0x8603]  }
0x326: {  	v12 =	vld [tilespmem:s15+$0x8804];
	vm2 =	vgt.f32 v5, v6  }
0x327: {  	v13 =	vld [tilespmem:s15+$0x8A05];
	v5 =	vsel vm2, v5, v6  }
0x328: {  	v14 =	vld [tilespmem:s15+$0x8C06];
	vm3 =	vgt.f32 v7, v5  }
0x329: {  	v9 =	vld [tilespmem:s15+$0x8412];
	v5 =	vsel vm3, v7, v5  }
0x32a: {  	v15 =	vld [tilespmem:s15+$0x8E07];
	vm4 =	vgt.f32 v8, v5  }
0x32b: {  	v10 =	vld [tilespmem:s15+$0x8613];
	v5 =	vsel vm4, v8, v5  }
0x32c: {  	v16 =	vld [tilespmem:s15+$0x9008];
	vm13 =	vgt.f32 v4, v3;
	vm5 =	vgt.f32 v12, v5  }
0x32d: {  	v11 =	vld [tilespmem:s15+$0x8814];
	v3 =	vsel vm13, v4, v3;
	v5 =	vsel vm5, v12, v5  }
0x32e: {  	vm14 =	vgt.f32 v9, v3;
	v6 =	vld [tilespmem:s15+$0x9A0D];
	vm6 =	vgt.f32 v13, v5  }
0x32f: {  	v3 =	vsel vm14, v9, v3;
	v9 =	vld [tilespmem:s15+$0x8C16];
	v5 =	vsel vm6, v13, v5  }
0x330: {  	v7 =	vld [tilespmem:s15+$0x960B];
	vm7 =	vgt.f32 v14, v5  }
0x331: {  	v13 =	vld [tilespmem:s15+$0x9209];
	v12 =	vsel vm7, v14, v5  }
0x332: {  	v14 =	vld [tilespmem:s15+$0x8A15];
	vm8 =	vgt.f32 v15, v12  }
0x333: {  	vm15 =	vgt.f32 v10, v3;
	v4 =	vsel vm8, v15, v12;
	v15 =	vld [tilespmem:s15+$0x940A]  }
0x334: {  	v3 =	vsel vm15, v10, v3;
	v10 =	vld [tilespmem:s15+$0x8E17];
	vm9 =	vgt.f32 v16, v4  }
0x335: {  	vm10 =	vgt.f32 v11, v3;
	v8 =	vld [tilespmem:s15+$0x9C0E];
	v4 =	vsel vm9, v16, v4  }
0x336: {  	v3 =	vsel vm10, v11, v3;
	v11 =	vld [tilespmem:s15+$0x9018];
	vm1 =	vgt.f32 v13, v4  }
0x337: {  	v5 =	vld [tilespmem:s15+$0x980C];
	vm11 =	vgt.f32 v14, v3;
	v4 =	vsel vm1, v13, v4  }
0x338: {  	v12 =	vld [tilespmem:s15+$0x9219];
	v3 =	vsel vm11, v14, v3;
	vm0 =	vgt.f32 v15, v4  }
0x339: {  	v16 =	vsel vm2, v62, v1;
	v13 =	vld [tilespmem:s15+$0x961B];
	vm12 =	vgt.f32 v9, v3;
	v4 =	vsel vm0, v15, v4  }
0x33a: {  	v14 =	vld [tilespmem:s15+$0xA010];
	v3 =	vsel vm12, v9, v3;
	v15 =	vsel vm3, v63, v16;
	v16 =	vsel vm13, v62, v1  }
0x33b: {  	v62 =	vld [tilespmem:s15+$0x941A];
	vm2 =	vgt.f32 v7, v4;
	vm13 =	vgt.f32 v10, v3;
	v9 =	vsel vm14, v63, v16  }
0x33c: {  	v63 =	vld [tilespmem:s15+$0x9E0F];
	v4 =	vsel vm2, v7, v4;
	v3 =	vsel vm13, v10, v3;
	v7 =	vsel vm4, v0, v15  }
0x33d: {  	v16 =	vld [tilespmem:s15+$0xA211];
	v0 =	vsel vm15, v0, v9;
	vm3 =	vgt.f32 v5, v4;
	vm14 =	vgt.f32 v11, v3  }
0x33e: {  	v15 =	vld [tilespmem:s15+$0x981C];
	v7 =	vsel vm5, v2, v7;
	v0 =	vsel vm10, v2, v0;
	v4 =	vsel vm3, v5, v4  }
0x33f: {  	v3 =	vsel vm14, v11, v3;
	v7 =	vsel vm6, v61, v7;
	v0 =	vsel vm11, v61, v0;
	v61 =	vld [tilespmem:s15+$0xA422]  }
0x340: {  	vm15 =	vgt.f32 v12, v3;
	v7 =	vsel vm7, v60, v7;
	v0 =	vsel vm12, v60, v0;
	v60 =	vld [tilespmem:s15+$0xAC16]  }
0x341: {  	vm4 =	vgt.f32 v6, v4;
	v2 =	vsel vm15, v12, v3;
	v12 =	vld [tilespmem:s15+$0x9C1E]  }
0x342: {  	v4 =	vsel vm4, v6, v4;
	v7 =	vsel vm8, v59, v7;
	v0 =	vsel vm13, v59, v0;
	v59 =	vld [tilespmem:s15+$0xA221]  }
0x343: {  	vm5 =	vgt.f32 v8, v4;
	v7 =	vsel vm9, v58, v7;
	v0 =	vsel vm14, v58, v0;
	v58 =	vld [tilespmem:s15+$0xAA15]  }
0x344: {  	vm10 =	vgt.f32 v62, v2;
	v3 =	vsel vm5, v8, v4;
	v8 =	vld [tilespmem:s15+$0x9A1D]  }
0x345: {  	v2 =	vsel vm10, v62, v2;
	v62 =	vld [tilespmem:s15+$0xAE17]  }
0x346: {  	v7 =	vsel vm1, v57, v7;
	v0 =	vsel vm15, v57, v0;
	v57 =	vld [tilespmem:s15+$0xB81C]  }
0x347: {  	vm6 =	vgt.f32 v63, v3;
	v7 =	vsel vm0, v56, v7;
	v0 =	vsel vm10, v56, v0;
	v56 =	vld [tilespmem:s15+$0xAE27]  }
0x348: {  	vm11 =	vgt.f32 v13, v2;
	v3 =	vsel vm6, v63, v3;
	v63 =	vld [tilespmem:s15+$0xA412]  }
0x349: {  	v2 =	vsel vm11, v13, v2;
	v13 =	vld [tilespmem:s15+$0xA613]  }
0x34a: {  	v7 =	vsel vm2, v55, v7;
	v0 =	vsel vm11, v55, v0;
	v55 =	vld [tilespmem:s15+$0xB61B];
	vm7 =	vgt.f32 v14, v3  }
0x34b: {  	vm12 =	vgt.f32 v15, v2;
	v3 =	vsel vm7, v14, v3;
	v14 =	vld [tilespmem:s15+$0x9E1F]  }
0x34c: {  	v2 =	vsel vm12, v15, v2;
	v15 =	vld [tilespmem:s15+$0xA814]  }
0x34d: {  	v7 =	vsel vm3, v54, v7;
	v0 =	vsel vm12, v54, v0;
	v54 =	vld [tilespmem:s15+$0xAC26];
	vm8 =	vgt.f32 v16, v3  }
0x34e: {  	v7 =	vsel vm4, v53, v7;
	vm13 =	vgt.f32 v8, v2;
	v3 =	vsel vm8, v16, v3;
	v16 =	vld [tilespmem:s15+$0xA020]  }
0x34f: {  	v2 =	vsel vm13, v8, v2;
	v0 =	vsel vm13, v53, v0;
	v53 =	vld [tilespmem:s15+$0xC231];
	vm9 =	vgt.f32 v63, v3  }
0x350: {  	vm14 =	vgt.f32 v12, v2;
	v3 =	vsel vm9, v63, v3;
	v63 =	vld [tilespmem:s15+$0xA623]  }
0x351: {  	v2 =	vsel vm14, v12, v2;
	v12 =	vld [tilespmem:s15+$0xB018]  }
0x352: {  	v7 =	vsel vm5, v52, v7;
	v0 =	vsel vm14, v52, v0;
	v52 =	vld [tilespmem:s15+$0xCA25];
	vm1 =	vgt.f32 v13, v3  }
0x353: {  	vm15 =	vgt.f32 v14, v2;
	v3 =	vsel vm1, v13, v3;
	v13 =	vld [tilespmem:s15+$0xA824]  }
0x354: {  	v2 =	vsel vm15, v14, v2;
	v14 =	vld [tilespmem:s15+$0xB219]  }
0x355: {  	v7 =	vsel vm6, v51, v7;
	v0 =	vsel vm15, v51, v0;
	v51 =	vld [tilespmem:s15+$0xC030];
	vm0 =	vgt.f32 v15, v3  }
0x356: {  	vm10 =	vgt.f32 v16, v2;
	v3 =	vsel vm0, v15, v3;
	v15 =	vld [tilespmem:s15+$0xAA25]  }
0x357: {  	v2 =	vsel vm10, v16, v2;
	v16 =	vld [tilespmem:s15+$0xB41A]  }
0x358: {  	v7 =	vsel vm7, v50, v7;
	v0 =	vsel vm10, v50, v0;
	v50 =	vld [tilespmem:s15+$0xC824];
	vm2 =	vgt.f32 v58, v3  }
0x359: {  	v7 =	vsel vm8, v49, v7;
	vm11 =	vgt.f32 v59, v2;
	v3 =	vsel vm2, v58, v3;
	v58 =	vld [tilespmem:s15+$0xB028]  }
0x35a: {  	v7 =	vsel vm9, v48, v7;
	v2 =	vsel vm11, v59, v2;
	v59 =	vld [tilespmem:s15+$0xBA1D];
	vm3 =	vgt.f32 v60, v3  }
0x35b: {  	v7 =	vsel vm1, v47, v7;
	v0 =	vsel vm11, v49, v0;
	v49 =	vld [tilespmem:s15+$0xBE2F];
	v3 =	vsel vm3, v60, v3  }
0x35c: {  	v7 =	vsel vm0, v46, v7;
	vm12 =	vgt.f32 v61, v2;
	v60 =	vld [tilespmem:s15+$0xB229];
	vm4 =	vgt.f32 v62, v3  }
0x35d: {  	v7 =	vsel vm2, v45, v7;
	v2 =	vsel vm12, v61, v2;
	v61 =	vld [tilespmem:s15+$0xBC1E];
	v3 =	vsel vm4, v62, v3  }
0x35e: {  	v0 =	vsel vm12, v48, v0;
	v48 =	vld [tilespmem:s15+$0xC623];
	vm13 =	vgt.f32 v63, v2;
	vm5 =	vgt.f32 v12, v3  }
0x35f: {  	v7 =	vsel vm3, v44, v7;
	v2 =	vsel vm13, v63, v2;
	v62 =	vld [tilespmem:s15+$0xB42A];
	v3 =	vsel vm5, v12, v3  }
0x360: {  	v63 =	vld [tilespmem:s15+$0xBE1F];
	v0 =	vsel vm13, v47, v0;
	vm14 =	vgt.f32 v13, v2;
	vm6 =	vgt.f32 v14, v3  }
0x361: {  	v47 =	vld [tilespmem:s15+$0xBC2E];
	v7 =	vsel vm4, v43, v7;
	v2 =	vsel vm14, v13, v2;
	v3 =	vsel vm6, v14, v3  }
0x362: {  	v12 =	vld [tilespmem:s15+$0xB62B];
	v0 =	vsel vm14, v46, v0;
	vm15 =	vgt.f32 v15, v2;
	vm7 =	vgt.f32 v16, v3  }
0x363: {  	v13 =	vld [tilespmem:s15+$0xC020];
	v7 =	vsel vm5, v42, v7;
	v2 =	vsel vm15, v15, v2;
	v3 =	vsel vm7, v16, v3  }
0x364: {  	v46 =	vld [tilespmem:s15+$0xC422];
	v0 =	vsel vm15, v45, v0;
	vm10 =	vgt.f32 v54, v2;
	vm8 =	vgt.f32 v55, v3  }
0x365: {  	v14 =	vld [tilespmem:s15+$0xB82C];
	v7 =	vsel vm6, v41, v7;
	v2 =	vsel vm10, v54, v2;
	v3 =	vsel vm8, v55, v3  }
0x366: {  	v15 =	vld [tilespmem:s15+$0xC221];
	v0 =	vsel vm10, v44, v0;
	vm11 =	vgt.f32 v56, v2;
	vm9 =	vgt.f32 v57, v3  }
0x367: {  	v45 =	vld [tilespmem:s15+$0xD43A];
	v7 =	vsel vm7, v40, v7;
	v2 =	vsel vm11, v56, v2;
	v3 =	vsel vm9, v57, v3  }
0x368: {  	v16 =	vld [tilespmem:s15+$0xBA2D];
	v0 =	vsel vm11, v43, v0;
	vm12 =	vgt.f32 v58, v2;
	vm1 =	vgt.f32 v59, v3  }
0x369: {  	v54 =	vld [tilespmem:s15+$0xCC26];
	v7 =	vsel vm8, v39, v7;
	v2 =	vsel vm12, v58, v2;
	v3 =	vsel vm1, v59, v3  }
0x36a: {  	v44 =	vld [tilespmem:s15+$0xDC2E];
	v0 =	vsel vm12, v42, v0;
	vm13 =	vgt.f32 v60, v2;
	vm0 =	vgt.f32 v61, v3  }
0x36b: {  	v55 =	vld [tilespmem:s15+$0xC432];
	v7 =	vsel vm9, v38, v7;
	v2 =	vsel vm13, v60, v2;
	v3 =	vsel vm0, v61, v3  }
0x36c: {  	v56 =	vld [tilespmem:s15+$0xCE27];
	v0 =	vsel vm13, v41, v0;
	vm14 =	vgt.f32 v62, v2;
	vm2 =	vgt.f32 v63, v3  }
0x36d: {  	v43 =	vld [tilespmem:s15+$0xD239];
	v7 =	vsel vm1, v37, v7;
	v2 =	vsel vm14, v62, v2;
	v3 =	vsel vm2, v63, v3  }
0x36e: {  	v57 =	vld [tilespmem:s15+$0xC633];
	v0 =	vsel vm14, v40, v0;
	vm15 =	vgt.f32 v12, v2;
	vm3 =	vgt.f32 v13, v3  }
0x36f: {  	v58 =	vld [tilespmem:s15+$0xD028];
	v62 =	vimm.s32 $0x0;
	v2 =	vsel vm15, v12, v2;
	v3 =	vsel vm3, v13, v3  }
0x370: {  	v42 =	vld [tilespmem:s15+$0xDA2D];
	v7 =	vsel vm0, v36, v7;
	vm10 =	vgt.f32 v14, v2;
	vm4 =	vgt.f32 v15, v3  }
0x371: {  	v59 =	vld [tilespmem:s15+$0xC834];
	v0 =	vsel vm15, v39, v0;
	v2 =	vsel vm10, v14, v2;
	v3 =	vsel vm4, v15, v3  }
0x372: {  	v60 =	vld [tilespmem:s15+$0xD229];
	v7 =	vsel vm2, v35, v7;
	vm11 =	vgt.f32 v16, v2;
	vm5 =	vgt.f32 v46, v3  }
0x373: {  	v41 =	vld [tilespmem:s15+$0xD038];
	v0 =	vsel vm10, v38, v0;
	v2 =	vsel vm11, v16, v2;
	v3 =	vsel vm5, v46, v3  }
0x374: {  	v61 =	vld [tilespmem:s15+$0xCA35];
	v7 =	vsel vm3, v34, v7;
	vm12 =	vgt.f32 v47, v2;
	vm6 =	vgt.f32 v48, v3  }
0x375: {  	v40 =	vld [tilespmem:s15+$0xD82C];
	v0 =	vsel vm11, v37, v0;
	v2 =	vsel vm12, v47, v2;
	v3 =	vsel vm6, v48, v3  }
0x376: {  	v63 =	vld [tilespmem:s15+$0xD42A];
	v37 =	vimm.s32 $0x0;
	vm13 =	vgt.f32 v49, v2;
	vm7 =	vgt.f32 v50, v3  }
0x377: {  	v39 =	vld [tilespmem:s15+$0xCE37];
	v7 =	vsel vm4, v33, v7;
	v2 =	vsel vm13, v49, v2;
	v3 =	vsel vm7, v50, v3  }
0x378: {  	v38 =	vld [tilespmem:s15+$0xD62B];
	v0 =	vsel vm12, v36, v0;
	vm14 =	vgt.f32 v51, v2;
	vm8 =	vgt.f32 v52, v3  }
0x379: {  	v16 =	vld [tilespmem:s15+$0xCC36];
	v7 =	vsel vm5, v32, v7;
	v2 =	vsel vm14, v51, v2;
	v3 =	vsel vm8, v52, v3  }
0x37a: {  	v46 =	vld [tilespmem:s15+$0xDE2F];
	v0 =	vsel vm13, v35, v0;
	vm15 =	vgt.f32 v53, v2;
	vm9 =	vgt.f32 v54, v3  }
0x37b: {  	v47 =	vld [tilespmem:s15+$0xD63B];
	v7 =	vsel vm6, v31, v7;
	v2 =	vsel vm15, v53, v2;
	v3 =	vsel vm9, v54, v3  }
0x37c: {  	v36 =	vld [tilespmem:s15+$0xF83C];
	v0 =	vsel vm14, v34, v0;
	vm10 =	vgt.f32 v55, v2;
	vm1 =	vgt.f32 v56, v3  }
0x37d: {  	v48 =	vld [tilespmem:s15+$0xE030];
	v7 =	vsel vm7, v30, v7;
	v2 =	vsel vm10, v55, v2;
	v3 =	vsel vm1, v56, v3  }
0x37e: {  	v49 =	vld [tilespmem:s15+$0xD83C];
	v0 =	vsel vm15, v33, v0;
	vm11 =	vgt.f32 v57, v2;
	vm0 =	vgt.f32 v58, v3  }
0x37f: {  	v35 =	vld [tilespmem:s15+$0xEE47];
	v7 =	vsel vm8, v29, v7;
	v2 =	vsel vm11, v57, v2;
	v3 =	vsel vm0, v58, v3  }
0x380: {  	v50 =	vld [tilespmem:s15+$0xE231];
	v0 =	vsel vm10, v32, v0;
	vm12 =	vgt.f32 v59, v2;
	vm2 =	vgt.f32 v60, v3  }
0x381: {  	v51 =	vld [tilespmem:s15+$0xDA3D];
	v7 =	vsel vm9, v28, v7;
	v2 =	vsel vm12, v59, v2;
	v3 =	vsel vm2, v60, v3  }
0x382: {  	v34 =	vld [tilespmem:s15+$0xF63B];
	v12 =	vsel vm1, $0xFFFFFFFF, v62;
	vm13 =	vgt.f32 v61, v2;
	vm3 =	vgt.f32 v63, v3  }
0x383: {  	v52 =	vld [tilespmem:s15+$0xE432];
	v0 =	vsel vm11, v31, v0;
	[tilespmem:$0x1FEE0] =	vst v12;
	v2 =	vsel vm13, v61, v2;
	v3 =	vsel vm3, v63, v3  }
0x384: {  	v62 =	vimm.s32 $0x0;
	v54 =	vld [tilespmem:$0x1FEE0];
	vm14 =	vgt.f32 v16, v2;
	vm4 =	vgt.f32 v38, v3  }
0x385: {  	v53 =	vld [tilespmem:s15+$0xDC3E];
	v12 =	vsel vm0, $0xFFFFFFFF, v37;
	v2 =	vsel vm14, v16, v2;
	v3 =	vsel vm4, v38, v3  }
0x386: {  	v33 =	vld [tilespmem:s15+$0xEC46];
	v0 =	vsel vm12, v30, v0;
	[tilespmem:$0x1FEF0] =	vst v12;
	vm15 =	vgt.f32 v39, v2;
	vm5 =	vgt.f32 v40, v3  }
0x387: {  	v0 =	vsel vm13, v29, v0;
	v57 =	vld [tilespmem:$0x1FEF0];
	v2 =	vsel vm15, v39, v2;
	v3 =	vsel vm5, v40, v3  }
0x388: {  	v55 =	vld [tilespmem:s15+$0xE633];
	v0 =	vsel vm14, v28, v0;
	vm0 =	vgt.f32 v41, v2;
	vm6 =	vgt.f32 v42, v3  }
0x389: {  	v32 =	vld [tilespmem:s15+$0xF43A];
	vm10 =	vnez.u8 v54;
	v2 =	vsel vm0, v41, v2;
	v3 =	vsel vm6, v42, v3  }
0x38a: {  	v56 =	vld [tilespmem:s15+$0xDE3F];
	v7 =	vsel vm10, v27, v7;
	vm1 =	vgt.f32 v43, v2;
	vm7 =	vgt.f32 v44, v3  }
0x38b: {  	v31 =	vld [tilespmem:s15+$0xEA45];
	v0 =	vsel vm15, v27, v0;
	v2 =	vsel vm1, v43, v2;
	v3 =	vsel vm7, v44, v3  }
0x38c: {  	v58 =	vld [tilespmem:s15+$0xE834];
	vm11 =	vnez.u8 v57;
	vm12 =	vgt.f32 v45, v2;
	vm8 =	vgt.f32 v46, v3  }
0x38d: {  	v59 =	vld [tilespmem:s15+$0xE040];
	v7 =	vsel vm11, v26, v7;
	v2 =	vsel vm12, v45, v2;
	v3 =	vsel vm8, v46, v3  }
0x38e: {  	v30 =	vld [tilespmem:s15+$0xF239];
	v0 =	vsel vm0, v26, v0;
	vm13 =	vgt.f32 v47, v2;
	vm9 =	vgt.f32 v48, v3  }
0x38f: {  	v37 =	vld [tilespmem:s15+$0xF048];
	v7 =	vsel vm2, v25, v7;
	v2 =	vsel vm13, v47, v2;
	v3 =	vsel vm9, v48, v3  }
0x390: {  	v60 =	vld [tilespmem:s15+$0xEA35];
	v7 =	vsel vm3, v24, v7;
	vm14 =	vgt.f32 v49, v2;
	vm10 =	vgt.f32 v50, v3  }
0x391: {  	v61 =	vld [tilespmem:s15+$0xE241];
	v0 =	vsel vm1, v25, v0;
	v2 =	vsel vm14, v49, v2;
	v3 =	vsel vm10, v50, v3  }
0x392: {  	v29 =	vld [tilespmem:s15+$0xE844];
	v25 =	vimm.s32 $0x0;
	vm15 =	vgt.f32 v51, v2;
	vm11 =	vgt.f32 v52, v3  }
0x393: {  	v63 =	vld [tilespmem:s15+$0xEC36];
	v7 =	vsel vm4, v23, v7;
	v2 =	vsel vm15, v51, v2;
	v3 =	vsel vm11, v52, v3  }
0x394: {  	v16 =	vld [tilespmem:s15+$0xE442];
	v0 =	vsel vm12, v24, v0;
	vm0 =	vgt.f32 v53, v2;
	vm2 =	vgt.f32 v55, v3  }
0x395: {  	v28 =	vld [tilespmem:s15+$0xF038];
	v7 =	vsel vm5, v22, v7;
	v2 =	vsel vm0, v53, v2;
	v3 =	vsel vm2, v55, v3  }
0x396: {  	v54 =	vld [tilespmem:$0x1FF90];
	vm1 =	vgt.f32 v56, v2;
	v12 =	vsel vm2, $0xFFFFFFFF, v62;
	vm2 =	vgt.f32 v58, v3  }
0x397: {  	v26 =	vld [tilespmem:s15+$0xEE37];
	v7 =	vsel vm6, v21, v7;
	v2 =	vsel vm1, v56, v2;
	v3 =	vsel vm2, v58, v3  }
0x398: {  	v27 =	vld [tilespmem:s15+$0xE643];
	[tilespmem:$0x1FF00] =	vst v12;
	vm12 =	vgt.f32 v59, v2;
	v12 =	vsel vm2, $0xFFFFFFFF, v25;
	vm2 =	vgt.f32 v60, v3  }
0x399: {  	v38 =	vld [tilespmem:s15+$0xFA3D];
	v0 =	vsel vm13, v23, v0;
	v2 =	vsel vm12, v59, v2;
	v3 =	vsel vm2, v60, v3  }
0x39a: {  	v39 =	vld [tilespmem:s15+$0xF249];
	v7 =	vsel vm7, v20, v7;
	vm13 =	vgt.f32 v61, v2;
	vm3 =	vgt.f32 v63, v3  }
0x39b: {  	v57 =	vld [tilespmem:$0x1FF50];
	v7 =	vsel vm8, v19, v7;
	v2 =	vsel vm13, v61, v2;
	v3 =	vsel vm3, v63, v3  }
0x39c: {  	v40 =	vld [tilespmem:$0x1FFE0];
	v0 =	vsel vm14, v22, v0;
	vm14 =	vgt.f32 v16, v2;
	vm4 =	vgt.f32 v26, v3  }
0x39d: {  	v41 =	vld [tilespmem:s15+$0xFC3E];
	v7 =	vsel vm9, v18, v7;
	v2 =	vsel vm14, v16, v2;
	v3 =	vsel vm4, v26, v3  }
0x39e: {  	v42 =	vld [tilespmem:s15+$0xF44A];
	v0 =	vsel vm15, v21, v0;
	vm15 =	vgt.f32 v27, v2;
	vm5 =	vgt.f32 v28, v3  }
0x39f: {  	v43 =	vld [tilespmem:s15+$0xFE3F];
	v7 =	vsel vm10, v17, v7;
	v2 =	vsel vm15, v27, v2;
	v3 =	vsel vm5, v28, v3  }
0x3a0: {  	v44 =	vld [tilespmem:$0x1FFF0];
	v0 =	vsel vm0, v20, v0;
	vm7 =	vgt.f32 v29, v2;
	vm6 =	vgt.f32 v30, v3  }
0x3a1: {  	v7 =	vsel vm11, v40, v7;
	v45 =	vld [tilespmem:$0x1FF00];
	v2 =	vsel vm7, v29, v2;
	v3 =	vsel vm6, v30, v3  }
0x3a2: {  	v46 =	vld [tilespmem:s15+$0xF64B];
	v0 =	vsel vm1, v19, v0;
	vm8 =	vgt.f32 v31, v2;
	vm1 =	vgt.f32 v32, v3  }
0x3a3: {  	v47 =	vld [tilespmem:$0x1FFB0];
	v0 =	vsel vm12, v18, v0;
	[tilespmem:$0x1FF10] =	vst v12;
	v2 =	vsel vm8, v31, v2;
	v3 =	vsel vm1, v32, v3  }
0x3a4: {  	v0 =	vsel vm13, v17, v0;
	v48 =	vld [tilespmem:$0x1FF10];
	vm12 =	vgt.f32 v33, v2;
	vm10 =	vgt.f32 v34, v3  }
0x3a5: {  	v49 =	vld [tilespmem:s15+$0xF84C];
	v0 =	vsel vm14, v40, v0;
	v2 =	vsel vm12, v33, v2;
	v3 =	vsel vm10, v34, v3  }
0x3a6: {  	v50 =	vld [tilespmem:$0x1FFC0];
	vm14 =	vnez.u8 v45;
	vm13 =	vgt.f32 v35, v2;
	vm0 =	vgt.f32 v36, v3  }
0x3a7: {  	v51 =	vld [tilespmem:$0x1FFD0];
	v7 =	vsel vm14, v44, v7;
	v2 =	vsel vm13, v35, v2;
	v3 =	vsel vm0, v36, v3  }
0x3a8: {  	v52 =	vld [tilespmem:s15+$0xFA4D];
	v0 =	vsel vm15, v44, v0;
	vm14 =	vgt.f32 v37, v2;
	vm9 =	vgt.f32 v38, v3  }
0x3a9: {  	v53 =	vld [tilespmem:$0x1FF80];
	vm15 =	vnez.u8 v48;
	v2 =	vsel vm14, v37, v2;
	v3 =	vsel vm9, v38, v3  }
0x3aa: {  	v55 =	vld [tilespmem:s15+$0xFC4E];
	v7 =	vsel vm15, v47, v7;
	vm15 =	vgt.f32 v39, v2;
	vm11 =	vgt.f32 v41, v3  }
0x3ab: {  	v56 =	vld [tilespmem:$0x1FFA0];
	v0 =	vsel vm7, v47, v0;
	v2 =	vsel vm15, v39, v2;
	v3 =	vsel vm11, v41, v3  }
0x3ac: {  	v62 =	vld [tilespmem:$0x1FF30];
	vm7 =	vgt.f32 v43, v3;
	v3 =	vsel vm2, v50, v7;
	vm2 =	vgt.f32 v42, v2  }
0x3ad: {  	v59 =	vld [tilespmem:$0x1FF60];
	v0 =	vsel vm8, v50, v0;
	v3 =	vsel vm3, v51, v3;
	v2 =	vsel vm2, v42, v2  }
0x3ae: {  	v60 =	vld [tilespmem:$0x1FF70];
	v0 =	vsel vm12, v51, v0;
	v3 =	vsel vm4, v53, v3;
	vm8 =	vgt.f32 v46, v2  }
0x3af: {  	v61 =	vld [tilespmem:$0x1FF20];
	v0 =	vsel vm13, v53, v0;
	v3 =	vsel vm5, v54, v3;
	v2 =	vsel vm8, v46, v2  }
0x3b0: {  	v58 =	vld [tilespmem:s15+$0xFE4F];
	v0 =	vsel vm14, v54, v0;
	v3 =	vsel vm6, v56, v3;
	vm12 =	vgt.f32 v49, v2  }
0x3b1: {  	v63 =	vld [tilespmem:$0x1FF40];
	v0 =	vsel vm15, v56, v0;
	v3 =	vsel vm1, v57, v3;
	v2 =	vsel vm12, v49, v2  }
0x3b2: {  	v0 =	vsel vm2, v57, v0;
	v3 =	vsel vm10, v59, v3;
	vm13 =	vgt.f32 v52, v2  }
0x3b3: {  	v0 =	vsel vm8, v59, v0;
	v2 =	vsel vm13, v52, v2;
	v3 =	vsel vm0, v60, v3  }
0x3b4: {  	v0 =	vsel vm12, v60, v0;
	vm14 =	vgt.f32 v55, v2;
	v3 =	vsel vm9, v61, v3  }
0x3b5: {  	v0 =	vsel vm13, v61, v0;
	v2 =	vsel vm14, v55, v2;
	v3 =	vsel vm11, v62, v3  }
0x3b6: {  	v0 =	vsel vm14, v62, v0;
	vm15 =	vgt.f32 v58, v2;
	v2 =	vsel vm7, v63, v3  }
0x3b7: {  	v0 =	vsel vm15, v63, v0;
	_ =	sdelay $0x2  }
0x3b8: {  	v3 =	vimm.f32 $1.000000000e+00  }
0x3b9: {  	[tilespmem:v2+s10+$0x0] =	vst.idx.add.f32.msk $0xffff, v3  }
0x3ba: {  	[tilespmem:v0+s10+$0x0] =	vst.idx.add.f32.msk $0xffff, v3  }
0x3bb: {  	[hbm4b:s4+s11] =	stream.strided.scatter [tilespmem:s10], [sflag:$0x1], $0x400, s12, s11, $0x38;
	[tilespmem:$0x12480] =	vst v63  }
0x3bc: {  	s14 =	sadd.s32 $0x1, s14;
	_ =	swait.ge [sflag:s9], $0x400  }
0x3bd: {  	p0 =	sne.s32 s14, s6;
	[sflag:s9] =	ssyncset.done $0x0  }
.Ltmp2:
0x3be: {  	[sflag:s9] =	ssyncadd.s32 $0xFFFFFC00;
	(pc) =	sbr.rel @p0 .LBB2_1-.Ltmp2, $4  }
0x3bf: {  	[hbm4b:s5+s2] =	stream.linear.scatter [tilespmem:s13], [sflag:$0x1], $0x2000, $0x38;
	[tilespmem:$0x12480] =	vst v63  }
0x3c0: {  	_ =	swait.ge [sflag:s9], $0x2000  }
0x3c1: {  	[sflag:s9] =	ssyncset.done $0x0  }
0x3c2: {  	[sflag:s9] =	ssyncadd.s32 $0xFFFFE000  }
0x3c3: {  	_ =	sfence.sel $0x180000  }
0x3c4: {  	[bflag:$0x0] =	sbarrier.arrive $0xFFFF  }
0x3c5: {  	p0 =	sne.s32 s0, $0x0;
	_ =	strace $0x90000047  }
0x3c6: {  	s0 =	sadd.s32 @!p0 $0x100000, s1;
	[bflag:$0x2] =	sbarrier.arrive $0xFFFF  }
0x3c7: {  	[sflag:s0] =	ssyncadd.tile.s32 @!p0 $0x1;
	_ =	shalt  }
.Lfunc_end2:
_tile_overlayer_lowered:
.L_overlay_start_2:
0x3c8: {  	(tag) =	ssettag $0x2  }
0x3c9: {  	s0 =	rddreg [dreg:$0x0];
	s2 =	stileid.u32  }
0x3ca: {  	s1 =	rddreg [dreg:$0x1];
	p0 =	sne.s32 s2, $0x0  }
0x3cb: {  	s3 =	rddreg [dreg:$0x2];
	[bflag:$0x3] =	sbarrier.arrive $0xFFFF;
	s2 =	simm.s32 @!p0 $0x1C01  }
0x3cc: {  	[timem:s3], [sflag:s2] =	dma.local @!p0 [hbm:s0], s1  }
0x3cd: {  	s0 =	simm.s32 @!p0 $0x1  }
0x3ce: {  	_ =	swait.ge @!p0 [sflag:s0], s1  }
0x3cf: {  	s1 =	ssub.s32 @!p0 $0x0, s1;
	[sflag:s0] =	ssyncset.done @!p0 $0x0  }
0x3d0: {  	[sflag:s0] =	ssyncadd.s32 @!p0 s1  }
0x3d1: {  	[bflag:$0x3] =	sbarrier.arrive $0xFFFF  }
0x3d2: {  	_ =	shalt  }

</sc_bundles>
